<compile_context>
chip_gen: v7x
topology: tpu7x:2x2x1
jax: 0.10.2.dev20260603
libtpu: 0.0.44.dev20260713+nightly
codegen_flags: <defaults>
</compile_context>

<pallas_src>
import functools
import math

import jax
import jax.numpy as jnp
from jax import lax
from jax.experimental import pallas as pl
from jax.experimental.pallas import tpu as pltpu
from jax.experimental.pallas import tpu_sc as plsc

F = 128
N_NODES = 10000
E_EDGES = 320000


def _dgT(w, x):
    return lax.dot_general(w, x, (((0,), (1,)), ((), ())),
                           preferred_element_type=jnp.float32)


def _edge_proj_body(x_ref, w_ref, b_ref, o1_ref):
    o1_ref[...] = _dgT(w_ref[...], x_ref[...]) + b_ref[...]


def _edge_proj(edge_h, wt, b):
    E = edge_h.shape[0]
    BE = 2560
    grid = (E // BE,)
    return pl.pallas_call(
        _edge_proj_body,
        grid=grid,
        in_specs=[
            pl.BlockSpec((BE, 128), lambda i: (i, 0)),
            pl.BlockSpec((128, 256), lambda i: (0, 0)),
            pl.BlockSpec((256, 1), lambda i: (0, 0)),
        ],
        out_specs=pl.BlockSpec((256, BE), lambda i: (0, i)),
        out_shape=jax.ShapeDtypeStruct((256, E), jnp.float32),
    )(edge_h, wt, b)


def _node_pre_body(x_ref, w_ref, b_ref, q_ref, kv_ref):
    y = _dgT(w_ref[...], x_ref[...]) + b_ref[...]
    q_ref[...] = y[:128]
    kv_ref[...] = y[128:]


def _node_pre(kind, wt, b):
    N = kind.shape[0]
    return pl.pallas_call(
        _node_pre_body,
        grid=(1,),
        in_specs=[
            pl.BlockSpec((N, 128), lambda i: (0, 0)),
            pl.BlockSpec((128, 384), lambda i: (0, 0)),
            pl.BlockSpec((384, 1), lambda i: (0, 0)),
        ],
        out_specs=[
            pl.BlockSpec((128, N), lambda i: (0, 0)),
            pl.BlockSpec((256, N), lambda i: (0, 0)),
        ],
        out_shape=[
            jax.ShapeDtypeStruct((128, N), jnp.float32),
            jax.ShapeDtypeStruct((256, N), jnp.float32),
        ],
    )(kind, wt, b)


def _ln_rows(t, g, b):
    mu = jnp.mean(t, axis=-1, keepdims=True)
    var = jnp.mean((t - mu) ** 2, axis=-1, keepdims=True)
    return (t - mu) * jax.lax.rsqrt(var + 1e-5) * g + b


def _node_mid_body(nd_ref, kind_ref, wwt_ref, wb_ref, g1_ref, b1_ref,
                   q2t_ref, q2b_ref, kv2t_ref,
                   h_ref, q2_ref, kv2_ref):
    ndT = nd_ref[...]
    kind = kind_ref[...]
    h_nT = ndT[:128] / ndT[128:]
    wwt = wwt_ref[...]
    t = lax.dot_general(h_nT, wwt[:128], (((0,), (0,)), ((), ())),
                        preferred_element_type=jnp.float32)
    t += jnp.dot(kind, wwt[128:], preferred_element_type=jnp.float32)
    t += wb_ref[...]
    h = _ln_rows(t, g1_ref[...], b1_ref[...])
    h_ref[...] = h
    y = jnp.concatenate([kind, h], axis=1)
    q2_ref[...] = _dgT(q2t_ref[...], y) + q2b_ref[...]
    kv2_ref[...] = _dgT(kv2t_ref[...], y)


def _node_mid(nd, kind, wwt, wb, g1, b1, q2t, q2b, kv2t):
    N = kind.shape[0]
    full = lambda i: (0, 0)
    return pl.pallas_call(
        _node_mid_body,
        grid=(1,),
        in_specs=[
            pl.BlockSpec((256, N), full),
            pl.BlockSpec((N, 128), full),
            pl.BlockSpec((256, 128), full),
            pl.BlockSpec((1, 128), full),
            pl.BlockSpec((1, 128), full),
            pl.BlockSpec((1, 128), full),
            pl.BlockSpec((256, 128), full),
            pl.BlockSpec((128, 1), full),
            pl.BlockSpec((256, 256), full),
        ],
        out_specs=[
            pl.BlockSpec((N, 128), full),
            pl.BlockSpec((128, N), full),
            pl.BlockSpec((256, N), full),
        ],
        out_shape=[
            jax.ShapeDtypeStruct((N, 128), jnp.float32),
            jax.ShapeDtypeStruct((128, N), jnp.float32),
            jax.ShapeDtypeStruct((256, N), jnp.float32),
        ],
    )(nd, kind, wwt, wb, g1, b1, q2t, q2b, kv2t)


def _final_body(nd2_ref, h_ref, kind_ref, w2t_ref, w2b_ref,
                g2_ref, b2_ref, gwt_ref, gb_ref, out_ref, s1_ref, s0_ref):
    i = pl.program_id(0)
    nd2 = nd2_ref[...]
    h_n1 = nd2[:, :128] / nd2[:, 128:]
    w2t = w2t_ref[...]
    t = jnp.dot(h_n1, w2t[:128], preferred_element_type=jnp.float32)
    t += jnp.dot(h_ref[...], w2t[128:256], preferred_element_type=jnp.float32)
    t += jnp.dot(kind_ref[...], w2t[256:], preferred_element_type=jnp.float32)
    t += w2b_ref[...]
    h1 = _ln_rows(t, g2_ref[...], b2_ref[...])
    g = jnp.dot(h1, gwt_ref[...], preferred_element_type=jnp.float32) + gb_ref[...]
    e = jnp.exp(g[:, 0:1])

    @pl.when(i == 0)
    def _init():
        s1_ref[...] = jnp.zeros_like(s1_ref)
        s0_ref[...] = jnp.zeros_like(s0_ref)

    s1_ref[...] += jnp.sum(e * h1, axis=0, keepdims=True)
    s0_ref[...] += jnp.sum(e)

    @pl.when(i == pl.num_programs(0) - 1)
    def _fin():
        out_ref[...] = s1_ref[...] / s0_ref[0, 0]


def _final(nd2, h, kind, w2t, w2b, g2, b2, gwt, gb):
    N = kind.shape[0]
    BN = 1000
    row = lambda i: (i, 0)
    full = lambda i: (0, 0)
    return pl.pallas_call(
        _final_body,
        grid=(N // BN,),
        in_specs=[
            pl.BlockSpec((BN, 256), row),
            pl.BlockSpec((BN, 128), row),
            pl.BlockSpec((BN, 128), row),
            pl.BlockSpec((384, 768), full),
            pl.BlockSpec((1, 768), full),
            pl.BlockSpec((1, 768), full),
            pl.BlockSpec((1, 768), full),
            pl.BlockSpec((768, 128), full),
            pl.BlockSpec((1, 128), full),
        ],
        out_specs=pl.BlockSpec((1, 768), full),
        out_shape=jax.ShapeDtypeStruct((1, 768), jnp.float32),
        scratch_shapes=[
            pltpu.VMEM((1, 768), jnp.float32),
            pltpu.VMEM((1, 128), jnp.float32),
        ],
    )(nd2, h, kind, w2t, w2b, g2, b2, gwt, gb)


_SC_TILES = 16
_SC_W = 2 * _SC_TILES
_SC_BE = 2000
_SC_NCH = 2
_SC_PASSES = 2


def _sc_body(dst_hbm, src_hbm, qtabT_hbm, kvnT_hbm, kT_hbm, vT_hbm, out_hbm,
             qT0, qT1, knT0, knT1, vnT0, vnT1, num0, num1, den0, den1,
             dstb0, srcb0, ke00, ke01, ve00, ve01,
             dstb1, srcb1, ke10, ke11, ve10, ve11,
             sem0, sem1):
    c = lax.axis_index("c")
    s = lax.axis_index("s")
    w = c * _SC_TILES + s
    n = qtabT_hbm.shape[1]
    nchunks = E_EDGES // _SC_BE
    zeros16 = jnp.zeros((16,), jnp.float32)
    qT = (qT0, qT1)
    knT = (knT0, knT1)
    vnT = (vnT0, vnT1)
    num = (num0, num1)
    den = (den0, den1)
    bufs = ((dstb0, srcb0, (ke00, ke01), (ve00, ve01), sem0),
            (dstb1, srcb1, (ke10, ke11), (ve10, ve11), sem1))

    def issue(i, pair, buf):
        dstb, srcb, keb, veb, sem = buf
        base = i * _SC_BE
        pltpu.async_copy(dst_hbm.at[pl.ds(base, _SC_BE)], dstb, sem)
        pltpu.async_copy(src_hbm.at[pl.ds(base, _SC_BE)], srcb, sem)
        for cc in range(_SC_NCH):
            off = (2 * pair + cc) * E_EDGES + base
            pltpu.async_copy(kT_hbm.at[pl.ds(off, _SC_BE)], keb[cc], sem)
            pltpu.async_copy(vT_hbm.at[pl.ds(off, _SC_BE)], veb[cc], sem)

    def drain(buf):
        dstb, srcb, keb, veb, sem = buf
        pltpu.make_async_copy(dst_hbm.at[pl.ds(0, _SC_BE)], dstb, sem).wait()
        pltpu.make_async_copy(src_hbm.at[pl.ds(0, _SC_BE)], srcb, sem).wait()
        for cc in range(_SC_NCH):
            pltpu.make_async_copy(
                kT_hbm.at[pl.ds(0, _SC_BE)], keb[cc], sem).wait()
            pltpu.make_async_copy(
                vT_hbm.at[pl.ds(0, _SC_BE)], veb[cc], sem).wait()

    def compute(buf):
        dstb, srcb, keb, veb, _ = buf

        @plsc.parallel_loop(0, _SC_BE // 16, 1, unroll=8)
        def grp(g):
            dv = dstb[pl.ds(g * 16, 16)]
            sv = srcb[pl.ds(g * 16, 16)]
            for cc in range(_SC_NCH):
                ke = keb[cc][pl.ds(g * 16, 16)]
                ve = veb[cc][pl.ds(g * 16, 16)]
                qv = plsc.load_gather(qT[cc], [dv])
                kn = plsc.load_gather(knT[cc], [sv])
                vn = plsc.load_gather(vnT[cc], [sv])
                p = jnp.exp(qv * (kn + ke))
                plsc.addupdate_scatter(num[cc], [dv], p * (vn + ve))
                plsc.addupdate_scatter(den[cc], [dv], p)

    def one_pass(cp, carry0):
        pair = cp * _SC_W + w
        ch = _SC_NCH * pair
        for cc in range(_SC_NCH):
            pltpu.sync_copy(qtabT_hbm.at[ch + cc], qT[cc])
            pltpu.sync_copy(kvnT_hbm.at[ch + cc], knT[cc])
            pltpu.sync_copy(kvnT_hbm.at[128 + ch + cc], vnT[cc])

        @plsc.parallel_loop(0, n // 16, 1, unroll=4)
        def zrow(i):
            for cc in range(_SC_NCH):
                num[cc][pl.ds(i * 16, 16)] = zeros16
                den[cc][pl.ds(i * 16, 16)] = zeros16

        issue(0, pair, bufs[0])

        def chunk2(i, carry):
            drain(bufs[0])
            issue(2 * i + 1, pair, bufs[1])
            compute(bufs[0])
            drain(bufs[1])

            @pl.when(2 * i + 2 < nchunks)
            def _():
                issue(2 * i + 2, pair, bufs[0])

            compute(bufs[1])
            return carry

        lax.fori_loop(0, nchunks // 2, chunk2, 0, unroll=False)

        for cc in range(_SC_NCH):
            pltpu.sync_copy(num[cc], out_hbm.at[ch + cc])
            pltpu.sync_copy(den[cc], out_hbm.at[128 + ch + cc])
        return carry0

    lax.fori_loop(0, _SC_PASSES, one_pass, 0, unroll=False)


def _edge_accumulate(dst, src, qtabT, kvnT, kT, vT):
    n = qtabT.shape[1]
    mesh = plsc.VectorSubcoreMesh(core_axis_name="c", subcore_axis_name="s")
    ndT = pl.kernel(
        _sc_body,
        out_type=jax.ShapeDtypeStruct((256, n), jnp.float32),
        mesh=mesh,
        compiler_params=pltpu.CompilerParams(needs_layout_passes=False),
        scratch_types=(
            [pltpu.VMEM((n,), jnp.float32) for _ in range(10)]
            + [
                pltpu.VMEM((_SC_BE,), jnp.int32),
                pltpu.VMEM((_SC_BE,), jnp.int32),
                pltpu.VMEM((_SC_BE,), jnp.float32),
                pltpu.VMEM((_SC_BE,), jnp.float32),
                pltpu.VMEM((_SC_BE,), jnp.float32),
                pltpu.VMEM((_SC_BE,), jnp.float32),
            ] * 2
            + [
                pltpu.SemaphoreType.DMA,
                pltpu.SemaphoreType.DMA,
            ]
        ),
    )(dst, src, qtabT, kvnT, kT, vT)
    return ndT


def kernel(kind, edge_h, edge_index, Kw, Kb, Vw, Vb, Qw, Qb, Ww, Wb,
           K2w, K2b, V2w, V2b, Q2w, Q2b, W2w, W2b,
           ln1g, ln1b, ln2g, ln2b, gw, gb):
    src = edge_index[0]
    dst = edge_index[1]

    w_edge1 = jnp.concatenate([Kw[:, F:].T, Vw[:, F:].T], axis=1)
    b_edge1 = jnp.concatenate([Kb, Vb]).reshape(256, 1)
    w_edge2 = jnp.concatenate([K2w[:, F:2 * F].T, V2w[:, F:2 * F].T], axis=1)
    b_edge2 = jnp.concatenate([K2b, V2b]).reshape(256, 1)
    w_node1 = jnp.concatenate([Qw.T, Kw[:, :F].T, Vw[:, :F].T], axis=1)
    b_node1 = jnp.concatenate([Qb, jnp.zeros((256,), jnp.float32)]).reshape(384, 1)
    q2t = Q2w.T
    kv2t = jnp.concatenate(
        [jnp.concatenate([K2w[:, :F], K2w[:, 2 * F:]], axis=1).T,
         jnp.concatenate([V2w[:, :F], V2w[:, 2 * F:]], axis=1).T], axis=1)

    kvehT1 = _edge_proj(edge_h, w_edge1, b_edge1)
    kvehT2 = _edge_proj(edge_h, w_edge2, b_edge2)
    qtabT, kvnT = _node_pre(kind, w_node1, b_node1)

    def _split_kv(kvehT):
        return (kvehT[:128].reshape(-1), kvehT[128:].reshape(-1))

    kT1, vT1 = _split_kv(kvehT1)
    kT2, vT2 = _split_kv(kvehT2)
    nd1T = _edge_accumulate(dst, src, qtabT, kvnT, kT1, vT1)

    h, q2tabT, kv2nT = _node_mid(
        nd1T, kind, Ww.T, Wb.reshape(1, 128), ln1g.reshape(1, 128),
        ln1b.reshape(1, 128), q2t, Q2b.reshape(128, 1), kv2t)

    nd2T = _edge_accumulate(dst, src, q2tabT, kv2nT, kT2, vT2)

    gwt = jnp.concatenate([gw.T, jnp.zeros((768, 127), jnp.float32)], axis=1)
    gb_row = jnp.concatenate([gb, jnp.zeros((127,), jnp.float32)]).reshape(1, 128)
    out = _final(nd2T.T, h, kind, W2w.T, W2b.reshape(1, 768),
                 ln2g.reshape(1, 768), ln2b.reshape(1, 768), gwt, gb_row)
    return out

# --- scband reference (transcript-rebuilt; emitter-appended) ---
"""Pipeline reference for scband-code-gnn-61031485276239 (READ-ONLY COPY).

The authoritative reference and input builder live on the scoring server;
editing this copy changes nothing except your own understanding.
"""

import jax, jax.numpy as jnp
import numpy as np

N = 10000
E = 320000
F = 128
H = 128
OUT = 768


def _ln(x, g, b):
    mu = jnp.mean(x, axis=-1, keepdims=True)
    var = jnp.mean((x - mu) ** 2, axis=-1, keepdims=True)
    return (x - mu) / jnp.sqrt(var + 1e-5) * g + b


def _edge_softmax(a, dst, n):
    m = jax.ops.segment_max(a, dst, num_segments=n)
    a = jnp.exp(a - m[dst])
    s = jax.ops.segment_sum(a, dst, num_segments=n)
    return a / s[dst]


def setup_inputs(seed: int = 0):
    key = jax.random.key(seed)
    ks = jax.random.split(key, 24)

    def lin(k, o, i):
        return jax.random.normal(k, (o, i), dtype=jnp.float32) * 0.05

    d = {}
    d['kind'] = jax.random.normal(ks[0], (N, F), dtype=jnp.float32)
    d['edge_h'] = jax.random.normal(ks[1], (E, F), dtype=jnp.float32)
    d['edge_index'] = jax.random.randint(ks[2], (2, E), 0, N)
    d['Kw'] = lin(ks[3], H, 2 * F); d['Kb'] = jnp.zeros((H,), jnp.float32)
    d['Vw'] = lin(ks[4], H, 2 * F); d['Vb'] = jnp.zeros((H,), jnp.float32)
    d['Qw'] = lin(ks[5], H, F); d['Qb'] = jnp.zeros((H,), jnp.float32)
    d['Ww'] = lin(ks[6], H, F + H); d['Wb'] = jnp.zeros((H,), jnp.float32)
    d['K2w'] = lin(ks[7], H, 3 * F); d['K2b'] = jnp.zeros((H,), jnp.float32)
    d['V2w'] = lin(ks[8], H, 3 * F); d['V2b'] = jnp.zeros((H,), jnp.float32)
    d['Q2w'] = lin(ks[9], H, 2 * F); d['Q2b'] = jnp.zeros((H,), jnp.float32)
    d['W2w'] = lin(ks[10], OUT, 2 * F + H); d['W2b'] = jnp.zeros((OUT,), jnp.float32)
    d['ln1g'] = jnp.ones((H,), jnp.float32); d['ln1b'] = jnp.zeros((H,), jnp.float32)
    d['ln2g'] = jnp.ones((OUT,), jnp.float32); d['ln2b'] = jnp.zeros((OUT,), jnp.float32)
    d['gw'] = lin(ks[11], 1, OUT); d['gb'] = jnp.zeros((1,), jnp.float32)
    return d


def reference(kind, edge_h, edge_index, Kw, Kb, Vw, Vb, Qw, Qb, Ww, Wb, K2w, K2b, V2w, V2b, Q2w, Q2b, W2w, W2b, ln1g, ln1b, ln2g, ln2b, gw, gb):
    n = kind.shape[0]
    src = edge_index[0]
    dst = edge_index[1]
    # layer 1
    Q = kind @ Qw.T + Qb
    e_in = jnp.concatenate([kind[src], edge_h], axis=1)
    Ke = e_in @ Kw.T + Kb
    Ve = e_in @ Vw.T + Vb
    alpha = _edge_softmax(Q[dst] * Ke, dst, n)
    h_n = jax.ops.segment_sum(alpha * Ve, dst, num_segments=n)
    h = _ln(jnp.concatenate([h_n, kind], axis=1) @ Ww.T + Wb, ln1g, ln1b)
    # layer 2
    Q2 = jnp.concatenate([kind, h], axis=1) @ Q2w.T + Q2b
    e_in2 = jnp.concatenate([kind[src], edge_h, h[src]], axis=1)
    K2e = e_in2 @ K2w.T + K2b
    V2e = e_in2 @ V2w.T + V2b
    a2 = _edge_softmax(Q2[dst] * K2e, dst, n)
    h_n1 = jax.ops.segment_sum(a2 * V2e, dst, num_segments=n)
    h1 = _ln(jnp.concatenate([h_n1, h, kind], axis=1) @ W2w.T + W2b, ln2g, ln2b)
    # global attention pooling readout (single graph)
    gate = jax.nn.softmax(h1 @ gw.T + gb, axis=0)
    graph_vec = jnp.sum(gate * h1, axis=0, keepdims=True)
    return graph_vec

if __name__ == "__main__":
    import jax
    _d = setup_inputs()
    print(jax.jit(kernel)(*tuple(_d.values())))

</pallas_src>

<mosaic_0001>
#map = affine_map<(d0, d1) -> (0)>
#map1 = affine_map<(d0, d1) -> (0, 0)>
module attributes {stable_mosaic.version = 14 : i64} {
  func.func @_sc_body(%arg0: i32, %arg1: i32, %arg2: memref<320000xi32, #tpu.memory_space<hbm>>, %arg3: memref<320000xi32, #tpu.memory_space<hbm>>, %arg4: memref<128x10000xf32, #tpu.memory_space<hbm>>, %arg5: memref<256x10000xf32, #tpu.memory_space<hbm>>, %arg6: memref<40960000xf32, #tpu.memory_space<hbm>>, %arg7: memref<40960000xf32, #tpu.memory_space<hbm>>, %arg8: memref<256x10000xf32, #tpu.memory_space<hbm>>, %arg9: memref<10000xf32, #tpu.memory_space<vmem>>, %arg10: memref<10000xf32, #tpu.memory_space<vmem>>, %arg11: memref<10000xf32, #tpu.memory_space<vmem>>, %arg12: memref<10000xf32, #tpu.memory_space<vmem>>, %arg13: memref<10000xf32, #tpu.memory_space<vmem>>, %arg14: memref<10000xf32, #tpu.memory_space<vmem>>, %arg15: memref<10000xf32, #tpu.memory_space<vmem>>, %arg16: memref<10000xf32, #tpu.memory_space<vmem>>, %arg17: memref<10000xf32, #tpu.memory_space<vmem>>, %arg18: memref<10000xf32, #tpu.memory_space<vmem>>, %arg19: memref<2000xi32, #tpu.memory_space<vmem>>, %arg20: memref<2000xi32, #tpu.memory_space<vmem>>, %arg21: memref<2000xf32, #tpu.memory_space<vmem>>, %arg22: memref<2000xf32, #tpu.memory_space<vmem>>, %arg23: memref<2000xf32, #tpu.memory_space<vmem>>, %arg24: memref<2000xf32, #tpu.memory_space<vmem>>, %arg25: memref<2000xi32, #tpu.memory_space<vmem>>, %arg26: memref<2000xi32, #tpu.memory_space<vmem>>, %arg27: memref<2000xf32, #tpu.memory_space<vmem>>, %arg28: memref<2000xf32, #tpu.memory_space<vmem>>, %arg29: memref<2000xf32, #tpu.memory_space<vmem>>, %arg30: memref<2000xf32, #tpu.memory_space<vmem>>, %arg31: memref<!tpu.dma_semaphore, #tpu.memory_space<semaphore_mem>>, %arg32: memref<!tpu.dma_semaphore, #tpu.memory_space<semaphore_mem>>) attributes {dimension_semantics = [#tpu.dimension_semantics<core_parallel>, #tpu.dimension_semantics<subcore_parallel>], iteration_bounds = array<i64: 2, 16>, scalar_prefetch = 0 : i64, scratch_operands = 24 : i64, tpu.core_type = #tpu.core_type<sc_vector_subcore>, window_params = [{transform_indices = #map}, {transform_indices = #map}, {transform_indices = #map1}, {transform_indices = #map1}, {transform_indices = #map}, {transform_indices = #map}, {transform_indices = #map1}]} {
    %mul3A = arith.constant 16 : i32
    %mul3A_0 = arith.muli %arg0, %mul3A : i32
    %add3A = arith.addi %mul3A_0, %arg1 : i32
    %broadcast_in_dim3A = arith.constant 0.000000e+00 : f32
    %broadcast_in_dim3A_1 = vector.broadcast %broadcast_in_dim3A : f32 to vector<16xf32>
    %scan3A = arith.constant 0 : i32
    %scan3A_2 = arith.constant 0 : i32
    %scan3A_3 = arith.constant 2 : i32
    %scan3A_4 = arith.addi %scan3A_2, %scan3A_3 : i32
    %scan3A_5 = arith.constant 1 : i32
    scf.for %scan3A_7 = %scan3A_2 to %scan3A_4 step %scan3A_5  : i32 {
      %mul3A_8 = arith.constant 32 : i32
      %mul3A_9 = arith.muli %scan3A_7, %mul3A_8 : i32
      %add3A_10 = arith.addi %mul3A_9, %add3A : i32
      %mul3A_11 = arith.constant 2 : i32
      %mul3A_12 = arith.muli %mul3A_11, %add3A_10 : i32
      %add3A_13 = arith.constant 0 : i32
      %add3A_14 = arith.addi %mul3A_12, %add3A_13 : i32
      "tpu.region"() ({
        %run_scoped3A = tpu.sem_alloc : memref<!tpu.dma_semaphore, #tpu.memory_space<semaphore_mem>>
        %dma_start3A_80 = arith.constant 0 : i32
        %dma_start3A_81 = tpu.memref_slice %arg4[%add3A_14, %dma_start3A_80] : memref<128x10000xf32, #tpu.memory_space<hbm>> -> memref<1x10000xf32, #tpu.memory_space<hbm>>
        %dma_start3A_82 = tpu.memref_squeeze %dma_start3A_81 : memref<1x10000xf32, #tpu.memory_space<hbm>> -> memref<10000xf32, #tpu.memory_space<hbm>>
        %dma_start3A_83 = arith.constant 0 : i32
        %dma_start3A_84 = tpu.memref_slice %arg4[%add3A_14, %dma_start3A_83] : memref<128x10000xf32, #tpu.memory_space<hbm>> -> memref<1x10000xf32, #tpu.memory_space<hbm>>
        %dma_start3A_85 = tpu.memref_squeeze %dma_start3A_84 : memref<1x10000xf32, #tpu.memory_space<hbm>> -> memref<10000xf32, #tpu.memory_space<hbm>>
        tpu.enqueue_dma source(%dma_start3A_85 : memref<10000xf32, #tpu.memory_space<hbm>>) target(%arg9 : memref<10000xf32, #tpu.memory_space<vmem>>) target_semaphore(%run_scoped3A : memref<!tpu.dma_semaphore, #tpu.memory_space<semaphore_mem>>)
        %dma_wait3A = arith.constant 0 : i32
        %dma_wait3A_86 = tpu.memref_slice %arg4[%add3A_14, %dma_wait3A] : memref<128x10000xf32, #tpu.memory_space<hbm>> -> memref<1x10000xf32, #tpu.memory_space<hbm>>
        %dma_wait3A_87 = tpu.memref_squeeze %dma_wait3A_86 : memref<1x10000xf32, #tpu.memory_space<hbm>> -> memref<10000xf32, #tpu.memory_space<hbm>>
        %dma_wait3A_88 = arith.constant 0 : i32
        %dma_wait3A_89 = tpu.memref_slice %arg4[%add3A_14, %dma_wait3A_88] : memref<128x10000xf32, #tpu.memory_space<hbm>> -> memref<1x10000xf32, #tpu.memory_space<hbm>>
        %dma_wait3A_90 = tpu.memref_squeeze %dma_wait3A_89 : memref<1x10000xf32, #tpu.memory_space<hbm>> -> memref<10000xf32, #tpu.memory_space<hbm>>
        tpu.wait_dma2 semaphore(%run_scoped3A : memref<!tpu.dma_semaphore, #tpu.memory_space<semaphore_mem>>) src(%dma_wait3A_90 : memref<10000xf32, #tpu.memory_space<hbm>>) dst(%arg9 : memref<10000xf32, #tpu.memory_space<vmem>>)
        tpu.yield
      }) : () -> ()
      %add3A_15 = arith.constant 0 : i32
      %add3A_16 = arith.addi %mul3A_12, %add3A_15 : i32
      "tpu.region"() ({
        %run_scoped3A = tpu.sem_alloc : memref<!tpu.dma_semaphore, #tpu.memory_space<semaphore_mem>>
        %dma_start3A_80 = arith.constant 0 : i32
        %dma_start3A_81 = tpu.memref_slice %arg5[%add3A_16, %dma_start3A_80] : memref<256x10000xf32, #tpu.memory_space<hbm>> -> memref<1x10000xf32, #tpu.memory_space<hbm>>
        %dma_start3A_82 = tpu.memref_squeeze %dma_start3A_81 : memref<1x10000xf32, #tpu.memory_space<hbm>> -> memref<10000xf32, #tpu.memory_space<hbm>>
        %dma_start3A_83 = arith.constant 0 : i32
        %dma_start3A_84 = tpu.memref_slice %arg5[%add3A_16, %dma_start3A_83] : memref<256x10000xf32, #tpu.memory_space<hbm>> -> memref<1x10000xf32, #tpu.memory_space<hbm>>
        %dma_start3A_85 = tpu.memref_squeeze %dma_start3A_84 : memref<1x10000xf32, #tpu.memory_space<hbm>> -> memref<10000xf32, #tpu.memory_space<hbm>>
        tpu.enqueue_dma source(%dma_start3A_85 : memref<10000xf32, #tpu.memory_space<hbm>>) target(%arg11 : memref<10000xf32, #tpu.memory_space<vmem>>) target_semaphore(%run_scoped3A : memref<!tpu.dma_semaphore, #tpu.memory_space<semaphore_mem>>)
        %dma_wait3A = arith.constant 0 : i32
        %dma_wait3A_86 = tpu.memref_slice %arg5[%add3A_16, %dma_wait3A] : memref<256x10000xf32, #tpu.memory_space<hbm>> -> memref<1x10000xf32, #tpu.memory_space<hbm>>
        %dma_wait3A_87 = tpu.memref_squeeze %dma_wait3A_86 : memref<1x10000xf32, #tpu.memory_space<hbm>> -> memref<10000xf32, #tpu.memory_space<hbm>>
        %dma_wait3A_88 = arith.constant 0 : i32
        %dma_wait3A_89 = tpu.memref_slice %arg5[%add3A_16, %dma_wait3A_88] : memref<256x10000xf32, #tpu.memory_space<hbm>> -> memref<1x10000xf32, #tpu.memory_space<hbm>>
        %dma_wait3A_90 = tpu.memref_squeeze %dma_wait3A_89 : memref<1x10000xf32, #tpu.memory_space<hbm>> -> memref<10000xf32, #tpu.memory_space<hbm>>
        tpu.wait_dma2 semaphore(%run_scoped3A : memref<!tpu.dma_semaphore, #tpu.memory_space<semaphore_mem>>) src(%dma_wait3A_90 : memref<10000xf32, #tpu.memory_space<hbm>>) dst(%arg11 : memref<10000xf32, #tpu.memory_space<vmem>>)
        tpu.yield
      }) : () -> ()
      %add3A_17 = arith.constant 128 : i32
      %add3A_18 = arith.addi %add3A_17, %mul3A_12 : i32
      %add3A_19 = arith.constant 0 : i32
      %add3A_20 = arith.addi %add3A_18, %add3A_19 : i32
      "tpu.region"() ({
        %run_scoped3A = tpu.sem_alloc : memref<!tpu.dma_semaphore, #tpu.memory_space<semaphore_mem>>
        %dma_start3A_80 = arith.constant 0 : i32
        %dma_start3A_81 = tpu.memref_slice %arg5[%add3A_20, %dma_start3A_80] : memref<256x10000xf32, #tpu.memory_space<hbm>> -> memref<1x10000xf32, #tpu.memory_space<hbm>>
        %dma_start3A_82 = tpu.memref_squeeze %dma_start3A_81 : memref<1x10000xf32, #tpu.memory_space<hbm>> -> memref<10000xf32, #tpu.memory_space<hbm>>
        %dma_start3A_83 = arith.constant 0 : i32
        %dma_start3A_84 = tpu.memref_slice %arg5[%add3A_20, %dma_start3A_83] : memref<256x10000xf32, #tpu.memory_space<hbm>> -> memref<1x10000xf32, #tpu.memory_space<hbm>>
        %dma_start3A_85 = tpu.memref_squeeze %dma_start3A_84 : memref<1x10000xf32, #tpu.memory_space<hbm>> -> memref<10000xf32, #tpu.memory_space<hbm>>
        tpu.enqueue_dma source(%dma_start3A_85 : memref<10000xf32, #tpu.memory_space<hbm>>) target(%arg13 : memref<10000xf32, #tpu.memory_space<vmem>>) target_semaphore(%run_scoped3A : memref<!tpu.dma_semaphore, #tpu.memory_space<semaphore_mem>>)
        %dma_wait3A = arith.constant 0 : i32
        %dma_wait3A_86 = tpu.memref_slice %arg5[%add3A_20, %dma_wait3A] : memref<256x10000xf32, #tpu.memory_space<hbm>> -> memref<1x10000xf32, #tpu.memory_space<hbm>>
        %dma_wait3A_87 = tpu.memref_squeeze %dma_wait3A_86 : memref<1x10000xf32, #tpu.memory_space<hbm>> -> memref<10000xf32, #tpu.memory_space<hbm>>
        %dma_wait3A_88 = arith.constant 0 : i32
        %dma_wait3A_89 = tpu.memref_slice %arg5[%add3A_20, %dma_wait3A_88] : memref<256x10000xf32, #tpu.memory_space<hbm>> -> memref<1x10000xf32, #tpu.memory_space<hbm>>
        %dma_wait3A_90 = tpu.memref_squeeze %dma_wait3A_89 : memref<1x10000xf32, #tpu.memory_space<hbm>> -> memref<10000xf32, #tpu.memory_space<hbm>>
        tpu.wait_dma2 semaphore(%run_scoped3A : memref<!tpu.dma_semaphore, #tpu.memory_space<semaphore_mem>>) src(%dma_wait3A_90 : memref<10000xf32, #tpu.memory_space<hbm>>) dst(%arg13 : memref<10000xf32, #tpu.memory_space<vmem>>)
        tpu.yield
      }) : () -> ()
      %add3A_21 = arith.constant 1 : i32
      %add3A_22 = arith.addi %mul3A_12, %add3A_21 : i32
      "tpu.region"() ({
        %run_scoped3A = tpu.sem_alloc : memref<!tpu.dma_semaphore, #tpu.memory_space<semaphore_mem>>
        %dma_start3A_80 = arith.constant 0 : i32
        %dma_start3A_81 = tpu.memref_slice %arg4[%add3A_22, %dma_start3A_80] : memref<128x10000xf32, #tpu.memory_space<hbm>> -> memref<1x10000xf32, #tpu.memory_space<hbm>>
        %dma_start3A_82 = tpu.memref_squeeze %dma_start3A_81 : memref<1x10000xf32, #tpu.memory_space<hbm>> -> memref<10000xf32, #tpu.memory_space<hbm>>
        %dma_start3A_83 = arith.constant 0 : i32
        %dma_start3A_84 = tpu.memref_slice %arg4[%add3A_22, %dma_start3A_83] : memref<128x10000xf32, #tpu.memory_space<hbm>> -> memref<1x10000xf32, #tpu.memory_space<hbm>>
        %dma_start3A_85 = tpu.memref_squeeze %dma_start3A_84 : memref<1x10000xf32, #tpu.memory_space<hbm>> -> memref<10000xf32, #tpu.memory_space<hbm>>
        tpu.enqueue_dma source(%dma_start3A_85 : memref<10000xf32, #tpu.memory_space<hbm>>) target(%arg10 : memref<10000xf32, #tpu.memory_space<vmem>>) target_semaphore(%run_scoped3A : memref<!tpu.dma_semaphore, #tpu.memory_space<semaphore_mem>>)
        %dma_wait3A = arith.constant 0 : i32
        %dma_wait3A_86 = tpu.memref_slice %arg4[%add3A_22, %dma_wait3A] : memref<128x10000xf32, #tpu.memory_space<hbm>> -> memref<1x10000xf32, #tpu.memory_space<hbm>>
        %dma_wait3A_87 = tpu.memref_squeeze %dma_wait3A_86 : memref<1x10000xf32, #tpu.memory_space<hbm>> -> memref<10000xf32, #tpu.memory_space<hbm>>
        %dma_wait3A_88 = arith.constant 0 : i32
        %dma_wait3A_89 = tpu.memref_slice %arg4[%add3A_22, %dma_wait3A_88] : memref<128x10000xf32, #tpu.memory_space<hbm>> -> memref<1x10000xf32, #tpu.memory_space<hbm>>
        %dma_wait3A_90 = tpu.memref_squeeze %dma_wait3A_89 : memref<1x10000xf32, #tpu.memory_space<hbm>> -> memref<10000xf32, #tpu.memory_space<hbm>>
        tpu.wait_dma2 semaphore(%run_scoped3A : memref<!tpu.dma_semaphore, #tpu.memory_space<semaphore_mem>>) src(%dma_wait3A_90 : memref<10000xf32, #tpu.memory_space<hbm>>) dst(%arg10 : memref<10000xf32, #tpu.memory_space<vmem>>)
        tpu.yield
      }) : () -> ()
      %add3A_23 = arith.constant 1 : i32
      %add3A_24 = arith.addi %mul3A_12, %add3A_23 : i32
      "tpu.region"() ({
        %run_scoped3A = tpu.sem_alloc : memref<!tpu.dma_semaphore, #tpu.memory_space<semaphore_mem>>
        %dma_start3A_80 = arith.constant 0 : i32
        %dma_start3A_81 = tpu.memref_slice %arg5[%add3A_24, %dma_start3A_80] : memref<256x10000xf32, #tpu.memory_space<hbm>> -> memref<1x10000xf32, #tpu.memory_space<hbm>>
        %dma_start3A_82 = tpu.memref_squeeze %dma_start3A_81 : memref<1x10000xf32, #tpu.memory_space<hbm>> -> memref<10000xf32, #tpu.memory_space<hbm>>
        %dma_start3A_83 = arith.constant 0 : i32
        %dma_start3A_84 = tpu.memref_slice %arg5[%add3A_24, %dma_start3A_83] : memref<256x10000xf32, #tpu.memory_space<hbm>> -> memref<1x10000xf32, #tpu.memory_space<hbm>>
        %dma_start3A_85 = tpu.memref_squeeze %dma_start3A_84 : memref<1x10000xf32, #tpu.memory_space<hbm>> -> memref<10000xf32, #tpu.memory_space<hbm>>
        tpu.enqueue_dma source(%dma_start3A_85 : memref<10000xf32, #tpu.memory_space<hbm>>) target(%arg12 : memref<10000xf32, #tpu.memory_space<vmem>>) target_semaphore(%run_scoped3A : memref<!tpu.dma_semaphore, #tpu.memory_space<semaphore_mem>>)
        %dma_wait3A = arith.constant 0 : i32
        %dma_wait3A_86 = tpu.memref_slice %arg5[%add3A_24, %dma_wait3A] : memref<256x10000xf32, #tpu.memory_space<hbm>> -> memref<1x10000xf32, #tpu.memory_space<hbm>>
        %dma_wait3A_87 = tpu.memref_squeeze %dma_wait3A_86 : memref<1x10000xf32, #tpu.memory_space<hbm>> -> memref<10000xf32, #tpu.memory_space<hbm>>
        %dma_wait3A_88 = arith.constant 0 : i32
        %dma_wait3A_89 = tpu.memref_slice %arg5[%add3A_24, %dma_wait3A_88] : memref<256x10000xf32, #tpu.memory_space<hbm>> -> memref<1x10000xf32, #tpu.memory_space<hbm>>
        %dma_wait3A_90 = tpu.memref_squeeze %dma_wait3A_89 : memref<1x10000xf32, #tpu.memory_space<hbm>> -> memref<10000xf32, #tpu.memory_space<hbm>>
        tpu.wait_dma2 semaphore(%run_scoped3A : memref<!tpu.dma_semaphore, #tpu.memory_space<semaphore_mem>>) src(%dma_wait3A_90 : memref<10000xf32, #tpu.memory_space<hbm>>) dst(%arg12 : memref<10000xf32, #tpu.memory_space<vmem>>)
        tpu.yield
      }) : () -> ()
      %add3A_25 = arith.constant 128 : i32
      %add3A_26 = arith.addi %add3A_25, %mul3A_12 : i32
      %add3A_27 = arith.constant 1 : i32
      %add3A_28 = arith.addi %add3A_26, %add3A_27 : i32
      "tpu.region"() ({
        %run_scoped3A = tpu.sem_alloc : memref<!tpu.dma_semaphore, #tpu.memory_space<semaphore_mem>>
        %dma_start3A_80 = arith.constant 0 : i32
        %dma_start3A_81 = tpu.memref_slice %arg5[%add3A_28, %dma_start3A_80] : memref<256x10000xf32, #tpu.memory_space<hbm>> -> memref<1x10000xf32, #tpu.memory_space<hbm>>
        %dma_start3A_82 = tpu.memref_squeeze %dma_start3A_81 : memref<1x10000xf32, #tpu.memory_space<hbm>> -> memref<10000xf32, #tpu.memory_space<hbm>>
        %dma_start3A_83 = arith.constant 0 : i32
        %dma_start3A_84 = tpu.memref_slice %arg5[%add3A_28, %dma_start3A_83] : memref<256x10000xf32, #tpu.memory_space<hbm>> -> memref<1x10000xf32, #tpu.memory_space<hbm>>
        %dma_start3A_85 = tpu.memref_squeeze %dma_start3A_84 : memref<1x10000xf32, #tpu.memory_space<hbm>> -> memref<10000xf32, #tpu.memory_space<hbm>>
        tpu.enqueue_dma source(%dma_start3A_85 : memref<10000xf32, #tpu.memory_space<hbm>>) target(%arg14 : memref<10000xf32, #tpu.memory_space<vmem>>) target_semaphore(%run_scoped3A : memref<!tpu.dma_semaphore, #tpu.memory_space<semaphore_mem>>)
        %dma_wait3A = arith.constant 0 : i32
        %dma_wait3A_86 = tpu.memref_slice %arg5[%add3A_28, %dma_wait3A] : memref<256x10000xf32, #tpu.memory_space<hbm>> -> memref<1x10000xf32, #tpu.memory_space<hbm>>
        %dma_wait3A_87 = tpu.memref_squeeze %dma_wait3A_86 : memref<1x10000xf32, #tpu.memory_space<hbm>> -> memref<10000xf32, #tpu.memory_space<hbm>>
        %dma_wait3A_88 = arith.constant 0 : i32
        %dma_wait3A_89 = tpu.memref_slice %arg5[%add3A_28, %dma_wait3A_88] : memref<256x10000xf32, #tpu.memory_space<hbm>> -> memref<1x10000xf32, #tpu.memory_space<hbm>>
        %dma_wait3A_90 = tpu.memref_squeeze %dma_wait3A_89 : memref<1x10000xf32, #tpu.memory_space<hbm>> -> memref<10000xf32, #tpu.memory_space<hbm>>
        tpu.wait_dma2 semaphore(%run_scoped3A : memref<!tpu.dma_semaphore, #tpu.memory_space<semaphore_mem>>) src(%dma_wait3A_90 : memref<10000xf32, #tpu.memory_space<hbm>>) dst(%arg14 : memref<10000xf32, #tpu.memory_space<vmem>>)
        tpu.yield
      }) : () -> ()
      %parallel_loop3A = arith.constant 0 : i32
      %parallel_loop3A_29 = arith.constant 625 : i32
      %parallel_loop3A_30 = arith.constant 1 : i32
      scf.for %parallel_loop3A_80 = %parallel_loop3A to %parallel_loop3A_29 step %parallel_loop3A_30  : i32 {
        %parallel_loop3A_81 = arith.constant 16 : i32
        %parallel_loop3A_82 = arith.muli %parallel_loop3A_80, %parallel_loop3A_81 : i32
        %parallel_loop3A_83 = arith.index_cast %parallel_loop3A_82 : i32 to index
        %parallel_loop3A_84 = tpu.vector_load %arg15[%parallel_loop3A_83] {strides = array<i32>} : memref<10000xf32, #tpu.memory_space<vmem>>, vector<16xf32>,
        tpu.vector_store %arg15[%parallel_loop3A_83], %broadcast_in_dim3A_1 {strides = array<i32>} : memref<10000xf32, #tpu.memory_space<vmem>>, vector<16xf32>,
        %parallel_loop3A_85 = arith.constant 16 : i32
        %parallel_loop3A_86 = arith.muli %parallel_loop3A_80, %parallel_loop3A_85 : i32
        %parallel_loop3A_87 = arith.index_cast %parallel_loop3A_86 : i32 to index
        %parallel_loop3A_88 = tpu.vector_load %arg17[%parallel_loop3A_87] {strides = array<i32>} : memref<10000xf32, #tpu.memory_space<vmem>>, vector<16xf32>,
        tpu.vector_store %arg17[%parallel_loop3A_87], %broadcast_in_dim3A_1 {strides = array<i32>} : memref<10000xf32, #tpu.memory_space<vmem>>, vector<16xf32>,
        %parallel_loop3A_89 = arith.constant 16 : i32
        %parallel_loop3A_90 = arith.muli %parallel_loop3A_80, %parallel_loop3A_89 : i32
        %parallel_loop3A_91 = arith.index_cast %parallel_loop3A_90 : i32 to index
        %parallel_loop3A_92 = tpu.vector_load %arg16[%parallel_loop3A_91] {strides = array<i32>} : memref<10000xf32, #tpu.memory_space<vmem>>, vector<16xf32>,
        tpu.vector_store %arg16[%parallel_loop3A_91], %broadcast_in_dim3A_1 {strides = array<i32>} : memref<10000xf32, #tpu.memory_space<vmem>>, vector<16xf32>,
        %parallel_loop3A_93 = arith.constant 16 : i32
        %parallel_loop3A_94 = arith.muli %parallel_loop3A_80, %parallel_loop3A_93 : i32
        %parallel_loop3A_95 = arith.index_cast %parallel_loop3A_94 : i32 to index
        %parallel_loop3A_96 = tpu.vector_load %arg18[%parallel_loop3A_95] {strides = array<i32>} : memref<10000xf32, #tpu.memory_space<vmem>>, vector<16xf32>,
        tpu.vector_store %arg18[%parallel_loop3A_95], %broadcast_in_dim3A_1 {strides = array<i32>} : memref<10000xf32, #tpu.memory_space<vmem>>, vector<16xf32>,
      } {sc.loop_unroll_factor = 4 : i64, sc.parallel_access}
      %dma_start3A = arith.constant 0 : i32
      %dma_start3A_31 = tpu.memref_slice %arg2[%dma_start3A] : memref<320000xi32, #tpu.memory_space<hbm>> -> memref<2000xi32, #tpu.memory_space<hbm>>
      %dma_start3A_32 = arith.constant 0 : i32
      %dma_start3A_33 = tpu.memref_slice %arg2[%dma_start3A_32] : memref<320000xi32, #tpu.memory_space<hbm>> -> memref<2000xi32, #tpu.memory_space<hbm>>
      tpu.enqueue_dma source(%dma_start3A_33 : memref<2000xi32, #tpu.memory_space<hbm>>) target(%arg19 : memref<2000xi32, #tpu.memory_space<vmem>>) target_semaphore(%arg31 : memref<!tpu.dma_semaphore, #tpu.memory_space<semaphore_mem>>)
      %dma_start3A_34 = arith.constant 0 : i32
      %dma_start3A_35 = tpu.memref_slice %arg3[%dma_start3A_34] : memref<320000xi32, #tpu.memory_space<hbm>> -> memref<2000xi32, #tpu.memory_space<hbm>>
      %dma_start3A_36 = arith.constant 0 : i32
      %dma_start3A_37 = tpu.memref_slice %arg3[%dma_start3A_36] : memref<320000xi32, #tpu.memory_space<hbm>> -> memref<2000xi32, #tpu.memory_space<hbm>>
      tpu.enqueue_dma source(%dma_start3A_37 : memref<2000xi32, #tpu.memory_space<hbm>>) target(%arg20 : memref<2000xi32, #tpu.memory_space<vmem>>) target_semaphore(%arg31 : memref<!tpu.dma_semaphore, #tpu.memory_space<semaphore_mem>>)
      %mul3A_38 = arith.constant 2 : i32
      %mul3A_39 = arith.muli %mul3A_38, %add3A_10 : i32
      %add3A_40 = arith.constant 0 : i32
      %add3A_41 = arith.addi %mul3A_39, %add3A_40 : i32
      %mul3A_42 = arith.constant 320000 : i32
      %mul3A_43 = arith.muli %add3A_41, %mul3A_42 : i32
      %add3A_44 = arith.constant 0 : i32
      %add3A_45 = arith.addi %mul3A_43, %add3A_44 : i32
      %dma_start3A_46 = tpu.memref_slice %arg6[%add3A_45] : memref<40960000xf32, #tpu.memory_space<hbm>> -> memref<2000xf32, #tpu.memory_space<hbm>>
      %dma_start3A_47 = tpu.memref_slice %arg6[%add3A_45] : memref<40960000xf32, #tpu.memory_space<hbm>> -> memref<2000xf32, #tpu.memory_space<hbm>>
      tpu.enqueue_dma source(%dma_start3A_47 : memref<2000xf32, #tpu.memory_space<hbm>>) target(%arg21 : memref<2000xf32, #tpu.memory_space<vmem>>) target_semaphore(%arg31 : memref<!tpu.dma_semaphore, #tpu.memory_space<semaphore_mem>>)
      %dma_start3A_48 = tpu.memref_slice %arg7[%add3A_45] : memref<40960000xf32, #tpu.memory_space<hbm>> -> memref<2000xf32, #tpu.memory_space<hbm>>
      %dma_start3A_49 = tpu.memref_slice %arg7[%add3A_45] : memref<40960000xf32, #tpu.memory_space<hbm>> -> memref<2000xf32, #tpu.memory_space<hbm>>
      tpu.enqueue_dma source(%dma_start3A_49 : memref<2000xf32, #tpu.memory_space<hbm>>) target(%arg23 : memref<2000xf32, #tpu.memory_space<vmem>>) target_semaphore(%arg31 : memref<!tpu.dma_semaphore, #tpu.memory_space<semaphore_mem>>)
      %mul3A_50 = arith.constant 2 : i32
      %mul3A_51 = arith.muli %mul3A_50, %add3A_10 : i32
      %add3A_52 = arith.constant 1 : i32
      %add3A_53 = arith.addi %mul3A_51, %add3A_52 : i32
      %mul3A_54 = arith.constant 320000 : i32
      %mul3A_55 = arith.muli %add3A_53, %mul3A_54 : i32
      %add3A_56 = arith.constant 0 : i32
      %add3A_57 = arith.addi %mul3A_55, %add3A_56 : i32
      %dma_start3A_58 = tpu.memref_slice %arg6[%add3A_57] : memref<40960000xf32, #tpu.memory_space<hbm>> -> memref<2000xf32, #tpu.memory_space<hbm>>
      %dma_start3A_59 = tpu.memref_slice %arg6[%add3A_57] : memref<40960000xf32, #tpu.memory_space<hbm>> -> memref<2000xf32, #tpu.memory_space<hbm>>
      tpu.enqueue_dma source(%dma_start3A_59 : memref<2000xf32, #tpu.memory_space<hbm>>) target(%arg22 : memref<2000xf32, #tpu.memory_space<vmem>>) target_semaphore(%arg31 : memref<!tpu.dma_semaphore, #tpu.memory_space<semaphore_mem>>)
      %dma_start3A_60 = tpu.memref_slice %arg7[%add3A_57] : memref<40960000xf32, #tpu.memory_space<hbm>> -> memref<2000xf32, #tpu.memory_space<hbm>>
      %dma_start3A_61 = tpu.memref_slice %arg7[%add3A_57] : memref<40960000xf32, #tpu.memory_space<hbm>> -> memref<2000xf32, #tpu.memory_space<hbm>>
      tpu.enqueue_dma source(%dma_start3A_61 : memref<2000xf32, #tpu.memory_space<hbm>>) target(%arg24 : memref<2000xf32, #tpu.memory_space<vmem>>) target_semaphore(%arg31 : memref<!tpu.dma_semaphore, #tpu.memory_space<semaphore_mem>>)
      %scan3A_62 = arith.constant 0 : i32
      %scan3A_63 = arith.constant 0 : i32
      %scan3A_64 = arith.constant 80 : i32
      %scan3A_65 = arith.addi %scan3A_63, %scan3A_64 : i32
      %scan3A_66 = arith.constant 1 : i32
      scf.for %scan3A_80 = %scan3A_63 to %scan3A_65 step %scan3A_66  : i32 {
        %dma_wait3A = arith.constant 0 : i32
        %dma_wait3A_81 = tpu.memref_slice %arg2[%dma_wait3A] : memref<320000xi32, #tpu.memory_space<hbm>> -> memref<2000xi32, #tpu.memory_space<hbm>>
        %dma_wait3A_82 = arith.constant 0 : i32
        %dma_wait3A_83 = tpu.memref_slice %arg2[%dma_wait3A_82] : memref<320000xi32, #tpu.memory_space<hbm>> -> memref<2000xi32, #tpu.memory_space<hbm>>
        tpu.wait_dma2 semaphore(%arg31 : memref<!tpu.dma_semaphore, #tpu.memory_space<semaphore_mem>>) src(%dma_wait3A_83 : memref<2000xi32, #tpu.memory_space<hbm>>) dst(%arg19 : memref<2000xi32, #tpu.memory_space<vmem>>)
        %dma_wait3A_84 = arith.constant 0 : i32
        %dma_wait3A_85 = tpu.memref_slice %arg3[%dma_wait3A_84] : memref<320000xi32, #tpu.memory_space<hbm>> -> memref<2000xi32, #tpu.memory_space<hbm>>
        %dma_wait3A_86 = arith.constant 0 : i32
        %dma_wait3A_87 = tpu.memref_slice %arg3[%dma_wait3A_86] : memref<320000xi32, #tpu.memory_space<hbm>> -> memref<2000xi32, #tpu.memory_space<hbm>>
        tpu.wait_dma2 semaphore(%arg31 : memref<!tpu.dma_semaphore, #tpu.memory_space<semaphore_mem>>) src(%dma_wait3A_87 : memref<2000xi32, #tpu.memory_space<hbm>>) dst(%arg20 : memref<2000xi32, #tpu.memory_space<vmem>>)
        %dma_wait3A_88 = arith.constant 0 : i32
        %dma_wait3A_89 = tpu.memref_slice %arg6[%dma_wait3A_88] : memref<40960000xf32, #tpu.memory_space<hbm>> -> memref<2000xf32, #tpu.memory_space<hbm>>
        %dma_wait3A_90 = arith.constant 0 : i32
        %dma_wait3A_91 = tpu.memref_slice %arg6[%dma_wait3A_90] : memref<40960000xf32, #tpu.memory_space<hbm>> -> memref<2000xf32, #tpu.memory_space<hbm>>
        tpu.wait_dma2 semaphore(%arg31 : memref<!tpu.dma_semaphore, #tpu.memory_space<semaphore_mem>>) src(%dma_wait3A_91 : memref<2000xf32, #tpu.memory_space<hbm>>) dst(%arg21 : memref<2000xf32, #tpu.memory_space<vmem>>)
        %dma_wait3A_92 = arith.constant 0 : i32
        %dma_wait3A_93 = tpu.memref_slice %arg7[%dma_wait3A_92] : memref<40960000xf32, #tpu.memory_space<hbm>> -> memref<2000xf32, #tpu.memory_space<hbm>>
        %dma_wait3A_94 = arith.constant 0 : i32
        %dma_wait3A_95 = tpu.memref_slice %arg7[%dma_wait3A_94] : memref<40960000xf32, #tpu.memory_space<hbm>> -> memref<2000xf32, #tpu.memory_space<hbm>>
        tpu.wait_dma2 semaphore(%arg31 : memref<!tpu.dma_semaphore, #tpu.memory_space<semaphore_mem>>) src(%dma_wait3A_95 : memref<2000xf32, #tpu.memory_space<hbm>>) dst(%arg23 : memref<2000xf32, #tpu.memory_space<vmem>>)
        %dma_wait3A_96 = arith.constant 0 : i32
        %dma_wait3A_97 = tpu.memref_slice %arg6[%dma_wait3A_96] : memref<40960000xf32, #tpu.memory_space<hbm>> -> memref<2000xf32, #tpu.memory_space<hbm>>
        %dma_wait3A_98 = arith.constant 0 : i32
        %dma_wait3A_99 = tpu.memref_slice %arg6[%dma_wait3A_98] : memref<40960000xf32, #tpu.memory_space<hbm>> -> memref<2000xf32, #tpu.memory_space<hbm>>
        tpu.wait_dma2 semaphore(%arg31 : memref<!tpu.dma_semaphore, #tpu.memory_space<semaphore_mem>>) src(%dma_wait3A_99 : memref<2000xf32, #tpu.memory_space<hbm>>) dst(%arg22 : memref<2000xf32, #tpu.memory_space<vmem>>)
        %dma_wait3A_100 = arith.constant 0 : i32
        %dma_wait3A_101 = tpu.memref_slice %arg7[%dma_wait3A_100] : memref<40960000xf32, #tpu.memory_space<hbm>> -> memref<2000xf32, #tpu.memory_space<hbm>>
        %dma_wait3A_102 = arith.constant 0 : i32
        %dma_wait3A_103 = tpu.memref_slice %arg7[%dma_wait3A_102] : memref<40960000xf32, #tpu.memory_space<hbm>> -> memref<2000xf32, #tpu.memory_space<hbm>>
        tpu.wait_dma2 semaphore(%arg31 : memref<!tpu.dma_semaphore, #tpu.memory_space<semaphore_mem>>) src(%dma_wait3A_103 : memref<2000xf32, #tpu.memory_space<hbm>>) dst(%arg24 : memref<2000xf32, #tpu.memory_space<vmem>>)
        %mul3A_104 = arith.constant 2 : i32
        %mul3A_105 = arith.muli %mul3A_104, %scan3A_80 : i32
        %add3A_106 = arith.constant 1 : i32
        %add3A_107 = arith.addi %mul3A_105, %add3A_106 : i32
        %mul3A_108 = arith.constant 2000 : i32
        %mul3A_109 = arith.muli %add3A_107, %mul3A_108 : i32
        %dma_start3A_110 = tpu.memref_slice %arg2[%mul3A_109] : memref<320000xi32, #tpu.memory_space<hbm>> -> memref<2000xi32, #tpu.memory_space<hbm>>
        %dma_start3A_111 = tpu.memref_slice %arg2[%mul3A_109] : memref<320000xi32, #tpu.memory_space<hbm>> -> memref<2000xi32, #tpu.memory_space<hbm>>
        tpu.enqueue_dma source(%dma_start3A_111 : memref<2000xi32, #tpu.memory_space<hbm>>) target(%arg25 : memref<2000xi32, #tpu.memory_space<vmem>>) target_semaphore(%arg32 : memref<!tpu.dma_semaphore, #tpu.memory_space<semaphore_mem>>)
        %dma_start3A_112 = tpu.memref_slice %arg3[%mul3A_109] : memref<320000xi32, #tpu.memory_space<hbm>> -> memref<2000xi32, #tpu.memory_space<hbm>>
        %dma_start3A_113 = tpu.memref_slice %arg3[%mul3A_109] : memref<320000xi32, #tpu.memory_space<hbm>> -> memref<2000xi32, #tpu.memory_space<hbm>>
        tpu.enqueue_dma source(%dma_start3A_113 : memref<2000xi32, #tpu.memory_space<hbm>>) target(%arg26 : memref<2000xi32, #tpu.memory_space<vmem>>) target_semaphore(%arg32 : memref<!tpu.dma_semaphore, #tpu.memory_space<semaphore_mem>>)
        %mul3A_114 = arith.constant 2 : i32
        %mul3A_115 = arith.muli %mul3A_114, %add3A_10 : i32
        %add3A_116 = arith.constant 0 : i32
        %add3A_117 = arith.addi %mul3A_115, %add3A_116 : i32
        %mul3A_118 = arith.constant 320000 : i32
        %mul3A_119 = arith.muli %add3A_117, %mul3A_118 : i32
        %add3A_120 = arith.addi %mul3A_119, %mul3A_109 : i32
        %dma_start3A_121 = tpu.memref_slice %arg6[%add3A_120] : memref<40960000xf32, #tpu.memory_space<hbm>> -> memref<2000xf32, #tpu.memory_space<hbm>>
        %dma_start3A_122 = tpu.memref_slice %arg6[%add3A_120] : memref<40960000xf32, #tpu.memory_space<hbm>> -> memref<2000xf32, #tpu.memory_space<hbm>>
        tpu.enqueue_dma source(%dma_start3A_122 : memref<2000xf32, #tpu.memory_space<hbm>>) target(%arg27 : memref<2000xf32, #tpu.memory_space<vmem>>) target_semaphore(%arg32 : memref<!tpu.dma_semaphore, #tpu.memory_space<semaphore_mem>>)
        %dma_start3A_123 = tpu.memref_slice %arg7[%add3A_120] : memref<40960000xf32, #tpu.memory_space<hbm>> -> memref<2000xf32, #tpu.memory_space<hbm>>
        %dma_start3A_124 = tpu.memref_slice %arg7[%add3A_120] : memref<40960000xf32, #tpu.memory_space<hbm>> -> memref<2000xf32, #tpu.memory_space<hbm>>
        tpu.enqueue_dma source(%dma_start3A_124 : memref<2000xf32, #tpu.memory_space<hbm>>) target(%arg29 : memref<2000xf32, #tpu.memory_space<vmem>>) target_semaphore(%arg32 : memref<!tpu.dma_semaphore, #tpu.memory_space<semaphore_mem>>)
        %mul3A_125 = arith.constant 2 : i32
        %mul3A_126 = arith.muli %mul3A_125, %add3A_10 : i32
        %add3A_127 = arith.constant 1 : i32
        %add3A_128 = arith.addi %mul3A_126, %add3A_127 : i32
        %mul3A_129 = arith.constant 320000 : i32
        %mul3A_130 = arith.muli %add3A_128, %mul3A_129 : i32
        %add3A_131 = arith.addi %mul3A_130, %mul3A_109 : i32
        %dma_start3A_132 = tpu.memref_slice %arg6[%add3A_131] : memref<40960000xf32, #tpu.memory_space<hbm>> -> memref<2000xf32, #tpu.memory_space<hbm>>
        %dma_start3A_133 = tpu.memref_slice %arg6[%add3A_131] : memref<40960000xf32, #tpu.memory_space<hbm>> -> memref<2000xf32, #tpu.memory_space<hbm>>
        tpu.enqueue_dma source(%dma_start3A_133 : memref<2000xf32, #tpu.memory_space<hbm>>) target(%arg28 : memref<2000xf32, #tpu.memory_space<vmem>>) target_semaphore(%arg32 : memref<!tpu.dma_semaphore, #tpu.memory_space<semaphore_mem>>)
        %dma_start3A_134 = tpu.memref_slice %arg7[%add3A_131] : memref<40960000xf32, #tpu.memory_space<hbm>> -> memref<2000xf32, #tpu.memory_space<hbm>>
        %dma_start3A_135 = tpu.memref_slice %arg7[%add3A_131] : memref<40960000xf32, #tpu.memory_space<hbm>> -> memref<2000xf32, #tpu.memory_space<hbm>>
        tpu.enqueue_dma source(%dma_start3A_135 : memref<2000xf32, #tpu.memory_space<hbm>>) target(%arg30 : memref<2000xf32, #tpu.memory_space<vmem>>) target_semaphore(%arg32 : memref<!tpu.dma_semaphore, #tpu.memory_space<semaphore_mem>>)
        %parallel_loop3A_136 = arith.constant 0 : i32
        %parallel_loop3A_137 = arith.constant 125 : i32
        %parallel_loop3A_138 = arith.constant 1 : i32
        scf.for %parallel_loop3A_172 = %parallel_loop3A_136 to %parallel_loop3A_137 step %parallel_loop3A_138  : i32 {
          %parallel_loop3A_173 = arith.constant 16 : i32
          %parallel_loop3A_174 = arith.muli %parallel_loop3A_172, %parallel_loop3A_173 : i32
          %parallel_loop3A_175 = arith.index_cast %parallel_loop3A_174 : i32 to index
          %parallel_loop3A_176 = tpu.vector_load %arg19[%parallel_loop3A_175] {strides = array<i32>} : memref<2000xi32, #tpu.memory_space<vmem>>, vector<16xi32>,
          %parallel_loop3A_177 = arith.constant 16 : i32
          %parallel_loop3A_178 = arith.muli %parallel_loop3A_172, %parallel_loop3A_177 : i32
          %parallel_loop3A_179 = arith.index_cast %parallel_loop3A_178 : i32 to index
          %parallel_loop3A_180 = tpu.vector_load %arg20[%parallel_loop3A_179] {strides = array<i32>} : memref<2000xi32, #tpu.memory_space<vmem>>, vector<16xi32>,
          %parallel_loop3A_181 = arith.constant 16 : i32
          %parallel_loop3A_182 = arith.muli %parallel_loop3A_172, %parallel_loop3A_181 : i32
          %parallel_loop3A_183 = arith.index_cast %parallel_loop3A_182 : i32 to index
          %parallel_loop3A_184 = tpu.vector_load %arg21[%parallel_loop3A_183] {strides = array<i32>} : memref<2000xf32, #tpu.memory_space<vmem>>, vector<16xf32>,
          %parallel_loop3A_185 = arith.constant 16 : i32
          %parallel_loop3A_186 = arith.muli %parallel_loop3A_172, %parallel_loop3A_185 : i32
          %parallel_loop3A_187 = arith.index_cast %parallel_loop3A_186 : i32 to index
          %parallel_loop3A_188 = tpu.vector_load %arg23[%parallel_loop3A_187] {strides = array<i32>} : memref<2000xf32, #tpu.memory_space<vmem>>, vector<16xf32>,
          %parallel_loop3A_189 = tpu.vector_load_idx %arg9[%parallel_loop3A_176] : memref<10000xf32, #tpu.memory_space<vmem>>[vector<16xi32>], vector<16xf32>,
          %parallel_loop3A_190 = tpu.vector_load_idx %arg11[%parallel_loop3A_180] : memref<10000xf32, #tpu.memory_space<vmem>>[vector<16xi32>], vector<16xf32>,
          %parallel_loop3A_191 = tpu.vector_load_idx %arg13[%parallel_loop3A_180] : memref<10000xf32, #tpu.memory_space<vmem>>[vector<16xi32>], vector<16xf32>,
          %parallel_loop3A_192 = arith.addf %parallel_loop3A_190, %parallel_loop3A_184 : vector<16xf32>
          %parallel_loop3A_193 = arith.mulf %parallel_loop3A_189, %parallel_loop3A_192 : vector<16xf32>
          %parallel_loop3A_194 = math.exp %parallel_loop3A_193 : vector<16xf32>
          %parallel_loop3A_195 = arith.addf %parallel_loop3A_191, %parallel_loop3A_188 : vector<16xf32>
          %parallel_loop3A_196 = arith.mulf %parallel_loop3A_194, %parallel_loop3A_195 : vector<16xf32>
          tpu.vector_store_idx %arg15[%parallel_loop3A_176], %parallel_loop3A_196 {add = true} : memref<10000xf32, #tpu.memory_space<vmem>>[vector<16xi32>], vector<16xf32>,
          tpu.vector_store_idx %arg17[%parallel_loop3A_176], %parallel_loop3A_194 {add = true} : memref<10000xf32, #tpu.memory_space<vmem>>[vector<16xi32>], vector<16xf32>,
          %parallel_loop3A_197 = arith.constant 16 : i32
          %parallel_loop3A_198 = arith.muli %parallel_loop3A_172, %parallel_loop3A_197 : i32
          %parallel_loop3A_199 = arith.index_cast %parallel_loop3A_198 : i32 to index
          %parallel_loop3A_200 = tpu.vector_load %arg22[%parallel_loop3A_199] {strides = array<i32>} : memref<2000xf32, #tpu.memory_space<vmem>>, vector<16xf32>,
          %parallel_loop3A_201 = arith.constant 16 : i32
          %parallel_loop3A_202 = arith.muli %parallel_loop3A_172, %parallel_loop3A_201 : i32
          %parallel_loop3A_203 = arith.index_cast %parallel_loop3A_202 : i32 to index
          %parallel_loop3A_204 = tpu.vector_load %arg24[%parallel_loop3A_203] {strides = array<i32>} : memref<2000xf32, #tpu.memory_space<vmem>>, vector<16xf32>,
          %parallel_loop3A_205 = tpu.vector_load_idx %arg10[%parallel_loop3A_176] : memref<10000xf32, #tpu.memory_space<vmem>>[vector<16xi32>], vector<16xf32>,
          %parallel_loop3A_206 = tpu.vector_load_idx %arg12[%parallel_loop3A_180] : memref<10000xf32, #tpu.memory_space<vmem>>[vector<16xi32>], vector<16xf32>,
          %parallel_loop3A_207 = tpu.vector_load_idx %arg14[%parallel_loop3A_180] : memref<10000xf32, #tpu.memory_space<vmem>>[vector<16xi32>], vector<16xf32>,
          %parallel_loop3A_208 = arith.addf %parallel_loop3A_206, %parallel_loop3A_200 : vector<16xf32>
          %parallel_loop3A_209 = arith.mulf %parallel_loop3A_205, %parallel_loop3A_208 : vector<16xf32>
          %parallel_loop3A_210 = math.exp %parallel_loop3A_209 : vector<16xf32>
          %parallel_loop3A_211 = arith.addf %parallel_loop3A_207, %parallel_loop3A_204 : vector<16xf32>
          %parallel_loop3A_212 = arith.mulf %parallel_loop3A_210, %parallel_loop3A_211 : vector<16xf32>
          tpu.vector_store_idx %arg16[%parallel_loop3A_176], %parallel_loop3A_212 {add = true} : memref<10000xf32, #tpu.memory_space<vmem>>[vector<16xi32>], vector<16xf32>,
          tpu.vector_store_idx %arg18[%parallel_loop3A_176], %parallel_loop3A_210 {add = true} : memref<10000xf32, #tpu.memory_space<vmem>>[vector<16xi32>], vector<16xf32>,
        } {sc.loop_unroll_factor = 8 : i64, sc.parallel_access}
        %dma_wait3A_139 = arith.constant 0 : i32
        %dma_wait3A_140 = tpu.memref_slice %arg2[%dma_wait3A_139] : memref<320000xi32, #tpu.memory_space<hbm>> -> memref<2000xi32, #tpu.memory_space<hbm>>
        %dma_wait3A_141 = arith.constant 0 : i32
        %dma_wait3A_142 = tpu.memref_slice %arg2[%dma_wait3A_141] : memref<320000xi32, #tpu.memory_space<hbm>> -> memref<2000xi32, #tpu.memory_space<hbm>>
        tpu.wait_dma2 semaphore(%arg32 : memref<!tpu.dma_semaphore, #tpu.memory_space<semaphore_mem>>) src(%dma_wait3A_142 : memref<2000xi32, #tpu.memory_space<hbm>>) dst(%arg25 : memref<2000xi32, #tpu.memory_space<vmem>>)
        %dma_wait3A_143 = arith.constant 0 : i32
        %dma_wait3A_144 = tpu.memref_slice %arg3[%dma_wait3A_143] : memref<320000xi32, #tpu.memory_space<hbm>> -> memref<2000xi32, #tpu.memory_space<hbm>>
        %dma_wait3A_145 = arith.constant 0 : i32
        %dma_wait3A_146 = tpu.memref_slice %arg3[%dma_wait3A_145] : memref<320000xi32, #tpu.memory_space<hbm>> -> memref<2000xi32, #tpu.memory_space<hbm>>
        tpu.wait_dma2 semaphore(%arg32 : memref<!tpu.dma_semaphore, #tpu.memory_space<semaphore_mem>>) src(%dma_wait3A_146 : memref<2000xi32, #tpu.memory_space<hbm>>) dst(%arg26 : memref<2000xi32, #tpu.memory_space<vmem>>)
        %dma_wait3A_147 = arith.constant 0 : i32
        %dma_wait3A_148 = tpu.memref_slice %arg6[%dma_wait3A_147] : memref<40960000xf32, #tpu.memory_space<hbm>> -> memref<2000xf32, #tpu.memory_space<hbm>>
        %dma_wait3A_149 = arith.constant 0 : i32
        %dma_wait3A_150 = tpu.memref_slice %arg6[%dma_wait3A_149] : memref<40960000xf32, #tpu.memory_space<hbm>> -> memref<2000xf32, #tpu.memory_space<hbm>>
        tpu.wait_dma2 semaphore(%arg32 : memref<!tpu.dma_semaphore, #tpu.memory_space<semaphore_mem>>) src(%dma_wait3A_150 : memref<2000xf32, #tpu.memory_space<hbm>>) dst(%arg27 : memref<2000xf32, #tpu.memory_space<vmem>>)
        %dma_wait3A_151 = arith.constant 0 : i32
        %dma_wait3A_152 = tpu.memref_slice %arg7[%dma_wait3A_151] : memref<40960000xf32, #tpu.memory_space<hbm>> -> memref<2000xf32, #tpu.memory_space<hbm>>
        %dma_wait3A_153 = arith.constant 0 : i32
        %dma_wait3A_154 = tpu.memref_slice %arg7[%dma_wait3A_153] : memref<40960000xf32, #tpu.memory_space<hbm>> -> memref<2000xf32, #tpu.memory_space<hbm>>
        tpu.wait_dma2 semaphore(%arg32 : memref<!tpu.dma_semaphore, #tpu.memory_space<semaphore_mem>>) src(%dma_wait3A_154 : memref<2000xf32, #tpu.memory_space<hbm>>) dst(%arg29 : memref<2000xf32, #tpu.memory_space<vmem>>)
        %dma_wait3A_155 = arith.constant 0 : i32
        %dma_wait3A_156 = tpu.memref_slice %arg6[%dma_wait3A_155] : memref<40960000xf32, #tpu.memory_space<hbm>> -> memref<2000xf32, #tpu.memory_space<hbm>>
        %dma_wait3A_157 = arith.constant 0 : i32
        %dma_wait3A_158 = tpu.memref_slice %arg6[%dma_wait3A_157] : memref<40960000xf32, #tpu.memory_space<hbm>> -> memref<2000xf32, #tpu.memory_space<hbm>>
        tpu.wait_dma2 semaphore(%arg32 : memref<!tpu.dma_semaphore, #tpu.memory_space<semaphore_mem>>) src(%dma_wait3A_158 : memref<2000xf32, #tpu.memory_space<hbm>>) dst(%arg28 : memref<2000xf32, #tpu.memory_space<vmem>>)
        %dma_wait3A_159 = arith.constant 0 : i32
        %dma_wait3A_160 = tpu.memref_slice %arg7[%dma_wait3A_159] : memref<40960000xf32, #tpu.memory_space<hbm>> -> memref<2000xf32, #tpu.memory_space<hbm>>
        %dma_wait3A_161 = arith.constant 0 : i32
        %dma_wait3A_162 = tpu.memref_slice %arg7[%dma_wait3A_161] : memref<40960000xf32, #tpu.memory_space<hbm>> -> memref<2000xf32, #tpu.memory_space<hbm>>
        tpu.wait_dma2 semaphore(%arg32 : memref<!tpu.dma_semaphore, #tpu.memory_space<semaphore_mem>>) src(%dma_wait3A_162 : memref<2000xf32, #tpu.memory_space<hbm>>) dst(%arg30 : memref<2000xf32, #tpu.memory_space<vmem>>)
        %mul3A_163 = arith.constant 2 : i32
        %mul3A_164 = arith.muli %mul3A_163, %scan3A_80 : i32
        %add3A_165 = arith.constant 2 : i32
        %add3A_166 = arith.addi %mul3A_164, %add3A_165 : i32
        %lt3A = arith.constant 160 : i32
        %lt3A_167 = arith.cmpi slt, %add3A_166, %lt3A : i32
        %convert_element_type3A = arith.extui %lt3A_167 : i1 to i32
        %cond3A = arith.constant 0 : i32
        %cond3A_168 = arith.cmpi ne, %convert_element_type3A, %cond3A : i32
        scf.if %cond3A_168 {
          %mul3A_172 = arith.constant 2 : i32
          %mul3A_173 = arith.muli %mul3A_172, %scan3A_80 : i32
          %add3A_174 = arith.constant 2 : i32
          %add3A_175 = arith.addi %mul3A_173, %add3A_174 : i32
          %mul3A_176 = arith.constant 2000 : i32
          %mul3A_177 = arith.muli %add3A_175, %mul3A_176 : i32
          %dma_start3A_178 = tpu.memref_slice %arg2[%mul3A_177] : memref<320000xi32, #tpu.memory_space<hbm>> -> memref<2000xi32, #tpu.memory_space<hbm>>
          %dma_start3A_179 = tpu.memref_slice %arg2[%mul3A_177] : memref<320000xi32, #tpu.memory_space<hbm>> -> memref<2000xi32, #tpu.memory_space<hbm>>
          tpu.enqueue_dma source(%dma_start3A_179 : memref<2000xi32, #tpu.memory_space<hbm>>) target(%arg19 : memref<2000xi32, #tpu.memory_space<vmem>>) target_semaphore(%arg31 : memref<!tpu.dma_semaphore, #tpu.memory_space<semaphore_mem>>)
          %dma_start3A_180 = tpu.memref_slice %arg3[%mul3A_177] : memref<320000xi32, #tpu.memory_space<hbm>> -> memref<2000xi32, #tpu.memory_space<hbm>>
          %dma_start3A_181 = tpu.memref_slice %arg3[%mul3A_177] : memref<320000xi32, #tpu.memory_space<hbm>> -> memref<2000xi32, #tpu.memory_space<hbm>>
          tpu.enqueue_dma source(%dma_start3A_181 : memref<2000xi32, #tpu.memory_space<hbm>>) target(%arg20 : memref<2000xi32, #tpu.memory_space<vmem>>) target_semaphore(%arg31 : memref<!tpu.dma_semaphore, #tpu.memory_space<semaphore_mem>>)
          %mul3A_182 = arith.constant 2 : i32
          %mul3A_183 = arith.muli %mul3A_182, %add3A_10 : i32
          %add3A_184 = arith.constant 0 : i32
          %add3A_185 = arith.addi %mul3A_183, %add3A_184 : i32
          %mul3A_186 = arith.constant 320000 : i32
          %mul3A_187 = arith.muli %add3A_185, %mul3A_186 : i32
          %add3A_188 = arith.addi %mul3A_187, %mul3A_177 : i32
          %dma_start3A_189 = tpu.memref_slice %arg6[%add3A_188] : memref<40960000xf32, #tpu.memory_space<hbm>> -> memref<2000xf32, #tpu.memory_space<hbm>>
          %dma_start3A_190 = tpu.memref_slice %arg6[%add3A_188] : memref<40960000xf32, #tpu.memory_space<hbm>> -> memref<2000xf32, #tpu.memory_space<hbm>>
          tpu.enqueue_dma source(%dma_start3A_190 : memref<2000xf32, #tpu.memory_space<hbm>>) target(%arg21 : memref<2000xf32, #tpu.memory_space<vmem>>) target_semaphore(%arg31 : memref<!tpu.dma_semaphore, #tpu.memory_space<semaphore_mem>>)
          %dma_start3A_191 = tpu.memref_slice %arg7[%add3A_188] : memref<40960000xf32, #tpu.memory_space<hbm>> -> memref<2000xf32, #tpu.memory_space<hbm>>
          %dma_start3A_192 = tpu.memref_slice %arg7[%add3A_188] : memref<40960000xf32, #tpu.memory_space<hbm>> -> memref<2000xf32, #tpu.memory_space<hbm>>
          tpu.enqueue_dma source(%dma_start3A_192 : memref<2000xf32, #tpu.memory_space<hbm>>) target(%arg23 : memref<2000xf32, #tpu.memory_space<vmem>>) target_semaphore(%arg31 : memref<!tpu.dma_semaphore, #tpu.memory_space<semaphore_mem>>)
          %mul3A_193 = arith.constant 2 : i32
          %mul3A_194 = arith.muli %mul3A_193, %add3A_10 : i32
          %add3A_195 = arith.constant 1 : i32
          %add3A_196 = arith.addi %mul3A_194, %add3A_195 : i32
          %mul3A_197 = arith.constant 320000 : i32
          %mul3A_198 = arith.muli %add3A_196, %mul3A_197 : i32
          %add3A_199 = arith.addi %mul3A_198, %mul3A_177 : i32
          %dma_start3A_200 = tpu.memref_slice %arg6[%add3A_199] : memref<40960000xf32, #tpu.memory_space<hbm>> -> memref<2000xf32, #tpu.memory_space<hbm>>
          %dma_start3A_201 = tpu.memref_slice %arg6[%add3A_199] : memref<40960000xf32, #tpu.memory_space<hbm>> -> memref<2000xf32, #tpu.memory_space<hbm>>
          tpu.enqueue_dma source(%dma_start3A_201 : memref<2000xf32, #tpu.memory_space<hbm>>) target(%arg22 : memref<2000xf32, #tpu.memory_space<vmem>>) target_semaphore(%arg31 : memref<!tpu.dma_semaphore, #tpu.memory_space<semaphore_mem>>)
          %dma_start3A_202 = tpu.memref_slice %arg7[%add3A_199] : memref<40960000xf32, #tpu.memory_space<hbm>> -> memref<2000xf32, #tpu.memory_space<hbm>>
          %dma_start3A_203 = tpu.memref_slice %arg7[%add3A_199] : memref<40960000xf32, #tpu.memory_space<hbm>> -> memref<2000xf32, #tpu.memory_space<hbm>>
          tpu.enqueue_dma source(%dma_start3A_203 : memref<2000xf32, #tpu.memory_space<hbm>>) target(%arg24 : memref<2000xf32, #tpu.memory_space<vmem>>) target_semaphore(%arg31 : memref<!tpu.dma_semaphore, #tpu.memory_space<semaphore_mem>>)
        } else {
        }
        %parallel_loop3A_169 = arith.constant 0 : i32
        %parallel_loop3A_170 = arith.constant 125 : i32
        %parallel_loop3A_171 = arith.constant 1 : i32
        scf.for %parallel_loop3A_172 = %parallel_loop3A_169 to %parallel_loop3A_170 step %parallel_loop3A_171  : i32 {
          %parallel_loop3A_173 = arith.constant 16 : i32
          %parallel_loop3A_174 = arith.muli %parallel_loop3A_172, %parallel_loop3A_173 : i32
          %parallel_loop3A_175 = arith.index_cast %parallel_loop3A_174 : i32 to index
          %parallel_loop3A_176 = tpu.vector_load %arg25[%parallel_loop3A_175] {strides = array<i32>} : memref<2000xi32, #tpu.memory_space<vmem>>, vector<16xi32>,
          %parallel_loop3A_177 = arith.constant 16 : i32
          %parallel_loop3A_178 = arith.muli %parallel_loop3A_172, %parallel_loop3A_177 : i32
          %parallel_loop3A_179 = arith.index_cast %parallel_loop3A_178 : i32 to index
          %parallel_loop3A_180 = tpu.vector_load %arg26[%parallel_loop3A_179] {strides = array<i32>} : memref<2000xi32, #tpu.memory_space<vmem>>, vector<16xi32>,
          %parallel_loop3A_181 = arith.constant 16 : i32
          %parallel_loop3A_182 = arith.muli %parallel_loop3A_172, %parallel_loop3A_181 : i32
          %parallel_loop3A_183 = arith.index_cast %parallel_loop3A_182 : i32 to index
          %parallel_loop3A_184 = tpu.vector_load %arg27[%parallel_loop3A_183] {strides = array<i32>} : memref<2000xf32, #tpu.memory_space<vmem>>, vector<16xf32>,
          %parallel_loop3A_185 = arith.constant 16 : i32
          %parallel_loop3A_186 = arith.muli %parallel_loop3A_172, %parallel_loop3A_185 : i32
          %parallel_loop3A_187 = arith.index_cast %parallel_loop3A_186 : i32 to index
          %parallel_loop3A_188 = tpu.vector_load %arg29[%parallel_loop3A_187] {strides = array<i32>} : memref<2000xf32, #tpu.memory_space<vmem>>, vector<16xf32>,
          %parallel_loop3A_189 = tpu.vector_load_idx %arg9[%parallel_loop3A_176] : memref<10000xf32, #tpu.memory_space<vmem>>[vector<16xi32>], vector<16xf32>,
          %parallel_loop3A_190 = tpu.vector_load_idx %arg11[%parallel_loop3A_180] : memref<10000xf32, #tpu.memory_space<vmem>>[vector<16xi32>], vector<16xf32>,
          %parallel_loop3A_191 = tpu.vector_load_idx %arg13[%parallel_loop3A_180] : memref<10000xf32, #tpu.memory_space<vmem>>[vector<16xi32>], vector<16xf32>,
          %parallel_loop3A_192 = arith.addf %parallel_loop3A_190, %parallel_loop3A_184 : vector<16xf32>
          %parallel_loop3A_193 = arith.mulf %parallel_loop3A_189, %parallel_loop3A_192 : vector<16xf32>
          %parallel_loop3A_194 = math.exp %parallel_loop3A_193 : vector<16xf32>
          %parallel_loop3A_195 = arith.addf %parallel_loop3A_191, %parallel_loop3A_188 : vector<16xf32>
          %parallel_loop3A_196 = arith.mulf %parallel_loop3A_194, %parallel_loop3A_195 : vector<16xf32>
          tpu.vector_store_idx %arg15[%parallel_loop3A_176], %parallel_loop3A_196 {add = true} : memref<10000xf32, #tpu.memory_space<vmem>>[vector<16xi32>], vector<16xf32>,
          tpu.vector_store_idx %arg17[%parallel_loop3A_176], %parallel_loop3A_194 {add = true} : memref<10000xf32, #tpu.memory_space<vmem>>[vector<16xi32>], vector<16xf32>,
          %parallel_loop3A_197 = arith.constant 16 : i32
          %parallel_loop3A_198 = arith.muli %parallel_loop3A_172, %parallel_loop3A_197 : i32
          %parallel_loop3A_199 = arith.index_cast %parallel_loop3A_198 : i32 to index
          %parallel_loop3A_200 = tpu.vector_load %arg28[%parallel_loop3A_199] {strides = array<i32>} : memref<2000xf32, #tpu.memory_space<vmem>>, vector<16xf32>,
          %parallel_loop3A_201 = arith.constant 16 : i32
          %parallel_loop3A_202 = arith.muli %parallel_loop3A_172, %parallel_loop3A_201 : i32
          %parallel_loop3A_203 = arith.index_cast %parallel_loop3A_202 : i32 to index
          %parallel_loop3A_204 = tpu.vector_load %arg30[%parallel_loop3A_203] {strides = array<i32>} : memref<2000xf32, #tpu.memory_space<vmem>>, vector<16xf32>,
          %parallel_loop3A_205 = tpu.vector_load_idx %arg10[%parallel_loop3A_176] : memref<10000xf32, #tpu.memory_space<vmem>>[vector<16xi32>], vector<16xf32>,
          %parallel_loop3A_206 = tpu.vector_load_idx %arg12[%parallel_loop3A_180] : memref<10000xf32, #tpu.memory_space<vmem>>[vector<16xi32>], vector<16xf32>,
          %parallel_loop3A_207 = tpu.vector_load_idx %arg14[%parallel_loop3A_180] : memref<10000xf32, #tpu.memory_space<vmem>>[vector<16xi32>], vector<16xf32>,
          %parallel_loop3A_208 = arith.addf %parallel_loop3A_206, %parallel_loop3A_200 : vector<16xf32>
          %parallel_loop3A_209 = arith.mulf %parallel_loop3A_205, %parallel_loop3A_208 : vector<16xf32>
          %parallel_loop3A_210 = math.exp %parallel_loop3A_209 : vector<16xf32>
          %parallel_loop3A_211 = arith.addf %parallel_loop3A_207, %parallel_loop3A_204 : vector<16xf32>
          %parallel_loop3A_212 = arith.mulf %parallel_loop3A_210, %parallel_loop3A_211 : vector<16xf32>
          tpu.vector_store_idx %arg16[%parallel_loop3A_176], %parallel_loop3A_212 {add = true} : memref<10000xf32, #tpu.memory_space<vmem>>[vector<16xi32>], vector<16xf32>,
          tpu.vector_store_idx %arg18[%parallel_loop3A_176], %parallel_loop3A_210 {add = true} : memref<10000xf32, #tpu.memory_space<vmem>>[vector<16xi32>], vector<16xf32>,
        } {sc.loop_unroll_factor = 8 : i64, sc.parallel_access}
      }
      %scan3A_67 = arith.constant 80 : i32
      %add3A_68 = arith.constant 0 : i32
      %add3A_69 = arith.addi %mul3A_12, %add3A_68 : i32
      "tpu.region"() ({
        %run_scoped3A = tpu.sem_alloc : memref<!tpu.dma_semaphore, #tpu.memory_space<semaphore_mem>>
        %dma_start3A_80 = arith.constant 0 : i32
        %dma_start3A_81 = tpu.memref_slice %arg8[%add3A_69, %dma_start3A_80] : memref<256x10000xf32, #tpu.memory_space<hbm>> -> memref<1x10000xf32, #tpu.memory_space<hbm>>
        %dma_start3A_82 = tpu.memref_squeeze %dma_start3A_81 : memref<1x10000xf32, #tpu.memory_space<hbm>> -> memref<10000xf32, #tpu.memory_space<hbm>>
        %dma_start3A_83 = arith.constant 0 : i32
        %dma_start3A_84 = tpu.memref_slice %arg8[%add3A_69, %dma_start3A_83] : memref<256x10000xf32, #tpu.memory_space<hbm>> -> memref<1x10000xf32, #tpu.memory_space<hbm>>
        %dma_start3A_85 = tpu.memref_squeeze %dma_start3A_84 : memref<1x10000xf32, #tpu.memory_space<hbm>> -> memref<10000xf32, #tpu.memory_space<hbm>>
        tpu.enqueue_dma source(%arg15 : memref<10000xf32, #tpu.memory_space<vmem>>) target(%dma_start3A_85 : memref<10000xf32, #tpu.memory_space<hbm>>) target_semaphore(%run_scoped3A : memref<!tpu.dma_semaphore, #tpu.memory_space<semaphore_mem>>)
        %dma_wait3A = arith.constant 0 : i32
        %dma_wait3A_86 = tpu.memref_slice %arg8[%add3A_69, %dma_wait3A] : memref<256x10000xf32, #tpu.memory_space<hbm>> -> memref<1x10000xf32, #tpu.memory_space<hbm>>
        %dma_wait3A_87 = tpu.memref_squeeze %dma_wait3A_86 : memref<1x10000xf32, #tpu.memory_space<hbm>> -> memref<10000xf32, #tpu.memory_space<hbm>>
        %dma_wait3A_88 = arith.constant 0 : i32
        %dma_wait3A_89 = tpu.memref_slice %arg8[%add3A_69, %dma_wait3A_88] : memref<256x10000xf32, #tpu.memory_space<hbm>> -> memref<1x10000xf32, #tpu.memory_space<hbm>>
        %dma_wait3A_90 = tpu.memref_squeeze %dma_wait3A_89 : memref<1x10000xf32, #tpu.memory_space<hbm>> -> memref<10000xf32, #tpu.memory_space<hbm>>
        tpu.wait_dma2 semaphore(%run_scoped3A : memref<!tpu.dma_semaphore, #tpu.memory_space<semaphore_mem>>) src(%arg15 : memref<10000xf32, #tpu.memory_space<vmem>>) dst(%dma_wait3A_90 : memref<10000xf32, #tpu.memory_space<hbm>>)
        tpu.yield
      }) : () -> ()
      %add3A_70 = arith.constant 128 : i32
      %add3A_71 = arith.addi %add3A_70, %mul3A_12 : i32
      %add3A_72 = arith.constant 0 : i32
      %add3A_73 = arith.addi %add3A_71, %add3A_72 : i32
      "tpu.region"() ({
        %run_scoped3A = tpu.sem_alloc : memref<!tpu.dma_semaphore, #tpu.memory_space<semaphore_mem>>
        %dma_start3A_80 = arith.constant 0 : i32
        %dma_start3A_81 = tpu.memref_slice %arg8[%add3A_73, %dma_start3A_80] : memref<256x10000xf32, #tpu.memory_space<hbm>> -> memref<1x10000xf32, #tpu.memory_space<hbm>>
        %dma_start3A_82 = tpu.memref_squeeze %dma_start3A_81 : memref<1x10000xf32, #tpu.memory_space<hbm>> -> memref<10000xf32, #tpu.memory_space<hbm>>
        %dma_start3A_83 = arith.constant 0 : i32
        %dma_start3A_84 = tpu.memref_slice %arg8[%add3A_73, %dma_start3A_83] : memref<256x10000xf32, #tpu.memory_space<hbm>> -> memref<1x10000xf32, #tpu.memory_space<hbm>>
        %dma_start3A_85 = tpu.memref_squeeze %dma_start3A_84 : memref<1x10000xf32, #tpu.memory_space<hbm>> -> memref<10000xf32, #tpu.memory_space<hbm>>
        tpu.enqueue_dma source(%arg17 : memref<10000xf32, #tpu.memory_space<vmem>>) target(%dma_start3A_85 : memref<10000xf32, #tpu.memory_space<hbm>>) target_semaphore(%run_scoped3A : memref<!tpu.dma_semaphore, #tpu.memory_space<semaphore_mem>>)
        %dma_wait3A = arith.constant 0 : i32
        %dma_wait3A_86 = tpu.memref_slice %arg8[%add3A_73, %dma_wait3A] : memref<256x10000xf32, #tpu.memory_space<hbm>> -> memref<1x10000xf32, #tpu.memory_space<hbm>>
        %dma_wait3A_87 = tpu.memref_squeeze %dma_wait3A_86 : memref<1x10000xf32, #tpu.memory_space<hbm>> -> memref<10000xf32, #tpu.memory_space<hbm>>
        %dma_wait3A_88 = arith.constant 0 : i32
        %dma_wait3A_89 = tpu.memref_slice %arg8[%add3A_73, %dma_wait3A_88] : memref<256x10000xf32, #tpu.memory_space<hbm>> -> memref<1x10000xf32, #tpu.memory_space<hbm>>
        %dma_wait3A_90 = tpu.memref_squeeze %dma_wait3A_89 : memref<1x10000xf32, #tpu.memory_space<hbm>> -> memref<10000xf32, #tpu.memory_space<hbm>>
        tpu.wait_dma2 semaphore(%run_scoped3A : memref<!tpu.dma_semaphore, #tpu.memory_space<semaphore_mem>>) src(%arg17 : memref<10000xf32, #tpu.memory_space<vmem>>) dst(%dma_wait3A_90 : memref<10000xf32, #tpu.memory_space<hbm>>)
        tpu.yield
      }) : () -> ()
      %add3A_74 = arith.constant 1 : i32
      %add3A_75 = arith.addi %mul3A_12, %add3A_74 : i32
      "tpu.region"() ({
        %run_scoped3A = tpu.sem_alloc : memref<!tpu.dma_semaphore, #tpu.memory_space<semaphore_mem>>
        %dma_start3A_80 = arith.constant 0 : i32
        %dma_start3A_81 = tpu.memref_slice %arg8[%add3A_75, %dma_start3A_80] : memref<256x10000xf32, #tpu.memory_space<hbm>> -> memref<1x10000xf32, #tpu.memory_space<hbm>>
        %dma_start3A_82 = tpu.memref_squeeze %dma_start3A_81 : memref<1x10000xf32, #tpu.memory_space<hbm>> -> memref<10000xf32, #tpu.memory_space<hbm>>
        %dma_start3A_83 = arith.constant 0 : i32
        %dma_start3A_84 = tpu.memref_slice %arg8[%add3A_75, %dma_start3A_83] : memref<256x10000xf32, #tpu.memory_space<hbm>> -> memref<1x10000xf32, #tpu.memory_space<hbm>>
        %dma_start3A_85 = tpu.memref_squeeze %dma_start3A_84 : memref<1x10000xf32, #tpu.memory_space<hbm>> -> memref<10000xf32, #tpu.memory_space<hbm>>
        tpu.enqueue_dma source(%arg16 : memref<10000xf32, #tpu.memory_space<vmem>>) target(%dma_start3A_85 : memref<10000xf32, #tpu.memory_space<hbm>>) target_semaphore(%run_scoped3A : memref<!tpu.dma_semaphore, #tpu.memory_space<semaphore_mem>>)
        %dma_wait3A = arith.constant 0 : i32
        %dma_wait3A_86 = tpu.memref_slice %arg8[%add3A_75, %dma_wait3A] : memref<256x10000xf32, #tpu.memory_space<hbm>> -> memref<1x10000xf32, #tpu.memory_space<hbm>>
        %dma_wait3A_87 = tpu.memref_squeeze %dma_wait3A_86 : memref<1x10000xf32, #tpu.memory_space<hbm>> -> memref<10000xf32, #tpu.memory_space<hbm>>
        %dma_wait3A_88 = arith.constant 0 : i32
        %dma_wait3A_89 = tpu.memref_slice %arg8[%add3A_75, %dma_wait3A_88] : memref<256x10000xf32, #tpu.memory_space<hbm>> -> memref<1x10000xf32, #tpu.memory_space<hbm>>
        %dma_wait3A_90 = tpu.memref_squeeze %dma_wait3A_89 : memref<1x10000xf32, #tpu.memory_space<hbm>> -> memref<10000xf32, #tpu.memory_space<hbm>>
        tpu.wait_dma2 semaphore(%run_scoped3A : memref<!tpu.dma_semaphore, #tpu.memory_space<semaphore_mem>>) src(%arg16 : memref<10000xf32, #tpu.memory_space<vmem>>) dst(%dma_wait3A_90 : memref<10000xf32, #tpu.memory_space<hbm>>)
        tpu.yield
      }) : () -> ()
      %add3A_76 = arith.constant 128 : i32
      %add3A_77 = arith.addi %add3A_76, %mul3A_12 : i32
      %add3A_78 = arith.constant 1 : i32
      %add3A_79 = arith.addi %add3A_77, %add3A_78 : i32
      "tpu.region"() ({
        %run_scoped3A = tpu.sem_alloc : memref<!tpu.dma_semaphore, #tpu.memory_space<semaphore_mem>>
        %dma_start3A_80 = arith.constant 0 : i32
        %dma_start3A_81 = tpu.memref_slice %arg8[%add3A_79, %dma_start3A_80] : memref<256x10000xf32, #tpu.memory_space<hbm>> -> memref<1x10000xf32, #tpu.memory_space<hbm>>
        %dma_start3A_82 = tpu.memref_squeeze %dma_start3A_81 : memref<1x10000xf32, #tpu.memory_space<hbm>> -> memref<10000xf32, #tpu.memory_space<hbm>>
        %dma_start3A_83 = arith.constant 0 : i32
        %dma_start3A_84 = tpu.memref_slice %arg8[%add3A_79, %dma_start3A_83] : memref<256x10000xf32, #tpu.memory_space<hbm>> -> memref<1x10000xf32, #tpu.memory_space<hbm>>
        %dma_start3A_85 = tpu.memref_squeeze %dma_start3A_84 : memref<1x10000xf32, #tpu.memory_space<hbm>> -> memref<10000xf32, #tpu.memory_space<hbm>>
        tpu.enqueue_dma source(%arg18 : memref<10000xf32, #tpu.memory_space<vmem>>) target(%dma_start3A_85 : memref<10000xf32, #tpu.memory_space<hbm>>) target_semaphore(%run_scoped3A : memref<!tpu.dma_semaphore, #tpu.memory_space<semaphore_mem>>)
        %dma_wait3A = arith.constant 0 : i32
        %dma_wait3A_86 = tpu.memref_slice %arg8[%add3A_79, %dma_wait3A] : memref<256x10000xf32, #tpu.memory_space<hbm>> -> memref<1x10000xf32, #tpu.memory_space<hbm>>
        %dma_wait3A_87 = tpu.memref_squeeze %dma_wait3A_86 : memref<1x10000xf32, #tpu.memory_space<hbm>> -> memref<10000xf32, #tpu.memory_space<hbm>>
        %dma_wait3A_88 = arith.constant 0 : i32
        %dma_wait3A_89 = tpu.memref_slice %arg8[%add3A_79, %dma_wait3A_88] : memref<256x10000xf32, #tpu.memory_space<hbm>> -> memref<1x10000xf32, #tpu.memory_space<hbm>>
        %dma_wait3A_90 = tpu.memref_squeeze %dma_wait3A_89 : memref<1x10000xf32, #tpu.memory_space<hbm>> -> memref<10000xf32, #tpu.memory_space<hbm>>
        tpu.wait_dma2 semaphore(%run_scoped3A : memref<!tpu.dma_semaphore, #tpu.memory_space<semaphore_mem>>) src(%arg18 : memref<10000xf32, #tpu.memory_space<vmem>>) dst(%dma_wait3A_90 : memref<10000xf32, #tpu.memory_space<hbm>>)
        tpu.yield
      }) : () -> ()
    }
    %scan3A_6 = arith.constant 2 : i32
    return
  }
}

#map = affine_map<(d0, d1) -> (0)>
#map1 = affine_map<(d0, d1) -> (0, 0)>
module attributes {stable_mosaic.version = 14 : i64} {
  func.func @_sc_body(%arg0: i32, %arg1: i32, %arg2: memref<320000xi32, #tpu.memory_space<hbm>>, %arg3: memref<320000xi32, #tpu.memory_space<hbm>>, %arg4: memref<128x10000xf32, #tpu.memory_space<hbm>>, %arg5: memref<256x10000xf32, #tpu.memory_space<hbm>>, %arg6: memref<40960000xf32, #tpu.memory_space<hbm>>, %arg7: memref<40960000xf32, #tpu.memory_space<hbm>>, %arg8: memref<256x10000xf32, #tpu.memory_space<hbm>>, %arg9: memref<10000xf32, #tpu.memory_space<vmem>>, %arg10: memref<10000xf32, #tpu.memory_space<vmem>>, %arg11: memref<10000xf32, #tpu.memory_space<vmem>>, %arg12: memref<10000xf32, #tpu.memory_space<vmem>>, %arg13: memref<10000xf32, #tpu.memory_space<vmem>>, %arg14: memref<10000xf32, #tpu.memory_space<vmem>>, %arg15: memref<10000xf32, #tpu.memory_space<vmem>>, %arg16: memref<10000xf32, #tpu.memory_space<vmem>>, %arg17: memref<10000xf32, #tpu.memory_space<vmem>>, %arg18: memref<10000xf32, #tpu.memory_space<vmem>>, %arg19: memref<2000xi32, #tpu.memory_space<vmem>>, %arg20: memref<2000xi32, #tpu.memory_space<vmem>>, %arg21: memref<2000xf32, #tpu.memory_space<vmem>>, %arg22: memref<2000xf32, #tpu.memory_space<vmem>>, %arg23: memref<2000xf32, #tpu.memory_space<vmem>>, %arg24: memref<2000xf32, #tpu.memory_space<vmem>>, %arg25: memref<2000xi32, #tpu.memory_space<vmem>>, %arg26: memref<2000xi32, #tpu.memory_space<vmem>>, %arg27: memref<2000xf32, #tpu.memory_space<vmem>>, %arg28: memref<2000xf32, #tpu.memory_space<vmem>>, %arg29: memref<2000xf32, #tpu.memory_space<vmem>>, %arg30: memref<2000xf32, #tpu.memory_space<vmem>>, %arg31: memref<!tpu.dma_semaphore, #tpu.memory_space<semaphore_mem>>, %arg32: memref<!tpu.dma_semaphore, #tpu.memory_space<semaphore_mem>>) attributes {dimension_semantics = [#tpu.dimension_semantics<core_parallel>, #tpu.dimension_semantics<subcore_parallel>], iteration_bounds = array<i64: 2, 16>, scalar_prefetch = 0 : i64, scratch_operands = 24 : i64, tpu.core_type = #tpu.core_type<sc_vector_subcore>, window_params = [{transform_indices = #map}, {transform_indices = #map}, {transform_indices = #map1}, {transform_indices = #map1}, {transform_indices = #map}, {transform_indices = #map}, {transform_indices = #map1}]} {
    %mul3A = arith.constant 16 : i32
    %mul3A_0 = arith.muli %arg0, %mul3A : i32
    %add3A = arith.addi %mul3A_0, %arg1 : i32
    %broadcast_in_dim3A = arith.constant 0.000000e+00 : f32
    %broadcast_in_dim3A_1 = vector.broadcast %broadcast_in_dim3A : f32 to vector<16xf32>
    %scan3A = arith.constant 0 : i32
    %scan3A_2 = arith.constant 0 : i32
    %scan3A_3 = arith.constant 2 : i32
    %scan3A_4 = arith.addi %scan3A_2, %scan3A_3 : i32
    %scan3A_5 = arith.constant 1 : i32
    scf.for %scan3A_7 = %scan3A_2 to %scan3A_4 step %scan3A_5  : i32 {
      %mul3A_8 = arith.constant 32 : i32
      %mul3A_9 = arith.muli %scan3A_7, %mul3A_8 : i32
      %add3A_10 = arith.addi %mul3A_9, %add3A : i32
      %mul3A_11 = arith.constant 2 : i32
      %mul3A_12 = arith.muli %mul3A_11, %add3A_10 : i32
      %add3A_13 = arith.constant 0 : i32
      %add3A_14 = arith.addi %mul3A_12, %add3A_13 : i32
      "tpu.region"() ({
        %run_scoped3A = tpu.sem_alloc : memref<!tpu.dma_semaphore, #tpu.memory_space<semaphore_mem>>
        %dma_start3A_80 = arith.constant 0 : i32
        %dma_start3A_81 = tpu.memref_slice %arg4[%add3A_14, %dma_start3A_80] : memref<128x10000xf32, #tpu.memory_space<hbm>> -> memref<1x10000xf32, #tpu.memory_space<hbm>>
        %dma_start3A_82 = tpu.memref_squeeze %dma_start3A_81 : memref<1x10000xf32, #tpu.memory_space<hbm>> -> memref<10000xf32, #tpu.memory_space<hbm>>
        %dma_start3A_83 = arith.constant 0 : i32
        %dma_start3A_84 = tpu.memref_slice %arg4[%add3A_14, %dma_start3A_83] : memref<128x10000xf32, #tpu.memory_space<hbm>> -> memref<1x10000xf32, #tpu.memory_space<hbm>>
        %dma_start3A_85 = tpu.memref_squeeze %dma_start3A_84 : memref<1x10000xf32, #tpu.memory_space<hbm>> -> memref<10000xf32, #tpu.memory_space<hbm>>
        tpu.enqueue_dma source(%dma_start3A_85 : memref<10000xf32, #tpu.memory_space<hbm>>) target(%arg9 : memref<10000xf32, #tpu.memory_space<vmem>>) target_semaphore(%run_scoped3A : memref<!tpu.dma_semaphore, #tpu.memory_space<semaphore_mem>>)
        %dma_wait3A = arith.constant 0 : i32
        %dma_wait3A_86 = tpu.memref_slice %arg4[%add3A_14, %dma_wait3A] : memref<128x10000xf32, #tpu.memory_space<hbm>> -> memref<1x10000xf32, #tpu.memory_space<hbm>>
        %dma_wait3A_87 = tpu.memref_squeeze %dma_wait3A_86 : memref<1x10000xf32, #tpu.memory_space<hbm>> -> memref<10000xf32, #tpu.memory_space<hbm>>
        %dma_wait3A_88 = arith.constant 0 : i32
        %dma_wait3A_89 = tpu.memref_slice %arg4[%add3A_14, %dma_wait3A_88] : memref<128x10000xf32, #tpu.memory_space<hbm>> -> memref<1x10000xf32, #tpu.memory_space<hbm>>
        %dma_wait3A_90 = tpu.memref_squeeze %dma_wait3A_89 : memref<1x10000xf32, #tpu.memory_space<hbm>> -> memref<10000xf32, #tpu.memory_space<hbm>>
        tpu.wait_dma2 semaphore(%run_scoped3A : memref<!tpu.dma_semaphore, #tpu.memory_space<semaphore_mem>>) src(%dma_wait3A_90 : memref<10000xf32, #tpu.memory_space<hbm>>) dst(%arg9 : memref<10000xf32, #tpu.memory_space<vmem>>)
        tpu.yield
      }) : () -> ()
      %add3A_15 = arith.constant 0 : i32
      %add3A_16 = arith.addi %mul3A_12, %add3A_15 : i32
      "tpu.region"() ({
        %run_scoped3A = tpu.sem_alloc : memref<!tpu.dma_semaphore, #tpu.memory_space<semaphore_mem>>
        %dma_start3A_80 = arith.constant 0 : i32
        %dma_start3A_81 = tpu.memref_slice %arg5[%add3A_16, %dma_start3A_80] : memref<256x10000xf32, #tpu.memory_space<hbm>> -> memref<1x10000xf32, #tpu.memory_space<hbm>>
        %dma_start3A_82 = tpu.memref_squeeze %dma_start3A_81 : memref<1x10000xf32, #tpu.memory_space<hbm>> -> memref<10000xf32, #tpu.memory_space<hbm>>
        %dma_start3A_83 = arith.constant 0 : i32
        %dma_start3A_84 = tpu.memref_slice %arg5[%add3A_16, %dma_start3A_83] : memref<256x10000xf32, #tpu.memory_space<hbm>> -> memref<1x10000xf32, #tpu.memory_space<hbm>>
        %dma_start3A_85 = tpu.memref_squeeze %dma_start3A_84 : memref<1x10000xf32, #tpu.memory_space<hbm>> -> memref<10000xf32, #tpu.memory_space<hbm>>
        tpu.enqueue_dma source(%dma_start3A_85 : memref<10000xf32, #tpu.memory_space<hbm>>) target(%arg11 : memref<10000xf32, #tpu.memory_space<vmem>>) target_semaphore(%run_scoped3A : memref<!tpu.dma_semaphore, #tpu.memory_space<semaphore_mem>>)
        %dma_wait3A = arith.constant 0 : i32
        %dma_wait3A_86 = tpu.memref_slice %arg5[%add3A_16, %dma_wait3A] : memref<256x10000xf32, #tpu.memory_space<hbm>> -> memref<1x10000xf32, #tpu.memory_space<hbm>>
        %dma_wait3A_87 = tpu.memref_squeeze %dma_wait3A_86 : memref<1x10000xf32, #tpu.memory_space<hbm>> -> memref<10000xf32, #tpu.memory_space<hbm>>
        %dma_wait3A_88 = arith.constant 0 : i32
        %dma_wait3A_89 = tpu.memref_slice %arg5[%add3A_16, %dma_wait3A_88] : memref<256x10000xf32, #tpu.memory_space<hbm>> -> memref<1x10000xf32, #tpu.memory_space<hbm>>
        %dma_wait3A_90 = tpu.memref_squeeze %dma_wait3A_89 : memref<1x10000xf32, #tpu.memory_space<hbm>> -> memref<10000xf32, #tpu.memory_space<hbm>>
        tpu.wait_dma2 semaphore(%run_scoped3A : memref<!tpu.dma_semaphore, #tpu.memory_space<semaphore_mem>>) src(%dma_wait3A_90 : memref<10000xf32, #tpu.memory_space<hbm>>) dst(%arg11 : memref<10000xf32, #tpu.memory_space<vmem>>)
        tpu.yield
      }) : () -> ()
      %add3A_17 = arith.constant 128 : i32
      %add3A_18 = arith.addi %add3A_17, %mul3A_12 : i32
      %add3A_19 = arith.constant 0 : i32
      %add3A_20 = arith.addi %add3A_18, %add3A_19 : i32
      "tpu.region"() ({
        %run_scoped3A = tpu.sem_alloc : memref<!tpu.dma_semaphore, #tpu.memory_space<semaphore_mem>>
        %dma_start3A_80 = arith.constant 0 : i32
        %dma_start3A_81 = tpu.memref_slice %arg5[%add3A_20, %dma_start3A_80] : memref<256x10000xf32, #tpu.memory_space<hbm>> -> memref<1x10000xf32, #tpu.memory_space<hbm>>
        %dma_start3A_82 = tpu.memref_squeeze %dma_start3A_81 : memref<1x10000xf32, #tpu.memory_space<hbm>> -> memref<10000xf32, #tpu.memory_space<hbm>>
        %dma_start3A_83 = arith.constant 0 : i32
        %dma_start3A_84 = tpu.memref_slice %arg5[%add3A_20, %dma_start3A_83] : memref<256x10000xf32, #tpu.memory_space<hbm>> -> memref<1x10000xf32, #tpu.memory_space<hbm>>
        %dma_start3A_85 = tpu.memref_squeeze %dma_start3A_84 : memref<1x10000xf32, #tpu.memory_space<hbm>> -> memref<10000xf32, #tpu.memory_space<hbm>>
        tpu.enqueue_dma source(%dma_start3A_85 : memref<10000xf32, #tpu.memory_space<hbm>>) target(%arg13 : memref<10000xf32, #tpu.memory_space<vmem>>) target_semaphore(%run_scoped3A : memref<!tpu.dma_semaphore, #tpu.memory_space<semaphore_mem>>)
        %dma_wait3A = arith.constant 0 : i32
        %dma_wait3A_86 = tpu.memref_slice %arg5[%add3A_20, %dma_wait3A] : memref<256x10000xf32, #tpu.memory_space<hbm>> -> memref<1x10000xf32, #tpu.memory_space<hbm>>
        %dma_wait3A_87 = tpu.memref_squeeze %dma_wait3A_86 : memref<1x10000xf32, #tpu.memory_space<hbm>> -> memref<10000xf32, #tpu.memory_space<hbm>>
        %dma_wait3A_88 = arith.constant 0 : i32
        %dma_wait3A_89 = tpu.memref_slice %arg5[%add3A_20, %dma_wait3A_88] : memref<256x10000xf32, #tpu.memory_space<hbm>> -> memref<1x10000xf32, #tpu.memory_space<hbm>>
        %dma_wait3A_90 = tpu.memref_squeeze %dma_wait3A_89 : memref<1x10000xf32, #tpu.memory_space<hbm>> -> memref<10000xf32, #tpu.memory_space<hbm>>
        tpu.wait_dma2 semaphore(%run_scoped3A : memref<!tpu.dma_semaphore, #tpu.memory_space<semaphore_mem>>) src(%dma_wait3A_90 : memref<10000xf32, #tpu.memory_space<hbm>>) dst(%arg13 : memref<10000xf32, #tpu.memory_space<vmem>>)
        tpu.yield
      }) : () -> ()
      %add3A_21 = arith.constant 1 : i32
      %add3A_22 = arith.addi %mul3A_12, %add3A_21 : i32
      "tpu.region"() ({
        %run_scoped3A = tpu.sem_alloc : memref<!tpu.dma_semaphore, #tpu.memory_space<semaphore_mem>>
        %dma_start3A_80 = arith.constant 0 : i32
        %dma_start3A_81 = tpu.memref_slice %arg4[%add3A_22, %dma_start3A_80] : memref<128x10000xf32, #tpu.memory_space<hbm>> -> memref<1x10000xf32, #tpu.memory_space<hbm>>
        %dma_start3A_82 = tpu.memref_squeeze %dma_start3A_81 : memref<1x10000xf32, #tpu.memory_space<hbm>> -> memref<10000xf32, #tpu.memory_space<hbm>>
        %dma_start3A_83 = arith.constant 0 : i32
        %dma_start3A_84 = tpu.memref_slice %arg4[%add3A_22, %dma_start3A_83] : memref<128x10000xf32, #tpu.memory_space<hbm>> -> memref<1x10000xf32, #tpu.memory_space<hbm>>
        %dma_start3A_85 = tpu.memref_squeeze %dma_start3A_84 : memref<1x10000xf32, #tpu.memory_space<hbm>> -> memref<10000xf32, #tpu.memory_space<hbm>>
        tpu.enqueue_dma source(%dma_start3A_85 : memref<10000xf32, #tpu.memory_space<hbm>>) target(%arg10 : memref<10000xf32, #tpu.memory_space<vmem>>) target_semaphore(%run_scoped3A : memref<!tpu.dma_semaphore, #tpu.memory_space<semaphore_mem>>)
        %dma_wait3A = arith.constant 0 : i32
        %dma_wait3A_86 = tpu.memref_slice %arg4[%add3A_22, %dma_wait3A] : memref<128x10000xf32, #tpu.memory_space<hbm>> -> memref<1x10000xf32, #tpu.memory_space<hbm>>
        %dma_wait3A_87 = tpu.memref_squeeze %dma_wait3A_86 : memref<1x10000xf32, #tpu.memory_space<hbm>> -> memref<10000xf32, #tpu.memory_space<hbm>>
        %dma_wait3A_88 = arith.constant 0 : i32
        %dma_wait3A_89 = tpu.memref_slice %arg4[%add3A_22, %dma_wait3A_88] : memref<128x10000xf32, #tpu.memory_space<hbm>> -> memref<1x10000xf32, #tpu.memory_space<hbm>>
        %dma_wait3A_90 = tpu.memref_squeeze %dma_wait3A_89 : memref<1x10000xf32, #tpu.memory_space<hbm>> -> memref<10000xf32, #tpu.memory_space<hbm>>
        tpu.wait_dma2 semaphore(%run_scoped3A : memref<!tpu.dma_semaphore, #tpu.memory_space<semaphore_mem>>) src(%dma_wait3A_90 : memref<10000xf32, #tpu.memory_space<hbm>>) dst(%arg10 : memref<10000xf32, #tpu.memory_space<vmem>>)
        tpu.yield
      }) : () -> ()
      %add3A_23 = arith.constant 1 : i32
      %add3A_24 = arith.addi %mul3A_12, %add3A_23 : i32
      "tpu.region"() ({
        %run_scoped3A = tpu.sem_alloc : memref<!tpu.dma_semaphore, #tpu.memory_space<semaphore_mem>>
        %dma_start3A_80 = arith.constant 0 : i32
        %dma_start3A_81 = tpu.memref_slice %arg5[%add3A_24, %dma_start3A_80] : memref<256x10000xf32, #tpu.memory_space<hbm>> -> memref<1x10000xf32, #tpu.memory_space<hbm>>
        %dma_start3A_82 = tpu.memref_squeeze %dma_start3A_81 : memref<1x10000xf32, #tpu.memory_space<hbm>> -> memref<10000xf32, #tpu.memory_space<hbm>>
        %dma_start3A_83 = arith.constant 0 : i32
        %dma_start3A_84 = tpu.memref_slice %arg5[%add3A_24, %dma_start3A_83] : memref<256x10000xf32, #tpu.memory_space<hbm>> -> memref<1x10000xf32, #tpu.memory_space<hbm>>
        %dma_start3A_85 = tpu.memref_squeeze %dma_start3A_84 : memref<1x10000xf32, #tpu.memory_space<hbm>> -> memref<10000xf32, #tpu.memory_space<hbm>>
        tpu.enqueue_dma source(%dma_start3A_85 : memref<10000xf32, #tpu.memory_space<hbm>>) target(%arg12 : memref<10000xf32, #tpu.memory_space<vmem>>) target_semaphore(%run_scoped3A : memref<!tpu.dma_semaphore, #tpu.memory_space<semaphore_mem>>)
        %dma_wait3A = arith.constant 0 : i32
        %dma_wait3A_86 = tpu.memref_slice %arg5[%add3A_24, %dma_wait3A] : memref<256x10000xf32, #tpu.memory_space<hbm>> -> memref<1x10000xf32, #tpu.memory_space<hbm>>
        %dma_wait3A_87 = tpu.memref_squeeze %dma_wait3A_86 : memref<1x10000xf32, #tpu.memory_space<hbm>> -> memref<10000xf32, #tpu.memory_space<hbm>>
        %dma_wait3A_88 = arith.constant 0 : i32
        %dma_wait3A_89 = tpu.memref_slice %arg5[%add3A_24, %dma_wait3A_88] : memref<256x10000xf32, #tpu.memory_space<hbm>> -> memref<1x10000xf32, #tpu.memory_space<hbm>>
        %dma_wait3A_90 = tpu.memref_squeeze %dma_wait3A_89 : memref<1x10000xf32, #tpu.memory_space<hbm>> -> memref<10000xf32, #tpu.memory_space<hbm>>
        tpu.wait_dma2 semaphore(%run_scoped3A : memref<!tpu.dma_semaphore, #tpu.memory_space<semaphore_mem>>) src(%dma_wait3A_90 : memref<10000xf32, #tpu.memory_space<hbm>>) dst(%arg12 : memref<10000xf32, #tpu.memory_space<vmem>>)
        tpu.yield
      }) : () -> ()
      %add3A_25 = arith.constant 128 : i32
      %add3A_26 = arith.addi %add3A_25, %mul3A_12 : i32
      %add3A_27 = arith.constant 1 : i32
      %add3A_28 = arith.addi %add3A_26, %add3A_27 : i32
      "tpu.region"() ({
        %run_scoped3A = tpu.sem_alloc : memref<!tpu.dma_semaphore, #tpu.memory_space<semaphore_mem>>
        %dma_start3A_80 = arith.constant 0 : i32
        %dma_start3A_81 = tpu.memref_slice %arg5[%add3A_28, %dma_start3A_80] : memref<256x10000xf32, #tpu.memory_space<hbm>> -> memref<1x10000xf32, #tpu.memory_space<hbm>>
        %dma_start3A_82 = tpu.memref_squeeze %dma_start3A_81 : memref<1x10000xf32, #tpu.memory_space<hbm>> -> memref<10000xf32, #tpu.memory_space<hbm>>
        %dma_start3A_83 = arith.constant 0 : i32
        %dma_start3A_84 = tpu.memref_slice %arg5[%add3A_28, %dma_start3A_83] : memref<256x10000xf32, #tpu.memory_space<hbm>> -> memref<1x10000xf32, #tpu.memory_space<hbm>>
        %dma_start3A_85 = tpu.memref_squeeze %dma_start3A_84 : memref<1x10000xf32, #tpu.memory_space<hbm>> -> memref<10000xf32, #tpu.memory_space<hbm>>
        tpu.enqueue_dma source(%dma_start3A_85 : memref<10000xf32, #tpu.memory_space<hbm>>) target(%arg14 : memref<10000xf32, #tpu.memory_space<vmem>>) target_semaphore(%run_scoped3A : memref<!tpu.dma_semaphore, #tpu.memory_space<semaphore_mem>>)
        %dma_wait3A = arith.constant 0 : i32
        %dma_wait3A_86 = tpu.memref_slice %arg5[%add3A_28, %dma_wait3A] : memref<256x10000xf32, #tpu.memory_space<hbm>> -> memref<1x10000xf32, #tpu.memory_space<hbm>>
        %dma_wait3A_87 = tpu.memref_squeeze %dma_wait3A_86 : memref<1x10000xf32, #tpu.memory_space<hbm>> -> memref<10000xf32, #tpu.memory_space<hbm>>
        %dma_wait3A_88 = arith.constant 0 : i32
        %dma_wait3A_89 = tpu.memref_slice %arg5[%add3A_28, %dma_wait3A_88] : memref<256x10000xf32, #tpu.memory_space<hbm>> -> memref<1x10000xf32, #tpu.memory_space<hbm>>
        %dma_wait3A_90 = tpu.memref_squeeze %dma_wait3A_89 : memref<1x10000xf32, #tpu.memory_space<hbm>> -> memref<10000xf32, #tpu.memory_space<hbm>>
        tpu.wait_dma2 semaphore(%run_scoped3A : memref<!tpu.dma_semaphore, #tpu.memory_space<semaphore_mem>>) src(%dma_wait3A_90 : memref<10000xf32, #tpu.memory_space<hbm>>) dst(%arg14 : memref<10000xf32, #tpu.memory_space<vmem>>)
        tpu.yield
      }) : () -> ()
      %parallel_loop3A = arith.constant 0 : i32
      %parallel_loop3A_29 = arith.constant 625 : i32
      %parallel_loop3A_30 = arith.constant 1 : i32
      scf.for %parallel_loop3A_80 = %parallel_loop3A to %parallel_loop3A_29 step %parallel_loop3A_30  : i32 {
        %parallel_loop3A_81 = arith.constant 16 : i32
        %parallel_loop3A_82 = arith.muli %parallel_loop3A_80, %parallel_loop3A_81 : i32
        %parallel_loop3A_83 = arith.index_cast %parallel_loop3A_82 : i32 to index
        %parallel_loop3A_84 = tpu.vector_load %arg15[%parallel_loop3A_83] {strides = array<i32>} : memref<10000xf32, #tpu.memory_space<vmem>>, vector<16xf32>,
        tpu.vector_store %arg15[%parallel_loop3A_83], %broadcast_in_dim3A_1 {strides = array<i32>} : memref<10000xf32, #tpu.memory_space<vmem>>, vector<16xf32>,
        %parallel_loop3A_85 = arith.constant 16 : i32
        %parallel_loop3A_86 = arith.muli %parallel_loop3A_80, %parallel_loop3A_85 : i32
        %parallel_loop3A_87 = arith.index_cast %parallel_loop3A_86 : i32 to index
        %parallel_loop3A_88 = tpu.vector_load %arg17[%parallel_loop3A_87] {strides = array<i32>} : memref<10000xf32, #tpu.memory_space<vmem>>, vector<16xf32>,
        tpu.vector_store %arg17[%parallel_loop3A_87], %broadcast_in_dim3A_1 {strides = array<i32>} : memref<10000xf32, #tpu.memory_space<vmem>>, vector<16xf32>,
        %parallel_loop3A_89 = arith.constant 16 : i32
        %parallel_loop3A_90 = arith.muli %parallel_loop3A_80, %parallel_loop3A_89 : i32
        %parallel_loop3A_91 = arith.index_cast %parallel_loop3A_90 : i32 to index
        %parallel_loop3A_92 = tpu.vector_load %arg16[%parallel_loop3A_91] {strides = array<i32>} : memref<10000xf32, #tpu.memory_space<vmem>>, vector<16xf32>,
        tpu.vector_store %arg16[%parallel_loop3A_91], %broadcast_in_dim3A_1 {strides = array<i32>} : memref<10000xf32, #tpu.memory_space<vmem>>, vector<16xf32>,
        %parallel_loop3A_93 = arith.constant 16 : i32
        %parallel_loop3A_94 = arith.muli %parallel_loop3A_80, %parallel_loop3A_93 : i32
        %parallel_loop3A_95 = arith.index_cast %parallel_loop3A_94 : i32 to index
        %parallel_loop3A_96 = tpu.vector_load %arg18[%parallel_loop3A_95] {strides = array<i32>} : memref<10000xf32, #tpu.memory_space<vmem>>, vector<16xf32>,
        tpu.vector_store %arg18[%parallel_loop3A_95], %broadcast_in_dim3A_1 {strides = array<i32>} : memref<10000xf32, #tpu.memory_space<vmem>>, vector<16xf32>,
      } {sc.loop_unroll_factor = 4 : i64, sc.parallel_access}
      %dma_start3A = arith.constant 0 : i32
      %dma_start3A_31 = tpu.memref_slice %arg2[%dma_start3A] : memref<320000xi32, #tpu.memory_space<hbm>> -> memref<2000xi32, #tpu.memory_space<hbm>>
      %dma_start3A_32 = arith.constant 0 : i32
      %dma_start3A_33 = tpu.memref_slice %arg2[%dma_start3A_32] : memref<320000xi32, #tpu.memory_space<hbm>> -> memref<2000xi32, #tpu.memory_space<hbm>>
      tpu.enqueue_dma source(%dma_start3A_33 : memref<2000xi32, #tpu.memory_space<hbm>>) target(%arg19 : memref<2000xi32, #tpu.memory_space<vmem>>) target_semaphore(%arg31 : memref<!tpu.dma_semaphore, #tpu.memory_space<semaphore_mem>>)
      %dma_start3A_34 = arith.constant 0 : i32
      %dma_start3A_35 = tpu.memref_slice %arg3[%dma_start3A_34] : memref<320000xi32, #tpu.memory_space<hbm>> -> memref<2000xi32, #tpu.memory_space<hbm>>
      %dma_start3A_36 = arith.constant 0 : i32
      %dma_start3A_37 = tpu.memref_slice %arg3[%dma_start3A_36] : memref<320000xi32, #tpu.memory_space<hbm>> -> memref<2000xi32, #tpu.memory_space<hbm>>
      tpu.enqueue_dma source(%dma_start3A_37 : memref<2000xi32, #tpu.memory_space<hbm>>) target(%arg20 : memref<2000xi32, #tpu.memory_space<vmem>>) target_semaphore(%arg31 : memref<!tpu.dma_semaphore, #tpu.memory_space<semaphore_mem>>)
      %mul3A_38 = arith.constant 2 : i32
      %mul3A_39 = arith.muli %mul3A_38, %add3A_10 : i32
      %add3A_40 = arith.constant 0 : i32
      %add3A_41 = arith.addi %mul3A_39, %add3A_40 : i32
      %mul3A_42 = arith.constant 320000 : i32
      %mul3A_43 = arith.muli %add3A_41, %mul3A_42 : i32
      %add3A_44 = arith.constant 0 : i32
      %add3A_45 = arith.addi %mul3A_43, %add3A_44 : i32
      %dma_start3A_46 = tpu.memref_slice %arg6[%add3A_45] : memref<40960000xf32, #tpu.memory_space<hbm>> -> memref<2000xf32, #tpu.memory_space<hbm>>
      %dma_start3A_47 = tpu.memref_slice %arg6[%add3A_45] : memref<40960000xf32, #tpu.memory_space<hbm>> -> memref<2000xf32, #tpu.memory_space<hbm>>
      tpu.enqueue_dma source(%dma_start3A_47 : memref<2000xf32, #tpu.memory_space<hbm>>) target(%arg21 : memref<2000xf32, #tpu.memory_space<vmem>>) target_semaphore(%arg31 : memref<!tpu.dma_semaphore, #tpu.memory_space<semaphore_mem>>)
      %dma_start3A_48 = tpu.memref_slice %arg7[%add3A_45] : memref<40960000xf32, #tpu.memory_space<hbm>> -> memref<2000xf32, #tpu.memory_space<hbm>>
      %dma_start3A_49 = tpu.memref_slice %arg7[%add3A_45] : memref<40960000xf32, #tpu.memory_space<hbm>> -> memref<2000xf32, #tpu.memory_space<hbm>>
      tpu.enqueue_dma source(%dma_start3A_49 : memref<2000xf32, #tpu.memory_space<hbm>>) target(%arg23 : memref<2000xf32, #tpu.memory_space<vmem>>) target_semaphore(%arg31 : memref<!tpu.dma_semaphore, #tpu.memory_space<semaphore_mem>>)
      %mul3A_50 = arith.constant 2 : i32
      %mul3A_51 = arith.muli %mul3A_50, %add3A_10 : i32
      %add3A_52 = arith.constant 1 : i32
      %add3A_53 = arith.addi %mul3A_51, %add3A_52 : i32
      %mul3A_54 = arith.constant 320000 : i32
      %mul3A_55 = arith.muli %add3A_53, %mul3A_54 : i32
      %add3A_56 = arith.constant 0 : i32
      %add3A_57 = arith.addi %mul3A_55, %add3A_56 : i32
      %dma_start3A_58 = tpu.memref_slice %arg6[%add3A_57] : memref<40960000xf32, #tpu.memory_space<hbm>> -> memref<2000xf32, #tpu.memory_space<hbm>>
      %dma_start3A_59 = tpu.memref_slice %arg6[%add3A_57] : memref<40960000xf32, #tpu.memory_space<hbm>> -> memref<2000xf32, #tpu.memory_space<hbm>>
      tpu.enqueue_dma source(%dma_start3A_59 : memref<2000xf32, #tpu.memory_space<hbm>>) target(%arg22 : memref<2000xf32, #tpu.memory_space<vmem>>) target_semaphore(%arg31 : memref<!tpu.dma_semaphore, #tpu.memory_space<semaphore_mem>>)
      %dma_start3A_60 = tpu.memref_slice %arg7[%add3A_57] : memref<40960000xf32, #tpu.memory_space<hbm>> -> memref<2000xf32, #tpu.memory_space<hbm>>
      %dma_start3A_61 = tpu.memref_slice %arg7[%add3A_57] : memref<40960000xf32, #tpu.memory_space<hbm>> -> memref<2000xf32, #tpu.memory_space<hbm>>
      tpu.enqueue_dma source(%dma_start3A_61 : memref<2000xf32, #tpu.memory_space<hbm>>) target(%arg24 : memref<2000xf32, #tpu.memory_space<vmem>>) target_semaphore(%arg31 : memref<!tpu.dma_semaphore, #tpu.memory_space<semaphore_mem>>)
      %scan3A_62 = arith.constant 0 : i32
      %scan3A_63 = arith.constant 0 : i32
      %scan3A_64 = arith.constant 80 : i32
      %scan3A_65 = arith.addi %scan3A_63, %scan3A_64 : i32
      %scan3A_66 = arith.constant 1 : i32
      scf.for %scan3A_80 = %scan3A_63 to %scan3A_65 step %scan3A_66  : i32 {
        %dma_wait3A = arith.constant 0 : i32
        %dma_wait3A_81 = tpu.memref_slice %arg2[%dma_wait3A] : memref<320000xi32, #tpu.memory_space<hbm>> -> memref<2000xi32, #tpu.memory_space<hbm>>
        %dma_wait3A_82 = arith.constant 0 : i32
        %dma_wait3A_83 = tpu.memref_slice %arg2[%dma_wait3A_82] : memref<320000xi32, #tpu.memory_space<hbm>> -> memref<2000xi32, #tpu.memory_space<hbm>>
        tpu.wait_dma2 semaphore(%arg31 : memref<!tpu.dma_semaphore, #tpu.memory_space<semaphore_mem>>) src(%dma_wait3A_83 : memref<2000xi32, #tpu.memory_space<hbm>>) dst(%arg19 : memref<2000xi32, #tpu.memory_space<vmem>>)
        %dma_wait3A_84 = arith.constant 0 : i32
        %dma_wait3A_85 = tpu.memref_slice %arg3[%dma_wait3A_84] : memref<320000xi32, #tpu.memory_space<hbm>> -> memref<2000xi32, #tpu.memory_space<hbm>>
        %dma_wait3A_86 = arith.constant 0 : i32
        %dma_wait3A_87 = tpu.memref_slice %arg3[%dma_wait3A_86] : memref<320000xi32, #tpu.memory_space<hbm>> -> memref<2000xi32, #tpu.memory_space<hbm>>
        tpu.wait_dma2 semaphore(%arg31 : memref<!tpu.dma_semaphore, #tpu.memory_space<semaphore_mem>>) src(%dma_wait3A_87 : memref<2000xi32, #tpu.memory_space<hbm>>) dst(%arg20 : memref<2000xi32, #tpu.memory_space<vmem>>)
        %dma_wait3A_88 = arith.constant 0 : i32
        %dma_wait3A_89 = tpu.memref_slice %arg6[%dma_wait3A_88] : memref<40960000xf32, #tpu.memory_space<hbm>> -> memref<2000xf32, #tpu.memory_space<hbm>>
        %dma_wait3A_90 = arith.constant 0 : i32
        %dma_wait3A_91 = tpu.memref_slice %arg6[%dma_wait3A_90] : memref<40960000xf32, #tpu.memory_space<hbm>> -> memref<2000xf32, #tpu.memory_space<hbm>>
        tpu.wait_dma2 semaphore(%arg31 : memref<!tpu.dma_semaphore, #tpu.memory_space<semaphore_mem>>) src(%dma_wait3A_91 : memref<2000xf32, #tpu.memory_space<hbm>>) dst(%arg21 : memref<2000xf32, #tpu.memory_space<vmem>>)
        %dma_wait3A_92 = arith.constant 0 : i32
        %dma_wait3A_93 = tpu.memref_slice %arg7[%dma_wait3A_92] : memref<40960000xf32, #tpu.memory_space<hbm>> -> memref<2000xf32, #tpu.memory_space<hbm>>
        %dma_wait3A_94 = arith.constant 0 : i32
        %dma_wait3A_95 = tpu.memref_slice %arg7[%dma_wait3A_94] : memref<40960000xf32, #tpu.memory_space<hbm>> -> memref<2000xf32, #tpu.memory_space<hbm>>
        tpu.wait_dma2 semaphore(%arg31 : memref<!tpu.dma_semaphore, #tpu.memory_space<semaphore_mem>>) src(%dma_wait3A_95 : memref<2000xf32, #tpu.memory_space<hbm>>) dst(%arg23 : memref<2000xf32, #tpu.memory_space<vmem>>)
        %dma_wait3A_96 = arith.constant 0 : i32
        %dma_wait3A_97 = tpu.memref_slice %arg6[%dma_wait3A_96] : memref<40960000xf32, #tpu.memory_space<hbm>> -> memref<2000xf32, #tpu.memory_space<hbm>>
        %dma_wait3A_98 = arith.constant 0 : i32
        %dma_wait3A_99 = tpu.memref_slice %arg6[%dma_wait3A_98] : memref<40960000xf32, #tpu.memory_space<hbm>> -> memref<2000xf32, #tpu.memory_space<hbm>>
        tpu.wait_dma2 semaphore(%arg31 : memref<!tpu.dma_semaphore, #tpu.memory_space<semaphore_mem>>) src(%dma_wait3A_99 : memref<2000xf32, #tpu.memory_space<hbm>>) dst(%arg22 : memref<2000xf32, #tpu.memory_space<vmem>>)
        %dma_wait3A_100 = arith.constant 0 : i32
        %dma_wait3A_101 = tpu.memref_slice %arg7[%dma_wait3A_100] : memref<40960000xf32, #tpu.memory_space<hbm>> -> memref<2000xf32, #tpu.memory_space<hbm>>
        %dma_wait3A_102 = arith.constant 0 : i32
        %dma_wait3A_103 = tpu.memref_slice %arg7[%dma_wait3A_102] : memref<40960000xf32, #tpu.memory_space<hbm>> -> memref<2000xf32, #tpu.memory_space<hbm>>
        tpu.wait_dma2 semaphore(%arg31 : memref<!tpu.dma_semaphore, #tpu.memory_space<semaphore_mem>>) src(%dma_wait3A_103 : memref<2000xf32, #tpu.memory_space<hbm>>) dst(%arg24 : memref<2000xf32, #tpu.memory_space<vmem>>)
        %mul3A_104 = arith.constant 2 : i32
        %mul3A_105 = arith.muli %mul3A_104, %scan3A_80 : i32
        %add3A_106 = arith.constant 1 : i32
        %add3A_107 = arith.addi %mul3A_105, %add3A_106 : i32
        %mul3A_108 = arith.constant 2000 : i32
        %mul3A_109 = arith.muli %add3A_107, %mul3A_108 : i32
        %dma_start3A_110 = tpu.memref_slice %arg2[%mul3A_109] : memref<320000xi32, #tpu.memory_space<hbm>> -> memref<2000xi32, #tpu.memory_space<hbm>>
        %dma_start3A_111 = tpu.memref_slice %arg2[%mul3A_109] : memref<320000xi32, #tpu.memory_space<hbm>> -> memref<2000xi32, #tpu.memory_space<hbm>>
        tpu.enqueue_dma source(%dma_start3A_111 : memref<2000xi32, #tpu.memory_space<hbm>>) target(%arg25 : memref<2000xi32, #tpu.memory_space<vmem>>) target_semaphore(%arg32 : memref<!tpu.dma_semaphore, #tpu.memory_space<semaphore_mem>>)
        %dma_start3A_112 = tpu.memref_slice %arg3[%mul3A_109] : memref<320000xi32, #tpu.memory_space<hbm>> -> memref<2000xi32, #tpu.memory_space<hbm>>
        %dma_start3A_113 = tpu.memref_slice %arg3[%mul3A_109] : memref<320000xi32, #tpu.memory_space<hbm>> -> memref<2000xi32, #tpu.memory_space<hbm>>
        tpu.enqueue_dma source(%dma_start3A_113 : memref<2000xi32, #tpu.memory_space<hbm>>) target(%arg26 : memref<2000xi32, #tpu.memory_space<vmem>>) target_semaphore(%arg32 : memref<!tpu.dma_semaphore, #tpu.memory_space<semaphore_mem>>)
        %mul3A_114 = arith.constant 2 : i32
        %mul3A_115 = arith.muli %mul3A_114, %add3A_10 : i32
        %add3A_116 = arith.constant 0 : i32
        %add3A_117 = arith.addi %mul3A_115, %add3A_116 : i32
        %mul3A_118 = arith.constant 320000 : i32
        %mul3A_119 = arith.muli %add3A_117, %mul3A_118 : i32
        %add3A_120 = arith.addi %mul3A_119, %mul3A_109 : i32
        %dma_start3A_121 = tpu.memref_slice %arg6[%add3A_120] : memref<40960000xf32, #tpu.memory_space<hbm>> -> memref<2000xf32, #tpu.memory_space<hbm>>
        %dma_start3A_122 = tpu.memref_slice %arg6[%add3A_120] : memref<40960000xf32, #tpu.memory_space<hbm>> -> memref<2000xf32, #tpu.memory_space<hbm>>
        tpu.enqueue_dma source(%dma_start3A_122 : memref<2000xf32, #tpu.memory_space<hbm>>) target(%arg27 : memref<2000xf32, #tpu.memory_space<vmem>>) target_semaphore(%arg32 : memref<!tpu.dma_semaphore, #tpu.memory_space<semaphore_mem>>)
        %dma_start3A_123 = tpu.memref_slice %arg7[%add3A_120] : memref<40960000xf32, #tpu.memory_space<hbm>> -> memref<2000xf32, #tpu.memory_space<hbm>>
        %dma_start3A_124 = tpu.memref_slice %arg7[%add3A_120] : memref<40960000xf32, #tpu.memory_space<hbm>> -> memref<2000xf32, #tpu.memory_space<hbm>>
        tpu.enqueue_dma source(%dma_start3A_124 : memref<2000xf32, #tpu.memory_space<hbm>>) target(%arg29 : memref<2000xf32, #tpu.memory_space<vmem>>) target_semaphore(%arg32 : memref<!tpu.dma_semaphore, #tpu.memory_space<semaphore_mem>>)
        %mul3A_125 = arith.constant 2 : i32
        %mul3A_126 = arith.muli %mul3A_125, %add3A_10 : i32
        %add3A_127 = arith.constant 1 : i32
        %add3A_128 = arith.addi %mul3A_126, %add3A_127 : i32
        %mul3A_129 = arith.constant 320000 : i32
        %mul3A_130 = arith.muli %add3A_128, %mul3A_129 : i32
        %add3A_131 = arith.addi %mul3A_130, %mul3A_109 : i32
        %dma_start3A_132 = tpu.memref_slice %arg6[%add3A_131] : memref<40960000xf32, #tpu.memory_space<hbm>> -> memref<2000xf32, #tpu.memory_space<hbm>>
        %dma_start3A_133 = tpu.memref_slice %arg6[%add3A_131] : memref<40960000xf32, #tpu.memory_space<hbm>> -> memref<2000xf32, #tpu.memory_space<hbm>>
        tpu.enqueue_dma source(%dma_start3A_133 : memref<2000xf32, #tpu.memory_space<hbm>>) target(%arg28 : memref<2000xf32, #tpu.memory_space<vmem>>) target_semaphore(%arg32 : memref<!tpu.dma_semaphore, #tpu.memory_space<semaphore_mem>>)
        %dma_start3A_134 = tpu.memref_slice %arg7[%add3A_131] : memref<40960000xf32, #tpu.memory_space<hbm>> -> memref<2000xf32, #tpu.memory_space<hbm>>
        %dma_start3A_135 = tpu.memref_slice %arg7[%add3A_131] : memref<40960000xf32, #tpu.memory_space<hbm>> -> memref<2000xf32, #tpu.memory_space<hbm>>
        tpu.enqueue_dma source(%dma_start3A_135 : memref<2000xf32, #tpu.memory_space<hbm>>) target(%arg30 : memref<2000xf32, #tpu.memory_space<vmem>>) target_semaphore(%arg32 : memref<!tpu.dma_semaphore, #tpu.memory_space<semaphore_mem>>)
        %parallel_loop3A_136 = arith.constant 0 : i32
        %parallel_loop3A_137 = arith.constant 125 : i32
        %parallel_loop3A_138 = arith.constant 1 : i32
        scf.for %parallel_loop3A_172 = %parallel_loop3A_136 to %parallel_loop3A_137 step %parallel_loop3A_138  : i32 {
          %parallel_loop3A_173 = arith.constant 16 : i32
          %parallel_loop3A_174 = arith.muli %parallel_loop3A_172, %parallel_loop3A_173 : i32
          %parallel_loop3A_175 = arith.index_cast %parallel_loop3A_174 : i32 to index
          %parallel_loop3A_176 = tpu.vector_load %arg19[%parallel_loop3A_175] {strides = array<i32>} : memref<2000xi32, #tpu.memory_space<vmem>>, vector<16xi32>,
          %parallel_loop3A_177 = arith.constant 16 : i32
          %parallel_loop3A_178 = arith.muli %parallel_loop3A_172, %parallel_loop3A_177 : i32
          %parallel_loop3A_179 = arith.index_cast %parallel_loop3A_178 : i32 to index
          %parallel_loop3A_180 = tpu.vector_load %arg20[%parallel_loop3A_179] {strides = array<i32>} : memref<2000xi32, #tpu.memory_space<vmem>>, vector<16xi32>,
          %parallel_loop3A_181 = arith.constant 16 : i32
          %parallel_loop3A_182 = arith.muli %parallel_loop3A_172, %parallel_loop3A_181 : i32
          %parallel_loop3A_183 = arith.index_cast %parallel_loop3A_182 : i32 to index
          %parallel_loop3A_184 = tpu.vector_load %arg21[%parallel_loop3A_183] {strides = array<i32>} : memref<2000xf32, #tpu.memory_space<vmem>>, vector<16xf32>,
          %parallel_loop3A_185 = arith.constant 16 : i32
          %parallel_loop3A_186 = arith.muli %parallel_loop3A_172, %parallel_loop3A_185 : i32
          %parallel_loop3A_187 = arith.index_cast %parallel_loop3A_186 : i32 to index
          %parallel_loop3A_188 = tpu.vector_load %arg23[%parallel_loop3A_187] {strides = array<i32>} : memref<2000xf32, #tpu.memory_space<vmem>>, vector<16xf32>,
          %parallel_loop3A_189 = tpu.vector_load_idx %arg9[%parallel_loop3A_176] : memref<10000xf32, #tpu.memory_space<vmem>>[vector<16xi32>], vector<16xf32>,
          %parallel_loop3A_190 = tpu.vector_load_idx %arg11[%parallel_loop3A_180] : memref<10000xf32, #tpu.memory_space<vmem>>[vector<16xi32>], vector<16xf32>,
          %parallel_loop3A_191 = tpu.vector_load_idx %arg13[%parallel_loop3A_180] : memref<10000xf32, #tpu.memory_space<vmem>>[vector<16xi32>], vector<16xf32>,
          %parallel_loop3A_192 = arith.addf %parallel_loop3A_190, %parallel_loop3A_184 : vector<16xf32>
          %parallel_loop3A_193 = arith.mulf %parallel_loop3A_189, %parallel_loop3A_192 : vector<16xf32>
          %parallel_loop3A_194 = math.exp %parallel_loop3A_193 : vector<16xf32>
          %parallel_loop3A_195 = arith.addf %parallel_loop3A_191, %parallel_loop3A_188 : vector<16xf32>
          %parallel_loop3A_196 = arith.mulf %parallel_loop3A_194, %parallel_loop3A_195 : vector<16xf32>
          tpu.vector_store_idx %arg15[%parallel_loop3A_176], %parallel_loop3A_196 {add = true} : memref<10000xf32, #tpu.memory_space<vmem>>[vector<16xi32>], vector<16xf32>,
          tpu.vector_store_idx %arg17[%parallel_loop3A_176], %parallel_loop3A_194 {add = true} : memref<10000xf32, #tpu.memory_space<vmem>>[vector<16xi32>], vector<16xf32>,
          %parallel_loop3A_197 = arith.constant 16 : i32
          %parallel_loop3A_198 = arith.muli %parallel_loop3A_172, %parallel_loop3A_197 : i32
          %parallel_loop3A_199 = arith.index_cast %parallel_loop3A_198 : i32 to index
          %parallel_loop3A_200 = tpu.vector_load %arg22[%parallel_loop3A_199] {strides = array<i32>} : memref<2000xf32, #tpu.memory_space<vmem>>, vector<16xf32>,
          %parallel_loop3A_201 = arith.constant 16 : i32
          %parallel_loop3A_202 = arith.muli %parallel_loop3A_172, %parallel_loop3A_201 : i32
          %parallel_loop3A_203 = arith.index_cast %parallel_loop3A_202 : i32 to index
          %parallel_loop3A_204 = tpu.vector_load %arg24[%parallel_loop3A_203] {strides = array<i32>} : memref<2000xf32, #tpu.memory_space<vmem>>, vector<16xf32>,
          %parallel_loop3A_205 = tpu.vector_load_idx %arg10[%parallel_loop3A_176] : memref<10000xf32, #tpu.memory_space<vmem>>[vector<16xi32>], vector<16xf32>,
          %parallel_loop3A_206 = tpu.vector_load_idx %arg12[%parallel_loop3A_180] : memref<10000xf32, #tpu.memory_space<vmem>>[vector<16xi32>], vector<16xf32>,
          %parallel_loop3A_207 = tpu.vector_load_idx %arg14[%parallel_loop3A_180] : memref<10000xf32, #tpu.memory_space<vmem>>[vector<16xi32>], vector<16xf32>,
          %parallel_loop3A_208 = arith.addf %parallel_loop3A_206, %parallel_loop3A_200 : vector<16xf32>
          %parallel_loop3A_209 = arith.mulf %parallel_loop3A_205, %parallel_loop3A_208 : vector<16xf32>
          %parallel_loop3A_210 = math.exp %parallel_loop3A_209 : vector<16xf32>
          %parallel_loop3A_211 = arith.addf %parallel_loop3A_207, %parallel_loop3A_204 : vector<16xf32>
          %parallel_loop3A_212 = arith.mulf %parallel_loop3A_210, %parallel_loop3A_211 : vector<16xf32>
          tpu.vector_store_idx %arg16[%parallel_loop3A_176], %parallel_loop3A_212 {add = true} : memref<10000xf32, #tpu.memory_space<vmem>>[vector<16xi32>], vector<16xf32>,
          tpu.vector_store_idx %arg18[%parallel_loop3A_176], %parallel_loop3A_210 {add = true} : memref<10000xf32, #tpu.memory_space<vmem>>[vector<16xi32>], vector<16xf32>,
        } {sc.loop_unroll_factor = 8 : i64, sc.parallel_access}
        %dma_wait3A_139 = arith.constant 0 : i32
        %dma_wait3A_140 = tpu.memref_slice %arg2[%dma_wait3A_139] : memref<320000xi32, #tpu.memory_space<hbm>> -> memref<2000xi32, #tpu.memory_space<hbm>>
        %dma_wait3A_141 = arith.constant 0 : i32
        %dma_wait3A_142 = tpu.memref_slice %arg2[%dma_wait3A_141] : memref<320000xi32, #tpu.memory_space<hbm>> -> memref<2000xi32, #tpu.memory_space<hbm>>
        tpu.wait_dma2 semaphore(%arg32 : memref<!tpu.dma_semaphore, #tpu.memory_space<semaphore_mem>>) src(%dma_wait3A_142 : memref<2000xi32, #tpu.memory_space<hbm>>) dst(%arg25 : memref<2000xi32, #tpu.memory_space<vmem>>)
        %dma_wait3A_143 = arith.constant 0 : i32
        %dma_wait3A_144 = tpu.memref_slice %arg3[%dma_wait3A_143] : memref<320000xi32, #tpu.memory_space<hbm>> -> memref<2000xi32, #tpu.memory_space<hbm>>
        %dma_wait3A_145 = arith.constant 0 : i32
        %dma_wait3A_146 = tpu.memref_slice %arg3[%dma_wait3A_145] : memref<320000xi32, #tpu.memory_space<hbm>> -> memref<2000xi32, #tpu.memory_space<hbm>>
        tpu.wait_dma2 semaphore(%arg32 : memref<!tpu.dma_semaphore, #tpu.memory_space<semaphore_mem>>) src(%dma_wait3A_146 : memref<2000xi32, #tpu.memory_space<hbm>>) dst(%arg26 : memref<2000xi32, #tpu.memory_space<vmem>>)
        %dma_wait3A_147 = arith.constant 0 : i32
        %dma_wait3A_148 = tpu.memref_slice %arg6[%dma_wait3A_147] : memref<40960000xf32, #tpu.memory_space<hbm>> -> memref<2000xf32, #tpu.memory_space<hbm>>
        %dma_wait3A_149 = arith.constant 0 : i32
        %dma_wait3A_150 = tpu.memref_slice %arg6[%dma_wait3A_149] : memref<40960000xf32, #tpu.memory_space<hbm>> -> memref<2000xf32, #tpu.memory_space<hbm>>
        tpu.wait_dma2 semaphore(%arg32 : memref<!tpu.dma_semaphore, #tpu.memory_space<semaphore_mem>>) src(%dma_wait3A_150 : memref<2000xf32, #tpu.memory_space<hbm>>) dst(%arg27 : memref<2000xf32, #tpu.memory_space<vmem>>)
        %dma_wait3A_151 = arith.constant 0 : i32
        %dma_wait3A_152 = tpu.memref_slice %arg7[%dma_wait3A_151] : memref<40960000xf32, #tpu.memory_space<hbm>> -> memref<2000xf32, #tpu.memory_space<hbm>>
        %dma_wait3A_153 = arith.constant 0 : i32
        %dma_wait3A_154 = tpu.memref_slice %arg7[%dma_wait3A_153] : memref<40960000xf32, #tpu.memory_space<hbm>> -> memref<2000xf32, #tpu.memory_space<hbm>>
        tpu.wait_dma2 semaphore(%arg32 : memref<!tpu.dma_semaphore, #tpu.memory_space<semaphore_mem>>) src(%dma_wait3A_154 : memref<2000xf32, #tpu.memory_space<hbm>>) dst(%arg29 : memref<2000xf32, #tpu.memory_space<vmem>>)
        %dma_wait3A_155 = arith.constant 0 : i32
        %dma_wait3A_156 = tpu.memref_slice %arg6[%dma_wait3A_155] : memref<40960000xf32, #tpu.memory_space<hbm>> -> memref<2000xf32, #tpu.memory_space<hbm>>
        %dma_wait3A_157 = arith.constant 0 : i32
        %dma_wait3A_158 = tpu.memref_slice %arg6[%dma_wait3A_157] : memref<40960000xf32, #tpu.memory_space<hbm>> -> memref<2000xf32, #tpu.memory_space<hbm>>
        tpu.wait_dma2 semaphore(%arg32 : memref<!tpu.dma_semaphore, #tpu.memory_space<semaphore_mem>>) src(%dma_wait3A_158 : memref<2000xf32, #tpu.memory_space<hbm>>) dst(%arg28 : memref<2000xf32, #tpu.memory_space<vmem>>)
        %dma_wait3A_159 = arith.constant 0 : i32
        %dma_wait3A_160 = tpu.memref_slice %arg7[%dma_wait3A_159] : memref<40960000xf32, #tpu.memory_space<hbm>> -> memref<2000xf32, #tpu.memory_space<hbm>>
        %dma_wait3A_161 = arith.constant 0 : i32
        %dma_wait3A_162 = tpu.memref_slice %arg7[%dma_wait3A_161] : memref<40960000xf32, #tpu.memory_space<hbm>> -> memref<2000xf32, #tpu.memory_space<hbm>>
        tpu.wait_dma2 semaphore(%arg32 : memref<!tpu.dma_semaphore, #tpu.memory_space<semaphore_mem>>) src(%dma_wait3A_162 : memref<2000xf32, #tpu.memory_space<hbm>>) dst(%arg30 : memref<2000xf32, #tpu.memory_space<vmem>>)
        %mul3A_163 = arith.constant 2 : i32
        %mul3A_164 = arith.muli %mul3A_163, %scan3A_80 : i32
        %add3A_165 = arith.constant 2 : i32
        %add3A_166 = arith.addi %mul3A_164, %add3A_165 : i32
        %lt3A = arith.constant 160 : i32
        %lt3A_167 = arith.cmpi slt, %add3A_166, %lt3A : i32
        %convert_element_type3A = arith.extui %lt3A_167 : i1 to i32
        %cond3A = arith.constant 0 : i32
        %cond3A_168 = arith.cmpi ne, %convert_element_type3A, %cond3A : i32
        scf.if %cond3A_168 {
          %mul3A_172 = arith.constant 2 : i32
          %mul3A_173 = arith.muli %mul3A_172, %scan3A_80 : i32
          %add3A_174 = arith.constant 2 : i32
          %add3A_175 = arith.addi %mul3A_173, %add3A_174 : i32
          %mul3A_176 = arith.constant 2000 : i32
          %mul3A_177 = arith.muli %add3A_175, %mul3A_176 : i32
          %dma_start3A_178 = tpu.memref_slice %arg2[%mul3A_177] : memref<320000xi32, #tpu.memory_space<hbm>> -> memref<2000xi32, #tpu.memory_space<hbm>>
          %dma_start3A_179 = tpu.memref_slice %arg2[%mul3A_177] : memref<320000xi32, #tpu.memory_space<hbm>> -> memref<2000xi32, #tpu.memory_space<hbm>>
          tpu.enqueue_dma source(%dma_start3A_179 : memref<2000xi32, #tpu.memory_space<hbm>>) target(%arg19 : memref<2000xi32, #tpu.memory_space<vmem>>) target_semaphore(%arg31 : memref<!tpu.dma_semaphore, #tpu.memory_space<semaphore_mem>>)
          %dma_start3A_180 = tpu.memref_slice %arg3[%mul3A_177] : memref<320000xi32, #tpu.memory_space<hbm>> -> memref<2000xi32, #tpu.memory_space<hbm>>
          %dma_start3A_181 = tpu.memref_slice %arg3[%mul3A_177] : memref<320000xi32, #tpu.memory_space<hbm>> -> memref<2000xi32, #tpu.memory_space<hbm>>
          tpu.enqueue_dma source(%dma_start3A_181 : memref<2000xi32, #tpu.memory_space<hbm>>) target(%arg20 : memref<2000xi32, #tpu.memory_space<vmem>>) target_semaphore(%arg31 : memref<!tpu.dma_semaphore, #tpu.memory_space<semaphore_mem>>)
          %mul3A_182 = arith.constant 2 : i32
          %mul3A_183 = arith.muli %mul3A_182, %add3A_10 : i32
          %add3A_184 = arith.constant 0 : i32
          %add3A_185 = arith.addi %mul3A_183, %add3A_184 : i32
          %mul3A_186 = arith.constant 320000 : i32
          %mul3A_187 = arith.muli %add3A_185, %mul3A_186 : i32
          %add3A_188 = arith.addi %mul3A_187, %mul3A_177 : i32
          %dma_start3A_189 = tpu.memref_slice %arg6[%add3A_188] : memref<40960000xf32, #tpu.memory_space<hbm>> -> memref<2000xf32, #tpu.memory_space<hbm>>
          %dma_start3A_190 = tpu.memref_slice %arg6[%add3A_188] : memref<40960000xf32, #tpu.memory_space<hbm>> -> memref<2000xf32, #tpu.memory_space<hbm>>
          tpu.enqueue_dma source(%dma_start3A_190 : memref<2000xf32, #tpu.memory_space<hbm>>) target(%arg21 : memref<2000xf32, #tpu.memory_space<vmem>>) target_semaphore(%arg31 : memref<!tpu.dma_semaphore, #tpu.memory_space<semaphore_mem>>)
          %dma_start3A_191 = tpu.memref_slice %arg7[%add3A_188] : memref<40960000xf32, #tpu.memory_space<hbm>> -> memref<2000xf32, #tpu.memory_space<hbm>>
          %dma_start3A_192 = tpu.memref_slice %arg7[%add3A_188] : memref<40960000xf32, #tpu.memory_space<hbm>> -> memref<2000xf32, #tpu.memory_space<hbm>>
          tpu.enqueue_dma source(%dma_start3A_192 : memref<2000xf32, #tpu.memory_space<hbm>>) target(%arg23 : memref<2000xf32, #tpu.memory_space<vmem>>) target_semaphore(%arg31 : memref<!tpu.dma_semaphore, #tpu.memory_space<semaphore_mem>>)
          %mul3A_193 = arith.constant 2 : i32
          %mul3A_194 = arith.muli %mul3A_193, %add3A_10 : i32
          %add3A_195 = arith.constant 1 : i32
          %add3A_196 = arith.addi %mul3A_194, %add3A_195 : i32
          %mul3A_197 = arith.constant 320000 : i32
          %mul3A_198 = arith.muli %add3A_196, %mul3A_197 : i32
          %add3A_199 = arith.addi %mul3A_198, %mul3A_177 : i32
          %dma_start3A_200 = tpu.memref_slice %arg6[%add3A_199] : memref<40960000xf32, #tpu.memory_space<hbm>> -> memref<2000xf32, #tpu.memory_space<hbm>>
          %dma_start3A_201 = tpu.memref_slice %arg6[%add3A_199] : memref<40960000xf32, #tpu.memory_space<hbm>> -> memref<2000xf32, #tpu.memory_space<hbm>>
          tpu.enqueue_dma source(%dma_start3A_201 : memref<2000xf32, #tpu.memory_space<hbm>>) target(%arg22 : memref<2000xf32, #tpu.memory_space<vmem>>) target_semaphore(%arg31 : memref<!tpu.dma_semaphore, #tpu.memory_space<semaphore_mem>>)
          %dma_start3A_202 = tpu.memref_slice %arg7[%add3A_199] : memref<40960000xf32, #tpu.memory_space<hbm>> -> memref<2000xf32, #tpu.memory_space<hbm>>
          %dma_start3A_203 = tpu.memref_slice %arg7[%add3A_199] : memref<40960000xf32, #tpu.memory_space<hbm>> -> memref<2000xf32, #tpu.memory_space<hbm>>
          tpu.enqueue_dma source(%dma_start3A_203 : memref<2000xf32, #tpu.memory_space<hbm>>) target(%arg24 : memref<2000xf32, #tpu.memory_space<vmem>>) target_semaphore(%arg31 : memref<!tpu.dma_semaphore, #tpu.memory_space<semaphore_mem>>)
        } else {
        }
        %parallel_loop3A_169 = arith.constant 0 : i32
        %parallel_loop3A_170 = arith.constant 125 : i32
        %parallel_loop3A_171 = arith.constant 1 : i32
        scf.for %parallel_loop3A_172 = %parallel_loop3A_169 to %parallel_loop3A_170 step %parallel_loop3A_171  : i32 {
          %parallel_loop3A_173 = arith.constant 16 : i32
          %parallel_loop3A_174 = arith.muli %parallel_loop3A_172, %parallel_loop3A_173 : i32
          %parallel_loop3A_175 = arith.index_cast %parallel_loop3A_174 : i32 to index
          %parallel_loop3A_176 = tpu.vector_load %arg25[%parallel_loop3A_175] {strides = array<i32>} : memref<2000xi32, #tpu.memory_space<vmem>>, vector<16xi32>,
          %parallel_loop3A_177 = arith.constant 16 : i32
          %parallel_loop3A_178 = arith.muli %parallel_loop3A_172, %parallel_loop3A_177 : i32
          %parallel_loop3A_179 = arith.index_cast %parallel_loop3A_178 : i32 to index
          %parallel_loop3A_180 = tpu.vector_load %arg26[%parallel_loop3A_179] {strides = array<i32>} : memref<2000xi32, #tpu.memory_space<vmem>>, vector<16xi32>,
          %parallel_loop3A_181 = arith.constant 16 : i32
          %parallel_loop3A_182 = arith.muli %parallel_loop3A_172, %parallel_loop3A_181 : i32
          %parallel_loop3A_183 = arith.index_cast %parallel_loop3A_182 : i32 to index
          %parallel_loop3A_184 = tpu.vector_load %arg27[%parallel_loop3A_183] {strides = array<i32>} : memref<2000xf32, #tpu.memory_space<vmem>>, vector<16xf32>,
          %parallel_loop3A_185 = arith.constant 16 : i32
          %parallel_loop3A_186 = arith.muli %parallel_loop3A_172, %parallel_loop3A_185 : i32
          %parallel_loop3A_187 = arith.index_cast %parallel_loop3A_186 : i32 to index
          %parallel_loop3A_188 = tpu.vector_load %arg29[%parallel_loop3A_187] {strides = array<i32>} : memref<2000xf32, #tpu.memory_space<vmem>>, vector<16xf32>,
          %parallel_loop3A_189 = tpu.vector_load_idx %arg9[%parallel_loop3A_176] : memref<10000xf32, #tpu.memory_space<vmem>>[vector<16xi32>], vector<16xf32>,
          %parallel_loop3A_190 = tpu.vector_load_idx %arg11[%parallel_loop3A_180] : memref<10000xf32, #tpu.memory_space<vmem>>[vector<16xi32>], vector<16xf32>,
          %parallel_loop3A_191 = tpu.vector_load_idx %arg13[%parallel_loop3A_180] : memref<10000xf32, #tpu.memory_space<vmem>>[vector<16xi32>], vector<16xf32>,
          %parallel_loop3A_192 = arith.addf %parallel_loop3A_190, %parallel_loop3A_184 : vector<16xf32>
          %parallel_loop3A_193 = arith.mulf %parallel_loop3A_189, %parallel_loop3A_192 : vector<16xf32>
          %parallel_loop3A_194 = math.exp %parallel_loop3A_193 : vector<16xf32>
          %parallel_loop3A_195 = arith.addf %parallel_loop3A_191, %parallel_loop3A_188 : vector<16xf32>
          %parallel_loop3A_196 = arith.mulf %parallel_loop3A_194, %parallel_loop3A_195 : vector<16xf32>
          tpu.vector_store_idx %arg15[%parallel_loop3A_176], %parallel_loop3A_196 {add = true} : memref<10000xf32, #tpu.memory_space<vmem>>[vector<16xi32>], vector<16xf32>,
          tpu.vector_store_idx %arg17[%parallel_loop3A_176], %parallel_loop3A_194 {add = true} : memref<10000xf32, #tpu.memory_space<vmem>>[vector<16xi32>], vector<16xf32>,
          %parallel_loop3A_197 = arith.constant 16 : i32
          %parallel_loop3A_198 = arith.muli %parallel_loop3A_172, %parallel_loop3A_197 : i32
          %parallel_loop3A_199 = arith.index_cast %parallel_loop3A_198 : i32 to index
          %parallel_loop3A_200 = tpu.vector_load %arg28[%parallel_loop3A_199] {strides = array<i32>} : memref<2000xf32, #tpu.memory_space<vmem>>, vector<16xf32>,
          %parallel_loop3A_201 = arith.constant 16 : i32
          %parallel_loop3A_202 = arith.muli %parallel_loop3A_172, %parallel_loop3A_201 : i32
          %parallel_loop3A_203 = arith.index_cast %parallel_loop3A_202 : i32 to index
          %parallel_loop3A_204 = tpu.vector_load %arg30[%parallel_loop3A_203] {strides = array<i32>} : memref<2000xf32, #tpu.memory_space<vmem>>, vector<16xf32>,
          %parallel_loop3A_205 = tpu.vector_load_idx %arg10[%parallel_loop3A_176] : memref<10000xf32, #tpu.memory_space<vmem>>[vector<16xi32>], vector<16xf32>,
          %parallel_loop3A_206 = tpu.vector_load_idx %arg12[%parallel_loop3A_180] : memref<10000xf32, #tpu.memory_space<vmem>>[vector<16xi32>], vector<16xf32>,
          %parallel_loop3A_207 = tpu.vector_load_idx %arg14[%parallel_loop3A_180] : memref<10000xf32, #tpu.memory_space<vmem>>[vector<16xi32>], vector<16xf32>,
          %parallel_loop3A_208 = arith.addf %parallel_loop3A_206, %parallel_loop3A_200 : vector<16xf32>
          %parallel_loop3A_209 = arith.mulf %parallel_loop3A_205, %parallel_loop3A_208 : vector<16xf32>
          %parallel_loop3A_210 = math.exp %parallel_loop3A_209 : vector<16xf32>
          %parallel_loop3A_211 = arith.addf %parallel_loop3A_207, %parallel_loop3A_204 : vector<16xf32>
          %parallel_loop3A_212 = arith.mulf %parallel_loop3A_210, %parallel_loop3A_211 : vector<16xf32>
          tpu.vector_store_idx %arg16[%parallel_loop3A_176], %parallel_loop3A_212 {add = true} : memref<10000xf32, #tpu.memory_space<vmem>>[vector<16xi32>], vector<16xf32>,
          tpu.vector_store_idx %arg18[%parallel_loop3A_176], %parallel_loop3A_210 {add = true} : memref<10000xf32, #tpu.memory_space<vmem>>[vector<16xi32>], vector<16xf32>,
        } {sc.loop_unroll_factor = 8 : i64, sc.parallel_access}
      }
      %scan3A_67 = arith.constant 80 : i32
      %add3A_68 = arith.constant 0 : i32
      %add3A_69 = arith.addi %mul3A_12, %add3A_68 : i32
      "tpu.region"() ({
        %run_scoped3A = tpu.sem_alloc : memref<!tpu.dma_semaphore, #tpu.memory_space<semaphore_mem>>
        %dma_start3A_80 = arith.constant 0 : i32
        %dma_start3A_81 = tpu.memref_slice %arg8[%add3A_69, %dma_start3A_80] : memref<256x10000xf32, #tpu.memory_space<hbm>> -> memref<1x10000xf32, #tpu.memory_space<hbm>>
        %dma_start3A_82 = tpu.memref_squeeze %dma_start3A_81 : memref<1x10000xf32, #tpu.memory_space<hbm>> -> memref<10000xf32, #tpu.memory_space<hbm>>
        %dma_start3A_83 = arith.constant 0 : i32
        %dma_start3A_84 = tpu.memref_slice %arg8[%add3A_69, %dma_start3A_83] : memref<256x10000xf32, #tpu.memory_space<hbm>> -> memref<1x10000xf32, #tpu.memory_space<hbm>>
        %dma_start3A_85 = tpu.memref_squeeze %dma_start3A_84 : memref<1x10000xf32, #tpu.memory_space<hbm>> -> memref<10000xf32, #tpu.memory_space<hbm>>
        tpu.enqueue_dma source(%arg15 : memref<10000xf32, #tpu.memory_space<vmem>>) target(%dma_start3A_85 : memref<10000xf32, #tpu.memory_space<hbm>>) target_semaphore(%run_scoped3A : memref<!tpu.dma_semaphore, #tpu.memory_space<semaphore_mem>>)
        %dma_wait3A = arith.constant 0 : i32
        %dma_wait3A_86 = tpu.memref_slice %arg8[%add3A_69, %dma_wait3A] : memref<256x10000xf32, #tpu.memory_space<hbm>> -> memref<1x10000xf32, #tpu.memory_space<hbm>>
        %dma_wait3A_87 = tpu.memref_squeeze %dma_wait3A_86 : memref<1x10000xf32, #tpu.memory_space<hbm>> -> memref<10000xf32, #tpu.memory_space<hbm>>
        %dma_wait3A_88 = arith.constant 0 : i32
        %dma_wait3A_89 = tpu.memref_slice %arg8[%add3A_69, %dma_wait3A_88] : memref<256x10000xf32, #tpu.memory_space<hbm>> -> memref<1x10000xf32, #tpu.memory_space<hbm>>
        %dma_wait3A_90 = tpu.memref_squeeze %dma_wait3A_89 : memref<1x10000xf32, #tpu.memory_space<hbm>> -> memref<10000xf32, #tpu.memory_space<hbm>>
        tpu.wait_dma2 semaphore(%run_scoped3A : memref<!tpu.dma_semaphore, #tpu.memory_space<semaphore_mem>>) src(%arg15 : memref<10000xf32, #tpu.memory_space<vmem>>) dst(%dma_wait3A_90 : memref<10000xf32, #tpu.memory_space<hbm>>)
        tpu.yield
      }) : () -> ()
      %add3A_70 = arith.constant 128 : i32
      %add3A_71 = arith.addi %add3A_70, %mul3A_12 : i32
      %add3A_72 = arith.constant 0 : i32
      %add3A_73 = arith.addi %add3A_71, %add3A_72 : i32
      "tpu.region"() ({
        %run_scoped3A = tpu.sem_alloc : memref<!tpu.dma_semaphore, #tpu.memory_space<semaphore_mem>>
        %dma_start3A_80 = arith.constant 0 : i32
        %dma_start3A_81 = tpu.memref_slice %arg8[%add3A_73, %dma_start3A_80] : memref<256x10000xf32, #tpu.memory_space<hbm>> -> memref<1x10000xf32, #tpu.memory_space<hbm>>
        %dma_start3A_82 = tpu.memref_squeeze %dma_start3A_81 : memref<1x10000xf32, #tpu.memory_space<hbm>> -> memref<10000xf32, #tpu.memory_space<hbm>>
        %dma_start3A_83 = arith.constant 0 : i32
        %dma_start3A_84 = tpu.memref_slice %arg8[%add3A_73, %dma_start3A_83] : memref<256x10000xf32, #tpu.memory_space<hbm>> -> memref<1x10000xf32, #tpu.memory_space<hbm>>
        %dma_start3A_85 = tpu.memref_squeeze %dma_start3A_84 : memref<1x10000xf32, #tpu.memory_space<hbm>> -> memref<10000xf32, #tpu.memory_space<hbm>>
        tpu.enqueue_dma source(%arg17 : memref<10000xf32, #tpu.memory_space<vmem>>) target(%dma_start3A_85 : memref<10000xf32, #tpu.memory_space<hbm>>) target_semaphore(%run_scoped3A : memref<!tpu.dma_semaphore, #tpu.memory_space<semaphore_mem>>)
        %dma_wait3A = arith.constant 0 : i32
        %dma_wait3A_86 = tpu.memref_slice %arg8[%add3A_73, %dma_wait3A] : memref<256x10000xf32, #tpu.memory_space<hbm>> -> memref<1x10000xf32, #tpu.memory_space<hbm>>
        %dma_wait3A_87 = tpu.memref_squeeze %dma_wait3A_86 : memref<1x10000xf32, #tpu.memory_space<hbm>> -> memref<10000xf32, #tpu.memory_space<hbm>>
        %dma_wait3A_88 = arith.constant 0 : i32
        %dma_wait3A_89 = tpu.memref_slice %arg8[%add3A_73, %dma_wait3A_88] : memref<256x10000xf32, #tpu.memory_space<hbm>> -> memref<1x10000xf32, #tpu.memory_space<hbm>>
        %dma_wait3A_90 = tpu.memref_squeeze %dma_wait3A_89 : memref<1x10000xf32, #tpu.memory_space<hbm>> -> memref<10000xf32, #tpu.memory_space<hbm>>
        tpu.wait_dma2 semaphore(%run_scoped3A : memref<!tpu.dma_semaphore, #tpu.memory_space<semaphore_mem>>) src(%arg17 : memref<10000xf32, #tpu.memory_space<vmem>>) dst(%dma_wait3A_90 : memref<10000xf32, #tpu.memory_space<hbm>>)
        tpu.yield
      }) : () -> ()
      %add3A_74 = arith.constant 1 : i32
      %add3A_75 = arith.addi %mul3A_12, %add3A_74 : i32
      "tpu.region"() ({
        %run_scoped3A = tpu.sem_alloc : memref<!tpu.dma_semaphore, #tpu.memory_space<semaphore_mem>>
        %dma_start3A_80 = arith.constant 0 : i32
        %dma_start3A_81 = tpu.memref_slice %arg8[%add3A_75, %dma_start3A_80] : memref<256x10000xf32, #tpu.memory_space<hbm>> -> memref<1x10000xf32, #tpu.memory_space<hbm>>
        %dma_start3A_82 = tpu.memref_squeeze %dma_start3A_81 : memref<1x10000xf32, #tpu.memory_space<hbm>> -> memref<10000xf32, #tpu.memory_space<hbm>>
        %dma_start3A_83 = arith.constant 0 : i32
        %dma_start3A_84 = tpu.memref_slice %arg8[%add3A_75, %dma_start3A_83] : memref<256x10000xf32, #tpu.memory_space<hbm>> -> memref<1x10000xf32, #tpu.memory_space<hbm>>
        %dma_start3A_85 = tpu.memref_squeeze %dma_start3A_84 : memref<1x10000xf32, #tpu.memory_space<hbm>> -> memref<10000xf32, #tpu.memory_space<hbm>>
        tpu.enqueue_dma source(%arg16 : memref<10000xf32, #tpu.memory_space<vmem>>) target(%dma_start3A_85 : memref<10000xf32, #tpu.memory_space<hbm>>) target_semaphore(%run_scoped3A : memref<!tpu.dma_semaphore, #tpu.memory_space<semaphore_mem>>)
        %dma_wait3A = arith.constant 0 : i32
        %dma_wait3A_86 = tpu.memref_slice %arg8[%add3A_75, %dma_wait3A] : memref<256x10000xf32, #tpu.memory_space<hbm>> -> memref<1x10000xf32, #tpu.memory_space<hbm>>
        %dma_wait3A_87 = tpu.memref_squeeze %dma_wait3A_86 : memref<1x10000xf32, #tpu.memory_space<hbm>> -> memref<10000xf32, #tpu.memory_space<hbm>>
        %dma_wait3A_88 = arith.constant 0 : i32
        %dma_wait3A_89 = tpu.memref_slice %arg8[%add3A_75, %dma_wait3A_88] : memref<256x10000xf32, #tpu.memory_space<hbm>> -> memref<1x10000xf32, #tpu.memory_space<hbm>>
        %dma_wait3A_90 = tpu.memref_squeeze %dma_wait3A_89 : memref<1x10000xf32, #tpu.memory_space<hbm>> -> memref<10000xf32, #tpu.memory_space<hbm>>
        tpu.wait_dma2 semaphore(%run_scoped3A : memref<!tpu.dma_semaphore, #tpu.memory_space<semaphore_mem>>) src(%arg16 : memref<10000xf32, #tpu.memory_space<vmem>>) dst(%dma_wait3A_90 : memref<10000xf32, #tpu.memory_space<hbm>>)
        tpu.yield
      }) : () -> ()
      %add3A_76 = arith.constant 128 : i32
      %add3A_77 = arith.addi %add3A_76, %mul3A_12 : i32
      %add3A_78 = arith.constant 1 : i32
      %add3A_79 = arith.addi %add3A_77, %add3A_78 : i32
      "tpu.region"() ({
        %run_scoped3A = tpu.sem_alloc : memref<!tpu.dma_semaphore, #tpu.memory_space<semaphore_mem>>
        %dma_start3A_80 = arith.constant 0 : i32
        %dma_start3A_81 = tpu.memref_slice %arg8[%add3A_79, %dma_start3A_80] : memref<256x10000xf32, #tpu.memory_space<hbm>> -> memref<1x10000xf32, #tpu.memory_space<hbm>>
        %dma_start3A_82 = tpu.memref_squeeze %dma_start3A_81 : memref<1x10000xf32, #tpu.memory_space<hbm>> -> memref<10000xf32, #tpu.memory_space<hbm>>
        %dma_start3A_83 = arith.constant 0 : i32
        %dma_start3A_84 = tpu.memref_slice %arg8[%add3A_79, %dma_start3A_83] : memref<256x10000xf32, #tpu.memory_space<hbm>> -> memref<1x10000xf32, #tpu.memory_space<hbm>>
        %dma_start3A_85 = tpu.memref_squeeze %dma_start3A_84 : memref<1x10000xf32, #tpu.memory_space<hbm>> -> memref<10000xf32, #tpu.memory_space<hbm>>
        tpu.enqueue_dma source(%arg18 : memref<10000xf32, #tpu.memory_space<vmem>>) target(%dma_start3A_85 : memref<10000xf32, #tpu.memory_space<hbm>>) target_semaphore(%run_scoped3A : memref<!tpu.dma_semaphore, #tpu.memory_space<semaphore_mem>>)
        %dma_wait3A = arith.constant 0 : i32
        %dma_wait3A_86 = tpu.memref_slice %arg8[%add3A_79, %dma_wait3A] : memref<256x10000xf32, #tpu.memory_space<hbm>> -> memref<1x10000xf32, #tpu.memory_space<hbm>>
        %dma_wait3A_87 = tpu.memref_squeeze %dma_wait3A_86 : memref<1x10000xf32, #tpu.memory_space<hbm>> -> memref<10000xf32, #tpu.memory_space<hbm>>
        %dma_wait3A_88 = arith.constant 0 : i32
        %dma_wait3A_89 = tpu.memref_slice %arg8[%add3A_79, %dma_wait3A_88] : memref<256x10000xf32, #tpu.memory_space<hbm>> -> memref<1x10000xf32, #tpu.memory_space<hbm>>
        %dma_wait3A_90 = tpu.memref_squeeze %dma_wait3A_89 : memref<1x10000xf32, #tpu.memory_space<hbm>> -> memref<10000xf32, #tpu.memory_space<hbm>>
        tpu.wait_dma2 semaphore(%run_scoped3A : memref<!tpu.dma_semaphore, #tpu.memory_space<semaphore_mem>>) src(%arg18 : memref<10000xf32, #tpu.memory_space<vmem>>) dst(%dma_wait3A_90 : memref<10000xf32, #tpu.memory_space<hbm>>)
        tpu.yield
      }) : () -> ()
    }
    %scan3A_6 = arith.constant 2 : i32
    return
  }
}

module attributes {stable_mosaic.version = 14 : i64} {
  func.func @_edge_proj_body(%arg0: i32, %arg1: memref<2560x128xf32, #tpu.memory_space<vmem>>, %arg2: memref<128x256xf32, #tpu.memory_space<vmem>>, %arg3: memref<256x1xf32, #tpu.memory_space<vmem>>, %arg4: memref<256x2560xf32, #tpu.memory_space<vmem>>) attributes {dimension_semantics = [#tpu.dimension_semantics<arbitrary>], iteration_bounds = array<i64: 125>, scalar_prefetch = 0 : i64, scratch_operands = 0 : i64, tpu.core_type = #tpu.core_type<tc>, window_params = [{transform_indices = @transform_0, window_bounds = array<i64: 2560, 128>}, {pipeline_mode = #tpu.pipeline_mode<synchronous>, transform_indices = @transform_1, window_bounds = array<i64: 128, 256>}, {pipeline_mode = #tpu.pipeline_mode<synchronous>, transform_indices = @transform_2, window_bounds = array<i64: 256, 1>}, {transform_indices = @transform_3, window_bounds = array<i64: 256, 2560>}]} {
    %get3A = arith.constant 0 : index
    %get3A_0 = arith.constant 0 : index
    %get3A_1 = vector.load %arg2[%get3A, %get3A_0] : memref<128x256xf32, #tpu.memory_space<vmem>>, vector<128x256xf32>
    %get3A_2 = arith.constant 0 : index
    %get3A_3 = arith.constant 0 : index
    %get3A_4 = vector.load %arg1[%get3A_2, %get3A_3] : memref<2560x128xf32, #tpu.memory_space<vmem>>, vector<2560x128xf32>
    %dot_general3A = arith.constant dense<0.000000e+00> : vector<256x2560xf32>
    %dot_general3A_5 = tpu.matmul %get3A_1, %get3A_4, %dot_general3A {dimension_numbers = #tpu.dot_dimension_numbers<[0], [1], [1], [0], [0, 1, 1, 0], [], []>, transpose_lhs_hint = false} : vector<128x256xf32>, vector<2560x128xf32>, vector<256x2560xf32> -> vector<256x2560xf32>
    %get3A_6 = arith.constant 0 : index
    %get3A_7 = arith.constant 0 : index
    %get3A_8 = vector.load %arg3[%get3A_6, %get3A_7] : memref<256x1xf32, #tpu.memory_space<vmem>>, vector<256x1xf32>
    %add3A = vector.broadcast %get3A_8 : vector<256x1xf32> to vector<256x2560xf32>
    %add3A_9 = arith.addf %dot_general3A_5, %add3A : vector<256x2560xf32>
    %swap3A = arith.constant 0 : index
    %swap3A_10 = arith.constant 0 : index
    %swap3A_11 = vector.load %arg4[%swap3A, %swap3A_10] : memref<256x2560xf32, #tpu.memory_space<vmem>>, vector<256x2560xf32>
    tpu.vector_store %arg4[%swap3A, %swap3A_10], %add3A_9 {strides = array<i32>} : memref<256x2560xf32, #tpu.memory_space<vmem>>, vector<256x2560xf32>,
    return
  }
  func.func @transform_0(%arg0: i32) -> (i32, i32) {
    %c0_i32 = arith.constant 0 : i32
    %c0_i32_0 = arith.constant 0 : i32
    return %arg0, %c0_i32 : i32, i32
  }
  func.func @transform_1(%arg0: i32) -> (i32, i32) {
    %c0_i32 = arith.constant 0 : i32
    %c0_i32_0 = arith.constant 0 : i32
    %c0_i32_1 = arith.constant 0 : i32
    return %c0_i32, %c0_i32_0 : i32, i32
  }
  func.func @transform_2(%arg0: i32) -> (i32, i32) {
    %c0_i32 = arith.constant 0 : i32
    %c0_i32_0 = arith.constant 0 : i32
    %c0_i32_1 = arith.constant 0 : i32
    return %c0_i32, %c0_i32_0 : i32, i32
  }
  func.func @transform_3(%arg0: i32) -> (i32, i32) {
    %c0_i32 = arith.constant 0 : i32
    %c0_i32_0 = arith.constant 0 : i32
    return %c0_i32, %arg0 : i32, i32
  }
}

module attributes {stable_mosaic.version = 14 : i64} {
  func.func @_node_pre_body(%arg0: i32, %arg1: memref<10000x128xf32, #tpu.memory_space<vmem>>, %arg2: memref<128x384xf32, #tpu.memory_space<vmem>>, %arg3: memref<384x1xf32, #tpu.memory_space<vmem>>, %arg4: memref<128x10000xf32, #tpu.memory_space<vmem>>, %arg5: memref<256x10000xf32, #tpu.memory_space<vmem>>) attributes {dimension_semantics = [#tpu.dimension_semantics<arbitrary>], iteration_bounds = array<i64: 1>, scalar_prefetch = 0 : i64, scratch_operands = 0 : i64, tpu.core_type = #tpu.core_type<tc>, window_params = [{pipeline_mode = #tpu.pipeline_mode<synchronous>, transform_indices = @transform_0, window_bounds = array<i64: 10000, 128>}, {pipeline_mode = #tpu.pipeline_mode<synchronous>, transform_indices = @transform_1, window_bounds = array<i64: 128, 384>}, {pipeline_mode = #tpu.pipeline_mode<synchronous>, transform_indices = @transform_2, window_bounds = array<i64: 384, 1>}, {pipeline_mode = #tpu.pipeline_mode<synchronous>, transform_indices = @transform_3, window_bounds = array<i64: 128, 10000>}, {pipeline_mode = #tpu.pipeline_mode<synchronous>, transform_indices = @transform_4, window_bounds = array<i64: 256, 10000>}]} {
    %get3A = arith.constant 0 : index
    %get3A_0 = arith.constant 0 : index
    %get3A_1 = vector.load %arg2[%get3A, %get3A_0] : memref<128x384xf32, #tpu.memory_space<vmem>>, vector<128x384xf32>
    %get3A_2 = arith.constant 0 : index
    %get3A_3 = arith.constant 0 : index
    %get3A_4 = vector.load %arg1[%get3A_2, %get3A_3] : memref<10000x128xf32, #tpu.memory_space<vmem>>, vector<10000x128xf32>
    %dot_general3A = arith.constant dense<0.000000e+00> : vector<384x10000xf32>
    %dot_general3A_5 = tpu.matmul %get3A_1, %get3A_4, %dot_general3A {dimension_numbers = #tpu.dot_dimension_numbers<[0], [1], [1], [0], [0, 1, 1, 0], [], []>, transpose_lhs_hint = false} : vector<128x384xf32>, vector<10000x128xf32>, vector<384x10000xf32> -> vector<384x10000xf32>
    %get3A_6 = arith.constant 0 : index
    %get3A_7 = arith.constant 0 : index
    %get3A_8 = vector.load %arg3[%get3A_6, %get3A_7] : memref<384x1xf32, #tpu.memory_space<vmem>>, vector<384x1xf32>
    %add3A = vector.broadcast %get3A_8 : vector<384x1xf32> to vector<384x10000xf32>
    %add3A_9 = arith.addf %dot_general3A_5, %add3A : vector<384x10000xf32>
    %slice3A = vector.extract_strided_slice %add3A_9 {offsets = [0, 0], sizes = [128, 10000], strides = [1, 1]} : vector<384x10000xf32> to vector<128x10000xf32>
    %swap3A = arith.constant 0 : index
    %swap3A_10 = arith.constant 0 : index
    %swap3A_11 = vector.load %arg4[%swap3A, %swap3A_10] : memref<128x10000xf32, #tpu.memory_space<vmem>>, vector<128x10000xf32>
    tpu.vector_store %arg4[%swap3A, %swap3A_10], %slice3A {strides = array<i32>} : memref<128x10000xf32, #tpu.memory_space<vmem>>, vector<128x10000xf32>,
    %slice3A_12 = vector.extract_strided_slice %add3A_9 {offsets = [128, 0], sizes = [256, 10000], strides = [1, 1]} : vector<384x10000xf32> to vector<256x10000xf32>
    %swap3A_13 = arith.constant 0 : index
    %swap3A_14 = arith.constant 0 : index
    %swap3A_15 = vector.load %arg5[%swap3A_13, %swap3A_14] : memref<256x10000xf32, #tpu.memory_space<vmem>>, vector<256x10000xf32>
    tpu.vector_store %arg5[%swap3A_13, %swap3A_14], %slice3A_12 {strides = array<i32>} : memref<256x10000xf32, #tpu.memory_space<vmem>>, vector<256x10000xf32>,
    return
  }
  func.func @transform_0(%arg0: i32) -> (i32, i32) {
    %c0_i32 = arith.constant 0 : i32
    %c0_i32_0 = arith.constant 0 : i32
    %c0_i32_1 = arith.constant 0 : i32
    return %c0_i32, %c0_i32_0 : i32, i32
  }
  func.func @transform_1(%arg0: i32) -> (i32, i32) {
    %c0_i32 = arith.constant 0 : i32
    %c0_i32_0 = arith.constant 0 : i32
    %c0_i32_1 = arith.constant 0 : i32
    return %c0_i32, %c0_i32_0 : i32, i32
  }
  func.func @transform_2(%arg0: i32) -> (i32, i32) {
    %c0_i32 = arith.constant 0 : i32
    %c0_i32_0 = arith.constant 0 : i32
    %c0_i32_1 = arith.constant 0 : i32
    return %c0_i32, %c0_i32_0 : i32, i32
  }
  func.func @transform_3(%arg0: i32) -> (i32, i32) {
    %c0_i32 = arith.constant 0 : i32
    %c0_i32_0 = arith.constant 0 : i32
    %c0_i32_1 = arith.constant 0 : i32
    return %c0_i32, %c0_i32_0 : i32, i32
  }
  func.func @transform_4(%arg0: i32) -> (i32, i32) {
    %c0_i32 = arith.constant 0 : i32
    %c0_i32_0 = arith.constant 0 : i32
    %c0_i32_1 = arith.constant 0 : i32
    return %c0_i32, %c0_i32_0 : i32, i32
  }
}

module attributes {stable_mosaic.version = 14 : i64} {
  func.func @_node_mid_body(%arg0: i32, %arg1: memref<256x10000xf32, #tpu.memory_space<vmem>>, %arg2: memref<10000x128xf32, #tpu.memory_space<vmem>>, %arg3: memref<256x128xf32, #tpu.memory_space<vmem>>, %arg4: memref<1x128xf32, #tpu.memory_space<vmem>>, %arg5: memref<1x128xf32, #tpu.memory_space<vmem>>, %arg6: memref<1x128xf32, #tpu.memory_space<vmem>>, %arg7: memref<256x128xf32, #tpu.memory_space<vmem>>, %arg8: memref<128x1xf32, #tpu.memory_space<vmem>>, %arg9: memref<256x256xf32, #tpu.memory_space<vmem>>, %arg10: memref<10000x128xf32, #tpu.memory_space<vmem>>, %arg11: memref<128x10000xf32, #tpu.memory_space<vmem>>, %arg12: memref<256x10000xf32, #tpu.memory_space<vmem>>) attributes {dimension_semantics = [#tpu.dimension_semantics<arbitrary>], iteration_bounds = array<i64: 1>, scalar_prefetch = 0 : i64, scratch_operands = 0 : i64, tpu.core_type = #tpu.core_type<tc>, window_params = [{pipeline_mode = #tpu.pipeline_mode<synchronous>, transform_indices = @transform_0, window_bounds = array<i64: 256, 10000>}, {pipeline_mode = #tpu.pipeline_mode<synchronous>, transform_indices = @transform_1, window_bounds = array<i64: 10000, 128>}, {pipeline_mode = #tpu.pipeline_mode<synchronous>, transform_indices = @transform_2, window_bounds = array<i64: 256, 128>}, {pipeline_mode = #tpu.pipeline_mode<synchronous>, transform_indices = @transform_3, window_bounds = array<i64: 1, 128>}, {pipeline_mode = #tpu.pipeline_mode<synchronous>, transform_indices = @transform_4, window_bounds = array<i64: 1, 128>}, {pipeline_mode = #tpu.pipeline_mode<synchronous>, transform_indices = @transform_5, window_bounds = array<i64: 1, 128>}, {pipeline_mode = #tpu.pipeline_mode<synchronous>, transform_indices = @transform_6, window_bounds = array<i64: 256, 128>}, {pipeline_mode = #tpu.pipeline_mode<synchronous>, transform_indices = @transform_7, window_bounds = array<i64: 128, 1>}, {pipeline_mode = #tpu.pipeline_mode<synchronous>, transform_indices = @transform_8, window_bounds = array<i64: 256, 256>}, {pipeline_mode = #tpu.pipeline_mode<synchronous>, transform_indices = @transform_9, window_bounds = array<i64: 10000, 128>}, {pipeline_mode = #tpu.pipeline_mode<synchronous>, transform_indices = @transform_10, window_bounds = array<i64: 128, 10000>}, {pipeline_mode = #tpu.pipeline_mode<synchronous>, transform_indices = @transform_11, window_bounds = array<i64: 256, 10000>}]} {
    %get3A = arith.constant 0 : index
    %get3A_0 = arith.constant 0 : index
    %get3A_1 = vector.load %arg1[%get3A, %get3A_0] : memref<256x10000xf32, #tpu.memory_space<vmem>>, vector<256x10000xf32>
    %get3A_2 = arith.constant 0 : index
    %get3A_3 = arith.constant 0 : index
    %get3A_4 = vector.load %arg2[%get3A_2, %get3A_3] : memref<10000x128xf32, #tpu.memory_space<vmem>>, vector<10000x128xf32>
    %slice3A = vector.extract_strided_slice %get3A_1 {offsets = [0, 0], sizes = [128, 10000], strides = [1, 1]} : vector<256x10000xf32> to vector<128x10000xf32>
    %slice3A_5 = vector.extract_strided_slice %get3A_1 {offsets = [128, 0], sizes = [128, 10000], strides = [1, 1]} : vector<256x10000xf32> to vector<128x10000xf32>
    %div3A = arith.divf %slice3A, %slice3A_5 : vector<128x10000xf32>
    %get3A_6 = arith.constant 0 : index
    %get3A_7 = arith.constant 0 : index
    %get3A_8 = vector.load %arg3[%get3A_6, %get3A_7] : memref<256x128xf32, #tpu.memory_space<vmem>>, vector<256x128xf32>
    %slice3A_9 = vector.extract_strided_slice %get3A_8 {offsets = [0, 0], sizes = [128, 128], strides = [1, 1]} : vector<256x128xf32> to vector<128x128xf32>
    %dot_general3A = arith.constant dense<0.000000e+00> : vector<10000x128xf32>
    %dot_general3A_10 = tpu.matmul %div3A, %slice3A_9, %dot_general3A {dimension_numbers = #tpu.dot_dimension_numbers<[0], [0], [1], [1], [0, 1, 1, 1], [], []>, transpose_lhs_hint = false} : vector<128x10000xf32>, vector<128x128xf32>, vector<10000x128xf32> -> vector<10000x128xf32>
    %slice3A_11 = vector.extract_strided_slice %get3A_8 {offsets = [128, 0], sizes = [128, 128], strides = [1, 1]} : vector<256x128xf32> to vector<128x128xf32>
    %dot_general3A_12 = arith.constant dense<0.000000e+00> : vector<10000x128xf32>
    %dot_general3A_13 = tpu.matmul %get3A_4, %slice3A_11, %dot_general3A_12 {dimension_numbers = #tpu.dot_dimension_numbers<[1], [0], [0], [1], [0, 0, 1, 1], [], []>, transpose_lhs_hint = false} : vector<10000x128xf32>, vector<128x128xf32>, vector<10000x128xf32> -> vector<10000x128xf32>
    %add3A = arith.addf %dot_general3A_10, %dot_general3A_13 : vector<10000x128xf32>
    %get3A_14 = arith.constant 0 : index
    %get3A_15 = arith.constant 0 : index
    %get3A_16 = vector.load %arg4[%get3A_14, %get3A_15] : memref<1x128xf32, #tpu.memory_space<vmem>>, vector<1x128xf32>
    %add3A_17 = vector.broadcast %get3A_16 : vector<1x128xf32> to vector<10000x128xf32>
    %add3A_18 = arith.addf %add3A, %add3A_17 : vector<10000x128xf32>
    %get3A_19 = arith.constant 0 : index
    %get3A_20 = arith.constant 0 : index
    %get3A_21 = vector.load %arg5[%get3A_19, %get3A_20] : memref<1x128xf32, #tpu.memory_space<vmem>>, vector<1x128xf32>
    %get3A_22 = arith.constant 0 : index
    %get3A_23 = arith.constant 0 : index
    %get3A_24 = vector.load %arg6[%get3A_22, %get3A_23] : memref<1x128xf32, #tpu.memory_space<vmem>>, vector<1x128xf32>
    %reduce_sum3A = arith.constant dense<0.000000e+00> : vector<10000xf32>
    %reduce_sum3A_25 = vector.multi_reduction <add>, %add3A_18, %reduce_sum3A [1] : vector<10000x128xf32> to vector<10000xf32>
    %broadcast_in_dim3A = vector.shape_cast %reduce_sum3A_25 : vector<10000xf32> to vector<10000x1xf32>
    %div3A_26 = arith.constant 1.280000e+02 : f32
    %div3A_27 = vector.broadcast %div3A_26 : f32 to vector<10000x1xf32>
    %div3A_28 = arith.divf %broadcast_in_dim3A, %div3A_27 : vector<10000x1xf32>
    %sub3A = vector.broadcast %div3A_28 : vector<10000x1xf32> to vector<10000x128xf32>
    %sub3A_29 = arith.subf %add3A_18, %sub3A : vector<10000x128xf32>
    %integer_pow3A = arith.mulf %sub3A_29, %sub3A_29 : vector<10000x128xf32>
    %reduce_sum3A_30 = arith.constant dense<0.000000e+00> : vector<10000xf32>
    %reduce_sum3A_31 = vector.multi_reduction <add>, %integer_pow3A, %reduce_sum3A_30 [1] : vector<10000x128xf32> to vector<10000xf32>
    %broadcast_in_dim3A_32 = vector.shape_cast %reduce_sum3A_31 : vector<10000xf32> to vector<10000x1xf32>
    %div3A_33 = arith.constant 1.280000e+02 : f32
    %div3A_34 = vector.broadcast %div3A_33 : f32 to vector<10000x1xf32>
    %div3A_35 = arith.divf %broadcast_in_dim3A_32, %div3A_34 : vector<10000x1xf32>
    %sub3A_36 = vector.broadcast %div3A_28 : vector<10000x1xf32> to vector<10000x128xf32>
    %sub3A_37 = arith.subf %add3A_18, %sub3A_36 : vector<10000x128xf32>
    %add3A_38 = arith.constant 9.99999974E-6 : f32
    %add3A_39 = vector.broadcast %add3A_38 : f32 to vector<10000x1xf32>
    %add3A_40 = arith.addf %div3A_35, %add3A_39 : vector<10000x1xf32>
    %rsqrt3A = math.rsqrt %add3A_40 : vector<10000x1xf32>
    %mul3A = vector.broadcast %rsqrt3A : vector<10000x1xf32> to vector<10000x128xf32>
    %mul3A_41 = arith.mulf %sub3A_37, %mul3A : vector<10000x128xf32>
    %mul3A_42 = vector.broadcast %get3A_21 : vector<1x128xf32> to vector<10000x128xf32>
    %mul3A_43 = arith.mulf %mul3A_41, %mul3A_42 : vector<10000x128xf32>
    %add3A_44 = vector.broadcast %get3A_24 : vector<1x128xf32> to vector<10000x128xf32>
    %add3A_45 = arith.addf %mul3A_43, %add3A_44 : vector<10000x128xf32>
    %swap3A = arith.constant 0 : index
    %swap3A_46 = arith.constant 0 : index
    %swap3A_47 = vector.load %arg10[%swap3A, %swap3A_46] : memref<10000x128xf32, #tpu.memory_space<vmem>>, vector<10000x128xf32>
    tpu.vector_store %arg10[%swap3A, %swap3A_46], %add3A_45 {strides = array<i32>} : memref<10000x128xf32, #tpu.memory_space<vmem>>, vector<10000x128xf32>,
    %concatenate3A = tpu.concatenate %get3A_4, %add3A_45 in 1 : vector<10000x128xf32>, vector<10000x128xf32> -> vector<10000x256xf32>
    %get3A_48 = arith.constant 0 : index
    %get3A_49 = arith.constant 0 : index
    %get3A_50 = vector.load %arg7[%get3A_48, %get3A_49] : memref<256x128xf32, #tpu.memory_space<vmem>>, vector<256x128xf32>
    %dot_general3A_51 = arith.constant dense<0.000000e+00> : vector<128x10000xf32>
    %dot_general3A_52 = tpu.matmul %get3A_50, %concatenate3A, %dot_general3A_51 {dimension_numbers = #tpu.dot_dimension_numbers<[0], [1], [1], [0], [0, 1, 1, 0], [], []>, transpose_lhs_hint = false} : vector<256x128xf32>, vector<10000x256xf32>, vector<128x10000xf32> -> vector<128x10000xf32>
    %get3A_53 = arith.constant 0 : index
    %get3A_54 = arith.constant 0 : index
    %get3A_55 = vector.load %arg8[%get3A_53, %get3A_54] : memref<128x1xf32, #tpu.memory_space<vmem>>, vector<128x1xf32>
    %add3A_56 = vector.broadcast %get3A_55 : vector<128x1xf32> to vector<128x10000xf32>
    %add3A_57 = arith.addf %dot_general3A_52, %add3A_56 : vector<128x10000xf32>
    %swap3A_58 = arith.constant 0 : index
    %swap3A_59 = arith.constant 0 : index
    %swap3A_60 = vector.load %arg11[%swap3A_58, %swap3A_59] : memref<128x10000xf32, #tpu.memory_space<vmem>>, vector<128x10000xf32>
    tpu.vector_store %arg11[%swap3A_58, %swap3A_59], %add3A_57 {strides = array<i32>} : memref<128x10000xf32, #tpu.memory_space<vmem>>, vector<128x10000xf32>,
    %get3A_61 = arith.constant 0 : index
    %get3A_62 = arith.constant 0 : index
    %get3A_63 = vector.load %arg9[%get3A_61, %get3A_62] : memref<256x256xf32, #tpu.memory_space<vmem>>, vector<256x256xf32>
    %dot_general3A_64 = arith.constant dense<0.000000e+00> : vector<256x10000xf32>
    %dot_general3A_65 = tpu.matmul %get3A_63, %concatenate3A, %dot_general3A_64 {dimension_numbers = #tpu.dot_dimension_numbers<[0], [1], [1], [0], [0, 1, 1, 0], [], []>, transpose_lhs_hint = false} : vector<256x256xf32>, vector<10000x256xf32>, vector<256x10000xf32> -> vector<256x10000xf32>
    %swap3A_66 = arith.constant 0 : index
    %swap3A_67 = arith.constant 0 : index
    %swap3A_68 = vector.load %arg12[%swap3A_66, %swap3A_67] : memref<256x10000xf32, #tpu.memory_space<vmem>>, vector<256x10000xf32>
    tpu.vector_store %arg12[%swap3A_66, %swap3A_67], %dot_general3A_65 {strides = array<i32>} : memref<256x10000xf32, #tpu.memory_space<vmem>>, vector<256x10000xf32>,
    return
  }
  func.func @transform_0(%arg0: i32) -> (i32, i32) {
    %c0_i32 = arith.constant 0 : i32
    %c0_i32_0 = arith.constant 0 : i32
    %c0_i32_1 = arith.constant 0 : i32
    return %c0_i32, %c0_i32_0 : i32, i32
  }
  func.func @transform_1(%arg0: i32) -> (i32, i32) {
    %c0_i32 = arith.constant 0 : i32
    %c0_i32_0 = arith.constant 0 : i32
    %c0_i32_1 = arith.constant 0 : i32
    return %c0_i32, %c0_i32_0 : i32, i32
  }
  func.func @transform_2(%arg0: i32) -> (i32, i32) {
    %c0_i32 = arith.constant 0 : i32
    %c0_i32_0 = arith.constant 0 : i32
    %c0_i32_1 = arith.constant 0 : i32
    return %c0_i32, %c0_i32_0 : i32, i32
  }
  func.func @transform_3(%arg0: i32) -> (i32, i32) {
    %c0_i32 = arith.constant 0 : i32
    %c0_i32_0 = arith.constant 0 : i32
    %c0_i32_1 = arith.constant 0 : i32
    return %c0_i32, %c0_i32_0 : i32, i32
  }
  func.func @transform_4(%arg0: i32) -> (i32, i32) {
    %c0_i32 = arith.constant 0 : i32
    %c0_i32_0 = arith.constant 0 : i32
    %c0_i32_1 = arith.constant 0 : i32
    return %c0_i32, %c0_i32_0 : i32, i32
  }
  func.func @transform_5(%arg0: i32) -> (i32, i32) {
    %c0_i32 = arith.constant 0 : i32
    %c0_i32_0 = arith.constant 0 : i32
    %c0_i32_1 = arith.constant 0 : i32
    return %c0_i32, %c0_i32_0 : i32, i32
  }
  func.func @transform_6(%arg0: i32) -> (i32, i32) {
    %c0_i32 = arith.constant 0 : i32
    %c0_i32_0 = arith.constant 0 : i32
    %c0_i32_1 = arith.constant 0 : i32
    return %c0_i32, %c0_i32_0 : i32, i32
  }
  func.func @transform_7(%arg0: i32) -> (i32, i32) {
    %c0_i32 = arith.constant 0 : i32
    %c0_i32_0 = arith.constant 0 : i32
    %c0_i32_1 = arith.constant 0 : i32
    return %c0_i32, %c0_i32_0 : i32, i32
  }
  func.func @transform_8(%arg0: i32) -> (i32, i32) {
    %c0_i32 = arith.constant 0 : i32
    %c0_i32_0 = arith.constant 0 : i32
    %c0_i32_1 = arith.constant 0 : i32
    return %c0_i32, %c0_i32_0 : i32, i32
  }
  func.func @transform_9(%arg0: i32) -> (i32, i32) {
    %c0_i32 = arith.constant 0 : i32
    %c0_i32_0 = arith.constant 0 : i32
    %c0_i32_1 = arith.constant 0 : i32
    return %c0_i32, %c0_i32_0 : i32, i32
  }
  func.func @transform_10(%arg0: i32) -> (i32, i32) {
    %c0_i32 = arith.constant 0 : i32
    %c0_i32_0 = arith.constant 0 : i32
    %c0_i32_1 = arith.constant 0 : i32
    return %c0_i32, %c0_i32_0 : i32, i32
  }
  func.func @transform_11(%arg0: i32) -> (i32, i32) {
    %c0_i32 = arith.constant 0 : i32
    %c0_i32_0 = arith.constant 0 : i32
    %c0_i32_1 = arith.constant 0 : i32
    return %c0_i32, %c0_i32_0 : i32, i32
  }
}

module attributes {stable_mosaic.version = 14 : i64} {
  func.func @_final_body(%arg0: i32, %arg1: memref<1000x256xf32, #tpu.memory_space<vmem>>, %arg2: memref<1000x128xf32, #tpu.memory_space<vmem>>, %arg3: memref<1000x128xf32, #tpu.memory_space<vmem>>, %arg4: memref<384x768xf32, #tpu.memory_space<vmem>>, %arg5: memref<1x768xf32, #tpu.memory_space<vmem>>, %arg6: memref<1x768xf32, #tpu.memory_space<vmem>>, %arg7: memref<1x768xf32, #tpu.memory_space<vmem>>, %arg8: memref<768x128xf32, #tpu.memory_space<vmem>>, %arg9: memref<1x128xf32, #tpu.memory_space<vmem>>, %arg10: memref<1x768xf32, #tpu.memory_space<vmem>>, %arg11: memref<1x768xf32, #tpu.memory_space<vmem>>, %arg12: memref<1x128xf32, #tpu.memory_space<vmem>>) attributes {dimension_semantics = [#tpu.dimension_semantics<arbitrary>], iteration_bounds = array<i64: 10>, scalar_prefetch = 0 : i64, scratch_operands = 2 : i64, tpu.core_type = #tpu.core_type<tc>, window_params = [{transform_indices = @transform_0, window_bounds = array<i64: 1000, 256>}, {transform_indices = @transform_1, window_bounds = array<i64: 1000, 128>}, {transform_indices = @transform_2, window_bounds = array<i64: 1000, 128>}, {pipeline_mode = #tpu.pipeline_mode<synchronous>, transform_indices = @transform_3, window_bounds = array<i64: 384, 768>}, {pipeline_mode = #tpu.pipeline_mode<synchronous>, transform_indices = @transform_4, window_bounds = array<i64: 1, 768>}, {pipeline_mode = #tpu.pipeline_mode<synchronous>, transform_indices = @transform_5, window_bounds = array<i64: 1, 768>}, {pipeline_mode = #tpu.pipeline_mode<synchronous>, transform_indices = @transform_6, window_bounds = array<i64: 1, 768>}, {pipeline_mode = #tpu.pipeline_mode<synchronous>, transform_indices = @transform_7, window_bounds = array<i64: 768, 128>}, {pipeline_mode = #tpu.pipeline_mode<synchronous>, transform_indices = @transform_8, window_bounds = array<i64: 1, 128>}, {pipeline_mode = #tpu.pipeline_mode<synchronous>, transform_indices = @transform_9, window_bounds = array<i64: 1, 768>}]} {
    %get3A = arith.constant 0 : index
    %get3A_0 = arith.constant 0 : index
    %get3A_1 = vector.load %arg1[%get3A, %get3A_0] : memref<1000x256xf32, #tpu.memory_space<vmem>>, vector<1000x256xf32>
    %slice3A = vector.extract_strided_slice %get3A_1 {offsets = [0, 0], sizes = [1000, 128], strides = [1, 1]} : vector<1000x256xf32> to vector<1000x128xf32>
    %slice3A_2 = vector.extract_strided_slice %get3A_1 {offsets = [0, 128], sizes = [1000, 128], strides = [1, 1]} : vector<1000x256xf32> to vector<1000x128xf32>
    %div3A = arith.divf %slice3A, %slice3A_2 : vector<1000x128xf32>
    %get3A_3 = arith.constant 0 : index
    %get3A_4 = arith.constant 0 : index
    %get3A_5 = vector.load %arg4[%get3A_3, %get3A_4] : memref<384x768xf32, #tpu.memory_space<vmem>>, vector<384x768xf32>
    %slice3A_6 = vector.extract_strided_slice %get3A_5 {offsets = [0, 0], sizes = [128, 768], strides = [1, 1]} : vector<384x768xf32> to vector<128x768xf32>
    %dot_general3A = arith.constant dense<0.000000e+00> : vector<1000x768xf32>
    %dot_general3A_7 = tpu.matmul %div3A, %slice3A_6, %dot_general3A {dimension_numbers = #tpu.dot_dimension_numbers<[1], [0], [0], [1], [0, 0, 1, 1], [], []>, transpose_lhs_hint = false} : vector<1000x128xf32>, vector<128x768xf32>, vector<1000x768xf32> -> vector<1000x768xf32>
    %get3A_8 = arith.constant 0 : index
    %get3A_9 = arith.constant 0 : index
    %get3A_10 = vector.load %arg2[%get3A_8, %get3A_9] : memref<1000x128xf32, #tpu.memory_space<vmem>>, vector<1000x128xf32>
    %slice3A_11 = vector.extract_strided_slice %get3A_5 {offsets = [128, 0], sizes = [128, 768], strides = [1, 1]} : vector<384x768xf32> to vector<128x768xf32>
    %dot_general3A_12 = arith.constant dense<0.000000e+00> : vector<1000x768xf32>
    %dot_general3A_13 = tpu.matmul %get3A_10, %slice3A_11, %dot_general3A_12 {dimension_numbers = #tpu.dot_dimension_numbers<[1], [0], [0], [1], [0, 0, 1, 1], [], []>, transpose_lhs_hint = false} : vector<1000x128xf32>, vector<128x768xf32>, vector<1000x768xf32> -> vector<1000x768xf32>
    %add3A = arith.addf %dot_general3A_7, %dot_general3A_13 : vector<1000x768xf32>
    %get3A_14 = arith.constant 0 : index
    %get3A_15 = arith.constant 0 : index
    %get3A_16 = vector.load %arg3[%get3A_14, %get3A_15] : memref<1000x128xf32, #tpu.memory_space<vmem>>, vector<1000x128xf32>
    %slice3A_17 = vector.extract_strided_slice %get3A_5 {offsets = [256, 0], sizes = [128, 768], strides = [1, 1]} : vector<384x768xf32> to vector<128x768xf32>
    %dot_general3A_18 = arith.constant dense<0.000000e+00> : vector<1000x768xf32>
    %dot_general3A_19 = tpu.matmul %get3A_16, %slice3A_17, %dot_general3A_18 {dimension_numbers = #tpu.dot_dimension_numbers<[1], [0], [0], [1], [0, 0, 1, 1], [], []>, transpose_lhs_hint = false} : vector<1000x128xf32>, vector<128x768xf32>, vector<1000x768xf32> -> vector<1000x768xf32>
    %add3A_20 = arith.addf %add3A, %dot_general3A_19 : vector<1000x768xf32>
    %get3A_21 = arith.constant 0 : index
    %get3A_22 = arith.constant 0 : index
    %get3A_23 = vector.load %arg5[%get3A_21, %get3A_22] : memref<1x768xf32, #tpu.memory_space<vmem>>, vector<1x768xf32>
    %add3A_24 = vector.broadcast %get3A_23 : vector<1x768xf32> to vector<1000x768xf32>
    %add3A_25 = arith.addf %add3A_20, %add3A_24 : vector<1000x768xf32>
    %get3A_26 = arith.constant 0 : index
    %get3A_27 = arith.constant 0 : index
    %get3A_28 = vector.load %arg6[%get3A_26, %get3A_27] : memref<1x768xf32, #tpu.memory_space<vmem>>, vector<1x768xf32>
    %get3A_29 = arith.constant 0 : index
    %get3A_30 = arith.constant 0 : index
    %get3A_31 = vector.load %arg7[%get3A_29, %get3A_30] : memref<1x768xf32, #tpu.memory_space<vmem>>, vector<1x768xf32>
    %reduce_sum3A = arith.constant dense<0.000000e+00> : vector<1000xf32>
    %reduce_sum3A_32 = vector.multi_reduction <add>, %add3A_25, %reduce_sum3A [1] : vector<1000x768xf32> to vector<1000xf32>
    %broadcast_in_dim3A = vector.shape_cast %reduce_sum3A_32 : vector<1000xf32> to vector<1000x1xf32>
    %div3A_33 = arith.constant 7.680000e+02 : f32
    %div3A_34 = vector.broadcast %div3A_33 : f32 to vector<1000x1xf32>
    %div3A_35 = arith.divf %broadcast_in_dim3A, %div3A_34 : vector<1000x1xf32>
    %sub3A = vector.broadcast %div3A_35 : vector<1000x1xf32> to vector<1000x768xf32>
    %sub3A_36 = arith.subf %add3A_25, %sub3A : vector<1000x768xf32>
    %integer_pow3A = arith.mulf %sub3A_36, %sub3A_36 : vector<1000x768xf32>
    %reduce_sum3A_37 = arith.constant dense<0.000000e+00> : vector<1000xf32>
    %reduce_sum3A_38 = vector.multi_reduction <add>, %integer_pow3A, %reduce_sum3A_37 [1] : vector<1000x768xf32> to vector<1000xf32>
    %broadcast_in_dim3A_39 = vector.shape_cast %reduce_sum3A_38 : vector<1000xf32> to vector<1000x1xf32>
    %div3A_40 = arith.constant 7.680000e+02 : f32
    %div3A_41 = vector.broadcast %div3A_40 : f32 to vector<1000x1xf32>
    %div3A_42 = arith.divf %broadcast_in_dim3A_39, %div3A_41 : vector<1000x1xf32>
    %sub3A_43 = vector.broadcast %div3A_35 : vector<1000x1xf32> to vector<1000x768xf32>
    %sub3A_44 = arith.subf %add3A_25, %sub3A_43 : vector<1000x768xf32>
    %add3A_45 = arith.constant 9.99999974E-6 : f32
    %add3A_46 = vector.broadcast %add3A_45 : f32 to vector<1000x1xf32>
    %add3A_47 = arith.addf %div3A_42, %add3A_46 : vector<1000x1xf32>
    %rsqrt3A = math.rsqrt %add3A_47 : vector<1000x1xf32>
    %mul3A = vector.broadcast %rsqrt3A : vector<1000x1xf32> to vector<1000x768xf32>
    %mul3A_48 = arith.mulf %sub3A_44, %mul3A : vector<1000x768xf32>
    %mul3A_49 = vector.broadcast %get3A_28 : vector<1x768xf32> to vector<1000x768xf32>
    %mul3A_50 = arith.mulf %mul3A_48, %mul3A_49 : vector<1000x768xf32>
    %add3A_51 = vector.broadcast %get3A_31 : vector<1x768xf32> to vector<1000x768xf32>
    %add3A_52 = arith.addf %mul3A_50, %add3A_51 : vector<1000x768xf32>
    %get3A_53 = arith.constant 0 : index
    %get3A_54 = arith.constant 0 : index
    %get3A_55 = vector.load %arg8[%get3A_53, %get3A_54] : memref<768x128xf32, #tpu.memory_space<vmem>>, vector<768x128xf32>
    %dot_general3A_56 = arith.constant dense<0.000000e+00> : vector<1000x128xf32>
    %dot_general3A_57 = tpu.matmul %add3A_52, %get3A_55, %dot_general3A_56 {dimension_numbers = #tpu.dot_dimension_numbers<[1], [0], [0], [1], [0, 0, 1, 1], [], []>, transpose_lhs_hint = false} : vector<1000x768xf32>, vector<768x128xf32>, vector<1000x128xf32> -> vector<1000x128xf32>
    %get3A_58 = arith.constant 0 : index
    %get3A_59 = arith.constant 0 : index
    %get3A_60 = vector.load %arg9[%get3A_58, %get3A_59] : memref<1x128xf32, #tpu.memory_space<vmem>>, vector<1x128xf32>
    %add3A_61 = vector.broadcast %get3A_60 : vector<1x128xf32> to vector<1000x128xf32>
    %add3A_62 = arith.addf %dot_general3A_57, %add3A_61 : vector<1000x128xf32>
    %slice3A_63 = vector.extract_strided_slice %add3A_62 {offsets = [0, 0], sizes = [1000, 1], strides = [1, 1]} : vector<1000x128xf32> to vector<1000x1xf32>
    %exp3A = math.exp %slice3A_63 : vector<1000x1xf32>
    %eq3A = arith.constant 0 : i32
    %eq3A_64 = arith.cmpi eq, %arg0, %eq3A : i32
    %convert_element_type3A = arith.extui %eq3A_64 : i1 to i32
    %cond3A = arith.constant 0 : i32
    %cond3A_65 = arith.cmpi ne, %convert_element_type3A, %cond3A : i32
    scf.if %cond3A_65 {
      %broadcast_in_dim3A_95 = arith.constant 0.000000e+00 : f32
      %broadcast_in_dim3A_96 = vector.broadcast %broadcast_in_dim3A_95 : f32 to vector<1x768xf32>
      %swap3A_97 = arith.constant 0 : index
      %swap3A_98 = arith.constant 0 : index
      %swap3A_99 = vector.load %arg11[%swap3A_97, %swap3A_98] : memref<1x768xf32, #tpu.memory_space<vmem>>, vector<1x768xf32>
      tpu.vector_store %arg11[%swap3A_97, %swap3A_98], %broadcast_in_dim3A_96 {strides = array<i32>} : memref<1x768xf32, #tpu.memory_space<vmem>>, vector<1x768xf32>,
      %broadcast_in_dim3A_100 = arith.constant 0.000000e+00 : f32
      %broadcast_in_dim3A_101 = vector.broadcast %broadcast_in_dim3A_100 : f32 to vector<1x128xf32>
      %swap3A_102 = arith.constant 0 : index
      %swap3A_103 = arith.constant 0 : index
      %swap3A_104 = vector.load %arg12[%swap3A_102, %swap3A_103] : memref<1x128xf32, #tpu.memory_space<vmem>>, vector<1x128xf32>
      tpu.vector_store %arg12[%swap3A_102, %swap3A_103], %broadcast_in_dim3A_101 {strides = array<i32>} : memref<1x128xf32, #tpu.memory_space<vmem>>, vector<1x128xf32>,
    } else {
    }
    %get3A_66 = arith.constant 0 : index
    %get3A_67 = arith.constant 0 : index
    %get3A_68 = vector.load %arg11[%get3A_66, %get3A_67] : memref<1x768xf32, #tpu.memory_space<vmem>>, vector<1x768xf32>
    %mul3A_69 = vector.broadcast %exp3A : vector<1000x1xf32> to vector<1000x768xf32>
    %mul3A_70 = arith.mulf %mul3A_69, %add3A_52 : vector<1000x768xf32>
    %reduce_sum3A_71 = arith.constant dense<0.000000e+00> : vector<768xf32>
    %reduce_sum3A_72 = vector.multi_reduction <add>, %mul3A_70, %reduce_sum3A_71 [0] : vector<1000x768xf32> to vector<768xf32>
    %broadcast_in_dim3A_73 = vector.shape_cast %reduce_sum3A_72 : vector<768xf32> to vector<1x768xf32>
    %add3A_74 = arith.addf %get3A_68, %broadcast_in_dim3A_73 : vector<1x768xf32>
    %swap3A = arith.constant 0 : index
    %swap3A_75 = arith.constant 0 : index
    %swap3A_76 = vector.load %arg11[%swap3A, %swap3A_75] : memref<1x768xf32, #tpu.memory_space<vmem>>, vector<1x768xf32>
    tpu.vector_store %arg11[%swap3A, %swap3A_75], %add3A_74 {strides = array<i32>} : memref<1x768xf32, #tpu.memory_space<vmem>>, vector<1x768xf32>,
    %get3A_77 = arith.constant 0 : index
    %get3A_78 = arith.constant 0 : index
    %get3A_79 = vector.load %arg12[%get3A_77, %get3A_78] : memref<1x128xf32, #tpu.memory_space<vmem>>, vector<1x128xf32>
    %reduce_sum3A_80 = vector.shape_cast %exp3A : vector<1000x1xf32> to vector<1x1000x1xf32>
    %reduce_sum3A_81 = arith.constant dense<0.000000e+00> : vector<1xf32>
    %reduce_sum3A_82 = vector.multi_reduction <add>, %reduce_sum3A_80, %reduce_sum3A_81 [1, 2] : vector<1x1000x1xf32> to vector<1xf32>
    %reduce_sum3A_83 = vector.shape_cast %reduce_sum3A_82 : vector<1xf32> to vector<1x1x1xf32>
    %reduce_sum3A_84 = vector.extract %reduce_sum3A_83[0, 0, 0] : f32 from vector<1x1x1xf32>
    %add3A_85 = vector.broadcast %reduce_sum3A_84 : f32 to vector<1x128xf32>
    %add3A_86 = arith.addf %get3A_79, %add3A_85 : vector<1x128xf32>
    %swap3A_87 = arith.constant 0 : index
    %swap3A_88 = arith.constant 0 : index
    %swap3A_89 = vector.load %arg12[%swap3A_87, %swap3A_88] : memref<1x128xf32, #tpu.memory_space<vmem>>, vector<1x128xf32>
    tpu.vector_store %arg12[%swap3A_87, %swap3A_88], %add3A_86 {strides = array<i32>} : memref<1x128xf32, #tpu.memory_space<vmem>>, vector<1x128xf32>,
    %eq3A_90 = arith.constant 9 : i32
    %eq3A_91 = arith.cmpi eq, %arg0, %eq3A_90 : i32
    %convert_element_type3A_92 = arith.extui %eq3A_91 : i1 to i32
    %cond3A_93 = arith.constant 0 : i32
    %cond3A_94 = arith.cmpi ne, %convert_element_type3A_92, %cond3A_93 : i32
    scf.if %cond3A_94 {
      %get3A_95 = arith.constant 0 : index
      %get3A_96 = arith.constant 0 : index
      %get3A_97 = vector.load %arg11[%get3A_95, %get3A_96] : memref<1x768xf32, #tpu.memory_space<vmem>>, vector<1x768xf32>
      %get3A_98 = arith.constant 0 : index
      %get3A_99 = arith.constant 0 : index
      %get3A_100 = vector.load %arg12[%get3A_98, %get3A_99] : memref<1x128xf32, #tpu.memory_space<vmem>>, vector<1x1xf32>
      %get3A_101 = vector.extract %get3A_100[0, 0] : f32 from vector<1x1xf32>
      %div3A_102 = vector.broadcast %get3A_101 : f32 to vector<1x768xf32>
      %div3A_103 = arith.divf %get3A_97, %div3A_102 : vector<1x768xf32>
      %swap3A_104 = arith.constant 0 : index
      %swap3A_105 = arith.constant 0 : index
      %swap3A_106 = vector.load %arg10[%swap3A_104, %swap3A_105] : memref<1x768xf32, #tpu.memory_space<vmem>>, vector<1x768xf32>
      tpu.vector_store %arg10[%swap3A_104, %swap3A_105], %div3A_103 {strides = array<i32>} : memref<1x768xf32, #tpu.memory_space<vmem>>, vector<1x768xf32>,
    } else {
    }
    return
  }
  func.func @transform_0(%arg0: i32) -> (i32, i32) {
    %c0_i32 = arith.constant 0 : i32
    %c0_i32_0 = arith.constant 0 : i32
    return %arg0, %c0_i32 : i32, i32
  }
  func.func @transform_1(%arg0: i32) -> (i32, i32) {
    %c0_i32 = arith.constant 0 : i32
    %c0_i32_0 = arith.constant 0 : i32
    return %arg0, %c0_i32 : i32, i32
  }
  func.func @transform_2(%arg0: i32) -> (i32, i32) {
    %c0_i32 = arith.constant 0 : i32
    %c0_i32_0 = arith.constant 0 : i32
    return %arg0, %c0_i32 : i32, i32
  }
  func.func @transform_3(%arg0: i32) -> (i32, i32) {
    %c0_i32 = arith.constant 0 : i32
    %c0_i32_0 = arith.constant 0 : i32
    %c0_i32_1 = arith.constant 0 : i32
    return %c0_i32, %c0_i32_0 : i32, i32
  }
  func.func @transform_4(%arg0: i32) -> (i32, i32) {
    %c0_i32 = arith.constant 0 : i32
    %c0_i32_0 = arith.constant 0 : i32
    %c0_i32_1 = arith.constant 0 : i32
    return %c0_i32, %c0_i32_0 : i32, i32
  }
  func.func @transform_5(%arg0: i32) -> (i32, i32) {
    %c0_i32 = arith.constant 0 : i32
    %c0_i32_0 = arith.constant 0 : i32
    %c0_i32_1 = arith.constant 0 : i32
    return %c0_i32, %c0_i32_0 : i32, i32
  }
  func.func @transform_6(%arg0: i32) -> (i32, i32) {
    %c0_i32 = arith.constant 0 : i32
    %c0_i32_0 = arith.constant 0 : i32
    %c0_i32_1 = arith.constant 0 : i32
    return %c0_i32, %c0_i32_0 : i32, i32
  }
  func.func @transform_7(%arg0: i32) -> (i32, i32) {
    %c0_i32 = arith.constant 0 : i32
    %c0_i32_0 = arith.constant 0 : i32
    %c0_i32_1 = arith.constant 0 : i32
    return %c0_i32, %c0_i32_0 : i32, i32
  }
  func.func @transform_8(%arg0: i32) -> (i32, i32) {
    %c0_i32 = arith.constant 0 : i32
    %c0_i32_0 = arith.constant 0 : i32
    %c0_i32_1 = arith.constant 0 : i32
    return %c0_i32, %c0_i32_0 : i32, i32
  }
  func.func @transform_9(%arg0: i32) -> (i32, i32) {
    %c0_i32 = arith.constant 0 : i32
    %c0_i32_0 = arith.constant 0 : i32
    %c0_i32_1 = arith.constant 0 : i32
    return %c0_i32, %c0_i32_0 : i32, i32
  }
}

</mosaic_0001>

<sc_bundles>
// kernel: kernel.12.cloned.1.call-start
scs
__scs_entry_jumppad:
0x0: {  	(pc) =	sbr.rel $0x88, $3  }
0x1: {  	(tag) =	ssettag $0x0;
	lr =	simm.s32 $0x1  }
0x2: {  	[smem:$0x3F88] =	sst lr;
	_ =	strace $0xD0000000  }
0x3: {  	_ = 	snop  }
0x4: {  	_ = 	snop  }
0x5: {  	_ = 	snop  }
0x6: {  	_ = 	snop  }
0x7: {  	_ = 	snop  }
__scs_overlays_trampoline_lowered:
0x8: {  	[smem:$0x3F97] =	sst s0  }
0x9: {  	[smem:$0x3F98] =	sst s1  }
0xa: {  	[smem:$0x3F99] =	sst s2  }
0xb: {  	[smem:$0x3F9A] =	sst s3  }
0xc: {  	[smem:$0x3F9B] =	sst s4  }
0xd: {  	[smem:$0x3F9C] =	sst s5  }
0xe: {  	[smem:$0x3F9D] =	sst s6  }
0xf: {  	[smem:$0x3F9E] =	sst s7  }
0x10: {  	[smem:$0x3F9F] =	sst s8  }
0x11: {  	[smem:$0x3FA0] =	sst s9;
	s0 =	simm.s32 @!p0 $0x0  }
0x12: {  	s1 =	sld [smem:$0x3F86];
	s0 =	simm.s32 @p0 $0x1  }
0x13: {  	[smem:$0x3FA1] =	sst s0;
	s0 =	simm.s32 @!p1 $0x0  }
0x14: {  	s2 =	sld [smem:$0x3F85];
	s0 =	simm.s32 @p1 $0x1  }
0x15: {  	[smem:$0x3FA2] =	sst s0;
	s0 =	simm.s32 @!p2 $0x0  }
0x16: {  	s3 =	sld [smem:$0x3FDB];
	s0 =	simm.s32 @p2 $0x1  }
0x17: {  	s4 =	simm.s32 $0x1BF5;
	[smem:$0x3FA4] =	sst s0  }
0x18: {  	s0 =	sld [smem:$0x3F87];
	_ =	swait.ge [sflag:s4], $0x0  }
0x19: {  	s7 =	sld [smem:$0x3F88]  }
0x1a: {  	s8 =	sadd.s32 $0xFFFFE003, lr  }
0x1b: {  	s9 =	sadd.s32 $0xFFFFFEF7, lr;
	s5 =	simm.s32 $0xFFFFFFFF;
	p2 =	slt.u32 s8, $0xFFFFF086  }
0x1c: {  	p1 =	slt.u32 s9, $0xF7A;
	s5 =	simm.s32 @!p2 $0x0  }
0x1d: {  	s5 =	simm.s32 @p1 $0x1;
	p0 =	seq.s32 s7, s2  }
0x1e: {  	s7 =	smul.u32 @!p0 $0xF7A, s2;
	p2 =	seq.s32 @!p0 s5, $0x0  }
0x1f: {  	s9 =	smul.u32 $0xF7A, s1;
	s8 =	simm.s32 @!p0 $0x1BF5;
	p2 =	por !p2, p0  }
0x20: {  	[sflag:s8] =	ssyncset.s32 @!p0 $0xFFFFF086;
	s6 =	sadd.s32 @!p0 s3, s7;
	s7 =	simm.s32 @!p0 $0x108  }
0x21: {  	s3 =	sadd.s32 s3, s9;
	s6 =	sadd.s32 @!p0 $0x88, s6;
	s7 =	simm.s32 @p2 $0x1082  }
0x22: {  	[simem:s7], [sflag:s8] =	dma.local @!p0 [hbm:s6], $0xF7A  }
0x23: {  	s9 =	sor.u32 $0xD0000000, s2;
	s6 =	simm.s32 $0x108;
	_ =	swait.ge @!p0 [sflag:s8], $0x0  }
0x24: {  	s3 =	sadd.s32 $0x88, s3;
	s6 =	simm.s32 @!p1 $0x1082;
	[sflag:s4] =	ssyncset.s32 $0xFFFFF086  }
0x25: {  	[simem:s6], [sflag:s4] =	dma.local [hbm:s3], $0xF7A  }
0x26: {  	[smem:$0x3F88] =	sst s1;
	(tag) =	ssettag s2;
	_ =	strace s9  }
0x27: {  	s1 =	sld [smem:$0x3F98]  }
0x28: {  	s2 =	sld [smem:$0x3F99]  }
0x29: {  	s4 =	sld [smem:$0x3F9B]  }
0x2a: {  	p0 =	seq.s32 s5, $0x0;
	s5 =	sld [smem:$0x3F9C]  }
0x2b: {  	s6 =	sld [smem:$0x3F9D]  }
0x2c: {  	s7 =	sld [smem:$0x3F9E]  }
0x2d: {  	s3 =	simm.s32 $0x108;
	s8 =	sld [smem:$0x3F9F]  }
0x2e: {  	s3 =	simm.s32 @!p0 $0x1082;
	s9 =	sld [smem:$0x3FA0]  }
0x2f: {  	lr =	sadd.s32 s0, s3;
	s0 =	sld [smem:$0x3F97]  }
0x30: {  	s3 =	sld [smem:$0x3F9A]  }
0x31: {  	[smem:$0x3FA3] =	sst s10  }
0x32: {  	s10 =	sld [smem:$0x3FA1];
	_ =	sdelay $0x3  }
0x33: {  	p0 =	seq.s32 s10, $0x1;
	s10 =	sld [smem:$0x3FA3];
	_ =	sdelay $0x3  }
0x34: {  	[smem:$0x3FA3] =	sst s10  }
0x35: {  	s10 =	sld [smem:$0x3FA2];
	_ =	sdelay $0x3  }
0x36: {  	p1 =	seq.s32 s10, $0x1;
	s10 =	sld [smem:$0x3FA3];
	_ =	sdelay $0x3  }
0x37: {  	[smem:$0x3FA3] =	sst s10  }
0x38: {  	s10 =	sld [smem:$0x3FA4]  }
0x39: {  	_ = 	snop;
	(pc) =	sbr.ind lr, $3  }
0x3a: {  	_ = 	snop  }
0x3b: {  	_ = 	snop  }
0x3c: {  	p2 =	seq.s32 s10, $0x1;
	s10 =	sld [smem:$0x3FA3]  }
0x3d: {  	_ =	shalt  }
0x3e: {  	_ =	shalt  }
0x3f: {  	_ =	shalt  }
0x40: {  	_ =	shalt  }
0x41: {  	_ =	shalt  }
0x42: {  	_ =	shalt  }
0x43: {  	_ =	shalt  }
0x44: {  	_ =	shalt  }
0x45: {  	_ =	shalt  }
0x46: {  	_ =	shalt  }
0x47: {  	_ =	shalt  }
0x48: {  	_ =	shalt  }
0x49: {  	_ =	shalt  }
0x4a: {  	_ =	shalt  }
0x4b: {  	_ =	shalt  }
0x4c: {  	_ =	shalt  }
0x4d: {  	_ =	shalt  }
0x4e: {  	_ =	shalt  }
0x4f: {  	_ =	shalt  }
0x50: {  	_ =	shalt  }
0x51: {  	_ =	shalt  }
0x52: {  	_ =	shalt  }
0x53: {  	_ =	shalt  }
0x54: {  	_ =	shalt  }
0x55: {  	_ =	shalt  }
0x56: {  	_ =	shalt  }
0x57: {  	_ =	shalt  }
0x58: {  	_ =	shalt  }
0x59: {  	_ =	shalt  }
0x5a: {  	_ =	shalt  }
0x5b: {  	_ =	shalt  }
0x5c: {  	_ =	shalt  }
0x5d: {  	_ =	shalt  }
0x5e: {  	_ =	shalt  }
0x5f: {  	_ =	shalt  }
0x60: {  	_ =	shalt  }
0x61: {  	_ =	shalt  }
0x62: {  	_ =	shalt  }
0x63: {  	_ =	shalt  }
0x64: {  	_ =	shalt  }
0x65: {  	_ =	shalt  }
0x66: {  	_ =	shalt  }
0x67: {  	_ =	shalt  }
0x68: {  	_ =	shalt  }
0x69: {  	_ =	shalt  }
0x6a: {  	_ =	shalt  }
0x6b: {  	_ =	shalt  }
0x6c: {  	_ =	shalt  }
0x6d: {  	_ =	shalt  }
0x6e: {  	_ =	shalt  }
0x6f: {  	_ =	shalt  }
0x70: {  	_ =	shalt  }
0x71: {  	_ =	shalt  }
0x72: {  	_ =	shalt  }
0x73: {  	_ =	shalt  }
0x74: {  	_ =	shalt  }
0x75: {  	_ =	shalt  }
0x76: {  	_ =	shalt  }
0x77: {  	_ =	shalt  }
0x78: {  	_ =	shalt  }
0x79: {  	_ =	shalt  }
0x7a: {  	_ =	shalt  }
0x7b: {  	_ =	shalt  }
0x7c: {  	_ =	shalt  }
0x7d: {  	_ =	shalt  }
0x7e: {  	_ =	shalt  }
0x7f: {  	_ =	shalt  }
0x80: {  	_ =	shalt  }
0x81: {  	_ =	shalt  }
0x82: {  	_ =	shalt  }
0x83: {  	_ =	shalt  }
0x84: {  	_ =	shalt  }
0x85: {  	_ =	shalt  }
0x86: {  	_ =	shalt  }
0x87: {  	_ =	shalt  }
.Lfunc_end0:
.L_simem_size_0:
called_computation.1_lowered:
.L_overlay_start_0:
0x88: {  	s2 =	sld [smem:$0x3FD9]  }
0x89: {  	s3 =	sld [smem:$0x3FFE];
	_ =	sdelay $0x1  }
0x8a: {  	s1 =	srdreg.scid  }
0x8b: {  	s0 =	sand.u32 $0x1, s1  }
0x8c: {  	s16 =	sshll.u32 s0, $0xA;
	s2 =	sadd.s32 s3, s2  }
0x8d: {  	s2 =	sadd.s32 s2, s16  }
0x8e: {  	[smem:$0x3FAF] =	sst s2  }
0x8f: {  	_ = 	snop  }
0x90: {  	(tm) =	ssettm $0x1  }
0x91: {  	s17 =	sld [smem:$0x3FFB];
	_ =	sdelay $0x3  }
0x92: {  	_ =	strace s17  }
0x93: {  	s2 =	sld [smem:$0x3FFC];
	_ =	sdelay $0x3  }
0x94: {  	_ =	strace s2  }
0x95: {  	s2 =	sld [smem:$0x3FFD];
	_ =	sdelay $0x3  }
0x96: {  	_ =	strace s2  }
0x97: {  	_ =	strace $0x8FFFFFFF  }
0x98: {  	s18 =	sld [smem:$0x3FDB];
	_ =	sdelay $0x1  }
0x99: {  	s19 =	simm.s32 $_scs_section_size  }
0x9a: {  	s4 =	simm.s32 $_size__tile_overlayer_lowered;
	s5 =	simm.s32 $_tile_overlayer_lowered  }
0x9b: {  	s22 =	simm.s32 $0x1BFF;
	s21 =	sshll.u32 s5, $0x1;
	s2 =	sadd.s32 s19, s18  }
0x9c: {  	s6 =	simm.s32 $0x0;
	s20 =	sshll.u32 s4, $0x1;
	s4 =	sadd.s32 s21, s2  }
0x9d: {  	[timem:s6], [sflag:s22] =	dma.local [hbm:s4], s20  }
0x9e: {  	_ =	swait.ge [sflag:s22], s20  }
0x9f: {  	s3 =	ssub.s32 $0x0, s20;
	[sflag:s22] =	ssyncset.done $0x0  }
0xa0: {  	[sflag:s22] =	ssyncadd.s32 s3;
	_ =	sdelay $0x1  }
0xa1: {  	s23 =	simm.s32 $0x1B8B  }
0xa2: {  	_ =	swait.ge [sflag:s23], $0x1  }
0xa3: {  	[sflag:s23] =	ssyncset.done $0x0  }
0xa4: {  	s25 =	simm.s32 $0x1B8E;
	s24 =	sld [smem:$0x3FFE];
	[sflag:s23] =	ssyncadd.s32 $0xFFFFFFFF  }
0xa5: {  	s26 =	simm.s32 $execute0_lowered;
	[smem:$0x3FD2] =	sst s25  }
0xa6: {  	s4 =	sshll.u32 s26, $0x1;
	_ =	strace $0x80000049;
	[dreg:$0x1] =	wrdreg $0xFFFFFFFF  }
0xa7: {  	s28 =	simm.s32 $_size_execute0_lowered;
	s2 =	sadd.s32 s2, s4;
	[dreg:$0x0] =	wrdreg $0x0  }
0xa8: {  	s4 =	sshll.u32 s28, $0x1;
	[dreg:$0x2] =	wrdreg s2  }
0xa9: {  	[dreg:$0x3] =	wrdreg s4  }
0xaa: {  	[dreg:$0x4] =	wrdreg $0xC0  }
0xab: {  	_ =	task [dreg:s6], $0x5FFFF  }
0xac: {  	[dreg:$0x1] =	wrdreg $0xFFFFFFFF  }
0xad: {  	[dreg:$0x0] =	wrdreg $0x60  }
0xae: {  	[dreg:$0x2] =	wrdreg s24  }
0xaf: {  	[dreg:$0x3] =	wrdreg $0x9  }
0xb0: {  	_ =	task.clear_ibuf [dreg:s6], $0x4FFFF;
	_ =	strace $0x90000049  }
0xb1: {  	s29 =	simm.s32 $0x9;
	_ =	strace $0x8000004B  }
0xb2: {  	_ =	swait.ge [sflag:s29], $0x1  }
0xb3: {  	[sflag:s29] =	ssyncadd.s32 $0xFFFFFFFF  }
0xb4: {  	_ =	strace $0x9000004B  }
0xb5: {  	_ =	sfence  }
0xb6: {  	s30 =	sld [smem:$0x0];
	_ =	sdelay $0x2  }
0xb7: {  	s31 =	sshll.u32 s1, $0xD;
	s1 =	sshrl.u32 s1, $0x2  }
0xb8: {  	s3 =	sand.u32 $0x4000, s31;
	s1 =	sadd.s32 s1, s30  }
0xb9: {  	s0 =	sor.u32 s3, s0;
	s1 =	sshll.u32 s1, $0x11  }
0xba: {  	s0 =	sor.u32 s1, s0  }
0xbb: {  	s0 =	sadd.s32 $0x8F2B, s0  }
0xbc: {  	[sflag:s0] =	ssyncadd.remote.s32 $0x1  }
0xbd: {  	_ =	sfence.sel $0xFFFF  }
0xbe: {  	[dreg:$0x0] =	wrdreg $0xFFFFFFFF;
	(pc) =	sbr.abs _section_cstart, $3  }
0xbf: {  	[dreg:$0x1] =	wrdreg $0xFFFFFFFF  }
0xc0: {  	_ =	task.clear_ibuf [dreg:s6], $0x2FFFF;
	_ =	strace $0x9FFFFFFF  }
0xc1: {  	(tm) =	ssettm $0x7FFFFFFF  }
tec
execute0_lowered:
.L_overlay_start_1:
0x0: {  	(tag) =	ssettag $0x1  }
0x1: {  	s0 =	rddreg [dreg:$0x0];
	s1 =	simm.s32 $0x0;
	s23 =	srdreg.scid  }
0x2: {  	s6 =	stileid.u32;
	s11 =	simm.s32 $0x80;
	s12 =	simm.s32 $0x400  }
0x3: {  	s13 =	simm.s32 $0x3;
	s18 =	simm.s32 $0x4F00;
	s19 =	simm.s32 $0x9E00  }
0x4: {  	s20 =	simm.s32 $0x2780;
	s21 =	simm.s32 $0x7680;
	s22 =	simm.s32 $0xC580  }
0x5: {  	s28 =	simm.s32 $0x11480;
	s29 =	simm.s32 $0x16380;
	[smem:$0x7FF] =	sst s1  }
0x6: {  	s30 =	simm.s32 $0x1;
	s2 =	sadd.s32 $0x9D5200, s0;
	s3 =	sadd.s32 $0x9CB400, s0  }
0x7: {  	s4 =	sadd.s32 $0xA2E000, s0;
	s5 =	sadd.s32 $0x9DF000, s0;
	s7 =	sadd.s32 $0xAA8000, s0  }
0x8: {  	s8 =	sadd.s32 $0xF8A000, s0;
	_ =	strace $0x8000004A;
	[dreg:$0x2] =	wrdreg s4  }
0x9: {  	s0 =	sadd.s32 $0x6400, s0;
	s6 =	sshll.u32 s6, $0x8;
	[dreg:$0x3] =	wrdreg s5  }
0xa: {  	s4 =	sand.u32 $0x1, s23;
	[dreg:$0x4] =	wrdreg s0;
	s26 =	sand.u32 $0x300, s6  }
0xb: {  	s24 =	ssub.s32 $0x2, s4;
	s4 =	sshll.u32 s4, $0x4;
	[dreg:$0x6] =	wrdreg s26  }
0xc: {  	s10 =	simm.s32 $0x2;
	s31 =	sor.u32 $0x13C000, s26;
	[dreg:$0x5] =	wrdreg s4  }
0xd: {  	s23 =	simm.s32 $0x1D300;
	s25 =	sshrl.u32 s24, $0x1;
	[dreg:$0x7] =	wrdreg s31  }
0xe: {  	s4 =	sor.u32 $0x80, s26;
	s26 =	simm.s32 $0x13C00;
	s0 =	ssub.s32 s24, s25  }
0xf: {  	[dreg:$0x8] =	wrdreg s4;
	s24 =	simm.s32 $0x1E300;
	s0 =	smax.u32 s0, $0x1  }
0x10: {  	v0 =	vimm.f32 $0.0e+00;
	s25 =	simm.s32 $0xED00;
	s4 =	simm.s32 $0x0;
	[dreg:$0x9] =	wrdreg s0  }
.LBB2_1:
0x11: {  	[dreg:$0xa] =	wrdreg s4;
	p1 =	por $0x1, $0x1;
	s0 =	simm.s32 $0x0  }
.LBB2_2:
0x12: {  	s4 =	rddreg [dreg:$0x5]  }
0x13: {  	s16 =	stileid.u32;
	s0 =	sor.u32 s0, s4  }
0x14: {  	s0 =	sor.u32 s16, s0  }
0x15: {  	s4 =	sshrl.u32 s0, $0x2  }
0x16: {  	s4 =	smul.u32 $0x13C00, s4  }
0x17: {  	s5 =	rddreg [dreg:$0x6]  }
0x18: {  	s5 =	sor.u32 s5, s4  }
0x19: {  	s6 =	rddreg [dreg:$0x2];
	s14 =	sshrl.u32 s5, $0x3  }
0x1a: {  	s5 =	sadd.s32 s6, s14  }
0x1b: {  	[tilespmem:s1], [sflag:$0x3] =	stream.strided.gather [hbm4b:s5+s11], $0x2780, s12, s11, $0x38;
	[tilespmem:$0x1EB00] =	vst v63  }
0x1c: {  	_ =	swait.ge [sflag:s13], $0x2780  }
0x1d: {  	[sflag:s13] =	ssyncset.done $0x0;
	s9 =	rddreg [dreg:$0x3]  }
0x1e: {  	[dreg:$0xb] =	wrdreg s14;
	[sflag:s13] =	ssyncadd.s32 $0xFFFFD880;
	s17 =	sadd.s32 s9, s14  }
0x1f: {  	[tilespmem:s18], [sflag:$0x3] =	stream.strided.gather [hbm4b:s17+s11], $0x2780, s12, s11, $0x38;
	[tilespmem:$0x1EB00] =	vst v63  }
0x20: {  	_ =	swait.ge [sflag:s13], $0x2780  }
0x21: {  	s31 =	rddreg [dreg:$0x7]  }
0x22: {  	s5 =	sadd.s32 s31, s4  }
0x23: {  	[sflag:s13] =	ssyncset.done $0x0;
	s5 =	sshrl.u32 s5, $0x3  }
0x24: {  	[sflag:s13] =	ssyncadd.s32 $0xFFFFD880;
	[dreg:$0xc] =	wrdreg s5;
	s5 =	sadd.s32 s9, s5  }
0x25: {  	[tilespmem:s19], [sflag:$0x3] =	stream.strided.gather [hbm4b:s5+s11], $0x2780, s12, s11, $0x38;
	[tilespmem:$0x1EB00] =	vst v63  }
0x26: {  	_ =	swait.ge [sflag:s13], $0x2780  }
0x27: {  	s14 =	rddreg [dreg:$0x8]  }
0x28: {  	s4 =	sor.u32 s4, s14  }
0x29: {  	[sflag:s13] =	ssyncset.done $0x0;
	s15 =	sshrl.u32 s4, $0x3  }
0x2a: {  	[sflag:s13] =	ssyncadd.s32 $0xFFFFD880;
	s16 =	sadd.s32 s6, s15  }
0x2b: {  	[tilespmem:s20], [sflag:$0x3] =	stream.strided.gather [hbm4b:s16+s11], $0x2780, s12, s11, $0x38;
	[tilespmem:$0x1EB00] =	vst v63  }
0x2c: {  	_ =	swait.ge [sflag:s13], $0x2780  }
0x2d: {  	[sflag:s13] =	ssyncset.done $0x0  }
0x2e: {  	s17 =	sadd.s32 s9, s15;
	[dreg:$0xd] =	wrdreg s15;
	[sflag:s13] =	ssyncadd.s32 $0xFFFFD880  }
0x2f: {  	[tilespmem:s21], [sflag:$0x3] =	stream.strided.gather [hbm4b:s17+s11], $0x2780, s12, s11, $0x38;
	[tilespmem:$0x1EB00] =	vst v63  }
0x30: {  	s4 =	sadd.s32 $0x13C000, s4;
	_ =	swait.ge [sflag:s13], $0x2780  }
0x31: {  	s4 =	sshrl.u32 s4, $0x3;
	[sflag:s13] =	ssyncset.done $0x0  }
0x32: {  	[dreg:$0xe] =	wrdreg s4;
	s4 =	sadd.s32 s9, s4;
	[sflag:s13] =	ssyncadd.s32 $0xFFFFD880  }
0x33: {  	[tilespmem:s22], [sflag:$0x3] =	stream.strided.gather [hbm4b:s4+s11], $0x2780, s12, s11, $0x38;
	[tilespmem:$0x1EB00] =	vst v63  }
0x34: {  	_ =	swait.ge [sflag:s13], $0x2780  }
0x35: {  	[sflag:s13] =	ssyncset.done $0x0  }
0x36: {  	s31 =	simm.s32 $0xED20;
	[sflag:s13] =	ssyncadd.s32 $0xFFFFD880  }
0x37: {  	[tilespmem:s31+$0xFFFFFFF0] =	vst v0  }
0x38: {  	[tilespmem:s31+$0x0] =	vst v0  }
0x39: {  	[tilespmem:s31+$0x10] =	vst v0  }
0x3a: {  	s4 =	simm.s32 $0x13C20;
	[tilespmem:s31+$0xFFFFFFE0] =	vst v0  }
0x3b: {  	[tilespmem:s4+$0xFFFFFFF0] =	vst v0  }
0x3c: {  	[tilespmem:s4+$0x0] =	vst v0  }
0x3d: {  	[tilespmem:s4+$0x10] =	vst v0  }
0x3e: {  	s5 =	simm.s32 $0x114A0;
	[tilespmem:s4+$0xFFFFFFE0] =	vst v0  }
0x3f: {  	[tilespmem:s5+$0xFFFFFFF0] =	vst v0  }
0x40: {  	[tilespmem:s5+$0x0] =	vst v0  }
0x41: {  	[tilespmem:s5+$0x10] =	vst v0  }
0x42: {  	s6 =	simm.s32 $0x163A0;
	[tilespmem:s5+$0xFFFFFFE0] =	vst v0  }
0x43: {  	[tilespmem:s6+$0xFFFFFFF0] =	vst v0  }
0x44: {  	[tilespmem:s6+$0x0] =	vst v0  }
0x45: {  	[tilespmem:s6+$0x10] =	vst v0  }
0x46: {  	p0 =	por p1, p1;
	s9 =	simm.s32 $0x0;
	s11 =	simm.s32 $0xED60;
	[tilespmem:s6+$0xFFFFFFE0] =	vst v0  }
.LBB2_3:
0x47: {  	[tilespmem:s11+$0xFFFFFFF0] =	vst v0;
	s4 =	sadd.s32 $0x40, s4  }
0x48: {  	s5 =	sadd.s32 $0x40, s5;
	[tilespmem:s4+$0xFFFFFFF0] =	vst v0  }
0x49: {  	s6 =	sadd.s32 $0x40, s6;
	[tilespmem:s5+$0xFFFFFFF0] =	vst v0  }
0x4a: {  	[tilespmem:s6+$0xFFFFFFF0] =	vst v0  }
0x4b: {  	[tilespmem:s11+$0x0] =	vst v0  }
0x4c: {  	[tilespmem:s4+$0x0] =	vst v0  }
0x4d: {  	[tilespmem:s5+$0x0] =	vst v0  }
0x4e: {  	[tilespmem:s6+$0x0] =	vst v0  }
0x4f: {  	[tilespmem:s11+$0x10] =	vst v0  }
0x50: {  	s9 =	sadd.s32 $0x4, s9;
	[tilespmem:s4+$0x10] =	vst v0  }
0x51: {  	p1 =	slt.u32 s9, $0x26C;
	[tilespmem:s5+$0x10] =	vst v0  }
.Ltmp0:
0x52: {  	[tilespmem:s6+$0x10] =	vst v0;
	(pc) =	sbr.rel @p1 .LBB2_3-.Ltmp0, $4  }
0x53: {  	[tilespmem:s11+$0xFFFFFFE0] =	vst v0  }
0x54: {  	[tilespmem:s4+$0xFFFFFFE0] =	vst v0  }
0x55: {  	[tilespmem:s5+$0xFFFFFFE0] =	vst v0  }
0x56: {  	s11 =	sadd.s32 $0x40, s11;
	[tilespmem:s6+$0xFFFFFFE0] =	vst v0  }
0x57: {  	[tilespmem:$0x11400] =	vst v0  }
0x58: {  	[tilespmem:$0x16300] =	vst v0  }
0x59: {  	[tilespmem:$0x13B80] =	vst v0  }
0x5a: {  	[tilespmem:$0x18A80] =	vst v0;
	s13 =	simm.s32 $0x0;
	s4 =	simm.s32 $0x18B00  }
0x5b: {  	[tilespmem:s4], [sflag:$0x1] =	stream.linear.gather [hbm4b:s2+s13], $0x7D0, $0x38;
	[tilespmem:$0x1EB00] =	vst v63  }
0x5c: {  	s12 =	simm.s32 $0x19300;
	s4 =	smul.u32 $0x9C400, s0  }
0x5d: {  	[tilespmem:s12], [sflag:$0x1] =	stream.linear.gather [hbm4b:s3+s13], $0x7D0, $0x38;
	[tilespmem:$0x1EB00] =	vst v63  }
0x5e: {  	s14 =	sshrl.u32 s4, $0x3  }
0x5f: {  	s6 =	simm.s32 $0x19B00;
	s5 =	sadd.s32 s7, s14  }
0x60: {  	[tilespmem:s6], [sflag:$0x1] =	stream.linear.gather [hbm4b:s5+s13], $0x7D0, $0x38;
	[tilespmem:$0x1EB00] =	vst v63  }
0x61: {  	s6 =	sadd.s32 $0x4E200, s4  }
0x62: {  	s15 =	simm.s32 $0x1AB00;
	s0 =	sadd.s32 s8, s14;
	s16 =	sshrl.u32 s6, $0x3  }
0x63: {  	[tilespmem:s15], [sflag:$0x1] =	stream.linear.gather [hbm4b:s0+s13], $0x7D0, $0x38;
	[tilespmem:$0x1EB00] =	vst v63  }
0x64: {  	s9 =	simm.s32 $0x1A300;
	s17 =	sadd.s32 s7, s16  }
0x65: {  	[tilespmem:s9], [sflag:$0x1] =	stream.linear.gather [hbm4b:s17+s13], $0x7D0, $0x38;
	[tilespmem:$0x1EB00] =	vst v63  }
0x66: {  	s31 =	simm.s32 $0x1B300;
	s0 =	sadd.s32 s8, s16;
	s9 =	simm.s32 $0x0  }
0x67: {  	[tilespmem:s31], [sflag:$0x1] =	stream.linear.gather [hbm4b:s0+s13], $0x7D0, $0x38;
	[tilespmem:$0x1EB00] =	vst v63  }
.LBB2_5:
0x68: {  	_ =	swait.ge [sflag:s30], $0x7D0  }
0x69: {  	[sflag:s30] =	ssyncset.done $0x0  }
0x6a: {  	[sflag:s30] =	ssyncadd.s32 $0xFFFFF830  }
0x6b: {  	_ =	swait.ge [sflag:s30], $0x7D0  }
0x6c: {  	[sflag:s30] =	ssyncset.done $0x0  }
0x6d: {  	[sflag:s30] =	ssyncadd.s32 $0xFFFFF830  }
0x6e: {  	_ =	swait.ge [sflag:s30], $0x7D0  }
0x6f: {  	[sflag:s30] =	ssyncset.done $0x0  }
0x70: {  	[sflag:s30] =	ssyncadd.s32 $0xFFFFF830  }
0x71: {  	_ =	swait.ge [sflag:s30], $0x7D0  }
0x72: {  	[sflag:s30] =	ssyncset.done $0x0  }
0x73: {  	[sflag:s30] =	ssyncadd.s32 $0xFFFFF830  }
0x74: {  	_ =	swait.ge [sflag:s30], $0x7D0  }
0x75: {  	s12 =	smul.u32 $0xFA0, s9;
	[sflag:s30] =	ssyncset.done $0x0  }
0x76: {  	[sflag:s30] =	ssyncadd.s32 $0xFFFFF830  }
0x77: {  	s0 =	sadd.s32 $0x7D0, s12;
	_ =	swait.ge [sflag:s30], $0x7D0  }
0x78: {  	s5 =	sshrl.u32 s0, $0x3;
	[sflag:s30] =	ssyncset.done $0x0  }
0x79: {  	s14 =	simm.s32 $0x1BB00;
	s11 =	sadd.s32 s2, s5;
	[sflag:s30] =	ssyncadd.s32 $0xFFFFF830  }
0x7a: {  	[tilespmem:s14], [sflag:$0x2] =	stream.linear.gather [hbm4b:s11+s1], $0x7D0, $0x38;
	[tilespmem:$0x1EB00] =	vst v63  }
0x7b: {  	s15 =	sadd.s32 s4, s0;
	s5 =	sadd.s32 s3, s5;
	s14 =	simm.s32 $0x1C300  }
0x7c: {  	[tilespmem:s14], [sflag:$0x2] =	stream.linear.gather [hbm4b:s5+s1], $0x7D0, $0x38;
	[tilespmem:$0x1EB00] =	vst v63  }
0x7d: {  	s5 =	sshrl.u32 s15, $0x3  }
0x7e: {  	s17 =	simm.s32 $0x1CB00;
	s0 =	sadd.s32 s6, s0;
	s16 =	sadd.s32 s7, s5  }
0x7f: {  	[tilespmem:s17], [sflag:$0x2] =	stream.linear.gather [hbm4b:s16+s1], $0x7D0, $0x38;
	[tilespmem:$0x1EB00] =	vst v63  }
0x80: {  	s0 =	sshrl.u32 s0, $0x3;
	s15 =	simm.s32 $0x1DB00;
	s5 =	sadd.s32 s8, s5  }
0x81: {  	[tilespmem:s15], [sflag:$0x2] =	stream.linear.gather [hbm4b:s5+s1], $0x7D0, $0x38;
	[tilespmem:$0x1EB00] =	vst v63  }
0x82: {  	s16 =	sadd.s32 s7, s0  }
0x83: {  	[tilespmem:s23], [sflag:$0x2] =	stream.linear.gather [hbm4b:s16+s1], $0x7D0, $0x38;
	[tilespmem:$0x1EB00] =	vst v63  }
0x84: {  	s0 =	sadd.s32 s8, s0;
	s17 =	simm.s32 $0x19340  }
0x85: {  	[tilespmem:s24], [sflag:$0x2] =	stream.linear.gather [hbm4b:s0+s1], $0x7D0, $0x38;
	[tilespmem:$0x1EB00] =	vst v63  }
0x86: {  	v15 =	vld [tilespmem:s17+$0x30]  }
0x87: {  	s11 =	simm.s32 $0x18B40;
	v14 =	vld [tilespmem:s17+$0xFFFFFFC0]  }
0x88: {  	v16 =	vld [tilespmem:s11+$0x30]  }
0x89: {  	v13 =	vld [tilespmem:s17+$0xFFFFFFD0]  }
0x8a: {  	v12 =	vld [tilespmem:s17+$0xFFFFFFE0]  }
0x8b: {  	v11 =	vld [tilespmem:s17+$0xFFFFFFF0]  }
0x8c: {  	v10 =	vld [tilespmem:s17+$0x0]  }
0x8d: {  	s15 =	simm.s32 $0x19B40;
	v9 =	vld [tilespmem:s17+$0x10]  }
0x8e: {  	v2 =	vld [tilespmem:s15+$0x30]  }
0x8f: {  	v8 =	vld [tilespmem:s17+$0x20]  }
0x90: {  	v5 =	vld [tilespmem:s11+$0xFFFFFFD0]  }
0x91: {  	v4 =	vld [tilespmem:s11+$0xFFFFFFE0]  }
0x92: {  	v3 =	vld [tilespmem:s11+$0xFFFFFFF0]  }
0x93: {  	v7 =	vld [tilespmem:s11+$0x0]  }
0x94: {  	s16 =	simm.s32 $0x1AB40;
	v1 =	vld.idx.msk [tilespmem:v15+s18+$0x0], $0xffff  }
0x95: {  	v21 =	vld [tilespmem:s16+$0x30]  }
0x96: {  	v6 =	vld.idx.msk [tilespmem:v16+s13+$0x0], $0xffff  }
0x97: {  	v26 =	vld [tilespmem:s15+$0xFFFFFFC0]  }
0x98: {  	v50 =	vld [tilespmem:s15+$0xFFFFFFD0]  }
0x99: {  	v28 =	vld [tilespmem:s15+$0xFFFFFFE0];
	v2 =	vadd.f32 v1, v2  }
0x9a: {  	v29 =	vld [tilespmem:s15+$0xFFFFFFF0]  }
0x9b: {  	v31 =	vld [tilespmem:s15+$0x0];
	v17 =	vmul.f32 v2, v6  }
0x9c: {  	v32 =	vld [tilespmem:s15+$0x10]  }
0x9d: {  	v33 =	vld [tilespmem:s15+$0x20];
	v17 =	vmul.f32 $1.442695020e+00, v17  }
0x9e: {  	v63 =	vld [tilespmem:s16+$0xFFFFFFC0]  }
0x9f: {  	v38 =	vld [tilespmem:s16+$0xFFFFFFF0];
	(erf) = vpow2.f32 v17  }
0xa0: {  	v39 =	vld [tilespmem:s16+$0x0]  }
0xa1: {  	v41 =	vld [tilespmem:s16+$0x10]  }
0xa2: {  	v20 =	vld.idx.msk [tilespmem:v15+s19+$0x0], $0xffff  }
0xa3: {  	v43 =	vld [tilespmem:s16+$0x20]  }
0xa4: {  	v18 =	vld.idx.msk [tilespmem:v14+s18+$0x0], $0xffff  }
0xa5: {  	v19 =	vld.idx.msk [tilespmem:v13+s18+$0x0], $0xffff  }
0xa6: {  	v49 =	vld.idx.msk [tilespmem:v12+s18+$0x0], $0xffff  }
0xa7: {  	v22 =	vld.idx.msk [tilespmem:v11+s18+$0x0], $0xffff;
	v20 =	vadd.f32 v20, v21  }
0xa8: {  	v23 =	vld.idx.msk [tilespmem:v10+s18+$0x0], $0xffff;
	v27 =	vpop (erf)  }
0xa9: {  	v24 =	vld.idx.msk [tilespmem:v9+s18+$0x0], $0xffff;
	v20 =	vmul.f32 v27, v20  }
0xaa: {  	v6 =	vld [tilespmem:s11+$0xFFFFFFC0]  }
0xab: {  	[tilespmem:v16+s25+$0x0] =	vst.idx.add.f32.msk $0xffff, v20  }
0xac: {  	[tilespmem:v16+s26+$0x0] =	vst.idx.add.f32.msk $0xffff, v27  }
0xad: {  	s17 =	simm.s32 $0x1A340;
	v20 =	vld.idx.msk [tilespmem:v15+s21+$0x0], $0xffff  }
0xae: {  	v27 =	vld [tilespmem:s17+$0x30]  }
0xaf: {  	v25 =	vld.idx.msk [tilespmem:v8+s18+$0x0], $0xffff  }
0xb0: {  	v30 =	vld.idx.msk [tilespmem:v16+s20+$0x0], $0xffff  }
0xb1: {  	v51 =	vld.idx.msk [tilespmem:v5+s13+$0x0], $0xffff  }
0xb2: {  	v34 =	vld.idx.msk [tilespmem:v6+s13+$0x0], $0xffff  }
0xb3: {  	v35 =	vld.idx.msk [tilespmem:v4+s13+$0x0], $0xffff;
	v20 =	vadd.f32 v20, v27  }
0xb4: {  	v52 =	vld.idx.msk [tilespmem:v3+s13+$0x0], $0xffff  }
0xb5: {  	v36 =	vld.idx.msk [tilespmem:v7+s13+$0x0], $0xffff;
	v18 =	vadd.f32 v18, v26;
	v20 =	vmul.f32 v20, v30  }
0xb6: {  	v1 =	vld [tilespmem:s11+$0x10];
	v19 =	vadd.f32 v19, v50  }
0xb7: {  	v54 =	vld.idx.msk [tilespmem:v14+s19+$0x0], $0xffff;
	v18 =	vmul.f32 v18, v34;
	v20 =	vmul.f32 $1.442695020e+00, v20  }
0xb8: {  	v56 =	vld.idx.msk [tilespmem:v13+s19+$0x0], $0xffff;
	v19 =	vmul.f32 v19, v51  }
0xb9: {  	v57 =	vld.idx.msk [tilespmem:v12+s19+$0x0], $0xffff;
	v17 =	vadd.f32 v49, v28;
	v18 =	vmul.f32 $1.442695020e+00, v18;
	(erf) = vpow2.f32 v20  }
0xba: {  	v22 =	vadd.f32 v22, v29;
	v2 =	vld [tilespmem:s11+$0x20];
	v19 =	vmul.f32 $1.442695020e+00, v19  }
0xbb: {  	s31 =	simm.s32 $0x1B340;
	v17 =	vmul.f32 v17, v35;
	v15 =	vld.idx.msk [tilespmem:v15+s22+$0x0], $0xffff;
	(erf) = vpow2.f32 v18  }
0xbc: {  	v22 =	vmul.f32 v22, v52;
	v55 =	vld [tilespmem:s31+$0x30];
	(erf) = vpow2.f32 v19  }
0xbd: {  	v58 =	vld.idx.msk [tilespmem:v11+s19+$0x0], $0xffff;
	v17 =	vmul.f32 $1.442695020e+00, v17  }
0xbe: {  	v22 =	vmul.f32 $1.442695020e+00, v22;
	v37 =	vld.idx.msk [tilespmem:v1+s13+$0x0], $0xffff  }
0xbf: {  	v24 =	vadd.f32 v24, v32;
	v32 =	vld [tilespmem:s16+$0xFFFFFFD0];
	(erf) = vpow2.f32 v17  }
0xc0: {  	v59 =	vld.idx.msk [tilespmem:v10+s19+$0x0], $0xffff;
	(erf) = vpow2.f32 v22  }
0xc1: {  	v60 =	vld.idx.msk [tilespmem:v9+s19+$0x0], $0xffff;
	v15 =	vadd.f32 v15, v55  }
0xc2: {  	v35 =	vld [tilespmem:s16+$0xFFFFFFE0];
	v62 =	vpop (erf)  }
0xc3: {  	v61 =	vld.idx.msk [tilespmem:v8+s19+$0x0], $0xffff;
	v24 =	vmul.f32 v24, v37;
	v37 =	vadd.f32 v54, v63;
	v15 =	vmul.f32 v62, v15  }
0xc4: {  	v53 =	vld.idx.msk [tilespmem:v2+s13+$0x0], $0xffff;
	v17 =	vadd.f32 v56, v32;
	v40 =	vpop (erf)  }
0xc5: {  	v42 =	vpop (erf);
	[tilespmem:v16+s28+$0x0] =	vst.idx.add.f32.msk $0xffff, v15;
	v15 =	vmul.f32 v40, v37  }
0xc6: {  	v44 =	vmul.f32 v42, v17;
	[tilespmem:v16+s29+$0x0] =	vst.idx.add.f32.msk $0xffff, v62  }
0xc7: {  	v45 =	vadd.f32 v57, v35;
	[tilespmem:v6+s25+$0x0] =	vst.idx.add.f32.msk $0xffff, v15  }
0xc8: {  	v47 =	vadd.f32 v58, v38;
	v46 =	vpop (erf);
	[tilespmem:v5+s25+$0x0] =	vst.idx.add.f32.msk $0xffff, v44  }
0xc9: {  	v48 =	vpop (erf);
	v15 =	vmul.f32 v46, v45;
	[tilespmem:v6+s26+$0x0] =	vst.idx.add.f32.msk $0xffff, v40  }
0xca: {  	v20 =	vmul.f32 v48, v47;
	[tilespmem:v5+s26+$0x0] =	vst.idx.add.f32.msk $0xffff, v42  }
0xcb: {  	[tilespmem:v4+s25+$0x0] =	vst.idx.add.f32.msk $0xffff, v15  }
0xcc: {  	[tilespmem:v3+s25+$0x0] =	vst.idx.add.f32.msk $0xffff, v20  }
0xcd: {  	v23 =	vadd.f32 v23, v31;
	v55 =	vld.idx.msk [tilespmem:v14+s21+$0x0], $0xffff  }
0xce: {  	v56 =	vld.idx.msk [tilespmem:v13+s21+$0x0], $0xffff  }
0xcf: {  	v23 =	vmul.f32 v23, v36;
	v52 =	vadd.f32 v61, v43;
	v61 =	vld [tilespmem:s17+$0xFFFFFFC0]  }
0xd0: {  	v62 =	vld [tilespmem:s17+$0xFFFFFFD0]  }
0xd1: {  	v25 =	vadd.f32 v25, v33;
	v33 =	vmul.f32 $1.442695020e+00, v23;
	v40 =	vld.idx.msk [tilespmem:v6+s20+$0x0], $0xffff  }
0xd2: {  	v50 =	vadd.f32 v60, v41;
	v41 =	vld.idx.msk [tilespmem:v5+s20+$0x0], $0xffff  }
0xd3: {  	v36 =	vmul.f32 $1.442695020e+00, v24;
	(erf) = vpow2.f32 v33;
	v14 =	vld.idx.msk [tilespmem:v14+s22+$0x0], $0xffff  }
0xd4: {  	v13 =	vld.idx.msk [tilespmem:v13+s22+$0x0], $0xffff  }
0xd5: {  	(erf) = vpow2.f32 v36;
	[tilespmem:v4+s26+$0x0] =	vst.idx.add.f32.msk $0xffff, v46  }
0xd6: {  	[tilespmem:v3+s26+$0x0] =	vst.idx.add.f32.msk $0xffff, v48  }
0xd7: {  	v57 =	vld.idx.msk [tilespmem:v12+s21+$0x0], $0xffff  }
0xd8: {  	v58 =	vld.idx.msk [tilespmem:v11+s21+$0x0], $0xffff  }
0xd9: {  	v34 =	vmul.f32 v25, v53;
	v63 =	vld [tilespmem:s17+$0xFFFFFFE0]  }
0xda: {  	v36 =	vld [tilespmem:s17+$0xFFFFFFF0]  }
0xdb: {  	v18 =	vadd.f32 v59, v39;
	v16 =	vmul.f32 $1.442695020e+00, v34;
	v42 =	vld.idx.msk [tilespmem:v4+s20+$0x0], $0xffff  }
0xdc: {  	v49 =	vpop (erf);
	v43 =	vld.idx.msk [tilespmem:v3+s20+$0x0], $0xffff  }
0xdd: {  	(erf) = vpow2.f32 v16;
	v12 =	vld.idx.msk [tilespmem:v12+s22+$0x0], $0xffff;
	v18 =	vmul.f32 v49, v18  }
0xde: {  	v11 =	vld.idx.msk [tilespmem:v11+s22+$0x0], $0xffff;
	v51 =	vpop (erf)  }
0xdf: {  	v17 =	vmul.f32 v51, v50;
	[tilespmem:v7+s25+$0x0] =	vst.idx.add.f32.msk $0xffff, v18  }
0xe0: {  	[tilespmem:v7+s26+$0x0] =	vst.idx.add.f32.msk $0xffff, v49  }
0xe1: {  	[tilespmem:v1+s25+$0x0] =	vst.idx.add.f32.msk $0xffff, v17  }
0xe2: {  	v49 =	vld [tilespmem:s31+$0xFFFFFFC0]  }
0xe3: {  	[tilespmem:v1+s26+$0x0] =	vst.idx.add.f32.msk $0xffff, v51  }
0xe4: {  	v59 =	vld.idx.msk [tilespmem:v10+s21+$0x0], $0xffff  }
0xe5: {  	v37 =	vld [tilespmem:s17+$0x0]  }
0xe6: {  	v15 =	vadd.f32 v55, v61;
	v44 =	vld.idx.msk [tilespmem:v7+s20+$0x0], $0xffff;
	v53 =	vpop (erf)  }
0xe7: {  	v20 =	vld.idx.msk [tilespmem:v9+s21+$0x0], $0xffff;
	v54 =	vmul.f32 v53, v52  }
0xe8: {  	v16 =	vadd.f32 v56, v62;
	v15 =	vmul.f32 v15, v40;
	v38 =	vld [tilespmem:s17+$0x10]  }
0xe9: {  	v17 =	vadd.f32 v57, v63;
	[tilespmem:v2+s25+$0x0] =	vst.idx.add.f32.msk $0xffff, v54  }
0xea: {  	v16 =	vmul.f32 v16, v41;
	v15 =	vmul.f32 $1.442695020e+00, v15;
	[tilespmem:v2+s26+$0x0] =	vst.idx.add.f32.msk $0xffff, v53  }
0xeb: {  	v18 =	vadd.f32 v58, v36;
	v17 =	vmul.f32 v17, v42;
	v60 =	vld.idx.msk [tilespmem:v8+s21+$0x0], $0xffff  }
0xec: {  	v16 =	vmul.f32 $1.442695020e+00, v16;
	(erf) = vpow2.f32 v15;
	v39 =	vld [tilespmem:s17+$0x20]  }
0xed: {  	v45 =	vld.idx.msk [tilespmem:v1+s20+$0x0], $0xffff;
	v18 =	vmul.f32 v18, v43  }
0xee: {  	v17 =	vmul.f32 $1.442695020e+00, v17;
	v47 =	vadd.f32 v59, v37;
	(erf) = vpow2.f32 v16;
	v46 =	vld.idx.msk [tilespmem:v2+s20+$0x0], $0xffff  }
0xef: {  	v10 =	vld.idx.msk [tilespmem:v10+s22+$0x0], $0xffff;
	v18 =	vmul.f32 $1.442695020e+00, v18  }
0xf0: {  	v51 =	vld [tilespmem:s31+$0xFFFFFFD0];
	v48 =	vadd.f32 v20, v38;
	(erf) = vpow2.f32 v17;
	v15 =	vmul.f32 v47, v44  }
0xf1: {  	v55 =	vld [tilespmem:s31+$0x0];
	(erf) = vpow2.f32 v18;
	v50 =	vadd.f32 v60, v39  }
0xf2: {  	v9 =	vld.idx.msk [tilespmem:v9+s22+$0x0], $0xffff;
	v16 =	vmul.f32 v48, v45;
	v15 =	vmul.f32 $1.442695020e+00, v15  }
0xf3: {  	v52 =	vld [tilespmem:s31+$0xFFFFFFE0];
	v17 =	vmul.f32 v50, v46  }
0xf4: {  	v57 =	vld [tilespmem:s31+$0x10];
	v14 =	vadd.f32 v14, v49;
	v16 =	vmul.f32 $1.442695020e+00, v16;
	(erf) = vpow2.f32 v15  }
0xf5: {  	v53 =	vld [tilespmem:s31+$0xFFFFFFF0];
	v56 =	vpop (erf);
	v54 =	vmul.f32 $1.442695020e+00, v17  }
0xf6: {  	v13 =	vadd.f32 v13, v51;
	v8 =	vld.idx.msk [tilespmem:v8+s22+$0x0], $0xffff;
	(erf) = vpow2.f32 v16;
	v14 =	vmul.f32 v56, v14  }
0xf7: {  	v58 =	vld [tilespmem:s31+$0x20];
	v59 =	vpop (erf);
	(erf) = vpow2.f32 v54  }
0xf8: {  	v12 =	vadd.f32 v12, v52;
	v13 =	vmul.f32 v59, v13;
	[tilespmem:v6+s28+$0x0] =	vst.idx.add.f32.msk $0xffff, v14  }
0xf9: {  	v60 =	vpop (erf);
	[tilespmem:v6+s29+$0x0] =	vst.idx.add.f32.msk $0xffff, v56  }
0xfa: {  	v61 =	vmul.f32 v60, v12;
	v6 =	vadd.f32 v11, v53;
	[tilespmem:v5+s28+$0x0] =	vst.idx.add.f32.msk $0xffff, v13  }
0xfb: {  	v62 =	vpop (erf);
	[tilespmem:v5+s29+$0x0] =	vst.idx.add.f32.msk $0xffff, v59  }
0xfc: {  	v5 =	vadd.f32 v10, v55;
	[tilespmem:v4+s28+$0x0] =	vst.idx.add.f32.msk $0xffff, v61;
	v6 =	vmul.f32 v62, v6  }
0xfd: {  	[tilespmem:v4+s29+$0x0] =	vst.idx.add.f32.msk $0xffff, v60;
	v63 =	vpop (erf)  }
0xfe: {  	v5 =	vmul.f32 v63, v5;
	[tilespmem:v3+s28+$0x0] =	vst.idx.add.f32.msk $0xffff, v6  }
0xff: {  	v8 =	vadd.f32 v8, v58;
	v6 =	vadd.f32 v9, v57;
	v4 =	vpop (erf);
	[tilespmem:v3+s29+$0x0] =	vst.idx.add.f32.msk $0xffff, v62  }
0x100: {  	[tilespmem:v7+s28+$0x0] =	vst.idx.add.f32.msk $0xffff, v5;
	v3 =	vpop (erf)  }
0x101: {  	s14 =	simm.s32 $0x0;
	s5 =	simm.s32 $0x193C0;
	v6 =	vmul.f32 v4, v6;
	[tilespmem:v7+s29+$0x0] =	vst.idx.add.f32.msk $0xffff, v63;
	v5 =	vmul.f32 v3, v8  }
.LBB2_6:
0x102: {  	v22 =	vld [tilespmem:s5+$0x30]  }
0x103: {  	s11 =	sadd.s32 $0x80, s11;
	v17 =	vld [tilespmem:s5+$0xFFFFFFC0]  }
0x104: {  	s14 =	sadd.s32 $0x8, s14;
	v21 =	vld [tilespmem:s11+$0x30]  }
0x105: {  	p1 =	slt.u32 s14, $0x70;
	v20 =	vld [tilespmem:s5+$0xFFFFFFD0]  }
0x106: {  	v18 =	vld [tilespmem:s5+$0xFFFFFFE0]  }
0x107: {  	v16 =	vld [tilespmem:s5+$0xFFFFFFF0]  }
0x108: {  	v15 =	vld [tilespmem:s5+$0x0]  }
0x109: {  	v14 =	vld [tilespmem:s5+$0x10]  }
0x10a: {  	s15 =	sadd.s32 $0x80, s15;
	v7 =	vld.idx.msk [tilespmem:v22+s18+$0x0], $0xffff  }
0x10b: {  	s0 =	simm.s32 $0x0;
	v11 =	vld [tilespmem:s15+$0x30]  }
0x10c: {  	v12 =	vld.idx.msk [tilespmem:v21+s0+$0x0], $0xffff  }
0x10d: {  	v19 =	vld [tilespmem:s5+$0x20]  }
0x10e: {  	v10 =	vld [tilespmem:s11+$0xFFFFFFD0]  }
0x10f: {  	v9 =	vld [tilespmem:s11+$0xFFFFFFE0]  }
0x110: {  	v8 =	vld [tilespmem:s11+$0xFFFFFFF0];
	v11 =	vadd.f32 v7, v11  }
0x111: {  	v7 =	vld [tilespmem:s11+$0x0]  }
0x112: {  	v13 =	vld [tilespmem:s11+$0x10];
	v23 =	vmul.f32 v11, v12  }
0x113: {  	v12 =	vld [tilespmem:s11+$0x20]  }
0x114: {  	v11 =	vld [tilespmem:s11+$0xFFFFFFC0];
	v23 =	vmul.f32 $1.442695020e+00, v23  }
0x115: {  	v24 =	vld.idx.msk [tilespmem:v17+s18+$0x0], $0xffff  }
0x116: {  	v25 =	vld.idx.msk [tilespmem:v20+s18+$0x0], $0xffff;
	(erf) = vpow2.f32 v23  }
0x117: {  	v23 =	vld.idx.msk [tilespmem:v18+s18+$0x0], $0xffff  }
0x118: {  	s16 =	sadd.s32 $0x80, s16;
	v26 =	vld.idx.msk [tilespmem:v22+s19+$0x0], $0xffff  }
0x119: {  	v27 =	vld [tilespmem:s16+$0x30]  }
0x11a: {  	v28 =	vld.idx.msk [tilespmem:v16+s18+$0x0], $0xffff  }
0x11b: {  	v29 =	vld.idx.msk [tilespmem:v15+s18+$0x0], $0xffff  }
0x11c: {  	v30 =	vld.idx.msk [tilespmem:v14+s18+$0x0], $0xffff  }
0x11d: {  	v31 =	vld.idx.msk [tilespmem:v19+s18+$0x0], $0xffff  }
0x11e: {  	v32 =	vld [tilespmem:s15+$0xFFFFFFC0];
	v26 =	vadd.f32 v26, v27  }
0x11f: {  	v27 =	vld [tilespmem:s15+$0xFFFFFFD0];
	v33 =	vpop (erf)  }
0x120: {  	v34 =	vld [tilespmem:s15+$0xFFFFFFE0];
	v26 =	vmul.f32 v33, v26  }
0x121: {  	v35 =	vld [tilespmem:s15+$0xFFFFFFF0]  }
0x122: {  	[tilespmem:v21+s25+$0x0] =	vst.idx.add.f32.msk $0xffff, v26  }
0x123: {  	v24 =	vadd.f32 v24, v32;
	[tilespmem:v21+s26+$0x0] =	vst.idx.add.f32.msk $0xffff, v33  }
0x124: {  	s17 =	sadd.s32 $0x80, s17;
	v25 =	vadd.f32 v25, v27;
	v26 =	vld.idx.msk [tilespmem:v22+s21+$0x0], $0xffff  }
0x125: {  	v23 =	vadd.f32 v23, v34;
	v27 =	vld [tilespmem:s17+$0x30]  }
0x126: {  	v28 =	vadd.f32 v28, v35;
	v32 =	vld.idx.msk [tilespmem:v21+s20+$0x0], $0xffff  }
0x127: {  	v33 =	vld [tilespmem:s15+$0x0]  }
0x128: {  	v34 =	vld [tilespmem:s15+$0x10]  }
0x129: {  	v35 =	vld [tilespmem:s15+$0x20]  }
0x12a: {  	v36 =	vld.idx.msk [tilespmem:v11+s0+$0x0], $0xffff;
	v26 =	vadd.f32 v26, v27  }
0x12b: {  	v27 =	vld.idx.msk [tilespmem:v10+s0+$0x0], $0xffff  }
0x12c: {  	v37 =	vld.idx.msk [tilespmem:v9+s0+$0x0], $0xffff;
	v29 =	vadd.f32 v29, v33;
	v26 =	vmul.f32 v26, v32  }
0x12d: {  	v32 =	vld.idx.msk [tilespmem:v8+s0+$0x0], $0xffff;
	v30 =	vadd.f32 v30, v34  }
0x12e: {  	v33 =	vld.idx.msk [tilespmem:v7+s0+$0x0], $0xffff;
	v31 =	vadd.f32 v31, v35;
	v26 =	vmul.f32 $1.442695020e+00, v26  }
0x12f: {  	v34 =	vld.idx.msk [tilespmem:v13+s0+$0x0], $0xffff  }
0x130: {  	v24 =	vmul.f32 v24, v36;
	v35 =	vld.idx.msk [tilespmem:v12+s0+$0x0], $0xffff;
	(erf) = vpow2.f32 v26  }
0x131: {  	v25 =	vmul.f32 v25, v27;
	v26 =	vld.idx.msk [tilespmem:v17+s19+$0x0], $0xffff  }
0x132: {  	s31 =	sadd.s32 $0x80, s31;
	v24 =	vmul.f32 $1.442695020e+00, v24;
	v23 =	vmul.f32 v23, v37;
	v22 =	vld.idx.msk [tilespmem:v22+s22+$0x0], $0xffff  }
0x133: {  	v25 =	vmul.f32 $1.442695020e+00, v25;
	v27 =	vmul.f32 v28, v32;
	v28 =	vld [tilespmem:s31+$0x30]  }
0x134: {  	v23 =	vmul.f32 $1.442695020e+00, v23;
	v29 =	vmul.f32 v29, v33;
	v32 =	vld.idx.msk [tilespmem:v20+s19+$0x0], $0xffff  }
0x135: {  	v27 =	vmul.f32 $1.442695020e+00, v27;
	v30 =	vmul.f32 v30, v34;
	v33 =	vld.idx.msk [tilespmem:v18+s19+$0x0], $0xffff  }
0x136: {  	v29 =	vmul.f32 $1.442695020e+00, v29;
	v31 =	vmul.f32 v31, v35;
	v34 =	vld.idx.msk [tilespmem:v16+s19+$0x0], $0xffff  }
0x137: {  	v30 =	vmul.f32 $1.442695020e+00, v30;
	v35 =	vld.idx.msk [tilespmem:v15+s19+$0x0], $0xffff;
	(erf) = vpow2.f32 v24  }
0x138: {  	v31 =	vmul.f32 $1.442695020e+00, v31;
	v24 =	vld.idx.msk [tilespmem:v14+s19+$0x0], $0xffff;
	v22 =	vadd.f32 v22, v28;
	(erf) = vpow2.f32 v25  }
0x139: {  	v25 =	vld.idx.msk [tilespmem:v19+s19+$0x0], $0xffff;
	(erf) = vpow2.f32 v23;
	v23 =	vpop (erf)  }
0x13a: {  	v28 =	vld [tilespmem:s16+$0xFFFFFFC0];
	v22 =	vmul.f32 v23, v22;
	(erf) = vpow2.f32 v27  }
0x13b: {  	v27 =	vld [tilespmem:s16+$0xFFFFFFD0];
	(erf) = vpow2.f32 v29  }
0x13c: {  	[tilespmem:v21+s28+$0x0] =	vst.idx.add.f32.msk $0xffff, v22;
	(erf) = vpow2.f32 v30  }
0x13d: {  	[tilespmem:v21+s29+$0x0] =	vst.idx.add.f32.msk $0xffff, v23;
	(erf) = vpow2.f32 v31  }
0x13e: {  	v21 =	vld [tilespmem:s16+$0xFFFFFFE0]  }
0x13f: {  	v22 =	vadd.f32 v26, v28;
	v23 =	vld [tilespmem:s16+$0xFFFFFFF0]  }
0x140: {  	v26 =	vadd.f32 v32, v27;
	v27 =	vld [tilespmem:s16+$0x0];
	v28 =	vpop (erf)  }
0x141: {  	v36 =	vmul.f32 v28, v22;
	v29 =	vld [tilespmem:s16+$0x10];
	v30 =	vpop (erf)  }
0x142: {  	v26 =	vmul.f32 v30, v26;
	v31 =	vld [tilespmem:s16+$0x20];
	v32 =	vpop (erf)  }
0x143: {  	[tilespmem:v11+s25+$0x0] =	vst.idx.add.f32.msk $0xffff, v36;
	v21 =	vadd.f32 v33, v21;
	v22 =	vpop (erf)  }
0x144: {  	[tilespmem:v11+s26+$0x0] =	vst.idx.add.f32.msk $0xffff, v28;
	v23 =	vadd.f32 v34, v23;
	v28 =	vpop (erf)  }
0x145: {  	[tilespmem:v10+s25+$0x0] =	vst.idx.add.f32.msk $0xffff, v26;
	v21 =	vmul.f32 v32, v21;
	v26 =	vadd.f32 v35, v27;
	v27 =	vpop (erf)  }
0x146: {  	[tilespmem:v10+s26+$0x0] =	vst.idx.add.f32.msk $0xffff, v30;
	v23 =	vmul.f32 v22, v23;
	v24 =	vadd.f32 v24, v29;
	v29 =	vpop (erf)  }
0x147: {  	[tilespmem:v9+s25+$0x0] =	vst.idx.add.f32.msk $0xffff, v21;
	v21 =	vmul.f32 v28, v26;
	v25 =	vadd.f32 v25, v31  }
0x148: {  	[tilespmem:v9+s26+$0x0] =	vst.idx.add.f32.msk $0xffff, v32;
	v24 =	vmul.f32 v27, v24  }
0x149: {  	[tilespmem:v8+s25+$0x0] =	vst.idx.add.f32.msk $0xffff, v23;
	v23 =	vmul.f32 v29, v25  }
0x14a: {  	[tilespmem:v8+s26+$0x0] =	vst.idx.add.f32.msk $0xffff, v22  }
0x14b: {  	[tilespmem:v7+s25+$0x0] =	vst.idx.add.f32.msk $0xffff, v21  }
0x14c: {  	[tilespmem:v7+s26+$0x0] =	vst.idx.add.f32.msk $0xffff, v28  }
0x14d: {  	[tilespmem:v13+s25+$0x0] =	vst.idx.add.f32.msk $0xffff, v24  }
0x14e: {  	[tilespmem:v13+s26+$0x0] =	vst.idx.add.f32.msk $0xffff, v27  }
0x14f: {  	[tilespmem:v12+s25+$0x0] =	vst.idx.add.f32.msk $0xffff, v23  }
0x150: {  	[tilespmem:v12+s26+$0x0] =	vst.idx.add.f32.msk $0xffff, v29  }
0x151: {  	v21 =	vld.idx.msk [tilespmem:v17+s21+$0x0], $0xffff  }
0x152: {  	v22 =	vld.idx.msk [tilespmem:v20+s21+$0x0], $0xffff  }
0x153: {  	v23 =	vld.idx.msk [tilespmem:v18+s21+$0x0], $0xffff  }
0x154: {  	v24 =	vld.idx.msk [tilespmem:v16+s21+$0x0], $0xffff  }
0x155: {  	v25 =	vld.idx.msk [tilespmem:v15+s21+$0x0], $0xffff  }
0x156: {  	v26 =	vld.idx.msk [tilespmem:v14+s21+$0x0], $0xffff  }
0x157: {  	v27 =	vld.idx.msk [tilespmem:v19+s21+$0x0], $0xffff  }
0x158: {  	v28 =	vld [tilespmem:s17+$0xFFFFFFC0]  }
0x159: {  	v29 =	vld [tilespmem:s17+$0xFFFFFFD0]  }
0x15a: {  	v30 =	vld [tilespmem:s17+$0xFFFFFFE0]  }
0x15b: {  	v31 =	vld [tilespmem:s17+$0xFFFFFFF0]  }
0x15c: {  	v32 =	vld [tilespmem:s17+$0x0]  }
0x15d: {  	v21 =	vadd.f32 v21, v28;
	v28 =	vld [tilespmem:s17+$0x10]  }
0x15e: {  	v22 =	vadd.f32 v22, v29;
	v29 =	vld [tilespmem:s17+$0x20]  }
0x15f: {  	v33 =	vld.idx.msk [tilespmem:v11+s20+$0x0], $0xffff;
	v23 =	vadd.f32 v23, v30  }
0x160: {  	v30 =	vld.idx.msk [tilespmem:v10+s20+$0x0], $0xffff;
	v24 =	vadd.f32 v24, v31  }
0x161: {  	v31 =	vld.idx.msk [tilespmem:v9+s20+$0x0], $0xffff;
	v25 =	vadd.f32 v25, v32  }
0x162: {  	v32 =	vld.idx.msk [tilespmem:v8+s20+$0x0], $0xffff;
	v26 =	vadd.f32 v26, v28  }
0x163: {  	v28 =	vld.idx.msk [tilespmem:v7+s20+$0x0], $0xffff;
	v27 =	vadd.f32 v27, v29  }
0x164: {  	v29 =	vld.idx.msk [tilespmem:v13+s20+$0x0], $0xffff  }
0x165: {  	v21 =	vmul.f32 v21, v33;
	v33 =	vld.idx.msk [tilespmem:v12+s20+$0x0], $0xffff  }
0x166: {  	v22 =	vmul.f32 v22, v30;
	v17 =	vld.idx.msk [tilespmem:v17+s22+$0x0], $0xffff  }
0x167: {  	v21 =	vmul.f32 $1.442695020e+00, v21;
	v23 =	vmul.f32 v23, v31;
	v20 =	vld.idx.msk [tilespmem:v20+s22+$0x0], $0xffff  }
0x168: {  	v22 =	vmul.f32 $1.442695020e+00, v22;
	v24 =	vmul.f32 v24, v32;
	v18 =	vld.idx.msk [tilespmem:v18+s22+$0x0], $0xffff  }
0x169: {  	v23 =	vmul.f32 $1.442695020e+00, v23;
	v25 =	vmul.f32 v25, v28;
	v16 =	vld.idx.msk [tilespmem:v16+s22+$0x0], $0xffff  }
0x16a: {  	v24 =	vmul.f32 $1.442695020e+00, v24;
	v26 =	vmul.f32 v26, v29;
	v15 =	vld.idx.msk [tilespmem:v15+s22+$0x0], $0xffff  }
0x16b: {  	v25 =	vmul.f32 $1.442695020e+00, v25;
	v27 =	vmul.f32 v27, v33;
	v14 =	vld.idx.msk [tilespmem:v14+s22+$0x0], $0xffff  }
0x16c: {  	v26 =	vmul.f32 $1.442695020e+00, v26;
	v19 =	vld.idx.msk [tilespmem:v19+s22+$0x0], $0xffff;
	(erf) = vpow2.f32 v21  }
0x16d: {  	v27 =	vmul.f32 $1.442695020e+00, v27;
	v21 =	vld [tilespmem:s31+$0xFFFFFFC0];
	(erf) = vpow2.f32 v22  }
0x16e: {  	v22 =	vld [tilespmem:s31+$0xFFFFFFD0];
	(erf) = vpow2.f32 v23  }
0x16f: {  	v23 =	vld [tilespmem:s31+$0xFFFFFFE0];
	(erf) = vpow2.f32 v24  }
0x170: {  	v24 =	vld [tilespmem:s31+$0xFFFFFFF0];
	(erf) = vpow2.f32 v25  }
0x171: {  	v25 =	vld [tilespmem:s31+$0x0];
	(erf) = vpow2.f32 v26  }
0x172: {  	v17 =	vadd.f32 v17, v21;
	v21 =	vld [tilespmem:s31+$0x10];
	(erf) = vpow2.f32 v27  }
0x173: {  	v20 =	vadd.f32 v20, v22;
	v22 =	vld [tilespmem:s31+$0x20]  }
0x174: {  	v18 =	vadd.f32 v18, v23;
	[tilespmem:v1+s28+$0x0] =	vst.idx.add.f32.msk $0xffff, v6  }
0x175: {  	v6 =	vadd.f32 v16, v24;
	v16 =	vpop (erf);
	[tilespmem:v1+s29+$0x0] =	vst.idx.add.f32.msk $0xffff, v4;
	v1 =	vmov v13  }
0x176: {  	v4 =	vmul.f32 v16, v17;
	v13 =	vadd.f32 v15, v25;
	v15 =	vpop (erf);
	[tilespmem:v2+s28+$0x0] =	vst.idx.add.f32.msk $0xffff, v5  }
0x177: {  	v5 =	vmul.f32 v15, v20;
	v14 =	vadd.f32 v14, v21;
	v17 =	vpop (erf);
	[tilespmem:v2+s29+$0x0] =	vst.idx.add.f32.msk $0xffff, v3;
	v2 =	vmov v12  }
0x178: {  	[tilespmem:v11+s28+$0x0] =	vst.idx.add.f32.msk $0xffff, v4;
	v12 =	vmul.f32 v17, v18;
	v18 =	vadd.f32 v19, v22;
	v19 =	vpop (erf)  }
0x179: {  	[tilespmem:v11+s29+$0x0] =	vst.idx.add.f32.msk $0xffff, v16;
	v11 =	vmul.f32 v19, v6;
	v16 =	vpop (erf)  }
0x17a: {  	[tilespmem:v10+s28+$0x0] =	vst.idx.add.f32.msk $0xffff, v5;
	v13 =	vmul.f32 v16, v13;
	v4 =	vpop (erf)  }
0x17b: {  	[tilespmem:v10+s29+$0x0] =	vst.idx.add.f32.msk $0xffff, v15;
	v6 =	vmul.f32 v4, v14;
	v3 =	vpop (erf)  }
0x17c: {  	[tilespmem:v9+s28+$0x0] =	vst.idx.add.f32.msk $0xffff, v12;
	v5 =	vmul.f32 v3, v18  }
.Ltmp1:
0x17d: {  	[tilespmem:v9+s29+$0x0] =	vst.idx.add.f32.msk $0xffff, v17;
	(pc) =	sbr.rel @p1 .LBB2_6-.Ltmp1, $4  }
0x17e: {  	[tilespmem:v8+s28+$0x0] =	vst.idx.add.f32.msk $0xffff, v11  }
0x17f: {  	[tilespmem:v8+s29+$0x0] =	vst.idx.add.f32.msk $0xffff, v19  }
0x180: {  	[tilespmem:v7+s28+$0x0] =	vst.idx.add.f32.msk $0xffff, v13  }
0x181: {  	s5 =	sadd.s32 $0x80, s5;
	[tilespmem:v7+s29+$0x0] =	vst.idx.add.f32.msk $0xffff, v16  }
0x182: {  	_ =	sdelay $0x3  }
0x183: {  	[tilespmem:v1+s28+$0x0] =	vst.idx.add.f32.msk $0xffff, v6  }
0x184: {  	[tilespmem:v2+s28+$0x0] =	vst.idx.add.f32.msk $0xffff, v5  }
0x185: {  	[tilespmem:v1+s29+$0x0] =	vst.idx.add.f32.msk $0xffff, v4  }
0x186: {  	[tilespmem:v2+s29+$0x0] =	vst.idx.add.f32.msk $0xffff, v3  }
.LBB2_8:
0x187: {  	s5 =	sshra.s32 s0, $0x2  }
0x188: {  	v1 =	vld [tilespmem:s5+$0x19A80];
	_ =	sdelay $0x1  }
0x189: {  	v2 =	vld [tilespmem:s5+$0x19280];
	_ =	sdelay $0x4  }
0x18a: {  	v3 =	vld [tilespmem:s5+$0x1A280]  }
0x18b: {  	v4 =	vld.idx.msk [tilespmem:v1+s18+$0x0], $0xffff;
	_ =	sdelay $0x1  }
0x18c: {  	v5 =	vld.idx.msk [tilespmem:v2+s1+$0x0], $0xffff;
	_ =	sdelay $0x2  }
0x18d: {  	v3 =	vadd.f32 v4, v3;
	_ =	sdelay $0x1  }
0x18e: {  	v3 =	vmul.f32 v3, v5;
	_ =	sdelay $0x1  }
0x18f: {  	v3 =	vmul.f32 $1.442695020e+00, v3;
	_ =	sdelay $0x1  }
0x190: {  	(erf) = vpow2.f32 v3;
	_ =	sdelay $0x1  }
0x191: {  	v61 =	vld.idx.msk [tilespmem:v1+s19+$0x0], $0xffff  }
0x192: {  	v3 =	vld [tilespmem:s5+$0x1B280];
	_ =	sdelay $0x4  }
0x193: {  	v3 =	vadd.f32 v61, v3  }
0x194: {  	v62 =	vpop (erf)  }
0x195: {  	v3 =	vmul.f32 v62, v3;
	_ =	sdelay $0x1  }
0x196: {  	[tilespmem:v2+s25+$0x0] =	vst.idx.add.f32.msk $0xffff, v3  }
0x197: {  	[tilespmem:v2+s26+$0x0] =	vst.idx.add.f32.msk $0xffff, v62  }
0x198: {  	v3 =	vld [tilespmem:s5+$0x1AA80]  }
0x199: {  	v4 =	vld.idx.msk [tilespmem:v1+s21+$0x0], $0xffff;
	_ =	sdelay $0x1  }
0x19a: {  	v63 =	vld.idx.msk [tilespmem:v2+s20+$0x0], $0xffff;
	_ =	sdelay $0x2  }
0x19b: {  	v3 =	vadd.f32 v4, v3;
	_ =	sdelay $0x1  }
0x19c: {  	v3 =	vmul.f32 v3, v63;
	_ =	sdelay $0x1  }
0x19d: {  	v3 =	vmul.f32 $1.442695020e+00, v3;
	_ =	sdelay $0x1  }
0x19e: {  	(erf) = vpow2.f32 v3;
	_ =	sdelay $0x1  }
0x19f: {  	v1 =	vld.idx.msk [tilespmem:v1+s22+$0x0], $0xffff  }
0x1a0: {  	v3 =	vld [tilespmem:s5+$0x1BA80];
	_ =	sdelay $0x4  }
0x1a1: {  	p1 =	sne.s32 s0, $0x100;
	v1 =	vadd.f32 v1, v3  }
.Ltmp2:
0x1a2: {  	v3 =	vpop (erf);
	(pc) =	sbr.rel @p1 .LBB2_8-.Ltmp2, $3  }
0x1a3: {  	v1 =	vmul.f32 v3, v1;
	_ =	sdelay $0x1  }
0x1a4: {  	[tilespmem:v2+s28+$0x0] =	vst.idx.add.f32.msk $0xffff, v1  }
0x1a5: {  	s0 =	sadd.s32 $0x40, s0;
	[tilespmem:v2+s29+$0x0] =	vst.idx.add.f32.msk $0xffff, v3  }
0x1a6: {  	_ =	swait.ge [sflag:s10], $0x7D0  }
0x1a7: {  	[sflag:s10] =	ssyncset.done $0x0  }
0x1a8: {  	[sflag:s10] =	ssyncadd.s32 $0xFFFFF830  }
0x1a9: {  	_ =	swait.ge [sflag:s10], $0x7D0  }
0x1aa: {  	[sflag:s10] =	ssyncset.done $0x0  }
0x1ab: {  	[sflag:s10] =	ssyncadd.s32 $0xFFFFF830  }
0x1ac: {  	_ =	swait.ge [sflag:s10], $0x7D0  }
0x1ad: {  	[sflag:s10] =	ssyncset.done $0x0  }
0x1ae: {  	[sflag:s10] =	ssyncadd.s32 $0xFFFFF830  }
0x1af: {  	_ =	swait.ge [sflag:s10], $0x7D0  }
0x1b0: {  	[sflag:s10] =	ssyncset.done $0x0  }
0x1b1: {  	[sflag:s10] =	ssyncadd.s32 $0xFFFFF830  }
0x1b2: {  	_ =	swait.ge [sflag:s10], $0x7D0  }
0x1b3: {  	[sflag:s10] =	ssyncset.done $0x0  }
0x1b4: {  	p1 =	seq.s32 s9, $0x4F;
	[sflag:s10] =	ssyncadd.s32 $0xFFFFF830  }
0x1b5: {  	s0 =	sadd.s32 @!p1 $0xFA0, s12;
	_ =	swait.ge [sflag:s10], $0x7D0  }
0x1b6: {  	s12 =	simm.s32 @!p1 $0x0;
	s5 =	sshrl.u32 @!p1 s0, $0x3;
	[sflag:s10] =	ssyncset.done $0x0  }
0x1b7: {  	s14 =	simm.s32 @!p1 $0x18B00;
	s11 =	sadd.s32 @!p1 s2, s5;
	[sflag:s10] =	ssyncadd.s32 $0xFFFFF830  }
0x1b8: {  	[tilespmem:s14], [sflag:$0x1] =	stream.linear.gather @!p1 [hbm4b:s11+s12], $0x7D0, $0x38;
	[tilespmem:$0x1EB00] =	vst v63  }
0x1b9: {  	s5 =	sadd.s32 @!p1 s3, s5;
	s11 =	simm.s32 @!p1 $0x19300  }
0x1ba: {  	[tilespmem:s11], [sflag:$0x1] =	stream.linear.gather @!p1 [hbm4b:s5+s12], $0x7D0, $0x38;
	[tilespmem:$0x1EB00] =	vst v63  }
0x1bb: {  	s5 =	sadd.s32 @!p1 s4, s0  }
0x1bc: {  	s5 =	sshrl.u32 @!p1 s5, $0x3  }
0x1bd: {  	s14 =	simm.s32 @!p1 $0x19B00;
	s0 =	sadd.s32 @!p1 s6, s0;
	s11 =	sadd.s32 @!p1 s7, s5  }
0x1be: {  	[tilespmem:s14], [sflag:$0x1] =	stream.linear.gather @!p1 [hbm4b:s11+s12], $0x7D0, $0x38;
	[tilespmem:$0x1EB00] =	vst v63  }
0x1bf: {  	s0 =	sshrl.u32 @!p1 s0, $0x3;
	s5 =	sadd.s32 @!p1 s8, s5;
	s11 =	simm.s32 @!p1 $0x1AB00  }
0x1c0: {  	[tilespmem:s11], [sflag:$0x1] =	stream.linear.gather @!p1 [hbm4b:s5+s12], $0x7D0, $0x38;
	[tilespmem:$0x1EB00] =	vst v63  }
0x1c1: {  	s5 =	sadd.s32 @!p1 s7, s0;
	s11 =	simm.s32 @!p1 $0x1A300  }
0x1c2: {  	[tilespmem:s11], [sflag:$0x1] =	stream.linear.gather @!p1 [hbm4b:s5+s12], $0x7D0, $0x38;
	[tilespmem:$0x1EB00] =	vst v63  }
0x1c3: {  	s17 =	simm.s32 $0x1C340;
	s0 =	sadd.s32 @!p1 s8, s0;
	s5 =	simm.s32 @!p1 $0x1B300  }
0x1c4: {  	[tilespmem:s5], [sflag:$0x1] =	stream.linear.gather @!p1 [hbm4b:s0+s12], $0x7D0, $0x38;
	[tilespmem:$0x1EB00] =	vst v63  }
0x1c5: {  	v15 =	vld [tilespmem:s17+$0x30]  }
0x1c6: {  	s11 =	simm.s32 $0x1BB40;
	v14 =	vld [tilespmem:s17+$0xFFFFFFC0]  }
0x1c7: {  	v16 =	vld [tilespmem:s11+$0x30]  }
0x1c8: {  	v13 =	vld [tilespmem:s17+$0xFFFFFFD0]  }
0x1c9: {  	v12 =	vld [tilespmem:s17+$0xFFFFFFE0]  }
0x1ca: {  	v11 =	vld [tilespmem:s17+$0xFFFFFFF0]  }
0x1cb: {  	v10 =	vld [tilespmem:s17+$0x0]  }
0x1cc: {  	s15 =	simm.s32 $0x1CB40;
	v8 =	vld [tilespmem:s17+$0x10]  }
0x1cd: {  	v2 =	vld [tilespmem:s15+$0x30]  }
0x1ce: {  	v9 =	vld [tilespmem:s17+$0x20]  }
0x1cf: {  	v5 =	vld [tilespmem:s11+$0xFFFFFFD0]  }
0x1d0: {  	v4 =	vld [tilespmem:s11+$0xFFFFFFE0]  }
0x1d1: {  	v3 =	vld [tilespmem:s11+$0xFFFFFFF0]  }
0x1d2: {  	v7 =	vld [tilespmem:s11+$0x0]  }
0x1d3: {  	s16 =	simm.s32 $0x1DB40;
	v1 =	vld.idx.msk [tilespmem:v15+s18+$0x0], $0xffff  }
0x1d4: {  	s12 =	simm.s32 $0x0;
	v21 =	vld [tilespmem:s16+$0x30]  }
0x1d5: {  	v6 =	vld.idx.msk [tilespmem:v16+s12+$0x0], $0xffff  }
0x1d6: {  	v26 =	vld [tilespmem:s15+$0xFFFFFFC0]  }
0x1d7: {  	v50 =	vld [tilespmem:s15+$0xFFFFFFD0]  }
0x1d8: {  	v28 =	vld [tilespmem:s15+$0xFFFFFFE0];
	v2 =	vadd.f32 v1, v2  }
0x1d9: {  	v29 =	vld [tilespmem:s15+$0xFFFFFFF0]  }
0x1da: {  	v31 =	vld [tilespmem:s15+$0x0];
	v17 =	vmul.f32 v2, v6  }
0x1db: {  	v32 =	vld [tilespmem:s15+$0x10]  }
0x1dc: {  	v33 =	vld [tilespmem:s15+$0x20];
	v17 =	vmul.f32 $1.442695020e+00, v17  }
0x1dd: {  	v63 =	vld [tilespmem:s16+$0xFFFFFFC0]  }
0x1de: {  	v38 =	vld [tilespmem:s16+$0xFFFFFFF0];
	(erf) = vpow2.f32 v17  }
0x1df: {  	v39 =	vld [tilespmem:s16+$0x0]  }
0x1e0: {  	v41 =	vld [tilespmem:s16+$0x10]  }
0x1e1: {  	v20 =	vld.idx.msk [tilespmem:v15+s19+$0x0], $0xffff  }
0x1e2: {  	v43 =	vld [tilespmem:s16+$0x20]  }
0x1e3: {  	v18 =	vld.idx.msk [tilespmem:v14+s18+$0x0], $0xffff  }
0x1e4: {  	v19 =	vld.idx.msk [tilespmem:v13+s18+$0x0], $0xffff  }
0x1e5: {  	v49 =	vld.idx.msk [tilespmem:v12+s18+$0x0], $0xffff  }
0x1e6: {  	v22 =	vld.idx.msk [tilespmem:v11+s18+$0x0], $0xffff;
	v20 =	vadd.f32 v20, v21  }
0x1e7: {  	v23 =	vld.idx.msk [tilespmem:v10+s18+$0x0], $0xffff;
	v27 =	vpop (erf)  }
0x1e8: {  	v24 =	vld.idx.msk [tilespmem:v8+s18+$0x0], $0xffff;
	v20 =	vmul.f32 v27, v20  }
0x1e9: {  	v6 =	vld [tilespmem:s11+$0xFFFFFFC0]  }
0x1ea: {  	[tilespmem:v16+s25+$0x0] =	vst.idx.add.f32.msk $0xffff, v20  }
0x1eb: {  	[tilespmem:v16+s26+$0x0] =	vst.idx.add.f32.msk $0xffff, v27  }
0x1ec: {  	s17 =	simm.s32 $0x1D340;
	v20 =	vld.idx.msk [tilespmem:v15+s21+$0x0], $0xffff  }
0x1ed: {  	v27 =	vld [tilespmem:s17+$0x30]  }
0x1ee: {  	v25 =	vld.idx.msk [tilespmem:v9+s18+$0x0], $0xffff  }
0x1ef: {  	v30 =	vld.idx.msk [tilespmem:v16+s20+$0x0], $0xffff  }
0x1f0: {  	v51 =	vld.idx.msk [tilespmem:v5+s12+$0x0], $0xffff  }
0x1f1: {  	v34 =	vld.idx.msk [tilespmem:v6+s12+$0x0], $0xffff  }
0x1f2: {  	v35 =	vld.idx.msk [tilespmem:v4+s12+$0x0], $0xffff;
	v20 =	vadd.f32 v20, v27  }
0x1f3: {  	v52 =	vld.idx.msk [tilespmem:v3+s12+$0x0], $0xffff  }
0x1f4: {  	v36 =	vld.idx.msk [tilespmem:v7+s12+$0x0], $0xffff;
	v18 =	vadd.f32 v18, v26;
	v20 =	vmul.f32 v20, v30  }
0x1f5: {  	v1 =	vld [tilespmem:s11+$0x10];
	v19 =	vadd.f32 v19, v50  }
0x1f6: {  	v54 =	vld.idx.msk [tilespmem:v14+s19+$0x0], $0xffff;
	v18 =	vmul.f32 v18, v34;
	v20 =	vmul.f32 $1.442695020e+00, v20  }
0x1f7: {  	v56 =	vld.idx.msk [tilespmem:v13+s19+$0x0], $0xffff;
	v19 =	vmul.f32 v19, v51  }
0x1f8: {  	v57 =	vld.idx.msk [tilespmem:v12+s19+$0x0], $0xffff;
	v17 =	vadd.f32 v49, v28;
	v18 =	vmul.f32 $1.442695020e+00, v18;
	(erf) = vpow2.f32 v20  }
0x1f9: {  	v22 =	vadd.f32 v22, v29;
	v2 =	vld [tilespmem:s11+$0x20];
	v19 =	vmul.f32 $1.442695020e+00, v19  }
0x1fa: {  	s31 =	simm.s32 $0x1E340;
	v17 =	vmul.f32 v17, v35;
	v15 =	vld.idx.msk [tilespmem:v15+s22+$0x0], $0xffff;
	(erf) = vpow2.f32 v18  }
0x1fb: {  	v22 =	vmul.f32 v22, v52;
	v55 =	vld [tilespmem:s31+$0x30];
	(erf) = vpow2.f32 v19  }
0x1fc: {  	v58 =	vld.idx.msk [tilespmem:v11+s19+$0x0], $0xffff;
	v17 =	vmul.f32 $1.442695020e+00, v17  }
0x1fd: {  	v22 =	vmul.f32 $1.442695020e+00, v22;
	v37 =	vld.idx.msk [tilespmem:v1+s12+$0x0], $0xffff  }
0x1fe: {  	v24 =	vadd.f32 v24, v32;
	v32 =	vld [tilespmem:s16+$0xFFFFFFD0];
	(erf) = vpow2.f32 v17  }
0x1ff: {  	v59 =	vld.idx.msk [tilespmem:v10+s19+$0x0], $0xffff;
	(erf) = vpow2.f32 v22  }
0x200: {  	v60 =	vld.idx.msk [tilespmem:v8+s19+$0x0], $0xffff;
	v15 =	vadd.f32 v15, v55  }
0x201: {  	v35 =	vld [tilespmem:s16+$0xFFFFFFE0];
	v62 =	vpop (erf)  }
0x202: {  	v61 =	vld.idx.msk [tilespmem:v9+s19+$0x0], $0xffff;
	v24 =	vmul.f32 v24, v37;
	v37 =	vadd.f32 v54, v63;
	v15 =	vmul.f32 v62, v15  }
0x203: {  	v53 =	vld.idx.msk [tilespmem:v2+s12+$0x0], $0xffff;
	v17 =	vadd.f32 v56, v32;
	v40 =	vpop (erf)  }
0x204: {  	v42 =	vpop (erf);
	[tilespmem:v16+s28+$0x0] =	vst.idx.add.f32.msk $0xffff, v15;
	v15 =	vmul.f32 v40, v37  }
0x205: {  	v44 =	vmul.f32 v42, v17;
	[tilespmem:v16+s29+$0x0] =	vst.idx.add.f32.msk $0xffff, v62  }
0x206: {  	v45 =	vadd.f32 v57, v35;
	[tilespmem:v6+s25+$0x0] =	vst.idx.add.f32.msk $0xffff, v15  }
0x207: {  	v47 =	vadd.f32 v58, v38;
	v46 =	vpop (erf);
	[tilespmem:v5+s25+$0x0] =	vst.idx.add.f32.msk $0xffff, v44  }
0x208: {  	v48 =	vpop (erf);
	v15 =	vmul.f32 v46, v45;
	[tilespmem:v6+s26+$0x0] =	vst.idx.add.f32.msk $0xffff, v40  }
0x209: {  	v20 =	vmul.f32 v48, v47;
	[tilespmem:v5+s26+$0x0] =	vst.idx.add.f32.msk $0xffff, v42  }
0x20a: {  	[tilespmem:v4+s25+$0x0] =	vst.idx.add.f32.msk $0xffff, v15  }
0x20b: {  	[tilespmem:v3+s25+$0x0] =	vst.idx.add.f32.msk $0xffff, v20  }
0x20c: {  	v23 =	vadd.f32 v23, v31;
	v55 =	vld.idx.msk [tilespmem:v14+s21+$0x0], $0xffff  }
0x20d: {  	v56 =	vld.idx.msk [tilespmem:v13+s21+$0x0], $0xffff  }
0x20e: {  	v23 =	vmul.f32 v23, v36;
	v52 =	vadd.f32 v61, v43;
	v61 =	vld [tilespmem:s17+$0xFFFFFFC0]  }
0x20f: {  	v62 =	vld [tilespmem:s17+$0xFFFFFFD0]  }
0x210: {  	v25 =	vadd.f32 v25, v33;
	v33 =	vmul.f32 $1.442695020e+00, v23;
	v40 =	vld.idx.msk [tilespmem:v6+s20+$0x0], $0xffff  }
0x211: {  	v50 =	vadd.f32 v60, v41;
	v41 =	vld.idx.msk [tilespmem:v5+s20+$0x0], $0xffff  }
0x212: {  	v36 =	vmul.f32 $1.442695020e+00, v24;
	(erf) = vpow2.f32 v33;
	v14 =	vld.idx.msk [tilespmem:v14+s22+$0x0], $0xffff  }
0x213: {  	v13 =	vld.idx.msk [tilespmem:v13+s22+$0x0], $0xffff  }
0x214: {  	(erf) = vpow2.f32 v36;
	[tilespmem:v4+s26+$0x0] =	vst.idx.add.f32.msk $0xffff, v46  }
0x215: {  	[tilespmem:v3+s26+$0x0] =	vst.idx.add.f32.msk $0xffff, v48  }
0x216: {  	v57 =	vld.idx.msk [tilespmem:v12+s21+$0x0], $0xffff  }
0x217: {  	v58 =	vld.idx.msk [tilespmem:v11+s21+$0x0], $0xffff  }
0x218: {  	v34 =	vmul.f32 v25, v53;
	v63 =	vld [tilespmem:s17+$0xFFFFFFE0]  }
0x219: {  	v36 =	vld [tilespmem:s17+$0xFFFFFFF0]  }
0x21a: {  	v18 =	vadd.f32 v59, v39;
	v16 =	vmul.f32 $1.442695020e+00, v34;
	v42 =	vld.idx.msk [tilespmem:v4+s20+$0x0], $0xffff  }
0x21b: {  	v49 =	vpop (erf);
	v43 =	vld.idx.msk [tilespmem:v3+s20+$0x0], $0xffff  }
0x21c: {  	(erf) = vpow2.f32 v16;
	v12 =	vld.idx.msk [tilespmem:v12+s22+$0x0], $0xffff;
	v18 =	vmul.f32 v49, v18  }
0x21d: {  	v11 =	vld.idx.msk [tilespmem:v11+s22+$0x0], $0xffff;
	v51 =	vpop (erf)  }
0x21e: {  	v17 =	vmul.f32 v51, v50;
	[tilespmem:v7+s25+$0x0] =	vst.idx.add.f32.msk $0xffff, v18  }
0x21f: {  	[tilespmem:v7+s26+$0x0] =	vst.idx.add.f32.msk $0xffff, v49  }
0x220: {  	[tilespmem:v1+s25+$0x0] =	vst.idx.add.f32.msk $0xffff, v17  }
0x221: {  	v49 =	vld [tilespmem:s31+$0xFFFFFFC0]  }
0x222: {  	[tilespmem:v1+s26+$0x0] =	vst.idx.add.f32.msk $0xffff, v51  }
0x223: {  	v59 =	vld.idx.msk [tilespmem:v10+s21+$0x0], $0xffff  }
0x224: {  	v37 =	vld [tilespmem:s17+$0x0]  }
0x225: {  	v15 =	vadd.f32 v55, v61;
	v44 =	vld.idx.msk [tilespmem:v7+s20+$0x0], $0xffff;
	v53 =	vpop (erf)  }
0x226: {  	v20 =	vld.idx.msk [tilespmem:v8+s21+$0x0], $0xffff;
	v54 =	vmul.f32 v53, v52  }
0x227: {  	v16 =	vadd.f32 v56, v62;
	v15 =	vmul.f32 v15, v40;
	v38 =	vld [tilespmem:s17+$0x10]  }
0x228: {  	v17 =	vadd.f32 v57, v63;
	[tilespmem:v2+s25+$0x0] =	vst.idx.add.f32.msk $0xffff, v54  }
0x229: {  	v16 =	vmul.f32 v16, v41;
	v15 =	vmul.f32 $1.442695020e+00, v15;
	[tilespmem:v2+s26+$0x0] =	vst.idx.add.f32.msk $0xffff, v53  }
0x22a: {  	v18 =	vadd.f32 v58, v36;
	v17 =	vmul.f32 v17, v42;
	v60 =	vld.idx.msk [tilespmem:v9+s21+$0x0], $0xffff  }
0x22b: {  	v16 =	vmul.f32 $1.442695020e+00, v16;
	(erf) = vpow2.f32 v15;
	v39 =	vld [tilespmem:s17+$0x20]  }
0x22c: {  	v45 =	vld.idx.msk [tilespmem:v1+s20+$0x0], $0xffff;
	v18 =	vmul.f32 v18, v43  }
0x22d: {  	v17 =	vmul.f32 $1.442695020e+00, v17;
	v47 =	vadd.f32 v59, v37;
	(erf) = vpow2.f32 v16;
	v46 =	vld.idx.msk [tilespmem:v2+s20+$0x0], $0xffff  }
0x22e: {  	v10 =	vld.idx.msk [tilespmem:v10+s22+$0x0], $0xffff;
	v18 =	vmul.f32 $1.442695020e+00, v18  }
0x22f: {  	v51 =	vld [tilespmem:s31+$0xFFFFFFD0];
	v48 =	vadd.f32 v20, v38;
	(erf) = vpow2.f32 v17;
	v15 =	vmul.f32 v47, v44  }
0x230: {  	v55 =	vld [tilespmem:s31+$0x0];
	(erf) = vpow2.f32 v18;
	v50 =	vadd.f32 v60, v39  }
0x231: {  	v8 =	vld.idx.msk [tilespmem:v8+s22+$0x0], $0xffff;
	v16 =	vmul.f32 v48, v45;
	v15 =	vmul.f32 $1.442695020e+00, v15  }
0x232: {  	v52 =	vld [tilespmem:s31+$0xFFFFFFE0];
	v17 =	vmul.f32 v50, v46  }
0x233: {  	v57 =	vld [tilespmem:s31+$0x10];
	v14 =	vadd.f32 v14, v49;
	v16 =	vmul.f32 $1.442695020e+00, v16;
	(erf) = vpow2.f32 v15  }
0x234: {  	v53 =	vld [tilespmem:s31+$0xFFFFFFF0];
	v56 =	vpop (erf);
	v54 =	vmul.f32 $1.442695020e+00, v17  }
0x235: {  	v13 =	vadd.f32 v13, v51;
	v9 =	vld.idx.msk [tilespmem:v9+s22+$0x0], $0xffff;
	(erf) = vpow2.f32 v16;
	v14 =	vmul.f32 v56, v14  }
0x236: {  	v58 =	vld [tilespmem:s31+$0x20];
	v59 =	vpop (erf);
	(erf) = vpow2.f32 v54  }
0x237: {  	v12 =	vadd.f32 v12, v52;
	v13 =	vmul.f32 v59, v13;
	[tilespmem:v6+s28+$0x0] =	vst.idx.add.f32.msk $0xffff, v14  }
0x238: {  	v60 =	vpop (erf);
	[tilespmem:v6+s29+$0x0] =	vst.idx.add.f32.msk $0xffff, v56  }
0x239: {  	v61 =	vmul.f32 v60, v12;
	v6 =	vadd.f32 v11, v53;
	[tilespmem:v5+s28+$0x0] =	vst.idx.add.f32.msk $0xffff, v13  }
0x23a: {  	v62 =	vpop (erf);
	[tilespmem:v5+s29+$0x0] =	vst.idx.add.f32.msk $0xffff, v59  }
0x23b: {  	v5 =	vadd.f32 v10, v55;
	[tilespmem:v4+s28+$0x0] =	vst.idx.add.f32.msk $0xffff, v61;
	v6 =	vmul.f32 v62, v6  }
0x23c: {  	[tilespmem:v4+s29+$0x0] =	vst.idx.add.f32.msk $0xffff, v60;
	v63 =	vpop (erf)  }
0x23d: {  	v5 =	vmul.f32 v63, v5;
	[tilespmem:v3+s28+$0x0] =	vst.idx.add.f32.msk $0xffff, v6  }
0x23e: {  	v6 =	vadd.f32 v8, v57;
	v8 =	vadd.f32 v9, v58;
	v4 =	vpop (erf);
	[tilespmem:v3+s29+$0x0] =	vst.idx.add.f32.msk $0xffff, v62  }
0x23f: {  	[tilespmem:v7+s28+$0x0] =	vst.idx.add.f32.msk $0xffff, v5;
	v3 =	vpop (erf)  }
0x240: {  	s0 =	simm.s32 $0x0;
	s5 =	simm.s32 $0x1C3C0;
	v6 =	vmul.f32 v4, v6;
	[tilespmem:v7+s29+$0x0] =	vst.idx.add.f32.msk $0xffff, v63;
	v5 =	vmul.f32 v3, v8  }
.LBB2_10:
0x241: {  	v22 =	vld [tilespmem:s5+$0x30]  }
0x242: {  	s11 =	sadd.s32 $0x80, s11;
	v17 =	vld [tilespmem:s5+$0xFFFFFFC0]  }
0x243: {  	s0 =	sadd.s32 $0x8, s0;
	v21 =	vld [tilespmem:s11+$0x30]  }
0x244: {  	p1 =	slt.u32 s0, $0x70;
	v20 =	vld [tilespmem:s5+$0xFFFFFFD0]  }
0x245: {  	v19 =	vld [tilespmem:s5+$0xFFFFFFE0]  }
0x246: {  	v16 =	vld [tilespmem:s5+$0xFFFFFFF0]  }
0x247: {  	v15 =	vld [tilespmem:s5+$0x0]  }
0x248: {  	v14 =	vld [tilespmem:s5+$0x10]  }
0x249: {  	s15 =	sadd.s32 $0x80, s15;
	v7 =	vld.idx.msk [tilespmem:v22+s18+$0x0], $0xffff  }
0x24a: {  	v11 =	vld [tilespmem:s15+$0x30]  }
0x24b: {  	v12 =	vld.idx.msk [tilespmem:v21+s12+$0x0], $0xffff  }
0x24c: {  	v18 =	vld [tilespmem:s5+$0x20]  }
0x24d: {  	v10 =	vld [tilespmem:s11+$0xFFFFFFD0]  }
0x24e: {  	v9 =	vld [tilespmem:s11+$0xFFFFFFE0]  }
0x24f: {  	v8 =	vld [tilespmem:s11+$0xFFFFFFF0];
	v11 =	vadd.f32 v7, v11  }
0x250: {  	v7 =	vld [tilespmem:s11+$0x0]  }
0x251: {  	v13 =	vld [tilespmem:s11+$0x10];
	v23 =	vmul.f32 v11, v12  }
0x252: {  	v12 =	vld [tilespmem:s11+$0x20]  }
0x253: {  	v11 =	vld [tilespmem:s11+$0xFFFFFFC0];
	v23 =	vmul.f32 $1.442695020e+00, v23  }
0x254: {  	v24 =	vld.idx.msk [tilespmem:v17+s18+$0x0], $0xffff  }
0x255: {  	v25 =	vld.idx.msk [tilespmem:v20+s18+$0x0], $0xffff;
	(erf) = vpow2.f32 v23  }
0x256: {  	v23 =	vld.idx.msk [tilespmem:v19+s18+$0x0], $0xffff  }
0x257: {  	s16 =	sadd.s32 $0x80, s16;
	v26 =	vld.idx.msk [tilespmem:v22+s19+$0x0], $0xffff  }
0x258: {  	v27 =	vld [tilespmem:s16+$0x30]  }
0x259: {  	v28 =	vld.idx.msk [tilespmem:v16+s18+$0x0], $0xffff  }
0x25a: {  	v29 =	vld.idx.msk [tilespmem:v15+s18+$0x0], $0xffff  }
0x25b: {  	v30 =	vld.idx.msk [tilespmem:v14+s18+$0x0], $0xffff  }
0x25c: {  	v31 =	vld.idx.msk [tilespmem:v18+s18+$0x0], $0xffff  }
0x25d: {  	v32 =	vld [tilespmem:s15+$0xFFFFFFC0];
	v26 =	vadd.f32 v26, v27  }
0x25e: {  	v27 =	vld [tilespmem:s15+$0xFFFFFFD0];
	v33 =	vpop (erf)  }
0x25f: {  	v34 =	vld [tilespmem:s15+$0xFFFFFFE0];
	v26 =	vmul.f32 v33, v26  }
0x260: {  	v35 =	vld [tilespmem:s15+$0xFFFFFFF0]  }
0x261: {  	[tilespmem:v21+s25+$0x0] =	vst.idx.add.f32.msk $0xffff, v26  }
0x262: {  	v24 =	vadd.f32 v24, v32;
	[tilespmem:v21+s26+$0x0] =	vst.idx.add.f32.msk $0xffff, v33  }
0x263: {  	s17 =	sadd.s32 $0x80, s17;
	v25 =	vadd.f32 v25, v27;
	v26 =	vld.idx.msk [tilespmem:v22+s21+$0x0], $0xffff  }
0x264: {  	v23 =	vadd.f32 v23, v34;
	v27 =	vld [tilespmem:s17+$0x30]  }
0x265: {  	v28 =	vadd.f32 v28, v35;
	v32 =	vld.idx.msk [tilespmem:v21+s20+$0x0], $0xffff  }
0x266: {  	v33 =	vld [tilespmem:s15+$0x0]  }
0x267: {  	v34 =	vld [tilespmem:s15+$0x10]  }
0x268: {  	v35 =	vld [tilespmem:s15+$0x20]  }
0x269: {  	v36 =	vld.idx.msk [tilespmem:v11+s12+$0x0], $0xffff;
	v26 =	vadd.f32 v26, v27  }
0x26a: {  	v27 =	vld.idx.msk [tilespmem:v10+s12+$0x0], $0xffff  }
0x26b: {  	v37 =	vld.idx.msk [tilespmem:v9+s12+$0x0], $0xffff;
	v29 =	vadd.f32 v29, v33;
	v26 =	vmul.f32 v26, v32  }
0x26c: {  	v32 =	vld.idx.msk [tilespmem:v8+s12+$0x0], $0xffff;
	v30 =	vadd.f32 v30, v34  }
0x26d: {  	v33 =	vld.idx.msk [tilespmem:v7+s12+$0x0], $0xffff;
	v31 =	vadd.f32 v31, v35;
	v26 =	vmul.f32 $1.442695020e+00, v26  }
0x26e: {  	v34 =	vld.idx.msk [tilespmem:v13+s12+$0x0], $0xffff  }
0x26f: {  	v24 =	vmul.f32 v24, v36;
	v35 =	vld.idx.msk [tilespmem:v12+s12+$0x0], $0xffff;
	(erf) = vpow2.f32 v26  }
0x270: {  	v25 =	vmul.f32 v25, v27;
	v26 =	vld.idx.msk [tilespmem:v17+s19+$0x0], $0xffff  }
0x271: {  	s31 =	sadd.s32 $0x80, s31;
	v24 =	vmul.f32 $1.442695020e+00, v24;
	v23 =	vmul.f32 v23, v37;
	v22 =	vld.idx.msk [tilespmem:v22+s22+$0x0], $0xffff  }
0x272: {  	v25 =	vmul.f32 $1.442695020e+00, v25;
	v27 =	vmul.f32 v28, v32;
	v28 =	vld [tilespmem:s31+$0x30]  }
0x273: {  	v23 =	vmul.f32 $1.442695020e+00, v23;
	v29 =	vmul.f32 v29, v33;
	v32 =	vld.idx.msk [tilespmem:v20+s19+$0x0], $0xffff  }
0x274: {  	v27 =	vmul.f32 $1.442695020e+00, v27;
	v30 =	vmul.f32 v30, v34;
	v33 =	vld.idx.msk [tilespmem:v19+s19+$0x0], $0xffff  }
0x275: {  	v29 =	vmul.f32 $1.442695020e+00, v29;
	v31 =	vmul.f32 v31, v35;
	v34 =	vld.idx.msk [tilespmem:v16+s19+$0x0], $0xffff  }
0x276: {  	v30 =	vmul.f32 $1.442695020e+00, v30;
	v35 =	vld.idx.msk [tilespmem:v15+s19+$0x0], $0xffff;
	(erf) = vpow2.f32 v24  }
0x277: {  	v31 =	vmul.f32 $1.442695020e+00, v31;
	v24 =	vld.idx.msk [tilespmem:v14+s19+$0x0], $0xffff;
	v22 =	vadd.f32 v22, v28;
	(erf) = vpow2.f32 v25  }
0x278: {  	v25 =	vld.idx.msk [tilespmem:v18+s19+$0x0], $0xffff;
	(erf) = vpow2.f32 v23;
	v23 =	vpop (erf)  }
0x279: {  	v28 =	vld [tilespmem:s16+$0xFFFFFFC0];
	v22 =	vmul.f32 v23, v22;
	(erf) = vpow2.f32 v27  }
0x27a: {  	v27 =	vld [tilespmem:s16+$0xFFFFFFD0];
	(erf) = vpow2.f32 v29  }
0x27b: {  	[tilespmem:v21+s28+$0x0] =	vst.idx.add.f32.msk $0xffff, v22;
	(erf) = vpow2.f32 v30  }
0x27c: {  	[tilespmem:v21+s29+$0x0] =	vst.idx.add.f32.msk $0xffff, v23;
	(erf) = vpow2.f32 v31  }
0x27d: {  	v21 =	vld [tilespmem:s16+$0xFFFFFFE0]  }
0x27e: {  	v22 =	vadd.f32 v26, v28;
	v23 =	vld [tilespmem:s16+$0xFFFFFFF0]  }
0x27f: {  	v26 =	vadd.f32 v32, v27;
	v27 =	vld [tilespmem:s16+$0x0];
	v28 =	vpop (erf)  }
0x280: {  	v36 =	vmul.f32 v28, v22;
	v29 =	vld [tilespmem:s16+$0x10];
	v30 =	vpop (erf)  }
0x281: {  	v26 =	vmul.f32 v30, v26;
	v31 =	vld [tilespmem:s16+$0x20];
	v32 =	vpop (erf)  }
0x282: {  	[tilespmem:v11+s25+$0x0] =	vst.idx.add.f32.msk $0xffff, v36;
	v21 =	vadd.f32 v33, v21;
	v22 =	vpop (erf)  }
0x283: {  	[tilespmem:v11+s26+$0x0] =	vst.idx.add.f32.msk $0xffff, v28;
	v23 =	vadd.f32 v34, v23;
	v28 =	vpop (erf)  }
0x284: {  	[tilespmem:v10+s25+$0x0] =	vst.idx.add.f32.msk $0xffff, v26;
	v21 =	vmul.f32 v32, v21;
	v26 =	vadd.f32 v35, v27;
	v27 =	vpop (erf)  }
0x285: {  	[tilespmem:v10+s26+$0x0] =	vst.idx.add.f32.msk $0xffff, v30;
	v23 =	vmul.f32 v22, v23;
	v24 =	vadd.f32 v24, v29;
	v29 =	vpop (erf)  }
0x286: {  	[tilespmem:v9+s25+$0x0] =	vst.idx.add.f32.msk $0xffff, v21;
	v21 =	vmul.f32 v28, v26;
	v25 =	vadd.f32 v25, v31  }
0x287: {  	[tilespmem:v9+s26+$0x0] =	vst.idx.add.f32.msk $0xffff, v32;
	v24 =	vmul.f32 v27, v24  }
0x288: {  	[tilespmem:v8+s25+$0x0] =	vst.idx.add.f32.msk $0xffff, v23;
	v23 =	vmul.f32 v29, v25  }
0x289: {  	[tilespmem:v8+s26+$0x0] =	vst.idx.add.f32.msk $0xffff, v22  }
0x28a: {  	[tilespmem:v7+s25+$0x0] =	vst.idx.add.f32.msk $0xffff, v21  }
0x28b: {  	[tilespmem:v7+s26+$0x0] =	vst.idx.add.f32.msk $0xffff, v28  }
0x28c: {  	[tilespmem:v13+s25+$0x0] =	vst.idx.add.f32.msk $0xffff, v24  }
0x28d: {  	[tilespmem:v13+s26+$0x0] =	vst.idx.add.f32.msk $0xffff, v27  }
0x28e: {  	[tilespmem:v12+s25+$0x0] =	vst.idx.add.f32.msk $0xffff, v23  }
0x28f: {  	[tilespmem:v12+s26+$0x0] =	vst.idx.add.f32.msk $0xffff, v29  }
0x290: {  	v21 =	vld.idx.msk [tilespmem:v17+s21+$0x0], $0xffff  }
0x291: {  	v22 =	vld.idx.msk [tilespmem:v20+s21+$0x0], $0xffff  }
0x292: {  	v23 =	vld.idx.msk [tilespmem:v19+s21+$0x0], $0xffff  }
0x293: {  	v24 =	vld.idx.msk [tilespmem:v16+s21+$0x0], $0xffff  }
0x294: {  	v25 =	vld.idx.msk [tilespmem:v15+s21+$0x0], $0xffff  }
0x295: {  	v26 =	vld.idx.msk [tilespmem:v14+s21+$0x0], $0xffff  }
0x296: {  	v27 =	vld.idx.msk [tilespmem:v18+s21+$0x0], $0xffff  }
0x297: {  	v28 =	vld [tilespmem:s17+$0xFFFFFFC0]  }
0x298: {  	v29 =	vld [tilespmem:s17+$0xFFFFFFD0]  }
0x299: {  	v30 =	vld [tilespmem:s17+$0xFFFFFFE0]  }
0x29a: {  	v31 =	vld [tilespmem:s17+$0xFFFFFFF0]  }
0x29b: {  	v32 =	vld [tilespmem:s17+$0x0]  }
0x29c: {  	v21 =	vadd.f32 v21, v28;
	v28 =	vld [tilespmem:s17+$0x10]  }
0x29d: {  	v22 =	vadd.f32 v22, v29;
	v29 =	vld [tilespmem:s17+$0x20]  }
0x29e: {  	v33 =	vld.idx.msk [tilespmem:v11+s20+$0x0], $0xffff;
	v23 =	vadd.f32 v23, v30  }
0x29f: {  	v30 =	vld.idx.msk [tilespmem:v10+s20+$0x0], $0xffff;
	v24 =	vadd.f32 v24, v31  }
0x2a0: {  	v31 =	vld.idx.msk [tilespmem:v9+s20+$0x0], $0xffff;
	v25 =	vadd.f32 v25, v32  }
0x2a1: {  	v32 =	vld.idx.msk [tilespmem:v8+s20+$0x0], $0xffff;
	v26 =	vadd.f32 v26, v28  }
0x2a2: {  	v28 =	vld.idx.msk [tilespmem:v7+s20+$0x0], $0xffff;
	v27 =	vadd.f32 v27, v29  }
0x2a3: {  	v29 =	vld.idx.msk [tilespmem:v13+s20+$0x0], $0xffff  }
0x2a4: {  	v21 =	vmul.f32 v21, v33;
	v33 =	vld.idx.msk [tilespmem:v12+s20+$0x0], $0xffff  }
0x2a5: {  	v22 =	vmul.f32 v22, v30;
	v17 =	vld.idx.msk [tilespmem:v17+s22+$0x0], $0xffff  }
0x2a6: {  	v21 =	vmul.f32 $1.442695020e+00, v21;
	v23 =	vmul.f32 v23, v31;
	v20 =	vld.idx.msk [tilespmem:v20+s22+$0x0], $0xffff  }
0x2a7: {  	v22 =	vmul.f32 $1.442695020e+00, v22;
	v24 =	vmul.f32 v24, v32;
	v19 =	vld.idx.msk [tilespmem:v19+s22+$0x0], $0xffff  }
0x2a8: {  	v23 =	vmul.f32 $1.442695020e+00, v23;
	v25 =	vmul.f32 v25, v28;
	v16 =	vld.idx.msk [tilespmem:v16+s22+$0x0], $0xffff  }
0x2a9: {  	v24 =	vmul.f32 $1.442695020e+00, v24;
	v26 =	vmul.f32 v26, v29;
	v15 =	vld.idx.msk [tilespmem:v15+s22+$0x0], $0xffff  }
0x2aa: {  	v25 =	vmul.f32 $1.442695020e+00, v25;
	v27 =	vmul.f32 v27, v33;
	v14 =	vld.idx.msk [tilespmem:v14+s22+$0x0], $0xffff  }
0x2ab: {  	v26 =	vmul.f32 $1.442695020e+00, v26;
	v18 =	vld.idx.msk [tilespmem:v18+s22+$0x0], $0xffff;
	(erf) = vpow2.f32 v21  }
0x2ac: {  	v27 =	vmul.f32 $1.442695020e+00, v27;
	v21 =	vld [tilespmem:s31+$0xFFFFFFC0];
	(erf) = vpow2.f32 v22  }
0x2ad: {  	v22 =	vld [tilespmem:s31+$0xFFFFFFD0];
	(erf) = vpow2.f32 v23  }
0x2ae: {  	v23 =	vld [tilespmem:s31+$0xFFFFFFE0];
	(erf) = vpow2.f32 v24  }
0x2af: {  	v24 =	vld [tilespmem:s31+$0xFFFFFFF0];
	(erf) = vpow2.f32 v25  }
0x2b0: {  	v25 =	vld [tilespmem:s31+$0x0];
	(erf) = vpow2.f32 v26  }
0x2b1: {  	v17 =	vadd.f32 v17, v21;
	v21 =	vld [tilespmem:s31+$0x10];
	(erf) = vpow2.f32 v27  }
0x2b2: {  	v20 =	vadd.f32 v20, v22;
	v22 =	vld [tilespmem:s31+$0x20]  }
0x2b3: {  	v19 =	vadd.f32 v19, v23;
	[tilespmem:v1+s28+$0x0] =	vst.idx.add.f32.msk $0xffff, v6  }
0x2b4: {  	v6 =	vadd.f32 v16, v24;
	v16 =	vpop (erf);
	[tilespmem:v1+s29+$0x0] =	vst.idx.add.f32.msk $0xffff, v4;
	v1 =	vmov v13  }
0x2b5: {  	v4 =	vmul.f32 v16, v17;
	v13 =	vadd.f32 v15, v25;
	v15 =	vpop (erf);
	[tilespmem:v2+s28+$0x0] =	vst.idx.add.f32.msk $0xffff, v5  }
0x2b6: {  	v5 =	vmul.f32 v15, v20;
	v14 =	vadd.f32 v14, v21;
	v17 =	vpop (erf);
	[tilespmem:v2+s29+$0x0] =	vst.idx.add.f32.msk $0xffff, v3;
	v2 =	vmov v12  }
0x2b7: {  	[tilespmem:v11+s28+$0x0] =	vst.idx.add.f32.msk $0xffff, v4;
	v12 =	vmul.f32 v17, v19;
	v18 =	vadd.f32 v18, v22;
	v19 =	vpop (erf)  }
0x2b8: {  	[tilespmem:v11+s29+$0x0] =	vst.idx.add.f32.msk $0xffff, v16;
	v11 =	vmul.f32 v19, v6;
	v16 =	vpop (erf)  }
0x2b9: {  	[tilespmem:v10+s28+$0x0] =	vst.idx.add.f32.msk $0xffff, v5;
	v13 =	vmul.f32 v16, v13;
	v4 =	vpop (erf)  }
0x2ba: {  	[tilespmem:v10+s29+$0x0] =	vst.idx.add.f32.msk $0xffff, v15;
	v6 =	vmul.f32 v4, v14;
	v3 =	vpop (erf)  }
0x2bb: {  	[tilespmem:v9+s28+$0x0] =	vst.idx.add.f32.msk $0xffff, v12;
	v5 =	vmul.f32 v3, v18  }
.Ltmp3:
0x2bc: {  	[tilespmem:v9+s29+$0x0] =	vst.idx.add.f32.msk $0xffff, v17;
	(pc) =	sbr.rel @p1 .LBB2_10-.Ltmp3, $4  }
0x2bd: {  	[tilespmem:v8+s28+$0x0] =	vst.idx.add.f32.msk $0xffff, v11  }
0x2be: {  	[tilespmem:v8+s29+$0x0] =	vst.idx.add.f32.msk $0xffff, v19  }
0x2bf: {  	[tilespmem:v7+s28+$0x0] =	vst.idx.add.f32.msk $0xffff, v13  }
0x2c0: {  	s5 =	sadd.s32 $0x80, s5;
	[tilespmem:v7+s29+$0x0] =	vst.idx.add.f32.msk $0xffff, v16  }
0x2c1: {  	_ =	sdelay $0x3  }
0x2c2: {  	[tilespmem:v1+s28+$0x0] =	vst.idx.add.f32.msk $0xffff, v6  }
0x2c3: {  	[tilespmem:v2+s28+$0x0] =	vst.idx.add.f32.msk $0xffff, v5  }
0x2c4: {  	[tilespmem:v1+s29+$0x0] =	vst.idx.add.f32.msk $0xffff, v4  }
0x2c5: {  	[tilespmem:v2+s29+$0x0] =	vst.idx.add.f32.msk $0xffff, v3  }
.LBB2_12:
0x2c6: {  	s0 =	sshra.s32 s12, $0x2  }
0x2c7: {  	v1 =	vld [tilespmem:s0+$0x1CA80];
	_ =	sdelay $0x1  }
0x2c8: {  	v2 =	vld [tilespmem:s0+$0x1C280];
	_ =	sdelay $0x4  }
0x2c9: {  	v3 =	vld [tilespmem:s0+$0x1D280]  }
0x2ca: {  	v4 =	vld.idx.msk [tilespmem:v1+s18+$0x0], $0xffff;
	_ =	sdelay $0x1  }
0x2cb: {  	v5 =	vld.idx.msk [tilespmem:v2+s1+$0x0], $0xffff;
	_ =	sdelay $0x2  }
0x2cc: {  	v3 =	vadd.f32 v4, v3;
	_ =	sdelay $0x1  }
0x2cd: {  	v3 =	vmul.f32 v3, v5;
	_ =	sdelay $0x1  }
0x2ce: {  	v3 =	vmul.f32 $1.442695020e+00, v3;
	_ =	sdelay $0x1  }
0x2cf: {  	(erf) = vpow2.f32 v3;
	_ =	sdelay $0x1  }
0x2d0: {  	v61 =	vld.idx.msk [tilespmem:v1+s19+$0x0], $0xffff  }
0x2d1: {  	v3 =	vld [tilespmem:s0+$0x1E280];
	_ =	sdelay $0x4  }
0x2d2: {  	v3 =	vadd.f32 v61, v3  }
0x2d3: {  	v62 =	vpop (erf)  }
0x2d4: {  	v3 =	vmul.f32 v62, v3;
	_ =	sdelay $0x1  }
0x2d5: {  	[tilespmem:v2+s25+$0x0] =	vst.idx.add.f32.msk $0xffff, v3  }
0x2d6: {  	[tilespmem:v2+s26+$0x0] =	vst.idx.add.f32.msk $0xffff, v62  }
0x2d7: {  	v3 =	vld [tilespmem:s0+$0x1DA80]  }
0x2d8: {  	v4 =	vld.idx.msk [tilespmem:v1+s21+$0x0], $0xffff;
	_ =	sdelay $0x1  }
0x2d9: {  	v63 =	vld.idx.msk [tilespmem:v2+s20+$0x0], $0xffff;
	_ =	sdelay $0x2  }
0x2da: {  	v3 =	vadd.f32 v4, v3;
	_ =	sdelay $0x1  }
0x2db: {  	v3 =	vmul.f32 v3, v63;
	_ =	sdelay $0x1  }
0x2dc: {  	v3 =	vmul.f32 $1.442695020e+00, v3;
	_ =	sdelay $0x1  }
0x2dd: {  	(erf) = vpow2.f32 v3;
	_ =	sdelay $0x1  }
0x2de: {  	v1 =	vld.idx.msk [tilespmem:v1+s22+$0x0], $0xffff  }
0x2df: {  	v3 =	vld [tilespmem:s0+$0x1EA80];
	_ =	sdelay $0x4  }
0x2e0: {  	p1 =	sne.s32 s12, $0x100;
	v1 =	vadd.f32 v1, v3  }
.Ltmp4:
0x2e1: {  	v3 =	vpop (erf);
	(pc) =	sbr.rel @p1 .LBB2_12-.Ltmp4, $3  }
0x2e2: {  	v1 =	vmul.f32 v3, v1;
	_ =	sdelay $0x1  }
0x2e3: {  	[tilespmem:v2+s28+$0x0] =	vst.idx.add.f32.msk $0xffff, v1  }
0x2e4: {  	s12 =	sadd.s32 $0x40, s12;
	[tilespmem:v2+s29+$0x0] =	vst.idx.add.f32.msk $0xffff, v3  }
0x2e5: {  	s9 =	sadd.s32 $0x1, s9  }
0x2e6: {  	p1 =	sne.s32 s9, $0x50  }
.Ltmp5:
0x2e7: {  	_ = 	snop;
	(pc) =	sbr.rel @p1 .LBB2_5-.Ltmp5, $1  }
0x2e8: {  	_ =	sdelay $0x3  }
0x2e9: {  	s4 =	rddreg [dreg:$0x4]  }
0x2ea: {  	s0 =	rddreg [dreg:$0xb];
	s11 =	simm.s32 $0x80  }
0x2eb: {  	s12 =	simm.s32 $0x400;
	s13 =	simm.s32 $0x3;
	s0 =	sadd.s32 s4, s0  }
0x2ec: {  	[hbm4b:s0+s11] =	stream.strided.scatter [tilespmem:s25], [sflag:$0x3], $0x2780, s12, s11, $0x38;
	[tilespmem:$0x1EB00] =	vst v63  }
0x2ed: {  	_ =	swait.ge [sflag:s13], $0x2780  }
0x2ee: {  	[sflag:s13] =	ssyncset.done $0x0;
	s16 =	rddreg [dreg:$0xc]  }
0x2ef: {  	[sflag:s13] =	ssyncadd.s32 $0xFFFFD880;
	s0 =	sadd.s32 s4, s16  }
0x2f0: {  	[hbm4b:s0+s11] =	stream.strided.scatter [tilespmem:s26], [sflag:$0x3], $0x2780, s12, s11, $0x38;
	[tilespmem:$0x1EB00] =	vst v63  }
0x2f1: {  	_ =	swait.ge [sflag:s13], $0x2780  }
0x2f2: {  	[sflag:s13] =	ssyncset.done $0x0;
	s17 =	rddreg [dreg:$0xd]  }
0x2f3: {  	[sflag:s13] =	ssyncadd.s32 $0xFFFFD880;
	s0 =	sadd.s32 s4, s17  }
0x2f4: {  	[hbm4b:s0+s11] =	stream.strided.scatter [tilespmem:s28], [sflag:$0x3], $0x2780, s12, s11, $0x38;
	[tilespmem:$0x1EB00] =	vst v63  }
0x2f5: {  	_ =	swait.ge [sflag:s13], $0x2780  }
0x2f6: {  	[sflag:s13] =	ssyncset.done $0x0;
	s31 =	rddreg [dreg:$0xe]  }
.Ltmp6:
0x2f7: {  	[sflag:s13] =	ssyncadd.s32 $0xFFFFD880;
	s0 =	sadd.s32 s4, s31;
	(pc) =	sbr.rel @p0 .LBB2_2-.Ltmp6, $4  }
0x2f8: {  	[hbm4b:s0+s11] =	stream.strided.scatter [tilespmem:s29], [sflag:$0x3], $0x2780, s12, s11, $0x38;
	[tilespmem:$0x1EB00] =	vst v63  }
0x2f9: {  	_ =	swait.ge [sflag:s13], $0x2780  }
0x2fa: {  	[sflag:s13] =	ssyncset.done $0x0  }
0x2fb: {  	p1 =	por $0x0, $0x0;
	s0 =	simm.s32 $0x20;
	[sflag:s13] =	ssyncadd.s32 $0xFFFFD880  }
0x2fc: {  	s4 =	rddreg [dreg:$0xa]  }
0x2fd: {  	s0 =	rddreg [dreg:$0x9];
	s4 =	sadd.s32 $0x1, s4  }
0x2fe: {  	p0 =	sne.s32 s4, s0  }
.Ltmp7:
0x2ff: {  	_ = 	snop;
	(pc) =	sbr.rel @p0 .LBB2_1-.Ltmp7, $1  }
0x300: {  	_ =	sdelay $0x3  }
0x301: {  	_ =	sfence.sel $0x180000  }
0x302: {  	[bflag:$0x0] =	sbarrier.arrive $0xFFFF  }
0x303: {  	_ =	strace $0x9000004A  }
0x304: {  	s0 =	stileid.u32;
	[bflag:$0x2] =	sbarrier.arrive $0xFFFF  }
0x305: {  	p0 =	sne.s32 s0, $0x0;
	s0 =	rddreg [dreg:$0x1]  }
0x306: {  	s0 =	sadd.s32 @!p0 $0x100000, s0  }
0x307: {  	[sflag:s0] =	ssyncadd.tile.s32 @!p0 $0x1;
	_ =	shalt  }
.Lfunc_end2:
_tile_overlayer_lowered:
.L_overlay_start_2:
0x308: {  	(tag) =	ssettag $0x2  }
0x309: {  	s0 =	rddreg [dreg:$0x0];
	s2 =	stileid.u32  }
0x30a: {  	s1 =	rddreg [dreg:$0x1];
	p0 =	sne.s32 s2, $0x0  }
0x30b: {  	s3 =	rddreg [dreg:$0x2];
	[bflag:$0x3] =	sbarrier.arrive $0xFFFF;
	s2 =	simm.s32 @!p0 $0x1C03  }
0x30c: {  	[timem:s3], [sflag:s2] =	dma.local @!p0 [hbm:s0], s1  }
0x30d: {  	s0 =	simm.s32 @!p0 $0x3  }
0x30e: {  	_ =	swait.ge @!p0 [sflag:s0], s1  }
0x30f: {  	s1 =	ssub.s32 @!p0 $0x0, s1;
	[sflag:s0] =	ssyncset.done @!p0 $0x0  }
0x310: {  	[sflag:s0] =	ssyncadd.s32 @!p0 s1  }
0x311: {  	[bflag:$0x3] =	sbarrier.arrive $0xFFFF  }
0x312: {  	_ =	shalt  }

// kernel: kernel.9.cloned.1.call-start
scs
__scs_entry_jumppad:
0x0: {  	(pc) =	sbr.rel $0x88, $3  }
0x1: {  	(tag) =	ssettag $0x0;
	lr =	simm.s32 $0x1  }
0x2: {  	[smem:$0x3F88] =	sst lr;
	_ =	strace $0xD0000000  }
0x3: {  	_ = 	snop  }
0x4: {  	_ = 	snop  }
0x5: {  	_ = 	snop  }
0x6: {  	_ = 	snop  }
0x7: {  	_ = 	snop  }
__scs_overlays_trampoline_lowered:
0x8: {  	[smem:$0x3F97] =	sst s0  }
0x9: {  	[smem:$0x3F98] =	sst s1  }
0xa: {  	[smem:$0x3F99] =	sst s2  }
0xb: {  	[smem:$0x3F9A] =	sst s3  }
0xc: {  	[smem:$0x3F9B] =	sst s4  }
0xd: {  	[smem:$0x3F9C] =	sst s5  }
0xe: {  	[smem:$0x3F9D] =	sst s6  }
0xf: {  	[smem:$0x3F9E] =	sst s7  }
0x10: {  	[smem:$0x3F9F] =	sst s8  }
0x11: {  	[smem:$0x3FA0] =	sst s9;
	s0 =	simm.s32 @!p0 $0x0  }
0x12: {  	s1 =	sld [smem:$0x3F86];
	s0 =	simm.s32 @p0 $0x1  }
0x13: {  	[smem:$0x3FA1] =	sst s0;
	s0 =	simm.s32 @!p1 $0x0  }
0x14: {  	s2 =	sld [smem:$0x3F85];
	s0 =	simm.s32 @p1 $0x1  }
0x15: {  	[smem:$0x3FA2] =	sst s0;
	s0 =	simm.s32 @!p2 $0x0  }
0x16: {  	s3 =	sld [smem:$0x3FDB];
	s0 =	simm.s32 @p2 $0x1  }
0x17: {  	s4 =	simm.s32 $0x1BF5;
	[smem:$0x3FA4] =	sst s0  }
0x18: {  	s0 =	sld [smem:$0x3F87];
	_ =	swait.ge [sflag:s4], $0x0  }
0x19: {  	s7 =	sld [smem:$0x3F88]  }
0x1a: {  	s8 =	sadd.s32 $0xFFFFE003, lr  }
0x1b: {  	s9 =	sadd.s32 $0xFFFFFEF7, lr;
	s5 =	simm.s32 $0xFFFFFFFF;
	p2 =	slt.u32 s8, $0xFFFFF086  }
0x1c: {  	p1 =	slt.u32 s9, $0xF7A;
	s5 =	simm.s32 @!p2 $0x0  }
0x1d: {  	s5 =	simm.s32 @p1 $0x1;
	p0 =	seq.s32 s7, s2  }
0x1e: {  	s7 =	smul.u32 @!p0 $0xF7A, s2;
	p2 =	seq.s32 @!p0 s5, $0x0  }
0x1f: {  	s9 =	smul.u32 $0xF7A, s1;
	s8 =	simm.s32 @!p0 $0x1BF5;
	p2 =	por !p2, p0  }
0x20: {  	[sflag:s8] =	ssyncset.s32 @!p0 $0xFFFFF086;
	s6 =	sadd.s32 @!p0 s3, s7;
	s7 =	simm.s32 @!p0 $0x108  }
0x21: {  	s3 =	sadd.s32 s3, s9;
	s6 =	sadd.s32 @!p0 $0x88, s6;
	s7 =	simm.s32 @p2 $0x1082  }
0x22: {  	[simem:s7], [sflag:s8] =	dma.local @!p0 [hbm:s6], $0xF7A  }
0x23: {  	s9 =	sor.u32 $0xD0000000, s2;
	s6 =	simm.s32 $0x108;
	_ =	swait.ge @!p0 [sflag:s8], $0x0  }
0x24: {  	s3 =	sadd.s32 $0x88, s3;
	s6 =	simm.s32 @!p1 $0x1082;
	[sflag:s4] =	ssyncset.s32 $0xFFFFF086  }
0x25: {  	[simem:s6], [sflag:s4] =	dma.local [hbm:s3], $0xF7A  }
0x26: {  	[smem:$0x3F88] =	sst s1;
	(tag) =	ssettag s2;
	_ =	strace s9  }
0x27: {  	s1 =	sld [smem:$0x3F98]  }
0x28: {  	s2 =	sld [smem:$0x3F99]  }
0x29: {  	s4 =	sld [smem:$0x3F9B]  }
0x2a: {  	p0 =	seq.s32 s5, $0x0;
	s5 =	sld [smem:$0x3F9C]  }
0x2b: {  	s6 =	sld [smem:$0x3F9D]  }
0x2c: {  	s7 =	sld [smem:$0x3F9E]  }
0x2d: {  	s3 =	simm.s32 $0x108;
	s8 =	sld [smem:$0x3F9F]  }
0x2e: {  	s3 =	simm.s32 @!p0 $0x1082;
	s9 =	sld [smem:$0x3FA0]  }
0x2f: {  	lr =	sadd.s32 s0, s3;
	s0 =	sld [smem:$0x3F97]  }
0x30: {  	s3 =	sld [smem:$0x3F9A]  }
0x31: {  	[smem:$0x3FA3] =	sst s10  }
0x32: {  	s10 =	sld [smem:$0x3FA1];
	_ =	sdelay $0x3  }
0x33: {  	p0 =	seq.s32 s10, $0x1;
	s10 =	sld [smem:$0x3FA3];
	_ =	sdelay $0x3  }
0x34: {  	[smem:$0x3FA3] =	sst s10  }
0x35: {  	s10 =	sld [smem:$0x3FA2];
	_ =	sdelay $0x3  }
0x36: {  	p1 =	seq.s32 s10, $0x1;
	s10 =	sld [smem:$0x3FA3];
	_ =	sdelay $0x3  }
0x37: {  	[smem:$0x3FA3] =	sst s10  }
0x38: {  	s10 =	sld [smem:$0x3FA4]  }
0x39: {  	_ = 	snop;
	(pc) =	sbr.ind lr, $3  }
0x3a: {  	_ = 	snop  }
0x3b: {  	_ = 	snop  }
0x3c: {  	p2 =	seq.s32 s10, $0x1;
	s10 =	sld [smem:$0x3FA3]  }
0x3d: {  	_ =	shalt  }
0x3e: {  	_ =	shalt  }
0x3f: {  	_ =	shalt  }
0x40: {  	_ =	shalt  }
0x41: {  	_ =	shalt  }
0x42: {  	_ =	shalt  }
0x43: {  	_ =	shalt  }
0x44: {  	_ =	shalt  }
0x45: {  	_ =	shalt  }
0x46: {  	_ =	shalt  }
0x47: {  	_ =	shalt  }
0x48: {  	_ =	shalt  }
0x49: {  	_ =	shalt  }
0x4a: {  	_ =	shalt  }
0x4b: {  	_ =	shalt  }
0x4c: {  	_ =	shalt  }
0x4d: {  	_ =	shalt  }
0x4e: {  	_ =	shalt  }
0x4f: {  	_ =	shalt  }
0x50: {  	_ =	shalt  }
0x51: {  	_ =	shalt  }
0x52: {  	_ =	shalt  }
0x53: {  	_ =	shalt  }
0x54: {  	_ =	shalt  }
0x55: {  	_ =	shalt  }
0x56: {  	_ =	shalt  }
0x57: {  	_ =	shalt  }
0x58: {  	_ =	shalt  }
0x59: {  	_ =	shalt  }
0x5a: {  	_ =	shalt  }
0x5b: {  	_ =	shalt  }
0x5c: {  	_ =	shalt  }
0x5d: {  	_ =	shalt  }
0x5e: {  	_ =	shalt  }
0x5f: {  	_ =	shalt  }
0x60: {  	_ =	shalt  }
0x61: {  	_ =	shalt  }
0x62: {  	_ =	shalt  }
0x63: {  	_ =	shalt  }
0x64: {  	_ =	shalt  }
0x65: {  	_ =	shalt  }
0x66: {  	_ =	shalt  }
0x67: {  	_ =	shalt  }
0x68: {  	_ =	shalt  }
0x69: {  	_ =	shalt  }
0x6a: {  	_ =	shalt  }
0x6b: {  	_ =	shalt  }
0x6c: {  	_ =	shalt  }
0x6d: {  	_ =	shalt  }
0x6e: {  	_ =	shalt  }
0x6f: {  	_ =	shalt  }
0x70: {  	_ =	shalt  }
0x71: {  	_ =	shalt  }
0x72: {  	_ =	shalt  }
0x73: {  	_ =	shalt  }
0x74: {  	_ =	shalt  }
0x75: {  	_ =	shalt  }
0x76: {  	_ =	shalt  }
0x77: {  	_ =	shalt  }
0x78: {  	_ =	shalt  }
0x79: {  	_ =	shalt  }
0x7a: {  	_ =	shalt  }
0x7b: {  	_ =	shalt  }
0x7c: {  	_ =	shalt  }
0x7d: {  	_ =	shalt  }
0x7e: {  	_ =	shalt  }
0x7f: {  	_ =	shalt  }
0x80: {  	_ =	shalt  }
0x81: {  	_ =	shalt  }
0x82: {  	_ =	shalt  }
0x83: {  	_ =	shalt  }
0x84: {  	_ =	shalt  }
0x85: {  	_ =	shalt  }
0x86: {  	_ =	shalt  }
0x87: {  	_ =	shalt  }
.Lfunc_end0:
.L_simem_size_0:
called_computation_lowered:
.L_overlay_start_0:
0x88: {  	s2 =	sld [smem:$0x3FD9]  }
0x89: {  	s3 =	sld [smem:$0x3FFE];
	_ =	sdelay $0x1  }
0x8a: {  	s1 =	srdreg.scid  }
0x8b: {  	s0 =	sand.u32 $0x1, s1  }
0x8c: {  	s16 =	sshll.u32 s0, $0xA;
	s2 =	sadd.s32 s3, s2  }
0x8d: {  	s2 =	sadd.s32 s2, s16  }
0x8e: {  	[smem:$0x3FAF] =	sst s2  }
0x8f: {  	_ = 	snop  }
0x90: {  	(tm) =	ssettm $0x1  }
0x91: {  	s17 =	sld [smem:$0x3FFB];
	_ =	sdelay $0x3  }
0x92: {  	_ =	strace s17  }
0x93: {  	s2 =	sld [smem:$0x3FFC];
	_ =	sdelay $0x3  }
0x94: {  	_ =	strace s2  }
0x95: {  	s2 =	sld [smem:$0x3FFD];
	_ =	sdelay $0x3  }
0x96: {  	_ =	strace s2  }
0x97: {  	_ =	strace $0x8FFFFFFF  }
0x98: {  	s18 =	sld [smem:$0x3FDB];
	_ =	sdelay $0x1  }
0x99: {  	s19 =	simm.s32 $_scs_section_size  }
0x9a: {  	s4 =	simm.s32 $_size__tile_overlayer_lowered;
	s5 =	simm.s32 $_tile_overlayer_lowered  }
0x9b: {  	s22 =	simm.s32 $0x1BFF;
	s21 =	sshll.u32 s5, $0x1;
	s2 =	sadd.s32 s19, s18  }
0x9c: {  	s6 =	simm.s32 $0x0;
	s20 =	sshll.u32 s4, $0x1;
	s4 =	sadd.s32 s21, s2  }
0x9d: {  	[timem:s6], [sflag:s22] =	dma.local [hbm:s4], s20  }
0x9e: {  	_ =	swait.ge [sflag:s22], s20  }
0x9f: {  	s3 =	ssub.s32 $0x0, s20;
	[sflag:s22] =	ssyncset.done $0x0  }
0xa0: {  	[sflag:s22] =	ssyncadd.s32 s3;
	_ =	sdelay $0x1  }
0xa1: {  	s23 =	simm.s32 $0x1B8B  }
0xa2: {  	_ =	swait.ge [sflag:s23], $0x1  }
0xa3: {  	[sflag:s23] =	ssyncset.done $0x0  }
0xa4: {  	s25 =	simm.s32 $0x1B8E;
	s24 =	sld [smem:$0x3FFE];
	[sflag:s23] =	ssyncadd.s32 $0xFFFFFFFF  }
0xa5: {  	s26 =	simm.s32 $execute0_lowered;
	[smem:$0x3FD2] =	sst s25  }
0xa6: {  	s4 =	sshll.u32 s26, $0x1;
	_ =	strace $0x80000046;
	[dreg:$0x1] =	wrdreg $0xFFFFFFFF  }
0xa7: {  	s28 =	simm.s32 $_size_execute0_lowered;
	s2 =	sadd.s32 s2, s4;
	[dreg:$0x0] =	wrdreg $0x0  }
0xa8: {  	s4 =	sshll.u32 s28, $0x1;
	[dreg:$0x2] =	wrdreg s2  }
0xa9: {  	[dreg:$0x3] =	wrdreg s4  }
0xaa: {  	[dreg:$0x4] =	wrdreg $0xC0  }
0xab: {  	_ =	task [dreg:s6], $0x5FFFF  }
0xac: {  	[dreg:$0x1] =	wrdreg $0xFFFFFFFF  }
0xad: {  	[dreg:$0x0] =	wrdreg $0x60  }
0xae: {  	[dreg:$0x2] =	wrdreg s24  }
0xaf: {  	[dreg:$0x3] =	wrdreg $0x9  }
0xb0: {  	_ =	task.clear_ibuf [dreg:s6], $0x4FFFF;
	_ =	strace $0x90000046  }
0xb1: {  	s29 =	simm.s32 $0x9;
	_ =	strace $0x80000048  }
0xb2: {  	_ =	swait.ge [sflag:s29], $0x1  }
0xb3: {  	[sflag:s29] =	ssyncadd.s32 $0xFFFFFFFF  }
0xb4: {  	_ =	strace $0x90000048  }
0xb5: {  	_ =	sfence  }
0xb6: {  	s30 =	sld [smem:$0x0];
	_ =	sdelay $0x2  }
0xb7: {  	s31 =	sshll.u32 s1, $0xD;
	s1 =	sshrl.u32 s1, $0x2  }
0xb8: {  	s3 =	sand.u32 $0x4000, s31;
	s1 =	sadd.s32 s1, s30  }
0xb9: {  	s0 =	sor.u32 s3, s0;
	s1 =	sshll.u32 s1, $0x11  }
0xba: {  	s0 =	sor.u32 s1, s0  }
0xbb: {  	s0 =	sadd.s32 $0x8F2B, s0  }
0xbc: {  	[sflag:s0] =	ssyncadd.remote.s32 $0x1  }
0xbd: {  	_ =	sfence.sel $0xFFFF  }
0xbe: {  	[dreg:$0x0] =	wrdreg $0xFFFFFFFF;
	(pc) =	sbr.abs _section_cstart, $3  }
0xbf: {  	[dreg:$0x1] =	wrdreg $0xFFFFFFFF  }
0xc0: {  	_ =	task.clear_ibuf [dreg:s6], $0x2FFFF;
	_ =	strace $0x9FFFFFFF  }
0xc1: {  	(tm) =	ssettm $0x7FFFFFFF  }
tec
execute0_lowered:
.L_overlay_start_1:
0x0: {  	(tag) =	ssettag $0x1  }
0x1: {  	s0 =	rddreg [dreg:$0x0];
	s1 =	simm.s32 $0x0;
	s23 =	srdreg.scid  }
0x2: {  	s6 =	stileid.u32;
	s11 =	simm.s32 $0x80;
	s12 =	simm.s32 $0x400  }
0x3: {  	s13 =	simm.s32 $0x3;
	s18 =	simm.s32 $0x4F00;
	s19 =	simm.s32 $0x9E00  }
0x4: {  	s20 =	simm.s32 $0x2780;
	s21 =	simm.s32 $0x7680;
	s22 =	simm.s32 $0xC580  }
0x5: {  	s28 =	simm.s32 $0x11480;
	s29 =	simm.s32 $0x16380;
	[smem:$0x7FF] =	sst s1  }
0x6: {  	s30 =	simm.s32 $0x1;
	s2 =	sadd.s32 $0x9D5200, s0;
	s3 =	sadd.s32 $0x9CB400, s0  }
0x7: {  	s4 =	sadd.s32 $0xA2E000, s0;
	s5 =	sadd.s32 $0x9DF000, s0;
	s7 =	sadd.s32 $0x7400, s0  }
0x8: {  	s8 =	sadd.s32 $0x4E9400, s0;
	_ =	strace $0x80000047;
	[dreg:$0x2] =	wrdreg s4  }
0x9: {  	s0 =	sadd.s32 $0xA55800, s0;
	s6 =	sshll.u32 s6, $0x8;
	[dreg:$0x3] =	wrdreg s5  }
0xa: {  	s4 =	sand.u32 $0x1, s23;
	[dreg:$0x4] =	wrdreg s0;
	s26 =	sand.u32 $0x300, s6  }
0xb: {  	s24 =	ssub.s32 $0x2, s4;
	s4 =	sshll.u32 s4, $0x4;
	[dreg:$0x6] =	wrdreg s26  }
0xc: {  	s10 =	simm.s32 $0x2;
	s31 =	sor.u32 $0x13C000, s26;
	[dreg:$0x5] =	wrdreg s4  }
0xd: {  	s23 =	simm.s32 $0x1D300;
	s25 =	sshrl.u32 s24, $0x1;
	[dreg:$0x7] =	wrdreg s31  }
0xe: {  	s4 =	sor.u32 $0x80, s26;
	s26 =	simm.s32 $0x13C00;
	s0 =	ssub.s32 s24, s25  }
0xf: {  	[dreg:$0x8] =	wrdreg s4;
	s24 =	simm.s32 $0x1E300;
	s0 =	smax.u32 s0, $0x1  }
0x10: {  	v0 =	vimm.f32 $0.0e+00;
	s25 =	simm.s32 $0xED00;
	s4 =	simm.s32 $0x0;
	[dreg:$0x9] =	wrdreg s0  }
.LBB2_1:
0x11: {  	[dreg:$0xa] =	wrdreg s4;
	p1 =	por $0x1, $0x1;
	s0 =	simm.s32 $0x0  }
.LBB2_2:
0x12: {  	s4 =	rddreg [dreg:$0x5]  }
0x13: {  	s16 =	stileid.u32;
	s0 =	sor.u32 s0, s4  }
0x14: {  	s0 =	sor.u32 s16, s0  }
0x15: {  	s4 =	sshrl.u32 s0, $0x2  }
0x16: {  	s4 =	smul.u32 $0x13C00, s4  }
0x17: {  	s5 =	rddreg [dreg:$0x6]  }
0x18: {  	s5 =	sor.u32 s5, s4  }
0x19: {  	s6 =	rddreg [dreg:$0x2];
	s14 =	sshrl.u32 s5, $0x3  }
0x1a: {  	s5 =	sadd.s32 s6, s14  }
0x1b: {  	[tilespmem:s1], [sflag:$0x3] =	stream.strided.gather [hbm4b:s5+s11], $0x2780, s12, s11, $0x38;
	[tilespmem:$0x1EB00] =	vst v63  }
0x1c: {  	_ =	swait.ge [sflag:s13], $0x2780  }
0x1d: {  	[sflag:s13] =	ssyncset.done $0x0;
	s9 =	rddreg [dreg:$0x3]  }
0x1e: {  	[dreg:$0xb] =	wrdreg s14;
	[sflag:s13] =	ssyncadd.s32 $0xFFFFD880;
	s17 =	sadd.s32 s9, s14  }
0x1f: {  	[tilespmem:s18], [sflag:$0x3] =	stream.strided.gather [hbm4b:s17+s11], $0x2780, s12, s11, $0x38;
	[tilespmem:$0x1EB00] =	vst v63  }
0x20: {  	_ =	swait.ge [sflag:s13], $0x2780  }
0x21: {  	s31 =	rddreg [dreg:$0x7]  }
0x22: {  	s5 =	sadd.s32 s31, s4  }
0x23: {  	[sflag:s13] =	ssyncset.done $0x0;
	s5 =	sshrl.u32 s5, $0x3  }
0x24: {  	[sflag:s13] =	ssyncadd.s32 $0xFFFFD880;
	[dreg:$0xc] =	wrdreg s5;
	s5 =	sadd.s32 s9, s5  }
0x25: {  	[tilespmem:s19], [sflag:$0x3] =	stream.strided.gather [hbm4b:s5+s11], $0x2780, s12, s11, $0x38;
	[tilespmem:$0x1EB00] =	vst v63  }
0x26: {  	_ =	swait.ge [sflag:s13], $0x2780  }
0x27: {  	s14 =	rddreg [dreg:$0x8]  }
0x28: {  	s4 =	sor.u32 s4, s14  }
0x29: {  	[sflag:s13] =	ssyncset.done $0x0;
	s15 =	sshrl.u32 s4, $0x3  }
0x2a: {  	[sflag:s13] =	ssyncadd.s32 $0xFFFFD880;
	s16 =	sadd.s32 s6, s15  }
0x2b: {  	[tilespmem:s20], [sflag:$0x3] =	stream.strided.gather [hbm4b:s16+s11], $0x2780, s12, s11, $0x38;
	[tilespmem:$0x1EB00] =	vst v63  }
0x2c: {  	_ =	swait.ge [sflag:s13], $0x2780  }
0x2d: {  	[sflag:s13] =	ssyncset.done $0x0  }
0x2e: {  	s17 =	sadd.s32 s9, s15;
	[dreg:$0xd] =	wrdreg s15;
	[sflag:s13] =	ssyncadd.s32 $0xFFFFD880  }
0x2f: {  	[tilespmem:s21], [sflag:$0x3] =	stream.strided.gather [hbm4b:s17+s11], $0x2780, s12, s11, $0x38;
	[tilespmem:$0x1EB00] =	vst v63  }
0x30: {  	s4 =	sadd.s32 $0x13C000, s4;
	_ =	swait.ge [sflag:s13], $0x2780  }
0x31: {  	s4 =	sshrl.u32 s4, $0x3;
	[sflag:s13] =	ssyncset.done $0x0  }
0x32: {  	[dreg:$0xe] =	wrdreg s4;
	s4 =	sadd.s32 s9, s4;
	[sflag:s13] =	ssyncadd.s32 $0xFFFFD880  }
0x33: {  	[tilespmem:s22], [sflag:$0x3] =	stream.strided.gather [hbm4b:s4+s11], $0x2780, s12, s11, $0x38;
	[tilespmem:$0x1EB00] =	vst v63  }
0x34: {  	_ =	swait.ge [sflag:s13], $0x2780  }
0x35: {  	[sflag:s13] =	ssyncset.done $0x0  }
0x36: {  	s31 =	simm.s32 $0xED20;
	[sflag:s13] =	ssyncadd.s32 $0xFFFFD880  }
0x37: {  	[tilespmem:s31+$0xFFFFFFF0] =	vst v0  }
0x38: {  	[tilespmem:s31+$0x0] =	vst v0  }
0x39: {  	[tilespmem:s31+$0x10] =	vst v0  }
0x3a: {  	s4 =	simm.s32 $0x13C20;
	[tilespmem:s31+$0xFFFFFFE0] =	vst v0  }
0x3b: {  	[tilespmem:s4+$0xFFFFFFF0] =	vst v0  }
0x3c: {  	[tilespmem:s4+$0x0] =	vst v0  }
0x3d: {  	[tilespmem:s4+$0x10] =	vst v0  }
0x3e: {  	s5 =	simm.s32 $0x114A0;
	[tilespmem:s4+$0xFFFFFFE0] =	vst v0  }
0x3f: {  	[tilespmem:s5+$0xFFFFFFF0] =	vst v0  }
0x40: {  	[tilespmem:s5+$0x0] =	vst v0  }
0x41: {  	[tilespmem:s5+$0x10] =	vst v0  }
0x42: {  	s6 =	simm.s32 $0x163A0;
	[tilespmem:s5+$0xFFFFFFE0] =	vst v0  }
0x43: {  	[tilespmem:s6+$0xFFFFFFF0] =	vst v0  }
0x44: {  	[tilespmem:s6+$0x0] =	vst v0  }
0x45: {  	[tilespmem:s6+$0x10] =	vst v0  }
0x46: {  	p0 =	por p1, p1;
	s9 =	simm.s32 $0x0;
	s11 =	simm.s32 $0xED60;
	[tilespmem:s6+$0xFFFFFFE0] =	vst v0  }
.LBB2_3:
0x47: {  	[tilespmem:s11+$0xFFFFFFF0] =	vst v0;
	s4 =	sadd.s32 $0x40, s4  }
0x48: {  	s5 =	sadd.s32 $0x40, s5;
	[tilespmem:s4+$0xFFFFFFF0] =	vst v0  }
0x49: {  	s6 =	sadd.s32 $0x40, s6;
	[tilespmem:s5+$0xFFFFFFF0] =	vst v0  }
0x4a: {  	[tilespmem:s6+$0xFFFFFFF0] =	vst v0  }
0x4b: {  	[tilespmem:s11+$0x0] =	vst v0  }
0x4c: {  	[tilespmem:s4+$0x0] =	vst v0  }
0x4d: {  	[tilespmem:s5+$0x0] =	vst v0  }
0x4e: {  	[tilespmem:s6+$0x0] =	vst v0  }
0x4f: {  	[tilespmem:s11+$0x10] =	vst v0  }
0x50: {  	s9 =	sadd.s32 $0x4, s9;
	[tilespmem:s4+$0x10] =	vst v0  }
0x51: {  	p1 =	slt.u32 s9, $0x26C;
	[tilespmem:s5+$0x10] =	vst v0  }
.Ltmp0:
0x52: {  	[tilespmem:s6+$0x10] =	vst v0;
	(pc) =	sbr.rel @p1 .LBB2_3-.Ltmp0, $4  }
0x53: {  	[tilespmem:s11+$0xFFFFFFE0] =	vst v0  }
0x54: {  	[tilespmem:s4+$0xFFFFFFE0] =	vst v0  }
0x55: {  	[tilespmem:s5+$0xFFFFFFE0] =	vst v0  }
0x56: {  	s11 =	sadd.s32 $0x40, s11;
	[tilespmem:s6+$0xFFFFFFE0] =	vst v0  }
0x57: {  	[tilespmem:$0x11400] =	vst v0  }
0x58: {  	[tilespmem:$0x16300] =	vst v0  }
0x59: {  	[tilespmem:$0x13B80] =	vst v0  }
0x5a: {  	[tilespmem:$0x18A80] =	vst v0;
	s13 =	simm.s32 $0x0;
	s4 =	simm.s32 $0x18B00  }
0x5b: {  	[tilespmem:s4], [sflag:$0x1] =	stream.linear.gather [hbm4b:s2+s13], $0x7D0, $0x38;
	[tilespmem:$0x1EB00] =	vst v63  }
0x5c: {  	s12 =	simm.s32 $0x19300;
	s4 =	smul.u32 $0x9C400, s0  }
0x5d: {  	[tilespmem:s12], [sflag:$0x1] =	stream.linear.gather [hbm4b:s3+s13], $0x7D0, $0x38;
	[tilespmem:$0x1EB00] =	vst v63  }
0x5e: {  	s14 =	sshrl.u32 s4, $0x3  }
0x5f: {  	s6 =	simm.s32 $0x19B00;
	s5 =	sadd.s32 s7, s14  }
0x60: {  	[tilespmem:s6], [sflag:$0x1] =	stream.linear.gather [hbm4b:s5+s13], $0x7D0, $0x38;
	[tilespmem:$0x1EB00] =	vst v63  }
0x61: {  	s6 =	sadd.s32 $0x4E200, s4  }
0x62: {  	s15 =	simm.s32 $0x1AB00;
	s0 =	sadd.s32 s8, s14;
	s16 =	sshrl.u32 s6, $0x3  }
0x63: {  	[tilespmem:s15], [sflag:$0x1] =	stream.linear.gather [hbm4b:s0+s13], $0x7D0, $0x38;
	[tilespmem:$0x1EB00] =	vst v63  }
0x64: {  	s9 =	simm.s32 $0x1A300;
	s17 =	sadd.s32 s7, s16  }
0x65: {  	[tilespmem:s9], [sflag:$0x1] =	stream.linear.gather [hbm4b:s17+s13], $0x7D0, $0x38;
	[tilespmem:$0x1EB00] =	vst v63  }
0x66: {  	s31 =	simm.s32 $0x1B300;
	s0 =	sadd.s32 s8, s16;
	s9 =	simm.s32 $0x0  }
0x67: {  	[tilespmem:s31], [sflag:$0x1] =	stream.linear.gather [hbm4b:s0+s13], $0x7D0, $0x38;
	[tilespmem:$0x1EB00] =	vst v63  }
.LBB2_5:
0x68: {  	_ =	swait.ge [sflag:s30], $0x7D0  }
0x69: {  	[sflag:s30] =	ssyncset.done $0x0  }
0x6a: {  	[sflag:s30] =	ssyncadd.s32 $0xFFFFF830  }
0x6b: {  	_ =	swait.ge [sflag:s30], $0x7D0  }
0x6c: {  	[sflag:s30] =	ssyncset.done $0x0  }
0x6d: {  	[sflag:s30] =	ssyncadd.s32 $0xFFFFF830  }
0x6e: {  	_ =	swait.ge [sflag:s30], $0x7D0  }
0x6f: {  	[sflag:s30] =	ssyncset.done $0x0  }
0x70: {  	[sflag:s30] =	ssyncadd.s32 $0xFFFFF830  }
0x71: {  	_ =	swait.ge [sflag:s30], $0x7D0  }
0x72: {  	[sflag:s30] =	ssyncset.done $0x0  }
0x73: {  	[sflag:s30] =	ssyncadd.s32 $0xFFFFF830  }
0x74: {  	_ =	swait.ge [sflag:s30], $0x7D0  }
0x75: {  	s12 =	smul.u32 $0xFA0, s9;
	[sflag:s30] =	ssyncset.done $0x0  }
0x76: {  	[sflag:s30] =	ssyncadd.s32 $0xFFFFF830  }
0x77: {  	s0 =	sadd.s32 $0x7D0, s12;
	_ =	swait.ge [sflag:s30], $0x7D0  }
0x78: {  	s5 =	sshrl.u32 s0, $0x3;
	[sflag:s30] =	ssyncset.done $0x0  }
0x79: {  	s14 =	simm.s32 $0x1BB00;
	s11 =	sadd.s32 s2, s5;
	[sflag:s30] =	ssyncadd.s32 $0xFFFFF830  }
0x7a: {  	[tilespmem:s14], [sflag:$0x2] =	stream.linear.gather [hbm4b:s11+s1], $0x7D0, $0x38;
	[tilespmem:$0x1EB00] =	vst v63  }
0x7b: {  	s15 =	sadd.s32 s4, s0;
	s5 =	sadd.s32 s3, s5;
	s14 =	simm.s32 $0x1C300  }
0x7c: {  	[tilespmem:s14], [sflag:$0x2] =	stream.linear.gather [hbm4b:s5+s1], $0x7D0, $0x38;
	[tilespmem:$0x1EB00] =	vst v63  }
0x7d: {  	s5 =	sshrl.u32 s15, $0x3  }
0x7e: {  	s17 =	simm.s32 $0x1CB00;
	s0 =	sadd.s32 s6, s0;
	s16 =	sadd.s32 s7, s5  }
0x7f: {  	[tilespmem:s17], [sflag:$0x2] =	stream.linear.gather [hbm4b:s16+s1], $0x7D0, $0x38;
	[tilespmem:$0x1EB00] =	vst v63  }
0x80: {  	s0 =	sshrl.u32 s0, $0x3;
	s15 =	simm.s32 $0x1DB00;
	s5 =	sadd.s32 s8, s5  }
0x81: {  	[tilespmem:s15], [sflag:$0x2] =	stream.linear.gather [hbm4b:s5+s1], $0x7D0, $0x38;
	[tilespmem:$0x1EB00] =	vst v63  }
0x82: {  	s16 =	sadd.s32 s7, s0  }
0x83: {  	[tilespmem:s23], [sflag:$0x2] =	stream.linear.gather [hbm4b:s16+s1], $0x7D0, $0x38;
	[tilespmem:$0x1EB00] =	vst v63  }
0x84: {  	s0 =	sadd.s32 s8, s0;
	s17 =	simm.s32 $0x19340  }
0x85: {  	[tilespmem:s24], [sflag:$0x2] =	stream.linear.gather [hbm4b:s0+s1], $0x7D0, $0x38;
	[tilespmem:$0x1EB00] =	vst v63  }
0x86: {  	v15 =	vld [tilespmem:s17+$0x30]  }
0x87: {  	s11 =	simm.s32 $0x18B40;
	v14 =	vld [tilespmem:s17+$0xFFFFFFC0]  }
0x88: {  	v16 =	vld [tilespmem:s11+$0x30]  }
0x89: {  	v13 =	vld [tilespmem:s17+$0xFFFFFFD0]  }
0x8a: {  	v12 =	vld [tilespmem:s17+$0xFFFFFFE0]  }
0x8b: {  	v11 =	vld [tilespmem:s17+$0xFFFFFFF0]  }
0x8c: {  	v10 =	vld [tilespmem:s17+$0x0]  }
0x8d: {  	s15 =	simm.s32 $0x19B40;
	v9 =	vld [tilespmem:s17+$0x10]  }
0x8e: {  	v2 =	vld [tilespmem:s15+$0x30]  }
0x8f: {  	v8 =	vld [tilespmem:s17+$0x20]  }
0x90: {  	v5 =	vld [tilespmem:s11+$0xFFFFFFD0]  }
0x91: {  	v4 =	vld [tilespmem:s11+$0xFFFFFFE0]  }
0x92: {  	v3 =	vld [tilespmem:s11+$0xFFFFFFF0]  }
0x93: {  	v7 =	vld [tilespmem:s11+$0x0]  }
0x94: {  	s16 =	simm.s32 $0x1AB40;
	v1 =	vld.idx.msk [tilespmem:v15+s18+$0x0], $0xffff  }
0x95: {  	v21 =	vld [tilespmem:s16+$0x30]  }
0x96: {  	v6 =	vld.idx.msk [tilespmem:v16+s13+$0x0], $0xffff  }
0x97: {  	v26 =	vld [tilespmem:s15+$0xFFFFFFC0]  }
0x98: {  	v50 =	vld [tilespmem:s15+$0xFFFFFFD0]  }
0x99: {  	v28 =	vld [tilespmem:s15+$0xFFFFFFE0];
	v2 =	vadd.f32 v1, v2  }
0x9a: {  	v29 =	vld [tilespmem:s15+$0xFFFFFFF0]  }
0x9b: {  	v31 =	vld [tilespmem:s15+$0x0];
	v17 =	vmul.f32 v2, v6  }
0x9c: {  	v32 =	vld [tilespmem:s15+$0x10]  }
0x9d: {  	v33 =	vld [tilespmem:s15+$0x20];
	v17 =	vmul.f32 $1.442695020e+00, v17  }
0x9e: {  	v63 =	vld [tilespmem:s16+$0xFFFFFFC0]  }
0x9f: {  	v38 =	vld [tilespmem:s16+$0xFFFFFFF0];
	(erf) = vpow2.f32 v17  }
0xa0: {  	v39 =	vld [tilespmem:s16+$0x0]  }
0xa1: {  	v41 =	vld [tilespmem:s16+$0x10]  }
0xa2: {  	v20 =	vld.idx.msk [tilespmem:v15+s19+$0x0], $0xffff  }
0xa3: {  	v43 =	vld [tilespmem:s16+$0x20]  }
0xa4: {  	v18 =	vld.idx.msk [tilespmem:v14+s18+$0x0], $0xffff  }
0xa5: {  	v19 =	vld.idx.msk [tilespmem:v13+s18+$0x0], $0xffff  }
0xa6: {  	v49 =	vld.idx.msk [tilespmem:v12+s18+$0x0], $0xffff  }
0xa7: {  	v22 =	vld.idx.msk [tilespmem:v11+s18+$0x0], $0xffff;
	v20 =	vadd.f32 v20, v21  }
0xa8: {  	v23 =	vld.idx.msk [tilespmem:v10+s18+$0x0], $0xffff;
	v27 =	vpop (erf)  }
0xa9: {  	v24 =	vld.idx.msk [tilespmem:v9+s18+$0x0], $0xffff;
	v20 =	vmul.f32 v27, v20  }
0xaa: {  	v6 =	vld [tilespmem:s11+$0xFFFFFFC0]  }
0xab: {  	[tilespmem:v16+s25+$0x0] =	vst.idx.add.f32.msk $0xffff, v20  }
0xac: {  	[tilespmem:v16+s26+$0x0] =	vst.idx.add.f32.msk $0xffff, v27  }
0xad: {  	s17 =	simm.s32 $0x1A340;
	v20 =	vld.idx.msk [tilespmem:v15+s21+$0x0], $0xffff  }
0xae: {  	v27 =	vld [tilespmem:s17+$0x30]  }
0xaf: {  	v25 =	vld.idx.msk [tilespmem:v8+s18+$0x0], $0xffff  }
0xb0: {  	v30 =	vld.idx.msk [tilespmem:v16+s20+$0x0], $0xffff  }
0xb1: {  	v51 =	vld.idx.msk [tilespmem:v5+s13+$0x0], $0xffff  }
0xb2: {  	v34 =	vld.idx.msk [tilespmem:v6+s13+$0x0], $0xffff  }
0xb3: {  	v35 =	vld.idx.msk [tilespmem:v4+s13+$0x0], $0xffff;
	v20 =	vadd.f32 v20, v27  }
0xb4: {  	v52 =	vld.idx.msk [tilespmem:v3+s13+$0x0], $0xffff  }
0xb5: {  	v36 =	vld.idx.msk [tilespmem:v7+s13+$0x0], $0xffff;
	v18 =	vadd.f32 v18, v26;
	v20 =	vmul.f32 v20, v30  }
0xb6: {  	v1 =	vld [tilespmem:s11+$0x10];
	v19 =	vadd.f32 v19, v50  }
0xb7: {  	v54 =	vld.idx.msk [tilespmem:v14+s19+$0x0], $0xffff;
	v18 =	vmul.f32 v18, v34;
	v20 =	vmul.f32 $1.442695020e+00, v20  }
0xb8: {  	v56 =	vld.idx.msk [tilespmem:v13+s19+$0x0], $0xffff;
	v19 =	vmul.f32 v19, v51  }
0xb9: {  	v57 =	vld.idx.msk [tilespmem:v12+s19+$0x0], $0xffff;
	v17 =	vadd.f32 v49, v28;
	v18 =	vmul.f32 $1.442695020e+00, v18;
	(erf) = vpow2.f32 v20  }
0xba: {  	v22 =	vadd.f32 v22, v29;
	v2 =	vld [tilespmem:s11+$0x20];
	v19 =	vmul.f32 $1.442695020e+00, v19  }
0xbb: {  	s31 =	simm.s32 $0x1B340;
	v17 =	vmul.f32 v17, v35;
	v15 =	vld.idx.msk [tilespmem:v15+s22+$0x0], $0xffff;
	(erf) = vpow2.f32 v18  }
0xbc: {  	v22 =	vmul.f32 v22, v52;
	v55 =	vld [tilespmem:s31+$0x30];
	(erf) = vpow2.f32 v19  }
0xbd: {  	v58 =	vld.idx.msk [tilespmem:v11+s19+$0x0], $0xffff;
	v17 =	vmul.f32 $1.442695020e+00, v17  }
0xbe: {  	v22 =	vmul.f32 $1.442695020e+00, v22;
	v37 =	vld.idx.msk [tilespmem:v1+s13+$0x0], $0xffff  }
0xbf: {  	v24 =	vadd.f32 v24, v32;
	v32 =	vld [tilespmem:s16+$0xFFFFFFD0];
	(erf) = vpow2.f32 v17  }
0xc0: {  	v59 =	vld.idx.msk [tilespmem:v10+s19+$0x0], $0xffff;
	(erf) = vpow2.f32 v22  }
0xc1: {  	v60 =	vld.idx.msk [tilespmem:v9+s19+$0x0], $0xffff;
	v15 =	vadd.f32 v15, v55  }
0xc2: {  	v35 =	vld [tilespmem:s16+$0xFFFFFFE0];
	v62 =	vpop (erf)  }
0xc3: {  	v61 =	vld.idx.msk [tilespmem:v8+s19+$0x0], $0xffff;
	v24 =	vmul.f32 v24, v37;
	v37 =	vadd.f32 v54, v63;
	v15 =	vmul.f32 v62, v15  }
0xc4: {  	v53 =	vld.idx.msk [tilespmem:v2+s13+$0x0], $0xffff;
	v17 =	vadd.f32 v56, v32;
	v40 =	vpop (erf)  }
0xc5: {  	v42 =	vpop (erf);
	[tilespmem:v16+s28+$0x0] =	vst.idx.add.f32.msk $0xffff, v15;
	v15 =	vmul.f32 v40, v37  }
0xc6: {  	v44 =	vmul.f32 v42, v17;
	[tilespmem:v16+s29+$0x0] =	vst.idx.add.f32.msk $0xffff, v62  }
0xc7: {  	v45 =	vadd.f32 v57, v35;
	[tilespmem:v6+s25+$0x0] =	vst.idx.add.f32.msk $0xffff, v15  }
0xc8: {  	v47 =	vadd.f32 v58, v38;
	v46 =	vpop (erf);
	[tilespmem:v5+s25+$0x0] =	vst.idx.add.f32.msk $0xffff, v44  }
0xc9: {  	v48 =	vpop (erf);
	v15 =	vmul.f32 v46, v45;
	[tilespmem:v6+s26+$0x0] =	vst.idx.add.f32.msk $0xffff, v40  }
0xca: {  	v20 =	vmul.f32 v48, v47;
	[tilespmem:v5+s26+$0x0] =	vst.idx.add.f32.msk $0xffff, v42  }
0xcb: {  	[tilespmem:v4+s25+$0x0] =	vst.idx.add.f32.msk $0xffff, v15  }
0xcc: {  	[tilespmem:v3+s25+$0x0] =	vst.idx.add.f32.msk $0xffff, v20  }
0xcd: {  	v23 =	vadd.f32 v23, v31;
	v55 =	vld.idx.msk [tilespmem:v14+s21+$0x0], $0xffff  }
0xce: {  	v56 =	vld.idx.msk [tilespmem:v13+s21+$0x0], $0xffff  }
0xcf: {  	v23 =	vmul.f32 v23, v36;
	v52 =	vadd.f32 v61, v43;
	v61 =	vld [tilespmem:s17+$0xFFFFFFC0]  }
0xd0: {  	v62 =	vld [tilespmem:s17+$0xFFFFFFD0]  }
0xd1: {  	v25 =	vadd.f32 v25, v33;
	v33 =	vmul.f32 $1.442695020e+00, v23;
	v40 =	vld.idx.msk [tilespmem:v6+s20+$0x0], $0xffff  }
0xd2: {  	v50 =	vadd.f32 v60, v41;
	v41 =	vld.idx.msk [tilespmem:v5+s20+$0x0], $0xffff  }
0xd3: {  	v36 =	vmul.f32 $1.442695020e+00, v24;
	(erf) = vpow2.f32 v33;
	v14 =	vld.idx.msk [tilespmem:v14+s22+$0x0], $0xffff  }
0xd4: {  	v13 =	vld.idx.msk [tilespmem:v13+s22+$0x0], $0xffff  }
0xd5: {  	(erf) = vpow2.f32 v36;
	[tilespmem:v4+s26+$0x0] =	vst.idx.add.f32.msk $0xffff, v46  }
0xd6: {  	[tilespmem:v3+s26+$0x0] =	vst.idx.add.f32.msk $0xffff, v48  }
0xd7: {  	v57 =	vld.idx.msk [tilespmem:v12+s21+$0x0], $0xffff  }
0xd8: {  	v58 =	vld.idx.msk [tilespmem:v11+s21+$0x0], $0xffff  }
0xd9: {  	v34 =	vmul.f32 v25, v53;
	v63 =	vld [tilespmem:s17+$0xFFFFFFE0]  }
0xda: {  	v36 =	vld [tilespmem:s17+$0xFFFFFFF0]  }
0xdb: {  	v18 =	vadd.f32 v59, v39;
	v16 =	vmul.f32 $1.442695020e+00, v34;
	v42 =	vld.idx.msk [tilespmem:v4+s20+$0x0], $0xffff  }
0xdc: {  	v49 =	vpop (erf);
	v43 =	vld.idx.msk [tilespmem:v3+s20+$0x0], $0xffff  }
0xdd: {  	(erf) = vpow2.f32 v16;
	v12 =	vld.idx.msk [tilespmem:v12+s22+$0x0], $0xffff;
	v18 =	vmul.f32 v49, v18  }
0xde: {  	v11 =	vld.idx.msk [tilespmem:v11+s22+$0x0], $0xffff;
	v51 =	vpop (erf)  }
0xdf: {  	v17 =	vmul.f32 v51, v50;
	[tilespmem:v7+s25+$0x0] =	vst.idx.add.f32.msk $0xffff, v18  }
0xe0: {  	[tilespmem:v7+s26+$0x0] =	vst.idx.add.f32.msk $0xffff, v49  }
0xe1: {  	[tilespmem:v1+s25+$0x0] =	vst.idx.add.f32.msk $0xffff, v17  }
0xe2: {  	v49 =	vld [tilespmem:s31+$0xFFFFFFC0]  }
0xe3: {  	[tilespmem:v1+s26+$0x0] =	vst.idx.add.f32.msk $0xffff, v51  }
0xe4: {  	v59 =	vld.idx.msk [tilespmem:v10+s21+$0x0], $0xffff  }
0xe5: {  	v37 =	vld [tilespmem:s17+$0x0]  }
0xe6: {  	v15 =	vadd.f32 v55, v61;
	v44 =	vld.idx.msk [tilespmem:v7+s20+$0x0], $0xffff;
	v53 =	vpop (erf)  }
0xe7: {  	v20 =	vld.idx.msk [tilespmem:v9+s21+$0x0], $0xffff;
	v54 =	vmul.f32 v53, v52  }
0xe8: {  	v16 =	vadd.f32 v56, v62;
	v15 =	vmul.f32 v15, v40;
	v38 =	vld [tilespmem:s17+$0x10]  }
0xe9: {  	v17 =	vadd.f32 v57, v63;
	[tilespmem:v2+s25+$0x0] =	vst.idx.add.f32.msk $0xffff, v54  }
0xea: {  	v16 =	vmul.f32 v16, v41;
	v15 =	vmul.f32 $1.442695020e+00, v15;
	[tilespmem:v2+s26+$0x0] =	vst.idx.add.f32.msk $0xffff, v53  }
0xeb: {  	v18 =	vadd.f32 v58, v36;
	v17 =	vmul.f32 v17, v42;
	v60 =	vld.idx.msk [tilespmem:v8+s21+$0x0], $0xffff  }
0xec: {  	v16 =	vmul.f32 $1.442695020e+00, v16;
	(erf) = vpow2.f32 v15;
	v39 =	vld [tilespmem:s17+$0x20]  }
0xed: {  	v45 =	vld.idx.msk [tilespmem:v1+s20+$0x0], $0xffff;
	v18 =	vmul.f32 v18, v43  }
0xee: {  	v17 =	vmul.f32 $1.442695020e+00, v17;
	v47 =	vadd.f32 v59, v37;
	(erf) = vpow2.f32 v16;
	v46 =	vld.idx.msk [tilespmem:v2+s20+$0x0], $0xffff  }
0xef: {  	v10 =	vld.idx.msk [tilespmem:v10+s22+$0x0], $0xffff;
	v18 =	vmul.f32 $1.442695020e+00, v18  }
0xf0: {  	v51 =	vld [tilespmem:s31+$0xFFFFFFD0];
	v48 =	vadd.f32 v20, v38;
	(erf) = vpow2.f32 v17;
	v15 =	vmul.f32 v47, v44  }
0xf1: {  	v55 =	vld [tilespmem:s31+$0x0];
	(erf) = vpow2.f32 v18;
	v50 =	vadd.f32 v60, v39  }
0xf2: {  	v9 =	vld.idx.msk [tilespmem:v9+s22+$0x0], $0xffff;
	v16 =	vmul.f32 v48, v45;
	v15 =	vmul.f32 $1.442695020e+00, v15  }
0xf3: {  	v52 =	vld [tilespmem:s31+$0xFFFFFFE0];
	v17 =	vmul.f32 v50, v46  }
0xf4: {  	v57 =	vld [tilespmem:s31+$0x10];
	v14 =	vadd.f32 v14, v49;
	v16 =	vmul.f32 $1.442695020e+00, v16;
	(erf) = vpow2.f32 v15  }
0xf5: {  	v53 =	vld [tilespmem:s31+$0xFFFFFFF0];
	v56 =	vpop (erf);
	v54 =	vmul.f32 $1.442695020e+00, v17  }
0xf6: {  	v13 =	vadd.f32 v13, v51;
	v8 =	vld.idx.msk [tilespmem:v8+s22+$0x0], $0xffff;
	(erf) = vpow2.f32 v16;
	v14 =	vmul.f32 v56, v14  }
0xf7: {  	v58 =	vld [tilespmem:s31+$0x20];
	v59 =	vpop (erf);
	(erf) = vpow2.f32 v54  }
0xf8: {  	v12 =	vadd.f32 v12, v52;
	v13 =	vmul.f32 v59, v13;
	[tilespmem:v6+s28+$0x0] =	vst.idx.add.f32.msk $0xffff, v14  }
0xf9: {  	v60 =	vpop (erf);
	[tilespmem:v6+s29+$0x0] =	vst.idx.add.f32.msk $0xffff, v56  }
0xfa: {  	v61 =	vmul.f32 v60, v12;
	v6 =	vadd.f32 v11, v53;
	[tilespmem:v5+s28+$0x0] =	vst.idx.add.f32.msk $0xffff, v13  }
0xfb: {  	v62 =	vpop (erf);
	[tilespmem:v5+s29+$0x0] =	vst.idx.add.f32.msk $0xffff, v59  }
0xfc: {  	v5 =	vadd.f32 v10, v55;
	[tilespmem:v4+s28+$0x0] =	vst.idx.add.f32.msk $0xffff, v61;
	v6 =	vmul.f32 v62, v6  }
0xfd: {  	[tilespmem:v4+s29+$0x0] =	vst.idx.add.f32.msk $0xffff, v60;
	v63 =	vpop (erf)  }
0xfe: {  	v5 =	vmul.f32 v63, v5;
	[tilespmem:v3+s28+$0x0] =	vst.idx.add.f32.msk $0xffff, v6  }
0xff: {  	v8 =	vadd.f32 v8, v58;
	v6 =	vadd.f32 v9, v57;
	v4 =	vpop (erf);
	[tilespmem:v3+s29+$0x0] =	vst.idx.add.f32.msk $0xffff, v62  }
0x100: {  	[tilespmem:v7+s28+$0x0] =	vst.idx.add.f32.msk $0xffff, v5;
	v3 =	vpop (erf)  }
0x101: {  	s14 =	simm.s32 $0x0;
	s5 =	simm.s32 $0x193C0;
	v6 =	vmul.f32 v4, v6;
	[tilespmem:v7+s29+$0x0] =	vst.idx.add.f32.msk $0xffff, v63;
	v5 =	vmul.f32 v3, v8  }
.LBB2_6:
0x102: {  	v22 =	vld [tilespmem:s5+$0x30]  }
0x103: {  	s11 =	sadd.s32 $0x80, s11;
	v17 =	vld [tilespmem:s5+$0xFFFFFFC0]  }
0x104: {  	s14 =	sadd.s32 $0x8, s14;
	v21 =	vld [tilespmem:s11+$0x30]  }
0x105: {  	p1 =	slt.u32 s14, $0x70;
	v20 =	vld [tilespmem:s5+$0xFFFFFFD0]  }
0x106: {  	v18 =	vld [tilespmem:s5+$0xFFFFFFE0]  }
0x107: {  	v16 =	vld [tilespmem:s5+$0xFFFFFFF0]  }
0x108: {  	v15 =	vld [tilespmem:s5+$0x0]  }
0x109: {  	v14 =	vld [tilespmem:s5+$0x10]  }
0x10a: {  	s15 =	sadd.s32 $0x80, s15;
	v7 =	vld.idx.msk [tilespmem:v22+s18+$0x0], $0xffff  }
0x10b: {  	s0 =	simm.s32 $0x0;
	v11 =	vld [tilespmem:s15+$0x30]  }
0x10c: {  	v12 =	vld.idx.msk [tilespmem:v21+s0+$0x0], $0xffff  }
0x10d: {  	v19 =	vld [tilespmem:s5+$0x20]  }
0x10e: {  	v10 =	vld [tilespmem:s11+$0xFFFFFFD0]  }
0x10f: {  	v9 =	vld [tilespmem:s11+$0xFFFFFFE0]  }
0x110: {  	v8 =	vld [tilespmem:s11+$0xFFFFFFF0];
	v11 =	vadd.f32 v7, v11  }
0x111: {  	v7 =	vld [tilespmem:s11+$0x0]  }
0x112: {  	v13 =	vld [tilespmem:s11+$0x10];
	v23 =	vmul.f32 v11, v12  }
0x113: {  	v12 =	vld [tilespmem:s11+$0x20]  }
0x114: {  	v11 =	vld [tilespmem:s11+$0xFFFFFFC0];
	v23 =	vmul.f32 $1.442695020e+00, v23  }
0x115: {  	v24 =	vld.idx.msk [tilespmem:v17+s18+$0x0], $0xffff  }
0x116: {  	v25 =	vld.idx.msk [tilespmem:v20+s18+$0x0], $0xffff;
	(erf) = vpow2.f32 v23  }
0x117: {  	v23 =	vld.idx.msk [tilespmem:v18+s18+$0x0], $0xffff  }
0x118: {  	s16 =	sadd.s32 $0x80, s16;
	v26 =	vld.idx.msk [tilespmem:v22+s19+$0x0], $0xffff  }
0x119: {  	v27 =	vld [tilespmem:s16+$0x30]  }
0x11a: {  	v28 =	vld.idx.msk [tilespmem:v16+s18+$0x0], $0xffff  }
0x11b: {  	v29 =	vld.idx.msk [tilespmem:v15+s18+$0x0], $0xffff  }
0x11c: {  	v30 =	vld.idx.msk [tilespmem:v14+s18+$0x0], $0xffff  }
0x11d: {  	v31 =	vld.idx.msk [tilespmem:v19+s18+$0x0], $0xffff  }
0x11e: {  	v32 =	vld [tilespmem:s15+$0xFFFFFFC0];
	v26 =	vadd.f32 v26, v27  }
0x11f: {  	v27 =	vld [tilespmem:s15+$0xFFFFFFD0];
	v33 =	vpop (erf)  }
0x120: {  	v34 =	vld [tilespmem:s15+$0xFFFFFFE0];
	v26 =	vmul.f32 v33, v26  }
0x121: {  	v35 =	vld [tilespmem:s15+$0xFFFFFFF0]  }
0x122: {  	[tilespmem:v21+s25+$0x0] =	vst.idx.add.f32.msk $0xffff, v26  }
0x123: {  	v24 =	vadd.f32 v24, v32;
	[tilespmem:v21+s26+$0x0] =	vst.idx.add.f32.msk $0xffff, v33  }
0x124: {  	s17 =	sadd.s32 $0x80, s17;
	v25 =	vadd.f32 v25, v27;
	v26 =	vld.idx.msk [tilespmem:v22+s21+$0x0], $0xffff  }
0x125: {  	v23 =	vadd.f32 v23, v34;
	v27 =	vld [tilespmem:s17+$0x30]  }
0x126: {  	v28 =	vadd.f32 v28, v35;
	v32 =	vld.idx.msk [tilespmem:v21+s20+$0x0], $0xffff  }
0x127: {  	v33 =	vld [tilespmem:s15+$0x0]  }
0x128: {  	v34 =	vld [tilespmem:s15+$0x10]  }
0x129: {  	v35 =	vld [tilespmem:s15+$0x20]  }
0x12a: {  	v36 =	vld.idx.msk [tilespmem:v11+s0+$0x0], $0xffff;
	v26 =	vadd.f32 v26, v27  }
0x12b: {  	v27 =	vld.idx.msk [tilespmem:v10+s0+$0x0], $0xffff  }
0x12c: {  	v37 =	vld.idx.msk [tilespmem:v9+s0+$0x0], $0xffff;
	v29 =	vadd.f32 v29, v33;
	v26 =	vmul.f32 v26, v32  }
0x12d: {  	v32 =	vld.idx.msk [tilespmem:v8+s0+$0x0], $0xffff;
	v30 =	vadd.f32 v30, v34  }
0x12e: {  	v33 =	vld.idx.msk [tilespmem:v7+s0+$0x0], $0xffff;
	v31 =	vadd.f32 v31, v35;
	v26 =	vmul.f32 $1.442695020e+00, v26  }
0x12f: {  	v34 =	vld.idx.msk [tilespmem:v13+s0+$0x0], $0xffff  }
0x130: {  	v24 =	vmul.f32 v24, v36;
	v35 =	vld.idx.msk [tilespmem:v12+s0+$0x0], $0xffff;
	(erf) = vpow2.f32 v26  }
0x131: {  	v25 =	vmul.f32 v25, v27;
	v26 =	vld.idx.msk [tilespmem:v17+s19+$0x0], $0xffff  }
0x132: {  	s31 =	sadd.s32 $0x80, s31;
	v24 =	vmul.f32 $1.442695020e+00, v24;
	v23 =	vmul.f32 v23, v37;
	v22 =	vld.idx.msk [tilespmem:v22+s22+$0x0], $0xffff  }
0x133: {  	v25 =	vmul.f32 $1.442695020e+00, v25;
	v27 =	vmul.f32 v28, v32;
	v28 =	vld [tilespmem:s31+$0x30]  }
0x134: {  	v23 =	vmul.f32 $1.442695020e+00, v23;
	v29 =	vmul.f32 v29, v33;
	v32 =	vld.idx.msk [tilespmem:v20+s19+$0x0], $0xffff  }
0x135: {  	v27 =	vmul.f32 $1.442695020e+00, v27;
	v30 =	vmul.f32 v30, v34;
	v33 =	vld.idx.msk [tilespmem:v18+s19+$0x0], $0xffff  }
0x136: {  	v29 =	vmul.f32 $1.442695020e+00, v29;
	v31 =	vmul.f32 v31, v35;
	v34 =	vld.idx.msk [tilespmem:v16+s19+$0x0], $0xffff  }
0x137: {  	v30 =	vmul.f32 $1.442695020e+00, v30;
	v35 =	vld.idx.msk [tilespmem:v15+s19+$0x0], $0xffff;
	(erf) = vpow2.f32 v24  }
0x138: {  	v31 =	vmul.f32 $1.442695020e+00, v31;
	v24 =	vld.idx.msk [tilespmem:v14+s19+$0x0], $0xffff;
	v22 =	vadd.f32 v22, v28;
	(erf) = vpow2.f32 v25  }
0x139: {  	v25 =	vld.idx.msk [tilespmem:v19+s19+$0x0], $0xffff;
	(erf) = vpow2.f32 v23;
	v23 =	vpop (erf)  }
0x13a: {  	v28 =	vld [tilespmem:s16+$0xFFFFFFC0];
	v22 =	vmul.f32 v23, v22;
	(erf) = vpow2.f32 v27  }
0x13b: {  	v27 =	vld [tilespmem:s16+$0xFFFFFFD0];
	(erf) = vpow2.f32 v29  }
0x13c: {  	[tilespmem:v21+s28+$0x0] =	vst.idx.add.f32.msk $0xffff, v22;
	(erf) = vpow2.f32 v30  }
0x13d: {  	[tilespmem:v21+s29+$0x0] =	vst.idx.add.f32.msk $0xffff, v23;
	(erf) = vpow2.f32 v31  }
0x13e: {  	v21 =	vld [tilespmem:s16+$0xFFFFFFE0]  }
0x13f: {  	v22 =	vadd.f32 v26, v28;
	v23 =	vld [tilespmem:s16+$0xFFFFFFF0]  }
0x140: {  	v26 =	vadd.f32 v32, v27;
	v27 =	vld [tilespmem:s16+$0x0];
	v28 =	vpop (erf)  }
0x141: {  	v36 =	vmul.f32 v28, v22;
	v29 =	vld [tilespmem:s16+$0x10];
	v30 =	vpop (erf)  }
0x142: {  	v26 =	vmul.f32 v30, v26;
	v31 =	vld [tilespmem:s16+$0x20];
	v32 =	vpop (erf)  }
0x143: {  	[tilespmem:v11+s25+$0x0] =	vst.idx.add.f32.msk $0xffff, v36;
	v21 =	vadd.f32 v33, v21;
	v22 =	vpop (erf)  }
0x144: {  	[tilespmem:v11+s26+$0x0] =	vst.idx.add.f32.msk $0xffff, v28;
	v23 =	vadd.f32 v34, v23;
	v28 =	vpop (erf)  }
0x145: {  	[tilespmem:v10+s25+$0x0] =	vst.idx.add.f32.msk $0xffff, v26;
	v21 =	vmul.f32 v32, v21;
	v26 =	vadd.f32 v35, v27;
	v27 =	vpop (erf)  }
0x146: {  	[tilespmem:v10+s26+$0x0] =	vst.idx.add.f32.msk $0xffff, v30;
	v23 =	vmul.f32 v22, v23;
	v24 =	vadd.f32 v24, v29;
	v29 =	vpop (erf)  }
0x147: {  	[tilespmem:v9+s25+$0x0] =	vst.idx.add.f32.msk $0xffff, v21;
	v21 =	vmul.f32 v28, v26;
	v25 =	vadd.f32 v25, v31  }
0x148: {  	[tilespmem:v9+s26+$0x0] =	vst.idx.add.f32.msk $0xffff, v32;
	v24 =	vmul.f32 v27, v24  }
0x149: {  	[tilespmem:v8+s25+$0x0] =	vst.idx.add.f32.msk $0xffff, v23;
	v23 =	vmul.f32 v29, v25  }
0x14a: {  	[tilespmem:v8+s26+$0x0] =	vst.idx.add.f32.msk $0xffff, v22  }
0x14b: {  	[tilespmem:v7+s25+$0x0] =	vst.idx.add.f32.msk $0xffff, v21  }
0x14c: {  	[tilespmem:v7+s26+$0x0] =	vst.idx.add.f32.msk $0xffff, v28  }
0x14d: {  	[tilespmem:v13+s25+$0x0] =	vst.idx.add.f32.msk $0xffff, v24  }
0x14e: {  	[tilespmem:v13+s26+$0x0] =	vst.idx.add.f32.msk $0xffff, v27  }
0x14f: {  	[tilespmem:v12+s25+$0x0] =	vst.idx.add.f32.msk $0xffff, v23  }
0x150: {  	[tilespmem:v12+s26+$0x0] =	vst.idx.add.f32.msk $0xffff, v29  }
0x151: {  	v21 =	vld.idx.msk [tilespmem:v17+s21+$0x0], $0xffff  }
0x152: {  	v22 =	vld.idx.msk [tilespmem:v20+s21+$0x0], $0xffff  }
0x153: {  	v23 =	vld.idx.msk [tilespmem:v18+s21+$0x0], $0xffff  }
0x154: {  	v24 =	vld.idx.msk [tilespmem:v16+s21+$0x0], $0xffff  }
0x155: {  	v25 =	vld.idx.msk [tilespmem:v15+s21+$0x0], $0xffff  }
0x156: {  	v26 =	vld.idx.msk [tilespmem:v14+s21+$0x0], $0xffff  }
0x157: {  	v27 =	vld.idx.msk [tilespmem:v19+s21+$0x0], $0xffff  }
0x158: {  	v28 =	vld [tilespmem:s17+$0xFFFFFFC0]  }
0x159: {  	v29 =	vld [tilespmem:s17+$0xFFFFFFD0]  }
0x15a: {  	v30 =	vld [tilespmem:s17+$0xFFFFFFE0]  }
0x15b: {  	v31 =	vld [tilespmem:s17+$0xFFFFFFF0]  }
0x15c: {  	v32 =	vld [tilespmem:s17+$0x0]  }
0x15d: {  	v21 =	vadd.f32 v21, v28;
	v28 =	vld [tilespmem:s17+$0x10]  }
0x15e: {  	v22 =	vadd.f32 v22, v29;
	v29 =	vld [tilespmem:s17+$0x20]  }
0x15f: {  	v33 =	vld.idx.msk [tilespmem:v11+s20+$0x0], $0xffff;
	v23 =	vadd.f32 v23, v30  }
0x160: {  	v30 =	vld.idx.msk [tilespmem:v10+s20+$0x0], $0xffff;
	v24 =	vadd.f32 v24, v31  }
0x161: {  	v31 =	vld.idx.msk [tilespmem:v9+s20+$0x0], $0xffff;
	v25 =	vadd.f32 v25, v32  }
0x162: {  	v32 =	vld.idx.msk [tilespmem:v8+s20+$0x0], $0xffff;
	v26 =	vadd.f32 v26, v28  }
0x163: {  	v28 =	vld.idx.msk [tilespmem:v7+s20+$0x0], $0xffff;
	v27 =	vadd.f32 v27, v29  }
0x164: {  	v29 =	vld.idx.msk [tilespmem:v13+s20+$0x0], $0xffff  }
0x165: {  	v21 =	vmul.f32 v21, v33;
	v33 =	vld.idx.msk [tilespmem:v12+s20+$0x0], $0xffff  }
0x166: {  	v22 =	vmul.f32 v22, v30;
	v17 =	vld.idx.msk [tilespmem:v17+s22+$0x0], $0xffff  }
0x167: {  	v21 =	vmul.f32 $1.442695020e+00, v21;
	v23 =	vmul.f32 v23, v31;
	v20 =	vld.idx.msk [tilespmem:v20+s22+$0x0], $0xffff  }
0x168: {  	v22 =	vmul.f32 $1.442695020e+00, v22;
	v24 =	vmul.f32 v24, v32;
	v18 =	vld.idx.msk [tilespmem:v18+s22+$0x0], $0xffff  }
0x169: {  	v23 =	vmul.f32 $1.442695020e+00, v23;
	v25 =	vmul.f32 v25, v28;
	v16 =	vld.idx.msk [tilespmem:v16+s22+$0x0], $0xffff  }
0x16a: {  	v24 =	vmul.f32 $1.442695020e+00, v24;
	v26 =	vmul.f32 v26, v29;
	v15 =	vld.idx.msk [tilespmem:v15+s22+$0x0], $0xffff  }
0x16b: {  	v25 =	vmul.f32 $1.442695020e+00, v25;
	v27 =	vmul.f32 v27, v33;
	v14 =	vld.idx.msk [tilespmem:v14+s22+$0x0], $0xffff  }
0x16c: {  	v26 =	vmul.f32 $1.442695020e+00, v26;
	v19 =	vld.idx.msk [tilespmem:v19+s22+$0x0], $0xffff;
	(erf) = vpow2.f32 v21  }
0x16d: {  	v27 =	vmul.f32 $1.442695020e+00, v27;
	v21 =	vld [tilespmem:s31+$0xFFFFFFC0];
	(erf) = vpow2.f32 v22  }
0x16e: {  	v22 =	vld [tilespmem:s31+$0xFFFFFFD0];
	(erf) = vpow2.f32 v23  }
0x16f: {  	v23 =	vld [tilespmem:s31+$0xFFFFFFE0];
	(erf) = vpow2.f32 v24  }
0x170: {  	v24 =	vld [tilespmem:s31+$0xFFFFFFF0];
	(erf) = vpow2.f32 v25  }
0x171: {  	v25 =	vld [tilespmem:s31+$0x0];
	(erf) = vpow2.f32 v26  }
0x172: {  	v17 =	vadd.f32 v17, v21;
	v21 =	vld [tilespmem:s31+$0x10];
	(erf) = vpow2.f32 v27  }
0x173: {  	v20 =	vadd.f32 v20, v22;
	v22 =	vld [tilespmem:s31+$0x20]  }
0x174: {  	v18 =	vadd.f32 v18, v23;
	[tilespmem:v1+s28+$0x0] =	vst.idx.add.f32.msk $0xffff, v6  }
0x175: {  	v6 =	vadd.f32 v16, v24;
	v16 =	vpop (erf);
	[tilespmem:v1+s29+$0x0] =	vst.idx.add.f32.msk $0xffff, v4;
	v1 =	vmov v13  }
0x176: {  	v4 =	vmul.f32 v16, v17;
	v13 =	vadd.f32 v15, v25;
	v15 =	vpop (erf);
	[tilespmem:v2+s28+$0x0] =	vst.idx.add.f32.msk $0xffff, v5  }
0x177: {  	v5 =	vmul.f32 v15, v20;
	v14 =	vadd.f32 v14, v21;
	v17 =	vpop (erf);
	[tilespmem:v2+s29+$0x0] =	vst.idx.add.f32.msk $0xffff, v3;
	v2 =	vmov v12  }
0x178: {  	[tilespmem:v11+s28+$0x0] =	vst.idx.add.f32.msk $0xffff, v4;
	v12 =	vmul.f32 v17, v18;
	v18 =	vadd.f32 v19, v22;
	v19 =	vpop (erf)  }
0x179: {  	[tilespmem:v11+s29+$0x0] =	vst.idx.add.f32.msk $0xffff, v16;
	v11 =	vmul.f32 v19, v6;
	v16 =	vpop (erf)  }
0x17a: {  	[tilespmem:v10+s28+$0x0] =	vst.idx.add.f32.msk $0xffff, v5;
	v13 =	vmul.f32 v16, v13;
	v4 =	vpop (erf)  }
0x17b: {  	[tilespmem:v10+s29+$0x0] =	vst.idx.add.f32.msk $0xffff, v15;
	v6 =	vmul.f32 v4, v14;
	v3 =	vpop (erf)  }
0x17c: {  	[tilespmem:v9+s28+$0x0] =	vst.idx.add.f32.msk $0xffff, v12;
	v5 =	vmul.f32 v3, v18  }
.Ltmp1:
0x17d: {  	[tilespmem:v9+s29+$0x0] =	vst.idx.add.f32.msk $0xffff, v17;
	(pc) =	sbr.rel @p1 .LBB2_6-.Ltmp1, $4  }
0x17e: {  	[tilespmem:v8+s28+$0x0] =	vst.idx.add.f32.msk $0xffff, v11  }
0x17f: {  	[tilespmem:v8+s29+$0x0] =	vst.idx.add.f32.msk $0xffff, v19  }
0x180: {  	[tilespmem:v7+s28+$0x0] =	vst.idx.add.f32.msk $0xffff, v13  }
0x181: {  	s5 =	sadd.s32 $0x80, s5;
	[tilespmem:v7+s29+$0x0] =	vst.idx.add.f32.msk $0xffff, v16  }
0x182: {  	_ =	sdelay $0x3  }
0x183: {  	[tilespmem:v1+s28+$0x0] =	vst.idx.add.f32.msk $0xffff, v6  }
0x184: {  	[tilespmem:v2+s28+$0x0] =	vst.idx.add.f32.msk $0xffff, v5  }
0x185: {  	[tilespmem:v1+s29+$0x0] =	vst.idx.add.f32.msk $0xffff, v4  }
0x186: {  	[tilespmem:v2+s29+$0x0] =	vst.idx.add.f32.msk $0xffff, v3  }
.LBB2_8:
0x187: {  	s5 =	sshra.s32 s0, $0x2  }
0x188: {  	v1 =	vld [tilespmem:s5+$0x19A80];
	_ =	sdelay $0x1  }
0x189: {  	v2 =	vld [tilespmem:s5+$0x19280];
	_ =	sdelay $0x4  }
0x18a: {  	v3 =	vld [tilespmem:s5+$0x1A280]  }
0x18b: {  	v4 =	vld.idx.msk [tilespmem:v1+s18+$0x0], $0xffff;
	_ =	sdelay $0x1  }
0x18c: {  	v5 =	vld.idx.msk [tilespmem:v2+s1+$0x0], $0xffff;
	_ =	sdelay $0x2  }
0x18d: {  	v3 =	vadd.f32 v4, v3;
	_ =	sdelay $0x1  }
0x18e: {  	v3 =	vmul.f32 v3, v5;
	_ =	sdelay $0x1  }
0x18f: {  	v3 =	vmul.f32 $1.442695020e+00, v3;
	_ =	sdelay $0x1  }
0x190: {  	(erf) = vpow2.f32 v3;
	_ =	sdelay $0x1  }
0x191: {  	v61 =	vld.idx.msk [tilespmem:v1+s19+$0x0], $0xffff  }
0x192: {  	v3 =	vld [tilespmem:s5+$0x1B280];
	_ =	sdelay $0x4  }
0x193: {  	v3 =	vadd.f32 v61, v3  }
0x194: {  	v62 =	vpop (erf)  }
0x195: {  	v3 =	vmul.f32 v62, v3;
	_ =	sdelay $0x1  }
0x196: {  	[tilespmem:v2+s25+$0x0] =	vst.idx.add.f32.msk $0xffff, v3  }
0x197: {  	[tilespmem:v2+s26+$0x0] =	vst.idx.add.f32.msk $0xffff, v62  }
0x198: {  	v3 =	vld [tilespmem:s5+$0x1AA80]  }
0x199: {  	v4 =	vld.idx.msk [tilespmem:v1+s21+$0x0], $0xffff;
	_ =	sdelay $0x1  }
0x19a: {  	v63 =	vld.idx.msk [tilespmem:v2+s20+$0x0], $0xffff;
	_ =	sdelay $0x2  }
0x19b: {  	v3 =	vadd.f32 v4, v3;
	_ =	sdelay $0x1  }
0x19c: {  	v3 =	vmul.f32 v3, v63;
	_ =	sdelay $0x1  }
0x19d: {  	v3 =	vmul.f32 $1.442695020e+00, v3;
	_ =	sdelay $0x1  }
0x19e: {  	(erf) = vpow2.f32 v3;
	_ =	sdelay $0x1  }
0x19f: {  	v1 =	vld.idx.msk [tilespmem:v1+s22+$0x0], $0xffff  }
0x1a0: {  	v3 =	vld [tilespmem:s5+$0x1BA80];
	_ =	sdelay $0x4  }
0x1a1: {  	p1 =	sne.s32 s0, $0x100;
	v1 =	vadd.f32 v1, v3  }
.Ltmp2:
0x1a2: {  	v3 =	vpop (erf);
	(pc) =	sbr.rel @p1 .LBB2_8-.Ltmp2, $3  }
0x1a3: {  	v1 =	vmul.f32 v3, v1;
	_ =	sdelay $0x1  }
0x1a4: {  	[tilespmem:v2+s28+$0x0] =	vst.idx.add.f32.msk $0xffff, v1  }
0x1a5: {  	s0 =	sadd.s32 $0x40, s0;
	[tilespmem:v2+s29+$0x0] =	vst.idx.add.f32.msk $0xffff, v3  }
0x1a6: {  	_ =	swait.ge [sflag:s10], $0x7D0  }
0x1a7: {  	[sflag:s10] =	ssyncset.done $0x0  }
0x1a8: {  	[sflag:s10] =	ssyncadd.s32 $0xFFFFF830  }
0x1a9: {  	_ =	swait.ge [sflag:s10], $0x7D0  }
0x1aa: {  	[sflag:s10] =	ssyncset.done $0x0  }
0x1ab: {  	[sflag:s10] =	ssyncadd.s32 $0xFFFFF830  }
0x1ac: {  	_ =	swait.ge [sflag:s10], $0x7D0  }
0x1ad: {  	[sflag:s10] =	ssyncset.done $0x0  }
0x1ae: {  	[sflag:s10] =	ssyncadd.s32 $0xFFFFF830  }
0x1af: {  	_ =	swait.ge [sflag:s10], $0x7D0  }
0x1b0: {  	[sflag:s10] =	ssyncset.done $0x0  }
0x1b1: {  	[sflag:s10] =	ssyncadd.s32 $0xFFFFF830  }
0x1b2: {  	_ =	swait.ge [sflag:s10], $0x7D0  }
0x1b3: {  	[sflag:s10] =	ssyncset.done $0x0  }
0x1b4: {  	p1 =	seq.s32 s9, $0x4F;
	[sflag:s10] =	ssyncadd.s32 $0xFFFFF830  }
0x1b5: {  	s0 =	sadd.s32 @!p1 $0xFA0, s12;
	_ =	swait.ge [sflag:s10], $0x7D0  }
0x1b6: {  	s12 =	simm.s32 @!p1 $0x0;
	s5 =	sshrl.u32 @!p1 s0, $0x3;
	[sflag:s10] =	ssyncset.done $0x0  }
0x1b7: {  	s14 =	simm.s32 @!p1 $0x18B00;
	s11 =	sadd.s32 @!p1 s2, s5;
	[sflag:s10] =	ssyncadd.s32 $0xFFFFF830  }
0x1b8: {  	[tilespmem:s14], [sflag:$0x1] =	stream.linear.gather @!p1 [hbm4b:s11+s12], $0x7D0, $0x38;
	[tilespmem:$0x1EB00] =	vst v63  }
0x1b9: {  	s5 =	sadd.s32 @!p1 s3, s5;
	s11 =	simm.s32 @!p1 $0x19300  }
0x1ba: {  	[tilespmem:s11], [sflag:$0x1] =	stream.linear.gather @!p1 [hbm4b:s5+s12], $0x7D0, $0x38;
	[tilespmem:$0x1EB00] =	vst v63  }
0x1bb: {  	s5 =	sadd.s32 @!p1 s4, s0  }
0x1bc: {  	s5 =	sshrl.u32 @!p1 s5, $0x3  }
0x1bd: {  	s14 =	simm.s32 @!p1 $0x19B00;
	s0 =	sadd.s32 @!p1 s6, s0;
	s11 =	sadd.s32 @!p1 s7, s5  }
0x1be: {  	[tilespmem:s14], [sflag:$0x1] =	stream.linear.gather @!p1 [hbm4b:s11+s12], $0x7D0, $0x38;
	[tilespmem:$0x1EB00] =	vst v63  }
0x1bf: {  	s0 =	sshrl.u32 @!p1 s0, $0x3;
	s5 =	sadd.s32 @!p1 s8, s5;
	s11 =	simm.s32 @!p1 $0x1AB00  }
0x1c0: {  	[tilespmem:s11], [sflag:$0x1] =	stream.linear.gather @!p1 [hbm4b:s5+s12], $0x7D0, $0x38;
	[tilespmem:$0x1EB00] =	vst v63  }
0x1c1: {  	s5 =	sadd.s32 @!p1 s7, s0;
	s11 =	simm.s32 @!p1 $0x1A300  }
0x1c2: {  	[tilespmem:s11], [sflag:$0x1] =	stream.linear.gather @!p1 [hbm4b:s5+s12], $0x7D0, $0x38;
	[tilespmem:$0x1EB00] =	vst v63  }
0x1c3: {  	s17 =	simm.s32 $0x1C340;
	s0 =	sadd.s32 @!p1 s8, s0;
	s5 =	simm.s32 @!p1 $0x1B300  }
0x1c4: {  	[tilespmem:s5], [sflag:$0x1] =	stream.linear.gather @!p1 [hbm4b:s0+s12], $0x7D0, $0x38;
	[tilespmem:$0x1EB00] =	vst v63  }
0x1c5: {  	v15 =	vld [tilespmem:s17+$0x30]  }
0x1c6: {  	s11 =	simm.s32 $0x1BB40;
	v14 =	vld [tilespmem:s17+$0xFFFFFFC0]  }
0x1c7: {  	v16 =	vld [tilespmem:s11+$0x30]  }
0x1c8: {  	v13 =	vld [tilespmem:s17+$0xFFFFFFD0]  }
0x1c9: {  	v12 =	vld [tilespmem:s17+$0xFFFFFFE0]  }
0x1ca: {  	v11 =	vld [tilespmem:s17+$0xFFFFFFF0]  }
0x1cb: {  	v10 =	vld [tilespmem:s17+$0x0]  }
0x1cc: {  	s15 =	simm.s32 $0x1CB40;
	v8 =	vld [tilespmem:s17+$0x10]  }
0x1cd: {  	v2 =	vld [tilespmem:s15+$0x30]  }
0x1ce: {  	v9 =	vld [tilespmem:s17+$0x20]  }
0x1cf: {  	v5 =	vld [tilespmem:s11+$0xFFFFFFD0]  }
0x1d0: {  	v4 =	vld [tilespmem:s11+$0xFFFFFFE0]  }
0x1d1: {  	v3 =	vld [tilespmem:s11+$0xFFFFFFF0]  }
0x1d2: {  	v7 =	vld [tilespmem:s11+$0x0]  }
0x1d3: {  	s16 =	simm.s32 $0x1DB40;
	v1 =	vld.idx.msk [tilespmem:v15+s18+$0x0], $0xffff  }
0x1d4: {  	s12 =	simm.s32 $0x0;
	v21 =	vld [tilespmem:s16+$0x30]  }
0x1d5: {  	v6 =	vld.idx.msk [tilespmem:v16+s12+$0x0], $0xffff  }
0x1d6: {  	v26 =	vld [tilespmem:s15+$0xFFFFFFC0]  }
0x1d7: {  	v50 =	vld [tilespmem:s15+$0xFFFFFFD0]  }
0x1d8: {  	v28 =	vld [tilespmem:s15+$0xFFFFFFE0];
	v2 =	vadd.f32 v1, v2  }
0x1d9: {  	v29 =	vld [tilespmem:s15+$0xFFFFFFF0]  }
0x1da: {  	v31 =	vld [tilespmem:s15+$0x0];
	v17 =	vmul.f32 v2, v6  }
0x1db: {  	v32 =	vld [tilespmem:s15+$0x10]  }
0x1dc: {  	v33 =	vld [tilespmem:s15+$0x20];
	v17 =	vmul.f32 $1.442695020e+00, v17  }
0x1dd: {  	v63 =	vld [tilespmem:s16+$0xFFFFFFC0]  }
0x1de: {  	v38 =	vld [tilespmem:s16+$0xFFFFFFF0];
	(erf) = vpow2.f32 v17  }
0x1df: {  	v39 =	vld [tilespmem:s16+$0x0]  }
0x1e0: {  	v41 =	vld [tilespmem:s16+$0x10]  }
0x1e1: {  	v20 =	vld.idx.msk [tilespmem:v15+s19+$0x0], $0xffff  }
0x1e2: {  	v43 =	vld [tilespmem:s16+$0x20]  }
0x1e3: {  	v18 =	vld.idx.msk [tilespmem:v14+s18+$0x0], $0xffff  }
0x1e4: {  	v19 =	vld.idx.msk [tilespmem:v13+s18+$0x0], $0xffff  }
0x1e5: {  	v49 =	vld.idx.msk [tilespmem:v12+s18+$0x0], $0xffff  }
0x1e6: {  	v22 =	vld.idx.msk [tilespmem:v11+s18+$0x0], $0xffff;
	v20 =	vadd.f32 v20, v21  }
0x1e7: {  	v23 =	vld.idx.msk [tilespmem:v10+s18+$0x0], $0xffff;
	v27 =	vpop (erf)  }
0x1e8: {  	v24 =	vld.idx.msk [tilespmem:v8+s18+$0x0], $0xffff;
	v20 =	vmul.f32 v27, v20  }
0x1e9: {  	v6 =	vld [tilespmem:s11+$0xFFFFFFC0]  }
0x1ea: {  	[tilespmem:v16+s25+$0x0] =	vst.idx.add.f32.msk $0xffff, v20  }
0x1eb: {  	[tilespmem:v16+s26+$0x0] =	vst.idx.add.f32.msk $0xffff, v27  }
0x1ec: {  	s17 =	simm.s32 $0x1D340;
	v20 =	vld.idx.msk [tilespmem:v15+s21+$0x0], $0xffff  }
0x1ed: {  	v27 =	vld [tilespmem:s17+$0x30]  }
0x1ee: {  	v25 =	vld.idx.msk [tilespmem:v9+s18+$0x0], $0xffff  }
0x1ef: {  	v30 =	vld.idx.msk [tilespmem:v16+s20+$0x0], $0xffff  }
0x1f0: {  	v51 =	vld.idx.msk [tilespmem:v5+s12+$0x0], $0xffff  }
0x1f1: {  	v34 =	vld.idx.msk [tilespmem:v6+s12+$0x0], $0xffff  }
0x1f2: {  	v35 =	vld.idx.msk [tilespmem:v4+s12+$0x0], $0xffff;
	v20 =	vadd.f32 v20, v27  }
0x1f3: {  	v52 =	vld.idx.msk [tilespmem:v3+s12+$0x0], $0xffff  }
0x1f4: {  	v36 =	vld.idx.msk [tilespmem:v7+s12+$0x0], $0xffff;
	v18 =	vadd.f32 v18, v26;
	v20 =	vmul.f32 v20, v30  }
0x1f5: {  	v1 =	vld [tilespmem:s11+$0x10];
	v19 =	vadd.f32 v19, v50  }
0x1f6: {  	v54 =	vld.idx.msk [tilespmem:v14+s19+$0x0], $0xffff;
	v18 =	vmul.f32 v18, v34;
	v20 =	vmul.f32 $1.442695020e+00, v20  }
0x1f7: {  	v56 =	vld.idx.msk [tilespmem:v13+s19+$0x0], $0xffff;
	v19 =	vmul.f32 v19, v51  }
0x1f8: {  	v57 =	vld.idx.msk [tilespmem:v12+s19+$0x0], $0xffff;
	v17 =	vadd.f32 v49, v28;
	v18 =	vmul.f32 $1.442695020e+00, v18;
	(erf) = vpow2.f32 v20  }
0x1f9: {  	v22 =	vadd.f32 v22, v29;
	v2 =	vld [tilespmem:s11+$0x20];
	v19 =	vmul.f32 $1.442695020e+00, v19  }
0x1fa: {  	s31 =	simm.s32 $0x1E340;
	v17 =	vmul.f32 v17, v35;
	v15 =	vld.idx.msk [tilespmem:v15+s22+$0x0], $0xffff;
	(erf) = vpow2.f32 v18  }
0x1fb: {  	v22 =	vmul.f32 v22, v52;
	v55 =	vld [tilespmem:s31+$0x30];
	(erf) = vpow2.f32 v19  }
0x1fc: {  	v58 =	vld.idx.msk [tilespmem:v11+s19+$0x0], $0xffff;
	v17 =	vmul.f32 $1.442695020e+00, v17  }
0x1fd: {  	v22 =	vmul.f32 $1.442695020e+00, v22;
	v37 =	vld.idx.msk [tilespmem:v1+s12+$0x0], $0xffff  }
0x1fe: {  	v24 =	vadd.f32 v24, v32;
	v32 =	vld [tilespmem:s16+$0xFFFFFFD0];
	(erf) = vpow2.f32 v17  }
0x1ff: {  	v59 =	vld.idx.msk [tilespmem:v10+s19+$0x0], $0xffff;
	(erf) = vpow2.f32 v22  }
0x200: {  	v60 =	vld.idx.msk [tilespmem:v8+s19+$0x0], $0xffff;
	v15 =	vadd.f32 v15, v55  }
0x201: {  	v35 =	vld [tilespmem:s16+$0xFFFFFFE0];
	v62 =	vpop (erf)  }
0x202: {  	v61 =	vld.idx.msk [tilespmem:v9+s19+$0x0], $0xffff;
	v24 =	vmul.f32 v24, v37;
	v37 =	vadd.f32 v54, v63;
	v15 =	vmul.f32 v62, v15  }
0x203: {  	v53 =	vld.idx.msk [tilespmem:v2+s12+$0x0], $0xffff;
	v17 =	vadd.f32 v56, v32;
	v40 =	vpop (erf)  }
0x204: {  	v42 =	vpop (erf);
	[tilespmem:v16+s28+$0x0] =	vst.idx.add.f32.msk $0xffff, v15;
	v15 =	vmul.f32 v40, v37  }
0x205: {  	v44 =	vmul.f32 v42, v17;
	[tilespmem:v16+s29+$0x0] =	vst.idx.add.f32.msk $0xffff, v62  }
0x206: {  	v45 =	vadd.f32 v57, v35;
	[tilespmem:v6+s25+$0x0] =	vst.idx.add.f32.msk $0xffff, v15  }
0x207: {  	v47 =	vadd.f32 v58, v38;
	v46 =	vpop (erf);
	[tilespmem:v5+s25+$0x0] =	vst.idx.add.f32.msk $0xffff, v44  }
0x208: {  	v48 =	vpop (erf);
	v15 =	vmul.f32 v46, v45;
	[tilespmem:v6+s26+$0x0] =	vst.idx.add.f32.msk $0xffff, v40  }
0x209: {  	v20 =	vmul.f32 v48, v47;
	[tilespmem:v5+s26+$0x0] =	vst.idx.add.f32.msk $0xffff, v42  }
0x20a: {  	[tilespmem:v4+s25+$0x0] =	vst.idx.add.f32.msk $0xffff, v15  }
0x20b: {  	[tilespmem:v3+s25+$0x0] =	vst.idx.add.f32.msk $0xffff, v20  }
0x20c: {  	v23 =	vadd.f32 v23, v31;
	v55 =	vld.idx.msk [tilespmem:v14+s21+$0x0], $0xffff  }
0x20d: {  	v56 =	vld.idx.msk [tilespmem:v13+s21+$0x0], $0xffff  }
0x20e: {  	v23 =	vmul.f32 v23, v36;
	v52 =	vadd.f32 v61, v43;
	v61 =	vld [tilespmem:s17+$0xFFFFFFC0]  }
0x20f: {  	v62 =	vld [tilespmem:s17+$0xFFFFFFD0]  }
0x210: {  	v25 =	vadd.f32 v25, v33;
	v33 =	vmul.f32 $1.442695020e+00, v23;
	v40 =	vld.idx.msk [tilespmem:v6+s20+$0x0], $0xffff  }
0x211: {  	v50 =	vadd.f32 v60, v41;
	v41 =	vld.idx.msk [tilespmem:v5+s20+$0x0], $0xffff  }
0x212: {  	v36 =	vmul.f32 $1.442695020e+00, v24;
	(erf) = vpow2.f32 v33;
	v14 =	vld.idx.msk [tilespmem:v14+s22+$0x0], $0xffff  }
0x213: {  	v13 =	vld.idx.msk [tilespmem:v13+s22+$0x0], $0xffff  }
0x214: {  	(erf) = vpow2.f32 v36;
	[tilespmem:v4+s26+$0x0] =	vst.idx.add.f32.msk $0xffff, v46  }
0x215: {  	[tilespmem:v3+s26+$0x0] =	vst.idx.add.f32.msk $0xffff, v48  }
0x216: {  	v57 =	vld.idx.msk [tilespmem:v12+s21+$0x0], $0xffff  }
0x217: {  	v58 =	vld.idx.msk [tilespmem:v11+s21+$0x0], $0xffff  }
0x218: {  	v34 =	vmul.f32 v25, v53;
	v63 =	vld [tilespmem:s17+$0xFFFFFFE0]  }
0x219: {  	v36 =	vld [tilespmem:s17+$0xFFFFFFF0]  }
0x21a: {  	v18 =	vadd.f32 v59, v39;
	v16 =	vmul.f32 $1.442695020e+00, v34;
	v42 =	vld.idx.msk [tilespmem:v4+s20+$0x0], $0xffff  }
0x21b: {  	v49 =	vpop (erf);
	v43 =	vld.idx.msk [tilespmem:v3+s20+$0x0], $0xffff  }
0x21c: {  	(erf) = vpow2.f32 v16;
	v12 =	vld.idx.msk [tilespmem:v12+s22+$0x0], $0xffff;
	v18 =	vmul.f32 v49, v18  }
0x21d: {  	v11 =	vld.idx.msk [tilespmem:v11+s22+$0x0], $0xffff;
	v51 =	vpop (erf)  }
0x21e: {  	v17 =	vmul.f32 v51, v50;
	[tilespmem:v7+s25+$0x0] =	vst.idx.add.f32.msk $0xffff, v18  }
0x21f: {  	[tilespmem:v7+s26+$0x0] =	vst.idx.add.f32.msk $0xffff, v49  }
0x220: {  	[tilespmem:v1+s25+$0x0] =	vst.idx.add.f32.msk $0xffff, v17  }
0x221: {  	v49 =	vld [tilespmem:s31+$0xFFFFFFC0]  }
0x222: {  	[tilespmem:v1+s26+$0x0] =	vst.idx.add.f32.msk $0xffff, v51  }
0x223: {  	v59 =	vld.idx.msk [tilespmem:v10+s21+$0x0], $0xffff  }
0x224: {  	v37 =	vld [tilespmem:s17+$0x0]  }
0x225: {  	v15 =	vadd.f32 v55, v61;
	v44 =	vld.idx.msk [tilespmem:v7+s20+$0x0], $0xffff;
	v53 =	vpop (erf)  }
0x226: {  	v20 =	vld.idx.msk [tilespmem:v8+s21+$0x0], $0xffff;
	v54 =	vmul.f32 v53, v52  }
0x227: {  	v16 =	vadd.f32 v56, v62;
	v15 =	vmul.f32 v15, v40;
	v38 =	vld [tilespmem:s17+$0x10]  }
0x228: {  	v17 =	vadd.f32 v57, v63;
	[tilespmem:v2+s25+$0x0] =	vst.idx.add.f32.msk $0xffff, v54  }
0x229: {  	v16 =	vmul.f32 v16, v41;
	v15 =	vmul.f32 $1.442695020e+00, v15;
	[tilespmem:v2+s26+$0x0] =	vst.idx.add.f32.msk $0xffff, v53  }
0x22a: {  	v18 =	vadd.f32 v58, v36;
	v17 =	vmul.f32 v17, v42;
	v60 =	vld.idx.msk [tilespmem:v9+s21+$0x0], $0xffff  }
0x22b: {  	v16 =	vmul.f32 $1.442695020e+00, v16;
	(erf) = vpow2.f32 v15;
	v39 =	vld [tilespmem:s17+$0x20]  }
0x22c: {  	v45 =	vld.idx.msk [tilespmem:v1+s20+$0x0], $0xffff;
	v18 =	vmul.f32 v18, v43  }
0x22d: {  	v17 =	vmul.f32 $1.442695020e+00, v17;
	v47 =	vadd.f32 v59, v37;
	(erf) = vpow2.f32 v16;
	v46 =	vld.idx.msk [tilespmem:v2+s20+$0x0], $0xffff  }
0x22e: {  	v10 =	vld.idx.msk [tilespmem:v10+s22+$0x0], $0xffff;
	v18 =	vmul.f32 $1.442695020e+00, v18  }
0x22f: {  	v51 =	vld [tilespmem:s31+$0xFFFFFFD0];
	v48 =	vadd.f32 v20, v38;
	(erf) = vpow2.f32 v17;
	v15 =	vmul.f32 v47, v44  }
0x230: {  	v55 =	vld [tilespmem:s31+$0x0];
	(erf) = vpow2.f32 v18;
	v50 =	vadd.f32 v60, v39  }
0x231: {  	v8 =	vld.idx.msk [tilespmem:v8+s22+$0x0], $0xffff;
	v16 =	vmul.f32 v48, v45;
	v15 =	vmul.f32 $1.442695020e+00, v15  }
0x232: {  	v52 =	vld [tilespmem:s31+$0xFFFFFFE0];
	v17 =	vmul.f32 v50, v46  }
0x233: {  	v57 =	vld [tilespmem:s31+$0x10];
	v14 =	vadd.f32 v14, v49;
	v16 =	vmul.f32 $1.442695020e+00, v16;
	(erf) = vpow2.f32 v15  }
0x234: {  	v53 =	vld [tilespmem:s31+$0xFFFFFFF0];
	v56 =	vpop (erf);
	v54 =	vmul.f32 $1.442695020e+00, v17  }
0x235: {  	v13 =	vadd.f32 v13, v51;
	v9 =	vld.idx.msk [tilespmem:v9+s22+$0x0], $0xffff;
	(erf) = vpow2.f32 v16;
	v14 =	vmul.f32 v56, v14  }
0x236: {  	v58 =	vld [tilespmem:s31+$0x20];
	v59 =	vpop (erf);
	(erf) = vpow2.f32 v54  }
0x237: {  	v12 =	vadd.f32 v12, v52;
	v13 =	vmul.f32 v59, v13;
	[tilespmem:v6+s28+$0x0] =	vst.idx.add.f32.msk $0xffff, v14  }
0x238: {  	v60 =	vpop (erf);
	[tilespmem:v6+s29+$0x0] =	vst.idx.add.f32.msk $0xffff, v56  }
0x239: {  	v61 =	vmul.f32 v60, v12;
	v6 =	vadd.f32 v11, v53;
	[tilespmem:v5+s28+$0x0] =	vst.idx.add.f32.msk $0xffff, v13  }
0x23a: {  	v62 =	vpop (erf);
	[tilespmem:v5+s29+$0x0] =	vst.idx.add.f32.msk $0xffff, v59  }
0x23b: {  	v5 =	vadd.f32 v10, v55;
	[tilespmem:v4+s28+$0x0] =	vst.idx.add.f32.msk $0xffff, v61;
	v6 =	vmul.f32 v62, v6  }
0x23c: {  	[tilespmem:v4+s29+$0x0] =	vst.idx.add.f32.msk $0xffff, v60;
	v63 =	vpop (erf)  }
0x23d: {  	v5 =	vmul.f32 v63, v5;
	[tilespmem:v3+s28+$0x0] =	vst.idx.add.f32.msk $0xffff, v6  }
0x23e: {  	v6 =	vadd.f32 v8, v57;
	v8 =	vadd.f32 v9, v58;
	v4 =	vpop (erf);
	[tilespmem:v3+s29+$0x0] =	vst.idx.add.f32.msk $0xffff, v62  }
0x23f: {  	[tilespmem:v7+s28+$0x0] =	vst.idx.add.f32.msk $0xffff, v5;
	v3 =	vpop (erf)  }
0x240: {  	s0 =	simm.s32 $0x0;
	s5 =	simm.s32 $0x1C3C0;
	v6 =	vmul.f32 v4, v6;
	[tilespmem:v7+s29+$0x0] =	vst.idx.add.f32.msk $0xffff, v63;
	v5 =	vmul.f32 v3, v8  }
.LBB2_10:
0x241: {  	v22 =	vld [tilespmem:s5+$0x30]  }
0x242: {  	s11 =	sadd.s32 $0x80, s11;
	v17 =	vld [tilespmem:s5+$0xFFFFFFC0]  }
0x243: {  	s0 =	sadd.s32 $0x8, s0;
	v21 =	vld [tilespmem:s11+$0x30]  }
0x244: {  	p1 =	slt.u32 s0, $0x70;
	v20 =	vld [tilespmem:s5+$0xFFFFFFD0]  }
0x245: {  	v19 =	vld [tilespmem:s5+$0xFFFFFFE0]  }
0x246: {  	v16 =	vld [tilespmem:s5+$0xFFFFFFF0]  }
0x247: {  	v15 =	vld [tilespmem:s5+$0x0]  }
0x248: {  	v14 =	vld [tilespmem:s5+$0x10]  }
0x249: {  	s15 =	sadd.s32 $0x80, s15;
	v7 =	vld.idx.msk [tilespmem:v22+s18+$0x0], $0xffff  }
0x24a: {  	v11 =	vld [tilespmem:s15+$0x30]  }
0x24b: {  	v12 =	vld.idx.msk [tilespmem:v21+s12+$0x0], $0xffff  }
0x24c: {  	v18 =	vld [tilespmem:s5+$0x20]  }
0x24d: {  	v10 =	vld [tilespmem:s11+$0xFFFFFFD0]  }
0x24e: {  	v9 =	vld [tilespmem:s11+$0xFFFFFFE0]  }
0x24f: {  	v8 =	vld [tilespmem:s11+$0xFFFFFFF0];
	v11 =	vadd.f32 v7, v11  }
0x250: {  	v7 =	vld [tilespmem:s11+$0x0]  }
0x251: {  	v13 =	vld [tilespmem:s11+$0x10];
	v23 =	vmul.f32 v11, v12  }
0x252: {  	v12 =	vld [tilespmem:s11+$0x20]  }
0x253: {  	v11 =	vld [tilespmem:s11+$0xFFFFFFC0];
	v23 =	vmul.f32 $1.442695020e+00, v23  }
0x254: {  	v24 =	vld.idx.msk [tilespmem:v17+s18+$0x0], $0xffff  }
0x255: {  	v25 =	vld.idx.msk [tilespmem:v20+s18+$0x0], $0xffff;
	(erf) = vpow2.f32 v23  }
0x256: {  	v23 =	vld.idx.msk [tilespmem:v19+s18+$0x0], $0xffff  }
0x257: {  	s16 =	sadd.s32 $0x80, s16;
	v26 =	vld.idx.msk [tilespmem:v22+s19+$0x0], $0xffff  }
0x258: {  	v27 =	vld [tilespmem:s16+$0x30]  }
0x259: {  	v28 =	vld.idx.msk [tilespmem:v16+s18+$0x0], $0xffff  }
0x25a: {  	v29 =	vld.idx.msk [tilespmem:v15+s18+$0x0], $0xffff  }
0x25b: {  	v30 =	vld.idx.msk [tilespmem:v14+s18+$0x0], $0xffff  }
0x25c: {  	v31 =	vld.idx.msk [tilespmem:v18+s18+$0x0], $0xffff  }
0x25d: {  	v32 =	vld [tilespmem:s15+$0xFFFFFFC0];
	v26 =	vadd.f32 v26, v27  }
0x25e: {  	v27 =	vld [tilespmem:s15+$0xFFFFFFD0];
	v33 =	vpop (erf)  }
0x25f: {  	v34 =	vld [tilespmem:s15+$0xFFFFFFE0];
	v26 =	vmul.f32 v33, v26  }
0x260: {  	v35 =	vld [tilespmem:s15+$0xFFFFFFF0]  }
0x261: {  	[tilespmem:v21+s25+$0x0] =	vst.idx.add.f32.msk $0xffff, v26  }
0x262: {  	v24 =	vadd.f32 v24, v32;
	[tilespmem:v21+s26+$0x0] =	vst.idx.add.f32.msk $0xffff, v33  }
0x263: {  	s17 =	sadd.s32 $0x80, s17;
	v25 =	vadd.f32 v25, v27;
	v26 =	vld.idx.msk [tilespmem:v22+s21+$0x0], $0xffff  }
0x264: {  	v23 =	vadd.f32 v23, v34;
	v27 =	vld [tilespmem:s17+$0x30]  }
0x265: {  	v28 =	vadd.f32 v28, v35;
	v32 =	vld.idx.msk [tilespmem:v21+s20+$0x0], $0xffff  }
0x266: {  	v33 =	vld [tilespmem:s15+$0x0]  }
0x267: {  	v34 =	vld [tilespmem:s15+$0x10]  }
0x268: {  	v35 =	vld [tilespmem:s15+$0x20]  }
0x269: {  	v36 =	vld.idx.msk [tilespmem:v11+s12+$0x0], $0xffff;
	v26 =	vadd.f32 v26, v27  }
0x26a: {  	v27 =	vld.idx.msk [tilespmem:v10+s12+$0x0], $0xffff  }
0x26b: {  	v37 =	vld.idx.msk [tilespmem:v9+s12+$0x0], $0xffff;
	v29 =	vadd.f32 v29, v33;
	v26 =	vmul.f32 v26, v32  }
0x26c: {  	v32 =	vld.idx.msk [tilespmem:v8+s12+$0x0], $0xffff;
	v30 =	vadd.f32 v30, v34  }
0x26d: {  	v33 =	vld.idx.msk [tilespmem:v7+s12+$0x0], $0xffff;
	v31 =	vadd.f32 v31, v35;
	v26 =	vmul.f32 $1.442695020e+00, v26  }
0x26e: {  	v34 =	vld.idx.msk [tilespmem:v13+s12+$0x0], $0xffff  }
0x26f: {  	v24 =	vmul.f32 v24, v36;
	v35 =	vld.idx.msk [tilespmem:v12+s12+$0x0], $0xffff;
	(erf) = vpow2.f32 v26  }
0x270: {  	v25 =	vmul.f32 v25, v27;
	v26 =	vld.idx.msk [tilespmem:v17+s19+$0x0], $0xffff  }
0x271: {  	s31 =	sadd.s32 $0x80, s31;
	v24 =	vmul.f32 $1.442695020e+00, v24;
	v23 =	vmul.f32 v23, v37;
	v22 =	vld.idx.msk [tilespmem:v22+s22+$0x0], $0xffff  }
0x272: {  	v25 =	vmul.f32 $1.442695020e+00, v25;
	v27 =	vmul.f32 v28, v32;
	v28 =	vld [tilespmem:s31+$0x30]  }
0x273: {  	v23 =	vmul.f32 $1.442695020e+00, v23;
	v29 =	vmul.f32 v29, v33;
	v32 =	vld.idx.msk [tilespmem:v20+s19+$0x0], $0xffff  }
0x274: {  	v27 =	vmul.f32 $1.442695020e+00, v27;
	v30 =	vmul.f32 v30, v34;
	v33 =	vld.idx.msk [tilespmem:v19+s19+$0x0], $0xffff  }
0x275: {  	v29 =	vmul.f32 $1.442695020e+00, v29;
	v31 =	vmul.f32 v31, v35;
	v34 =	vld.idx.msk [tilespmem:v16+s19+$0x0], $0xffff  }
0x276: {  	v30 =	vmul.f32 $1.442695020e+00, v30;
	v35 =	vld.idx.msk [tilespmem:v15+s19+$0x0], $0xffff;
	(erf) = vpow2.f32 v24  }
0x277: {  	v31 =	vmul.f32 $1.442695020e+00, v31;
	v24 =	vld.idx.msk [tilespmem:v14+s19+$0x0], $0xffff;
	v22 =	vadd.f32 v22, v28;
	(erf) = vpow2.f32 v25  }
0x278: {  	v25 =	vld.idx.msk [tilespmem:v18+s19+$0x0], $0xffff;
	(erf) = vpow2.f32 v23;
	v23 =	vpop (erf)  }
0x279: {  	v28 =	vld [tilespmem:s16+$0xFFFFFFC0];
	v22 =	vmul.f32 v23, v22;
	(erf) = vpow2.f32 v27  }
0x27a: {  	v27 =	vld [tilespmem:s16+$0xFFFFFFD0];
	(erf) = vpow2.f32 v29  }
0x27b: {  	[tilespmem:v21+s28+$0x0] =	vst.idx.add.f32.msk $0xffff, v22;
	(erf) = vpow2.f32 v30  }
0x27c: {  	[tilespmem:v21+s29+$0x0] =	vst.idx.add.f32.msk $0xffff, v23;
	(erf) = vpow2.f32 v31  }
0x27d: {  	v21 =	vld [tilespmem:s16+$0xFFFFFFE0]  }
0x27e: {  	v22 =	vadd.f32 v26, v28;
	v23 =	vld [tilespmem:s16+$0xFFFFFFF0]  }
0x27f: {  	v26 =	vadd.f32 v32, v27;
	v27 =	vld [tilespmem:s16+$0x0];
	v28 =	vpop (erf)  }
0x280: {  	v36 =	vmul.f32 v28, v22;
	v29 =	vld [tilespmem:s16+$0x10];
	v30 =	vpop (erf)  }
0x281: {  	v26 =	vmul.f32 v30, v26;
	v31 =	vld [tilespmem:s16+$0x20];
	v32 =	vpop (erf)  }
0x282: {  	[tilespmem:v11+s25+$0x0] =	vst.idx.add.f32.msk $0xffff, v36;
	v21 =	vadd.f32 v33, v21;
	v22 =	vpop (erf)  }
0x283: {  	[tilespmem:v11+s26+$0x0] =	vst.idx.add.f32.msk $0xffff, v28;
	v23 =	vadd.f32 v34, v23;
	v28 =	vpop (erf)  }
0x284: {  	[tilespmem:v10+s25+$0x0] =	vst.idx.add.f32.msk $0xffff, v26;
	v21 =	vmul.f32 v32, v21;
	v26 =	vadd.f32 v35, v27;
	v27 =	vpop (erf)  }
0x285: {  	[tilespmem:v10+s26+$0x0] =	vst.idx.add.f32.msk $0xffff, v30;
	v23 =	vmul.f32 v22, v23;
	v24 =	vadd.f32 v24, v29;
	v29 =	vpop (erf)  }
0x286: {  	[tilespmem:v9+s25+$0x0] =	vst.idx.add.f32.msk $0xffff, v21;
	v21 =	vmul.f32 v28, v26;
	v25 =	vadd.f32 v25, v31  }
0x287: {  	[tilespmem:v9+s26+$0x0] =	vst.idx.add.f32.msk $0xffff, v32;
	v24 =	vmul.f32 v27, v24  }
0x288: {  	[tilespmem:v8+s25+$0x0] =	vst.idx.add.f32.msk $0xffff, v23;
	v23 =	vmul.f32 v29, v25  }
0x289: {  	[tilespmem:v8+s26+$0x0] =	vst.idx.add.f32.msk $0xffff, v22  }
0x28a: {  	[tilespmem:v7+s25+$0x0] =	vst.idx.add.f32.msk $0xffff, v21  }
0x28b: {  	[tilespmem:v7+s26+$0x0] =	vst.idx.add.f32.msk $0xffff, v28  }
0x28c: {  	[tilespmem:v13+s25+$0x0] =	vst.idx.add.f32.msk $0xffff, v24  }
0x28d: {  	[tilespmem:v13+s26+$0x0] =	vst.idx.add.f32.msk $0xffff, v27  }
0x28e: {  	[tilespmem:v12+s25+$0x0] =	vst.idx.add.f32.msk $0xffff, v23  }
0x28f: {  	[tilespmem:v12+s26+$0x0] =	vst.idx.add.f32.msk $0xffff, v29  }
0x290: {  	v21 =	vld.idx.msk [tilespmem:v17+s21+$0x0], $0xffff  }
0x291: {  	v22 =	vld.idx.msk [tilespmem:v20+s21+$0x0], $0xffff  }
0x292: {  	v23 =	vld.idx.msk [tilespmem:v19+s21+$0x0], $0xffff  }
0x293: {  	v24 =	vld.idx.msk [tilespmem:v16+s21+$0x0], $0xffff  }
0x294: {  	v25 =	vld.idx.msk [tilespmem:v15+s21+$0x0], $0xffff  }
0x295: {  	v26 =	vld.idx.msk [tilespmem:v14+s21+$0x0], $0xffff  }
0x296: {  	v27 =	vld.idx.msk [tilespmem:v18+s21+$0x0], $0xffff  }
0x297: {  	v28 =	vld [tilespmem:s17+$0xFFFFFFC0]  }
0x298: {  	v29 =	vld [tilespmem:s17+$0xFFFFFFD0]  }
0x299: {  	v30 =	vld [tilespmem:s17+$0xFFFFFFE0]  }
0x29a: {  	v31 =	vld [tilespmem:s17+$0xFFFFFFF0]  }
0x29b: {  	v32 =	vld [tilespmem:s17+$0x0]  }
0x29c: {  	v21 =	vadd.f32 v21, v28;
	v28 =	vld [tilespmem:s17+$0x10]  }
0x29d: {  	v22 =	vadd.f32 v22, v29;
	v29 =	vld [tilespmem:s17+$0x20]  }
0x29e: {  	v33 =	vld.idx.msk [tilespmem:v11+s20+$0x0], $0xffff;
	v23 =	vadd.f32 v23, v30  }
0x29f: {  	v30 =	vld.idx.msk [tilespmem:v10+s20+$0x0], $0xffff;
	v24 =	vadd.f32 v24, v31  }
0x2a0: {  	v31 =	vld.idx.msk [tilespmem:v9+s20+$0x0], $0xffff;
	v25 =	vadd.f32 v25, v32  }
0x2a1: {  	v32 =	vld.idx.msk [tilespmem:v8+s20+$0x0], $0xffff;
	v26 =	vadd.f32 v26, v28  }
0x2a2: {  	v28 =	vld.idx.msk [tilespmem:v7+s20+$0x0], $0xffff;
	v27 =	vadd.f32 v27, v29  }
0x2a3: {  	v29 =	vld.idx.msk [tilespmem:v13+s20+$0x0], $0xffff  }
0x2a4: {  	v21 =	vmul.f32 v21, v33;
	v33 =	vld.idx.msk [tilespmem:v12+s20+$0x0], $0xffff  }
0x2a5: {  	v22 =	vmul.f32 v22, v30;
	v17 =	vld.idx.msk [tilespmem:v17+s22+$0x0], $0xffff  }
0x2a6: {  	v21 =	vmul.f32 $1.442695020e+00, v21;
	v23 =	vmul.f32 v23, v31;
	v20 =	vld.idx.msk [tilespmem:v20+s22+$0x0], $0xffff  }
0x2a7: {  	v22 =	vmul.f32 $1.442695020e+00, v22;
	v24 =	vmul.f32 v24, v32;
	v19 =	vld.idx.msk [tilespmem:v19+s22+$0x0], $0xffff  }
0x2a8: {  	v23 =	vmul.f32 $1.442695020e+00, v23;
	v25 =	vmul.f32 v25, v28;
	v16 =	vld.idx.msk [tilespmem:v16+s22+$0x0], $0xffff  }
0x2a9: {  	v24 =	vmul.f32 $1.442695020e+00, v24;
	v26 =	vmul.f32 v26, v29;
	v15 =	vld.idx.msk [tilespmem:v15+s22+$0x0], $0xffff  }
0x2aa: {  	v25 =	vmul.f32 $1.442695020e+00, v25;
	v27 =	vmul.f32 v27, v33;
	v14 =	vld.idx.msk [tilespmem:v14+s22+$0x0], $0xffff  }
0x2ab: {  	v26 =	vmul.f32 $1.442695020e+00, v26;
	v18 =	vld.idx.msk [tilespmem:v18+s22+$0x0], $0xffff;
	(erf) = vpow2.f32 v21  }
0x2ac: {  	v27 =	vmul.f32 $1.442695020e+00, v27;
	v21 =	vld [tilespmem:s31+$0xFFFFFFC0];
	(erf) = vpow2.f32 v22  }
0x2ad: {  	v22 =	vld [tilespmem:s31+$0xFFFFFFD0];
	(erf) = vpow2.f32 v23  }
0x2ae: {  	v23 =	vld [tilespmem:s31+$0xFFFFFFE0];
	(erf) = vpow2.f32 v24  }
0x2af: {  	v24 =	vld [tilespmem:s31+$0xFFFFFFF0];
	(erf) = vpow2.f32 v25  }
0x2b0: {  	v25 =	vld [tilespmem:s31+$0x0];
	(erf) = vpow2.f32 v26  }
0x2b1: {  	v17 =	vadd.f32 v17, v21;
	v21 =	vld [tilespmem:s31+$0x10];
	(erf) = vpow2.f32 v27  }
0x2b2: {  	v20 =	vadd.f32 v20, v22;
	v22 =	vld [tilespmem:s31+$0x20]  }
0x2b3: {  	v19 =	vadd.f32 v19, v23;
	[tilespmem:v1+s28+$0x0] =	vst.idx.add.f32.msk $0xffff, v6  }
0x2b4: {  	v6 =	vadd.f32 v16, v24;
	v16 =	vpop (erf);
	[tilespmem:v1+s29+$0x0] =	vst.idx.add.f32.msk $0xffff, v4;
	v1 =	vmov v13  }
0x2b5: {  	v4 =	vmul.f32 v16, v17;
	v13 =	vadd.f32 v15, v25;
	v15 =	vpop (erf);
	[tilespmem:v2+s28+$0x0] =	vst.idx.add.f32.msk $0xffff, v5  }
0x2b6: {  	v5 =	vmul.f32 v15, v20;
	v14 =	vadd.f32 v14, v21;
	v17 =	vpop (erf);
	[tilespmem:v2+s29+$0x0] =	vst.idx.add.f32.msk $0xffff, v3;
	v2 =	vmov v12  }
0x2b7: {  	[tilespmem:v11+s28+$0x0] =	vst.idx.add.f32.msk $0xffff, v4;
	v12 =	vmul.f32 v17, v19;
	v18 =	vadd.f32 v18, v22;
	v19 =	vpop (erf)  }
0x2b8: {  	[tilespmem:v11+s29+$0x0] =	vst.idx.add.f32.msk $0xffff, v16;
	v11 =	vmul.f32 v19, v6;
	v16 =	vpop (erf)  }
0x2b9: {  	[tilespmem:v10+s28+$0x0] =	vst.idx.add.f32.msk $0xffff, v5;
	v13 =	vmul.f32 v16, v13;
	v4 =	vpop (erf)  }
0x2ba: {  	[tilespmem:v10+s29+$0x0] =	vst.idx.add.f32.msk $0xffff, v15;
	v6 =	vmul.f32 v4, v14;
	v3 =	vpop (erf)  }
0x2bb: {  	[tilespmem:v9+s28+$0x0] =	vst.idx.add.f32.msk $0xffff, v12;
	v5 =	vmul.f32 v3, v18  }
.Ltmp3:
0x2bc: {  	[tilespmem:v9+s29+$0x0] =	vst.idx.add.f32.msk $0xffff, v17;
	(pc) =	sbr.rel @p1 .LBB2_10-.Ltmp3, $4  }
0x2bd: {  	[tilespmem:v8+s28+$0x0] =	vst.idx.add.f32.msk $0xffff, v11  }
0x2be: {  	[tilespmem:v8+s29+$0x0] =	vst.idx.add.f32.msk $0xffff, v19  }
0x2bf: {  	[tilespmem:v7+s28+$0x0] =	vst.idx.add.f32.msk $0xffff, v13  }
0x2c0: {  	s5 =	sadd.s32 $0x80, s5;
	[tilespmem:v7+s29+$0x0] =	vst.idx.add.f32.msk $0xffff, v16  }
0x2c1: {  	_ =	sdelay $0x3  }
0x2c2: {  	[tilespmem:v1+s28+$0x0] =	vst.idx.add.f32.msk $0xffff, v6  }
0x2c3: {  	[tilespmem:v2+s28+$0x0] =	vst.idx.add.f32.msk $0xffff, v5  }
0x2c4: {  	[tilespmem:v1+s29+$0x0] =	vst.idx.add.f32.msk $0xffff, v4  }
0x2c5: {  	[tilespmem:v2+s29+$0x0] =	vst.idx.add.f32.msk $0xffff, v3  }
.LBB2_12:
0x2c6: {  	s0 =	sshra.s32 s12, $0x2  }
0x2c7: {  	v1 =	vld [tilespmem:s0+$0x1CA80];
	_ =	sdelay $0x1  }
0x2c8: {  	v2 =	vld [tilespmem:s0+$0x1C280];
	_ =	sdelay $0x4  }
0x2c9: {  	v3 =	vld [tilespmem:s0+$0x1D280]  }
0x2ca: {  	v4 =	vld.idx.msk [tilespmem:v1+s18+$0x0], $0xffff;
	_ =	sdelay $0x1  }
0x2cb: {  	v5 =	vld.idx.msk [tilespmem:v2+s1+$0x0], $0xffff;
	_ =	sdelay $0x2  }
0x2cc: {  	v3 =	vadd.f32 v4, v3;
	_ =	sdelay $0x1  }
0x2cd: {  	v3 =	vmul.f32 v3, v5;
	_ =	sdelay $0x1  }
0x2ce: {  	v3 =	vmul.f32 $1.442695020e+00, v3;
	_ =	sdelay $0x1  }
0x2cf: {  	(erf) = vpow2.f32 v3;
	_ =	sdelay $0x1  }
0x2d0: {  	v61 =	vld.idx.msk [tilespmem:v1+s19+$0x0], $0xffff  }
0x2d1: {  	v3 =	vld [tilespmem:s0+$0x1E280];
	_ =	sdelay $0x4  }
0x2d2: {  	v3 =	vadd.f32 v61, v3  }
0x2d3: {  	v62 =	vpop (erf)  }
0x2d4: {  	v3 =	vmul.f32 v62, v3;
	_ =	sdelay $0x1  }
0x2d5: {  	[tilespmem:v2+s25+$0x0] =	vst.idx.add.f32.msk $0xffff, v3  }
0x2d6: {  	[tilespmem:v2+s26+$0x0] =	vst.idx.add.f32.msk $0xffff, v62  }
0x2d7: {  	v3 =	vld [tilespmem:s0+$0x1DA80]  }
0x2d8: {  	v4 =	vld.idx.msk [tilespmem:v1+s21+$0x0], $0xffff;
	_ =	sdelay $0x1  }
0x2d9: {  	v63 =	vld.idx.msk [tilespmem:v2+s20+$0x0], $0xffff;
	_ =	sdelay $0x2  }
0x2da: {  	v3 =	vadd.f32 v4, v3;
	_ =	sdelay $0x1  }
0x2db: {  	v3 =	vmul.f32 v3, v63;
	_ =	sdelay $0x1  }
0x2dc: {  	v3 =	vmul.f32 $1.442695020e+00, v3;
	_ =	sdelay $0x1  }
0x2dd: {  	(erf) = vpow2.f32 v3;
	_ =	sdelay $0x1  }
0x2de: {  	v1 =	vld.idx.msk [tilespmem:v1+s22+$0x0], $0xffff  }
0x2df: {  	v3 =	vld [tilespmem:s0+$0x1EA80];
	_ =	sdelay $0x4  }
0x2e0: {  	p1 =	sne.s32 s12, $0x100;
	v1 =	vadd.f32 v1, v3  }
.Ltmp4:
0x2e1: {  	v3 =	vpop (erf);
	(pc) =	sbr.rel @p1 .LBB2_12-.Ltmp4, $3  }
0x2e2: {  	v1 =	vmul.f32 v3, v1;
	_ =	sdelay $0x1  }
0x2e3: {  	[tilespmem:v2+s28+$0x0] =	vst.idx.add.f32.msk $0xffff, v1  }
0x2e4: {  	s12 =	sadd.s32 $0x40, s12;
	[tilespmem:v2+s29+$0x0] =	vst.idx.add.f32.msk $0xffff, v3  }
0x2e5: {  	s9 =	sadd.s32 $0x1, s9  }
0x2e6: {  	p1 =	sne.s32 s9, $0x50  }
.Ltmp5:
0x2e7: {  	_ = 	snop;
	(pc) =	sbr.rel @p1 .LBB2_5-.Ltmp5, $1  }
0x2e8: {  	_ =	sdelay $0x3  }
0x2e9: {  	s4 =	rddreg [dreg:$0x4]  }
0x2ea: {  	s0 =	rddreg [dreg:$0xb];
	s11 =	simm.s32 $0x80  }
0x2eb: {  	s12 =	simm.s32 $0x400;
	s13 =	simm.s32 $0x3;
	s0 =	sadd.s32 s4, s0  }
0x2ec: {  	[hbm4b:s0+s11] =	stream.strided.scatter [tilespmem:s25], [sflag:$0x3], $0x2780, s12, s11, $0x38;
	[tilespmem:$0x1EB00] =	vst v63  }
0x2ed: {  	_ =	swait.ge [sflag:s13], $0x2780  }
0x2ee: {  	[sflag:s13] =	ssyncset.done $0x0;
	s16 =	rddreg [dreg:$0xc]  }
0x2ef: {  	[sflag:s13] =	ssyncadd.s32 $0xFFFFD880;
	s0 =	sadd.s32 s4, s16  }
0x2f0: {  	[hbm4b:s0+s11] =	stream.strided.scatter [tilespmem:s26], [sflag:$0x3], $0x2780, s12, s11, $0x38;
	[tilespmem:$0x1EB00] =	vst v63  }
0x2f1: {  	_ =	swait.ge [sflag:s13], $0x2780  }
0x2f2: {  	[sflag:s13] =	ssyncset.done $0x0;
	s17 =	rddreg [dreg:$0xd]  }
0x2f3: {  	[sflag:s13] =	ssyncadd.s32 $0xFFFFD880;
	s0 =	sadd.s32 s4, s17  }
0x2f4: {  	[hbm4b:s0+s11] =	stream.strided.scatter [tilespmem:s28], [sflag:$0x3], $0x2780, s12, s11, $0x38;
	[tilespmem:$0x1EB00] =	vst v63  }
0x2f5: {  	_ =	swait.ge [sflag:s13], $0x2780  }
0x2f6: {  	[sflag:s13] =	ssyncset.done $0x0;
	s31 =	rddreg [dreg:$0xe]  }
.Ltmp6:
0x2f7: {  	[sflag:s13] =	ssyncadd.s32 $0xFFFFD880;
	s0 =	sadd.s32 s4, s31;
	(pc) =	sbr.rel @p0 .LBB2_2-.Ltmp6, $4  }
0x2f8: {  	[hbm4b:s0+s11] =	stream.strided.scatter [tilespmem:s29], [sflag:$0x3], $0x2780, s12, s11, $0x38;
	[tilespmem:$0x1EB00] =	vst v63  }
0x2f9: {  	_ =	swait.ge [sflag:s13], $0x2780  }
0x2fa: {  	[sflag:s13] =	ssyncset.done $0x0  }
0x2fb: {  	p1 =	por $0x0, $0x0;
	s0 =	simm.s32 $0x20;
	[sflag:s13] =	ssyncadd.s32 $0xFFFFD880  }
0x2fc: {  	s4 =	rddreg [dreg:$0xa]  }
0x2fd: {  	s0 =	rddreg [dreg:$0x9];
	s4 =	sadd.s32 $0x1, s4  }
0x2fe: {  	p0 =	sne.s32 s4, s0  }
.Ltmp7:
0x2ff: {  	_ = 	snop;
	(pc) =	sbr.rel @p0 .LBB2_1-.Ltmp7, $1  }
0x300: {  	_ =	sdelay $0x3  }
0x301: {  	_ =	sfence.sel $0x180000  }
0x302: {  	[bflag:$0x0] =	sbarrier.arrive $0xFFFF  }
0x303: {  	_ =	strace $0x90000047  }
0x304: {  	s0 =	stileid.u32;
	[bflag:$0x2] =	sbarrier.arrive $0xFFFF  }
0x305: {  	p0 =	sne.s32 s0, $0x0;
	s0 =	rddreg [dreg:$0x1]  }
0x306: {  	s0 =	sadd.s32 @!p0 $0x100000, s0  }
0x307: {  	[sflag:s0] =	ssyncadd.tile.s32 @!p0 $0x1;
	_ =	shalt  }
.Lfunc_end2:
_tile_overlayer_lowered:
.L_overlay_start_2:
0x308: {  	(tag) =	ssettag $0x2  }
0x309: {  	s0 =	rddreg [dreg:$0x0];
	s2 =	stileid.u32  }
0x30a: {  	s1 =	rddreg [dreg:$0x1];
	p0 =	sne.s32 s2, $0x0  }
0x30b: {  	s3 =	rddreg [dreg:$0x2];
	[bflag:$0x3] =	sbarrier.arrive $0xFFFF;
	s2 =	simm.s32 @!p0 $0x1C03  }
0x30c: {  	[timem:s3], [sflag:s2] =	dma.local @!p0 [hbm:s0], s1  }
0x30d: {  	s0 =	simm.s32 @!p0 $0x3  }
0x30e: {  	_ =	swait.ge @!p0 [sflag:s0], s1  }
0x30f: {  	s1 =	ssub.s32 @!p0 $0x0, s1;
	[sflag:s0] =	ssyncset.done @!p0 $0x0  }
0x310: {  	[sflag:s0] =	ssyncadd.s32 @!p0 s1  }
0x311: {  	[bflag:$0x3] =	sbarrier.arrive $0xFFFF  }
0x312: {  	_ =	shalt  }

</sc_bundles>
